<compile_context>
chip_gen: v7x
topology: tpu7x:2x2x1
jax: 0.10.2.dev20260603
libtpu: 0.0.44.dev20260713+nightly
codegen_flags: <defaults>
</compile_context>

<pallas_src>
import jax
import jax.numpy as jnp
import numpy as np
from jax import lax
from jax.experimental import pallas as pl
from jax.experimental.pallas import tpu as pltpu
from jax.experimental.pallas import tpu_sc as plsc

_B, _N, _G, _R = 4, 5000, 50, 64
_NP = 5120
_NEG_OV = 0.3
_POS_OV = 0.7
_NUM_FG = 128
_BATCH = 256
_CHUNK = 512
_PAD_COORD = -1.0e4



def _tf2x32(k1, k2, x1, x2):
    R0 = (13, 15, 26, 6)
    R1 = (17, 29, 16, 24)
    ks = [np.uint32(k1), np.uint32(k2)]
    ks.append(ks[0] ^ ks[1] ^ np.uint32(0x1BD11BDA))
    x = [x1.astype(np.uint32) + ks[0], x2.astype(np.uint32) + ks[1]]

    def rounds(x, rots):
        for r in rots:
            x0 = x[0] + x[1]
            x1r = (x[1] << np.uint32(r)) | (x[1] >> np.uint32(32 - r))
            x = [x0, x0 ^ x1r]
        return x

    for i, (rots, ka, kb) in enumerate(
            [(R0, 1, 2), (R1, 2, 0), (R0, 0, 1), (R1, 1, 2), (R0, 2, 0)]):
        x = rounds(x, rots)
        x = [x[0] + ks[ka], x[1] + ks[kb] + np.uint32(i + 1)]
    return x


def _np_uniform(key, shape):
    n = int(np.prod(shape))
    lo = np.arange(n, dtype=np.uint32)
    hi = np.zeros(n, dtype=np.uint32)
    b1, b2 = _tf2x32(key[0], key[1], hi, lo)
    bits = b1 ^ b2
    fb = (bits >> np.uint32(9)) | np.uint32(0x3F800000)
    return (fb.view(np.float32) - np.float32(1.0)).reshape(shape)


def _np_key42_pris():
    b1, b2 = _tf2x32(np.uint32(0), np.uint32(42),
                     np.zeros(2, np.uint32), np.arange(2, dtype=np.uint32))
    keys = np.stack([b1, b2], axis=1)
    return (_np_uniform(keys[0], (_B, _N)), _np_uniform(keys[1], (_B, _N)))


_PRI1, _PRI2 = _np_key42_pris()


def _pad_bits(pri):
    out = np.full((_B, _NP), -1, np.int32)
    out[:, :_N] = pri.view(np.int32)
    return out


_PB1 = _pad_bits(_PRI1)
_PB2 = _pad_bits(_PRI2)


def _np_order(pri):
    bits = pri.view(np.int32)
    order = np.argsort(-pri, axis=1)
    ordp = np.concatenate(
        [order, np.tile(np.arange(_N, _NP), (_B, 1))], axis=1).astype(np.int32)
    pv = np.take_along_axis(bits, order, axis=1)
    pvp = np.concatenate([pv, np.full((_B, _NP - _N), -1, np.int32)], axis=1)
    return ordp, pvp


_ORD1, _PV1 = _np_order(_PRI1)
_ORD2, _PV2 = _np_order(_PRI2)


def _kth_threshold(mask, bits, k):

    def body(_, lohi):
        lo, hi = lohi
        mid = (lo + hi) // 2
        cnt = jnp.sum((mask & (bits >= mid)).astype(jnp.int32), axis=1,
                      keepdims=True)
        ge = cnt >= k
        return (jnp.where(ge, mid, lo), jnp.where(ge, hi, mid))

    init = (jnp.zeros((_B, 1), jnp.int32),
            jnp.full((_B, 1), 0x40000000, jnp.int32))
    lo, _ = lax.fori_loop(0, 31, body, init)
    return lo


def _body(planes_ref, gtb_ref, oh_s_ref, oh_o_ref, score_ref,
          labels_ref, stats_ref, ov_scr):
    for b in range(_B):
        oh_s = oh_s_ref[b]
        oh_o = oh_o_ref[b]
        gtb = gtb_ref[b]

        def sel(oh, row):
            return jnp.sum(oh * gtb[row:row + 1, :], axis=1, keepdims=True)

        gsx1, gsy1, gsx2, gsy2 = (sel(oh_s, 0), sel(oh_s, 1), sel(oh_s, 2),
                                  sel(oh_s, 3))
        gox1, goy1, gox2, goy2 = (sel(oh_o, 0), sel(oh_o, 1), sel(oh_o, 2),
                                  sel(oh_o, 3))
        vld = jnp.sum(oh_s, axis=1, keepdims=True) > 0.0
        ags = (gsx2 - gsx1 + 1.0) * (gsy2 - gsy1 + 1.0)
        ago = (gox2 - gox1 + 1.0) * (goy2 - goy1 + 1.0)

        for j in range(_NP // _CHUNK):
            ch = planes_ref[b, :, j * _CHUNK:(j + 1) * _CHUNK]
            rsx1, rsy1, rsx2, rsy2 = (ch[0:1], ch[1:2], ch[2:3], ch[3:4])
            rox1, roy1, rox2, roy2 = (ch[4:5], ch[5:6], ch[6:7], ch[7:8])
            ars = (rsx2 - rsx1 + 1.0) * (rsy2 - rsy1 + 1.0)
            aro = (rox2 - rox1 + 1.0) * (roy2 - roy1 + 1.0)

            iw_s = jnp.minimum(rsx2, gsx2) - jnp.maximum(rsx1, gsx1) + 1.0
            ih_s = jnp.minimum(rsy2, gsy2) - jnp.maximum(rsy1, gsy1) + 1.0
            inter_s = jnp.clip(iw_s, 0.0) * jnp.clip(ih_s, 0.0)
            iou_s = inter_s / (ars + ags - inter_s)

            iw_o = jnp.minimum(rox2, gox2) - jnp.maximum(rox1, gox1) + 1.0
            ih_o = jnp.minimum(roy2, goy2) - jnp.maximum(roy1, goy1) + 1.0
            inter_o = jnp.clip(iw_o, 0.0) * jnp.clip(ih_o, 0.0)
            iou_o = inter_o / (aro + ago - inter_o)

            ov_scr[b * _R:(b + 1) * _R, j * _CHUNK:(j + 1) * _CHUNK] = (
                jnp.where(vld, iou_s * iou_o, 0.0))

    ov = ov_scr[:, :]
    gmax = jnp.max(ov, axis=1, keepdims=True)
    gmax_adj = jnp.where(gmax == 0.0, 1e-5, gmax)
    maxov_rows = []
    keep_rows = []
    for b in range(_B):
        ovb = ov[b * _R:(b + 1) * _R]
        maxov_rows.append(jnp.max(ovb, axis=0, keepdims=True))
        keep_rows.append(
            jnp.any(ovb == gmax_adj[b * _R:(b + 1) * _R], axis=0,
                    keepdims=True).astype(jnp.float32))
    maxov = jnp.concatenate(maxov_rows, axis=0)
    keep = jnp.concatenate(keep_rows, axis=0) > 0.0

    labels = jnp.full((_B, _NP), -1.0, jnp.float32)
    labels = jnp.where(maxov < _NEG_OV, 0.0, labels)
    labels = jnp.where(keep, 1.0, labels)
    labels = jnp.where(maxov >= _POS_OV, 1.0, labels)
    idx = lax.broadcasted_iota(jnp.int32, (_B, _NP), 1)
    labels = jnp.where(idx < _N, labels, -1.0)

    score = score_ref[:, :]
    fg = labels == 1.0
    bg = labels == 0.0
    pre = (score > 0.8) & (idx < 300)
    all_fg = jnp.sum(fg.astype(jnp.float32))
    all_bg = jnp.sum(bg.astype(jnp.float32))
    rights_fg = jnp.sum((fg & (score >= 0.5)).astype(jnp.float32))
    rights_bg = jnp.sum((bg & (score < 0.5)).astype(jnp.float32))
    n_pre_correct = jnp.sum((pre & fg).astype(jnp.float32))
    all_fg_pre = jnp.sum(pre.astype(jnp.float32))
    r_fg = rights_fg / jnp.maximum(all_fg, 1.0)
    r_bg = rights_bg / jnp.maximum(all_bg, 1.0)
    acc = n_pre_correct / (1e-5 + all_fg_pre)
    row = lax.broadcasted_iota(jnp.int32, (8, 128), 0)
    stats_ref[...] = jnp.where(
        row == 0, r_fg, jnp.where(row == 1, r_bg, jnp.where(row == 2, acc,
                                                            0.0)))

    labels_ref[...] = labels



_SC_VECS = _NP // 16
_INT_MIN = -2147483647 - 1


def _sc_body(lab_hbm, pb1_hbm, pb2_hbm, ord1_hbm, pv1_hbm, ord2_hbm, pv2_hbm,
             out_hbm, lab_v, pb_v, ord_v, pv_v):
    c = lax.axis_index("c")
    s = lax.axis_index("s")
    b = c * 2 + s

    @pl.when(s < 2)
    def _():
        pltpu.sync_copy(lab_hbm.at[b], lab_v)
        zi = jnp.zeros((16,), jnp.int32)

        def walk(tgt, k):

            def cond(st):
                i, cnt, _ = st
                return (i < _SC_VECS // 4) & (cnt <= k)

            def body(st):
                i, cnt, thr = st
                for u in range(4):
                    sl = pl.ds((i * 4 + u) * 16, 16)
                    lg = plsc.load_gather(lab_v, [ord_v[sl]])
                    mi = (lg == tgt).astype(jnp.int32)
                    cs = plsc.cumsum(mi)
                    tgt_k = jnp.full((16,), k - cnt, jnp.int32)
                    hit = (cs == tgt_k) & (mi > 0)
                    hitv = jnp.max(jnp.where(hit, pv_v[sl], zi))
                    thr = jnp.maximum(thr, hitv)
                    cnt = cnt + jnp.sum(mi)
                return (i + 1, cnt, thr)

            _, cnt, thr = lax.while_loop(
                cond, body, (jnp.int32(0), jnp.int32(0), jnp.int32(0)))
            return thr, cnt > k

        pltpu.sync_copy(ord1_hbm.at[b], ord_v)
        pltpu.sync_copy(pv1_hbm.at[b], pv_v)
        pltpu.sync_copy(pb1_hbm.at[b], pb_v)
        thr1, gate1 = walk(1.0, jnp.int32(_NUM_FG))
        thr1e = jnp.where(gate1, thr1, jnp.int32(_INT_MIN))

        thr1ev = jnp.full((16,), thr1e, jnp.int32)
        thr1v = jnp.full((16,), thr1, jnp.int32)

        def fg_apply(i, acc):
            sel, fgc = acc
            for u in range(4):
                sl = pl.ds((i * 4 + u) * 16, 16)
                lv = lab_v[sl]
                pb = pb_v[sl]
                fgm = lv == 1.0
                lab_v[sl] = jnp.where(fgm & (pb < thr1ev), -1.0, lv)
                sel = sel + (fgm & (pb >= thr1v)).astype(jnp.int32)
                fgc = fgc + fgm.astype(jnp.int32)
            return sel, fgc

        sel, fgc = lax.fori_loop(0, _SC_VECS // 4, fg_apply, (zi, zi))
        fg_sel = jnp.where(gate1, jnp.sum(sel), jnp.sum(fgc))
        num_bg = _BATCH - fg_sel

        pltpu.sync_copy(ord2_hbm.at[b], ord_v)
        pltpu.sync_copy(pv2_hbm.at[b], pv_v)
        pltpu.sync_copy(pb2_hbm.at[b], pb_v)
        thr2, gate2 = walk(0.0, jnp.clip(num_bg, 1, _N))
        thr2e = jnp.where(gate2, thr2, jnp.int32(_INT_MIN))

        thr2ev = jnp.full((16,), thr2e, jnp.int32)

        def bg_apply(i, carry):
            for u in range(4):
                sl = pl.ds((i * 4 + u) * 16, 16)
                lv = lab_v[sl]
                pb = pb_v[sl]
                lab_v[sl] = jnp.where((lv == 0.0) & (pb < thr2ev), -1.0, lv)
            return carry

        lax.fori_loop(0, _SC_VECS // 4, bg_apply, jnp.int32(0))
        pltpu.sync_copy(lab_v, out_hbm.at[b])


@jax.jit
def _run(planes, gtb, oh_s, oh_o, score, pb1, pb2, ord1, pv1, ord2, pv2):
    labels_pre, stats = pl.pallas_call(
        _body,
        out_shape=[
            jax.ShapeDtypeStruct((_B, _NP), jnp.float32),
            jax.ShapeDtypeStruct((8, 128), jnp.float32),
        ],
        scratch_shapes=[pltpu.VMEM((_B * _R, _NP), jnp.float32)],
    )(planes, gtb, oh_s, oh_o, score)

    sc_sub = pl.kernel(
        _sc_body,
        mesh=plsc.VectorSubcoreMesh(core_axis_name="c", subcore_axis_name="s"),
        out_type=jax.ShapeDtypeStruct((_B, _NP), jnp.float32),
        scratch_types=[
            pltpu.VMEM((_NP,), jnp.float32),
            pltpu.VMEM((_NP,), jnp.int32),
            pltpu.VMEM((_NP,), jnp.int32),
            pltpu.VMEM((_NP,), jnp.int32),
        ],
        compiler_params=pltpu.CompilerParams(needs_layout_passes=False),
    )
    labels = sc_sub(labels_pre, pb1, pb2, ord1, pv1, ord2, pv2)
    return labels, stats


def kernel(roi_pairs, relpn_cls_score, gt_boxes, gt_relation, im_info,
           num_gt_boxes):
    del im_info, num_gt_boxes
    planes = jnp.transpose(roi_pairs[:, :, 1:9], (0, 2, 1))
    planes = jnp.pad(planes, ((0, 0), (0, 0), (0, _NP - _N)),
                     constant_values=_PAD_COORD)
    gtb = jnp.transpose(gt_boxes[:, :, :4], (0, 2, 1))
    gtb = jnp.pad(gtb, ((0, 0), (0, 4), (0, 128 - _G)))
    valid = (gt_relation[:, :, 2] > 0)[:, :, None]
    cols = jnp.arange(128, dtype=gt_relation.dtype)[None, None, :]
    oh_s = ((gt_relation[:, :, 0][:, :, None] == cols) & valid).astype(jnp.float32)
    oh_o = ((gt_relation[:, :, 1][:, :, None] == cols) & valid).astype(jnp.float32)
    score = jnp.pad(relpn_cls_score[:, :, 0], ((0, 0), (0, _NP - _N)))
    labels, stats = _run(planes, gtb, oh_s, oh_o, score,
                         jnp.asarray(_PB1), jnp.asarray(_PB2),
                         jnp.asarray(_ORD1), jnp.asarray(_PV1),
                         jnp.asarray(_ORD2), jnp.asarray(_PV2))
    return (labels[:, :_N], stats[0, 0], stats[1, 0], stats[2, 0])

# --- scband reference (transcript-rebuilt; emitter-appended) ---
"""Pipeline reference for scband-anchor-target-layer-56822417326433 (READ-ONLY COPY).

The authoritative reference and input builder live on the scoring server;
editing this copy changes nothing except your own understanding.
"""

import jax, jax.numpy as jnp
import numpy as np

FEAT_STRIDE = 16
SCALES = [8, 16, 32]
MAX_ROI_PAIR_NUMBER = 512
RELPN_NEGATIVE_OVERLAP = 0.3
RELPN_POSITIVE_OVERLAP = 0.7
RELPN_FG_FRACTION = 0.5
RELPN_BATCHSIZE = 256
B, N, G, R = 4, 5000, 50, 64
H_IM, W_IM = 600.0, 800.0


def _rand_boxes(key, shape_prefix):
    k1, k2, k3, k4 = jax.random.split(key, 4)
    x1 = jax.random.uniform(k1, shape_prefix) * (W_IM - 100.0)
    y1 = jax.random.uniform(k2, shape_prefix) * (H_IM - 100.0)
    w = jax.random.uniform(k3, shape_prefix) * 90.0 + 10.0
    h = jax.random.uniform(k4, shape_prefix) * 90.0 + 10.0
    return jnp.stack([x1, y1, x1 + w, y1 + h], axis=-1)


def setup_inputs(seed: int = 0):
    key = jax.random.key(seed)
    ks = jax.random.split(key, 8)
    sub = _rand_boxes(ks[0], (B, N))
    obj = _rand_boxes(ks[1], (B, N))
    batch_col = jnp.zeros((B, N, 1), jnp.float32)
    roi_pairs = jnp.concatenate([batch_col, sub, obj], axis=-1)
    gtb = _rand_boxes(ks[2], (B, G))
    cls = jax.random.randint(ks[3], (B, G, 1), 1, 151).astype(jnp.float32)
    gt_boxes = jnp.concatenate([gtb, cls], axis=-1)
    relpn_cls_score = jax.random.uniform(ks[4], (B, N, 1))
    sub_i = jax.random.randint(ks[5], (B, R), 0, G)
    obj_i = jax.random.randint(ks[6], (B, R), 0, G)
    pred = jax.random.randint(ks[7], (B, R), 0, 51)
    gt_relation = jnp.stack([sub_i, obj_i, pred], axis=-1)
    im_info = jnp.tile(jnp.array([[H_IM, W_IM, 1.0]], jnp.float32), (B, 1))
    num_gt_boxes = jnp.full((B,), G, jnp.int32)
    return {"roi_pairs": roi_pairs, "relpn_cls_score": relpn_cls_score, "gt_boxes": gt_boxes, "gt_relation": gt_relation, "im_info": im_info, "num_gt_boxes": num_gt_boxes}


def _iou_batch(a, b):
    area_a = (a[..., 2] - a[..., 0] + 1.0) * (a[..., 3] - a[..., 1] + 1.0)
    area_b = (b[..., 2] - b[..., 0] + 1.0) * (b[..., 3] - b[..., 1] + 1.0)
    iw = jnp.minimum(a[:, :, None, 2], b[:, None, :, 2]) - jnp.maximum(a[:, :, None, 0], b[:, None, :, 0]) + 1.0
    ih = jnp.minimum(a[:, :, None, 3], b[:, None, :, 3]) - jnp.maximum(a[:, :, None, 1], b[:, None, :, 1]) + 1.0
    inter = jnp.clip(iw, 0.0) * jnp.clip(ih, 0.0)
    ua = area_a[:, :, None] + area_b[:, None, :] - inter
    return inter / ua


def _co_overlaps(pairs, gt_pairs):
    ov = _iou_batch(pairs[..., :4], gt_pairs[..., :4]) * _iou_batch(pairs[..., 4:8], gt_pairs[..., 4:8])
    gt_zero = jnp.all(gt_pairs == 0.0, axis=-1)
    return jnp.where(gt_zero[:, None, :], 0.0, ov)


def _compute_labels(roi_pairs, gt_boxes, gt_relation):
    valid = (gt_relation[:, :, 2] > 0).astype(jnp.float32)[..., None]
    sub = jax.vmap(lambda g, i: g[i, :4])(gt_boxes, gt_relation[:, :, 0])
    obj = jax.vmap(lambda g, i: g[i, :4])(gt_boxes, gt_relation[:, :, 1])
    pairs = jnp.concatenate([sub, obj], axis=-1) * valid
    gt_box_pairs = jnp.zeros((B, MAX_ROI_PAIR_NUMBER, 8), jnp.float32).at[:, :R, :].set(pairs)
    ov = _co_overlaps(roi_pairs[:, :, 1:], gt_box_pairs)
    max_ov = jnp.max(ov, axis=2)
    gt_max = jnp.max(ov, axis=1)
    labels = jnp.full((B, N), -1.0, jnp.float32)
    labels = jnp.where(max_ov < RELPN_NEGATIVE_OVERLAP, 0.0, labels)
    gt_max = jnp.where(gt_max == 0.0, 1e-5, gt_max)
    keep = jnp.sum((ov == gt_max[:, None, :]).astype(jnp.int32), axis=2)
    labels = jnp.where(keep > 0, 1.0, labels)
    labels = jnp.where(max_ov >= RELPN_POSITIVE_OVERLAP, 1.0, labels)
    return labels


def _subsample(labels):
    num_fg = int(RELPN_FG_FRACTION * RELPN_BATCHSIZE)
    kp = jax.random.split(jax.random.key(42), 2)
    pri1 = jax.random.uniform(kp[0], (B, N))
    pri2 = jax.random.uniform(kp[1], (B, N))
    fg = labels == 1.0
    fg_cnt = jnp.sum(fg.astype(jnp.int32), axis=1)
    pri_fg = jnp.where(fg, pri1, -1.0)
    kth_fg = (-jnp.sort(-pri_fg, axis=1))[:, num_fg - 1]
    keep_fg = fg & (pri_fg >= kth_fg[:, None])
    labels = jnp.where(fg & (~keep_fg) & (fg_cnt > num_fg)[:, None], -1.0, labels)
    num_bg = RELPN_BATCHSIZE - jnp.sum((labels == 1.0).astype(jnp.int32), axis=1)
    bg = labels == 0.0
    bg_cnt = jnp.sum(bg.astype(jnp.int32), axis=1)
    pri_bg = jnp.where(bg, pri2, -1.0)
    sorted_bg = -jnp.sort(-pri_bg, axis=1)
    kth_bg = jnp.take_along_axis(sorted_bg, jnp.clip(num_bg - 1, 0, N - 1)[:, None], axis=1)[:, 0]
    keep_bg = bg & (pri_bg >= kth_bg[:, None])
    labels = jnp.where(bg & (~keep_bg) & (bg_cnt > num_bg)[:, None], -1.0, labels)
    return labels


def reference(roi_pairs, relpn_cls_score, gt_boxes, gt_relation, im_info, num_gt_boxes):
    labels = _compute_labels(roi_pairs, gt_boxes, gt_relation)
    score = relpn_cls_score[:, :, 0]
    fg = labels == 1.0
    bg = labels == 0.0
    all_fg = jnp.sum(fg.astype(jnp.float32))
    all_bg = jnp.sum(bg.astype(jnp.float32))
    rights_fg = jnp.sum((fg & (score >= 0.5)).astype(jnp.float32))
    rights_bg = jnp.sum((bg & (score < 0.5)).astype(jnp.float32))
    idx_fg_pre = score[:, :300] > 0.8
    num_fg_pre_correct = jnp.sum((idx_fg_pre & (labels[:, :300] == 1.0)).astype(jnp.float32))
    all_fg_pre = 1e-5 + jnp.sum(idx_fg_pre.astype(jnp.float32))
    relpn_recall_fg = rights_fg / jnp.maximum(all_fg, 1.0)
    relpn_recall_bg = rights_bg / jnp.maximum(all_bg, 1.0)
    relpn_acc = num_fg_pre_correct / all_fg_pre
    labels = _subsample(labels)
    return (labels, relpn_recall_fg, relpn_recall_bg, relpn_acc)

if __name__ == "__main__":
    import jax
    _d = setup_inputs()
    print(jax.jit(kernel)(*tuple(_d.values())))

</pallas_src>

<mosaic_0001>
#map = affine_map<(d0, d1) -> (0, 0)>
module attributes {stable_mosaic.version = 14 : i64} {
  func.func @_sc_body(%arg0: i32, %arg1: i32, %arg2: memref<4x5120xf32, #tpu.memory_space<hbm>>, %arg3: memref<4x5120xi32, #tpu.memory_space<hbm>>, %arg4: memref<4x5120xi32, #tpu.memory_space<hbm>>, %arg5: memref<4x5120xi32, #tpu.memory_space<hbm>>, %arg6: memref<4x5120xi32, #tpu.memory_space<hbm>>, %arg7: memref<4x5120xi32, #tpu.memory_space<hbm>>, %arg8: memref<4x5120xi32, #tpu.memory_space<hbm>>, %arg9: memref<4x5120xf32, #tpu.memory_space<hbm>>, %arg10: memref<5120xf32, #tpu.memory_space<vmem>>, %arg11: memref<5120xi32, #tpu.memory_space<vmem>>, %arg12: memref<5120xi32, #tpu.memory_space<vmem>>, %arg13: memref<5120xi32, #tpu.memory_space<vmem>>) attributes {dimension_semantics = [#tpu.dimension_semantics<core_parallel>, #tpu.dimension_semantics<subcore_parallel>], iteration_bounds = array<i64: 2, 16>, scalar_prefetch = 0 : i64, scratch_operands = 4 : i64, tpu.core_type = #tpu.core_type<sc_vector_subcore>, window_params = [{transform_indices = #map}, {transform_indices = #map}, {transform_indices = #map}, {transform_indices = #map}, {transform_indices = #map}, {transform_indices = #map}, {transform_indices = #map}, {transform_indices = #map}]} {
    %mul3A = arith.constant 2 : i32
    %mul3A_0 = arith.muli %arg0, %mul3A : i32
    %add3A = arith.addi %mul3A_0, %arg1 : i32
    %lt3A = arith.constant 2 : i32
    %lt3A_1 = arith.cmpi slt, %arg1, %lt3A : i32
    %convert_element_type3A = arith.extui %lt3A_1 : i1 to i32
    %cond3A = arith.constant 0 : i32
    %cond3A_2 = arith.cmpi ne, %convert_element_type3A, %cond3A : i32
    scf.if %cond3A_2 {
      "tpu.region"() ({
        %run_scoped3A = tpu.sem_alloc : memref<!tpu.dma_semaphore, #tpu.memory_space<semaphore_mem>>
        %dma_start3A = arith.constant 0 : i32
        %dma_start3A_42 = tpu.memref_slice %arg2[%add3A, %dma_start3A] : memref<4x5120xf32, #tpu.memory_space<hbm>> -> memref<1x5120xf32, #tpu.memory_space<hbm>>
        %dma_start3A_43 = tpu.memref_squeeze %dma_start3A_42 : memref<1x5120xf32, #tpu.memory_space<hbm>> -> memref<5120xf32, #tpu.memory_space<hbm>>
        %dma_start3A_44 = arith.constant 0 : i32
        %dma_start3A_45 = tpu.memref_slice %arg2[%add3A, %dma_start3A_44] : memref<4x5120xf32, #tpu.memory_space<hbm>> -> memref<1x5120xf32, #tpu.memory_space<hbm>>
        %dma_start3A_46 = tpu.memref_squeeze %dma_start3A_45 : memref<1x5120xf32, #tpu.memory_space<hbm>> -> memref<5120xf32, #tpu.memory_space<hbm>>
        tpu.enqueue_dma source(%dma_start3A_46 : memref<5120xf32, #tpu.memory_space<hbm>>) target(%arg10 : memref<5120xf32, #tpu.memory_space<vmem>>) target_semaphore(%run_scoped3A : memref<!tpu.dma_semaphore, #tpu.memory_space<semaphore_mem>>)
        %dma_wait3A = arith.constant 0 : i32
        %dma_wait3A_47 = tpu.memref_slice %arg2[%add3A, %dma_wait3A] : memref<4x5120xf32, #tpu.memory_space<hbm>> -> memref<1x5120xf32, #tpu.memory_space<hbm>>
        %dma_wait3A_48 = tpu.memref_squeeze %dma_wait3A_47 : memref<1x5120xf32, #tpu.memory_space<hbm>> -> memref<5120xf32, #tpu.memory_space<hbm>>
        %dma_wait3A_49 = arith.constant 0 : i32
        %dma_wait3A_50 = tpu.memref_slice %arg2[%add3A, %dma_wait3A_49] : memref<4x5120xf32, #tpu.memory_space<hbm>> -> memref<1x5120xf32, #tpu.memory_space<hbm>>
        %dma_wait3A_51 = tpu.memref_squeeze %dma_wait3A_50 : memref<1x5120xf32, #tpu.memory_space<hbm>> -> memref<5120xf32, #tpu.memory_space<hbm>>
        tpu.wait_dma2 semaphore(%run_scoped3A : memref<!tpu.dma_semaphore, #tpu.memory_space<semaphore_mem>>) src(%dma_wait3A_51 : memref<5120xf32, #tpu.memory_space<hbm>>) dst(%arg10 : memref<5120xf32, #tpu.memory_space<vmem>>)
        tpu.yield
      }) : () -> ()
      %broadcast_in_dim3A = arith.constant 0 : i32
      %broadcast_in_dim3A_3 = vector.broadcast %broadcast_in_dim3A : i32 to vector<16xi32>
      "tpu.region"() ({
        %run_scoped3A = tpu.sem_alloc : memref<!tpu.dma_semaphore, #tpu.memory_space<semaphore_mem>>
        %dma_start3A = arith.constant 0 : i32
        %dma_start3A_42 = tpu.memref_slice %arg5[%add3A, %dma_start3A] : memref<4x5120xi32, #tpu.memory_space<hbm>> -> memref<1x5120xi32, #tpu.memory_space<hbm>>
        %dma_start3A_43 = tpu.memref_squeeze %dma_start3A_42 : memref<1x5120xi32, #tpu.memory_space<hbm>> -> memref<5120xi32, #tpu.memory_space<hbm>>
        %dma_start3A_44 = arith.constant 0 : i32
        %dma_start3A_45 = tpu.memref_slice %arg5[%add3A, %dma_start3A_44] : memref<4x5120xi32, #tpu.memory_space<hbm>> -> memref<1x5120xi32, #tpu.memory_space<hbm>>
        %dma_start3A_46 = tpu.memref_squeeze %dma_start3A_45 : memref<1x5120xi32, #tpu.memory_space<hbm>> -> memref<5120xi32, #tpu.memory_space<hbm>>
        tpu.enqueue_dma source(%dma_start3A_46 : memref<5120xi32, #tpu.memory_space<hbm>>) target(%arg12 : memref<5120xi32, #tpu.memory_space<vmem>>) target_semaphore(%run_scoped3A : memref<!tpu.dma_semaphore, #tpu.memory_space<semaphore_mem>>)
        %dma_wait3A = arith.constant 0 : i32
        %dma_wait3A_47 = tpu.memref_slice %arg5[%add3A, %dma_wait3A] : memref<4x5120xi32, #tpu.memory_space<hbm>> -> memref<1x5120xi32, #tpu.memory_space<hbm>>
        %dma_wait3A_48 = tpu.memref_squeeze %dma_wait3A_47 : memref<1x5120xi32, #tpu.memory_space<hbm>> -> memref<5120xi32, #tpu.memory_space<hbm>>
        %dma_wait3A_49 = arith.constant 0 : i32
        %dma_wait3A_50 = tpu.memref_slice %arg5[%add3A, %dma_wait3A_49] : memref<4x5120xi32, #tpu.memory_space<hbm>> -> memref<1x5120xi32, #tpu.memory_space<hbm>>
        %dma_wait3A_51 = tpu.memref_squeeze %dma_wait3A_50 : memref<1x5120xi32, #tpu.memory_space<hbm>> -> memref<5120xi32, #tpu.memory_space<hbm>>
        tpu.wait_dma2 semaphore(%run_scoped3A : memref<!tpu.dma_semaphore, #tpu.memory_space<semaphore_mem>>) src(%dma_wait3A_51 : memref<5120xi32, #tpu.memory_space<hbm>>) dst(%arg12 : memref<5120xi32, #tpu.memory_space<vmem>>)
        tpu.yield
      }) : () -> ()
      "tpu.region"() ({
        %run_scoped3A = tpu.sem_alloc : memref<!tpu.dma_semaphore, #tpu.memory_space<semaphore_mem>>
        %dma_start3A = arith.constant 0 : i32
        %dma_start3A_42 = tpu.memref_slice %arg6[%add3A, %dma_start3A] : memref<4x5120xi32, #tpu.memory_space<hbm>> -> memref<1x5120xi32, #tpu.memory_space<hbm>>
        %dma_start3A_43 = tpu.memref_squeeze %dma_start3A_42 : memref<1x5120xi32, #tpu.memory_space<hbm>> -> memref<5120xi32, #tpu.memory_space<hbm>>
        %dma_start3A_44 = arith.constant 0 : i32
        %dma_start3A_45 = tpu.memref_slice %arg6[%add3A, %dma_start3A_44] : memref<4x5120xi32, #tpu.memory_space<hbm>> -> memref<1x5120xi32, #tpu.memory_space<hbm>>
        %dma_start3A_46 = tpu.memref_squeeze %dma_start3A_45 : memref<1x5120xi32, #tpu.memory_space<hbm>> -> memref<5120xi32, #tpu.memory_space<hbm>>
        tpu.enqueue_dma source(%dma_start3A_46 : memref<5120xi32, #tpu.memory_space<hbm>>) target(%arg13 : memref<5120xi32, #tpu.memory_space<vmem>>) target_semaphore(%run_scoped3A : memref<!tpu.dma_semaphore, #tpu.memory_space<semaphore_mem>>)
        %dma_wait3A = arith.constant 0 : i32
        %dma_wait3A_47 = tpu.memref_slice %arg6[%add3A, %dma_wait3A] : memref<4x5120xi32, #tpu.memory_space<hbm>> -> memref<1x5120xi32, #tpu.memory_space<hbm>>
        %dma_wait3A_48 = tpu.memref_squeeze %dma_wait3A_47 : memref<1x5120xi32, #tpu.memory_space<hbm>> -> memref<5120xi32, #tpu.memory_space<hbm>>
        %dma_wait3A_49 = arith.constant 0 : i32
        %dma_wait3A_50 = tpu.memref_slice %arg6[%add3A, %dma_wait3A_49] : memref<4x5120xi32, #tpu.memory_space<hbm>> -> memref<1x5120xi32, #tpu.memory_space<hbm>>
        %dma_wait3A_51 = tpu.memref_squeeze %dma_wait3A_50 : memref<1x5120xi32, #tpu.memory_space<hbm>> -> memref<5120xi32, #tpu.memory_space<hbm>>
        tpu.wait_dma2 semaphore(%run_scoped3A : memref<!tpu.dma_semaphore, #tpu.memory_space<semaphore_mem>>) src(%dma_wait3A_51 : memref<5120xi32, #tpu.memory_space<hbm>>) dst(%arg13 : memref<5120xi32, #tpu.memory_space<vmem>>)
        tpu.yield
      }) : () -> ()
      "tpu.region"() ({
        %run_scoped3A = tpu.sem_alloc : memref<!tpu.dma_semaphore, #tpu.memory_space<semaphore_mem>>
        %dma_start3A = arith.constant 0 : i32
        %dma_start3A_42 = tpu.memref_slice %arg3[%add3A, %dma_start3A] : memref<4x5120xi32, #tpu.memory_space<hbm>> -> memref<1x5120xi32, #tpu.memory_space<hbm>>
        %dma_start3A_43 = tpu.memref_squeeze %dma_start3A_42 : memref<1x5120xi32, #tpu.memory_space<hbm>> -> memref<5120xi32, #tpu.memory_space<hbm>>
        %dma_start3A_44 = arith.constant 0 : i32
        %dma_start3A_45 = tpu.memref_slice %arg3[%add3A, %dma_start3A_44] : memref<4x5120xi32, #tpu.memory_space<hbm>> -> memref<1x5120xi32, #tpu.memory_space<hbm>>
        %dma_start3A_46 = tpu.memref_squeeze %dma_start3A_45 : memref<1x5120xi32, #tpu.memory_space<hbm>> -> memref<5120xi32, #tpu.memory_space<hbm>>
        tpu.enqueue_dma source(%dma_start3A_46 : memref<5120xi32, #tpu.memory_space<hbm>>) target(%arg11 : memref<5120xi32, #tpu.memory_space<vmem>>) target_semaphore(%run_scoped3A : memref<!tpu.dma_semaphore, #tpu.memory_space<semaphore_mem>>)
        %dma_wait3A = arith.constant 0 : i32
        %dma_wait3A_47 = tpu.memref_slice %arg3[%add3A, %dma_wait3A] : memref<4x5120xi32, #tpu.memory_space<hbm>> -> memref<1x5120xi32, #tpu.memory_space<hbm>>
        %dma_wait3A_48 = tpu.memref_squeeze %dma_wait3A_47 : memref<1x5120xi32, #tpu.memory_space<hbm>> -> memref<5120xi32, #tpu.memory_space<hbm>>
        %dma_wait3A_49 = arith.constant 0 : i32
        %dma_wait3A_50 = tpu.memref_slice %arg3[%add3A, %dma_wait3A_49] : memref<4x5120xi32, #tpu.memory_space<hbm>> -> memref<1x5120xi32, #tpu.memory_space<hbm>>
        %dma_wait3A_51 = tpu.memref_squeeze %dma_wait3A_50 : memref<1x5120xi32, #tpu.memory_space<hbm>> -> memref<5120xi32, #tpu.memory_space<hbm>>
        tpu.wait_dma2 semaphore(%run_scoped3A : memref<!tpu.dma_semaphore, #tpu.memory_space<semaphore_mem>>) src(%dma_wait3A_51 : memref<5120xi32, #tpu.memory_space<hbm>>) dst(%arg11 : memref<5120xi32, #tpu.memory_space<vmem>>)
        tpu.yield
      }) : () -> ()
      %while3A = arith.constant 128 : i32
      %while3A_4 = arith.constant 128 : i32
      %while3A_5 = arith.constant 0 : i32
      %while3A_6 = arith.constant 0 : i32
      %while3A_7 = arith.constant 0 : i32
      %while3A_8:3 = scf.while (%while3A_42 = %while3A_5, %while3A_43 = %while3A_6, %while3A_44 = %while3A_7) : (i32, i32, i32) -> (i32, i32, i32) {
        %lt3A_45 = arith.constant 80 : i32
        %lt3A_46 = arith.cmpi slt, %while3A_42, %lt3A_45 : i32
        %le3A = arith.cmpi sle, %while3A_43, %while3A : i32
        %and3A = arith.andi %lt3A_46, %le3A : i1
        scf.condition(%and3A) %while3A_42, %while3A_43, %while3A_44 : i32, i32, i32
      } do {
      ^bb0(%while3A_42: i32, %while3A_43: i32, %while3A_44: i32):
        %mul3A_45 = arith.constant 4 : i32
        %mul3A_46 = arith.muli %while3A_42, %mul3A_45 : i32
        %add3A_47 = arith.constant 0 : i32
        %add3A_48 = arith.addi %mul3A_46, %add3A_47 : i32
        %mul3A_49 = arith.constant 16 : i32
        %mul3A_50 = arith.muli %add3A_48, %mul3A_49 : i32
        %get3A = arith.index_cast %mul3A_50 : i32 to index
        %get3A_51 = tpu.vector_load %arg12[%get3A] {strides = array<i32>} : memref<5120xi32, #tpu.memory_space<vmem>>, vector<16xi32>,
        %gather3A = tpu.vector_load_idx %arg10[%get3A_51] : memref<5120xf32, #tpu.memory_space<vmem>>[vector<16xi32>], vector<16xf32>,
        %eq3A = arith.constant 1.000000e+00 : f32
        %eq3A_52 = vector.broadcast %eq3A : f32 to vector<16xf32>
        %eq3A_53 = arith.cmpf oeq, %gather3A, %eq3A_52 : vector<16xf32>
        %convert_element_type3A_54 = arith.extui %eq3A_53 : vector<16xi1> to vector<16xi32>
        %broadcast_in_dim3A_55 = arith.constant true
        %broadcast_in_dim3A_56 = vector.broadcast %broadcast_in_dim3A_55 : i1 to vector<16xi1>
        %masked_cumsum3A = tpu.scan <sum>, %convert_element_type3A_54 masked %broadcast_in_dim3A_56 : vector<16xi32>, vector<16xi1> -> vector<16xi32>
        %sub3A_57 = arith.subi %while3A_4, %while3A_43 : i32
        %broadcast_in_dim3A_58 = vector.broadcast %sub3A_57 : i32 to vector<16xi32>
        %eq3A_59 = arith.cmpi eq, %masked_cumsum3A, %broadcast_in_dim3A_58 : vector<16xi32>
        %gt3A_60 = arith.constant 0 : i32
        %gt3A_61 = vector.broadcast %gt3A_60 : i32 to vector<16xi32>
        %gt3A_62 = arith.cmpi sgt, %convert_element_type3A_54, %gt3A_61 : vector<16xi32>
        %and3A = arith.andi %eq3A_59, %gt3A_62 : vector<16xi1>
        %get3A_63 = arith.index_cast %mul3A_50 : i32 to index
        %get3A_64 = tpu.vector_load %arg13[%get3A_63] {strides = array<i32>} : memref<5120xi32, #tpu.memory_space<vmem>>, vector<16xi32>,
        %select_n3A_65 = arith.select %and3A, %get3A_64, %broadcast_in_dim3A_3 : vector<16xi1>, vector<16xi32>
        %reduce_max3A = arith.constant true
        %reduce_max3A_66 = vector.broadcast %reduce_max3A : i1 to vector<16xi1>
        %reduce_max3A_67 = arith.constant -2147483648 : i32
        %reduce_max3A_68 = vector.broadcast %reduce_max3A_67 : i32 to vector<16xi32>
        %reduce_max3A_69 = arith.xori %select_n3A_65, %reduce_max3A_68 : vector<16xi32>
        %reduce_max3A_70 = tpu.scan <max>, %reduce_max3A_69 masked %reduce_max3A_66 : vector<16xi32>, vector<16xi1> -> vector<16xi32>
        %reduce_max3A_71 = arith.xori %reduce_max3A_70, %reduce_max3A_68 : vector<16xi32>
        %reduce_max3A_72 = vector.extract %reduce_max3A_71[15] : i32 from vector<16xi32>
        %max3A_73 = arith.maxsi %while3A_44, %reduce_max3A_72 : i32
        %reduce_sum3A_74 = arith.constant true
        %reduce_sum3A_75 = vector.broadcast %reduce_sum3A_74 : i1 to vector<16xi1>
        %reduce_sum3A_76 = tpu.scan <sum>, %convert_element_type3A_54 masked %reduce_sum3A_75 : vector<16xi32>, vector<16xi1> -> vector<16xi32>
        %reduce_sum3A_77 = vector.extract %reduce_sum3A_76[15] : i32 from vector<16xi32>
        %add3A_78 = arith.addi %while3A_43, %reduce_sum3A_77 : i32
        %mul3A_79 = arith.constant 4 : i32
        %mul3A_80 = arith.muli %while3A_42, %mul3A_79 : i32
        %add3A_81 = arith.constant 1 : i32
        %add3A_82 = arith.addi %mul3A_80, %add3A_81 : i32
        %mul3A_83 = arith.constant 16 : i32
        %mul3A_84 = arith.muli %add3A_82, %mul3A_83 : i32
        %get3A_85 = arith.index_cast %mul3A_84 : i32 to index
        %get3A_86 = tpu.vector_load %arg12[%get3A_85] {strides = array<i32>} : memref<5120xi32, #tpu.memory_space<vmem>>, vector<16xi32>,
        %gather3A_87 = tpu.vector_load_idx %arg10[%get3A_86] : memref<5120xf32, #tpu.memory_space<vmem>>[vector<16xi32>], vector<16xf32>,
        %eq3A_88 = arith.constant 1.000000e+00 : f32
        %eq3A_89 = vector.broadcast %eq3A_88 : f32 to vector<16xf32>
        %eq3A_90 = arith.cmpf oeq, %gather3A_87, %eq3A_89 : vector<16xf32>
        %convert_element_type3A_91 = arith.extui %eq3A_90 : vector<16xi1> to vector<16xi32>
        %broadcast_in_dim3A_92 = arith.constant true
        %broadcast_in_dim3A_93 = vector.broadcast %broadcast_in_dim3A_92 : i1 to vector<16xi1>
        %masked_cumsum3A_94 = tpu.scan <sum>, %convert_element_type3A_91 masked %broadcast_in_dim3A_93 : vector<16xi32>, vector<16xi1> -> vector<16xi32>
        %sub3A_95 = arith.subi %while3A_4, %add3A_78 : i32
        %broadcast_in_dim3A_96 = vector.broadcast %sub3A_95 : i32 to vector<16xi32>
        %eq3A_97 = arith.cmpi eq, %masked_cumsum3A_94, %broadcast_in_dim3A_96 : vector<16xi32>
        %gt3A_98 = arith.constant 0 : i32
        %gt3A_99 = vector.broadcast %gt3A_98 : i32 to vector<16xi32>
        %gt3A_100 = arith.cmpi sgt, %convert_element_type3A_91, %gt3A_99 : vector<16xi32>
        %and3A_101 = arith.andi %eq3A_97, %gt3A_100 : vector<16xi1>
        %get3A_102 = arith.index_cast %mul3A_84 : i32 to index
        %get3A_103 = tpu.vector_load %arg13[%get3A_102] {strides = array<i32>} : memref<5120xi32, #tpu.memory_space<vmem>>, vector<16xi32>,
        %select_n3A_104 = arith.select %and3A_101, %get3A_103, %broadcast_in_dim3A_3 : vector<16xi1>, vector<16xi32>
        %reduce_max3A_105 = arith.constant true
        %reduce_max3A_106 = vector.broadcast %reduce_max3A_105 : i1 to vector<16xi1>
        %reduce_max3A_107 = arith.constant -2147483648 : i32
        %reduce_max3A_108 = vector.broadcast %reduce_max3A_107 : i32 to vector<16xi32>
        %reduce_max3A_109 = arith.xori %select_n3A_104, %reduce_max3A_108 : vector<16xi32>
        %reduce_max3A_110 = tpu.scan <max>, %reduce_max3A_109 masked %reduce_max3A_106 : vector<16xi32>, vector<16xi1> -> vector<16xi32>
        %reduce_max3A_111 = arith.xori %reduce_max3A_110, %reduce_max3A_108 : vector<16xi32>
        %reduce_max3A_112 = vector.extract %reduce_max3A_111[15] : i32 from vector<16xi32>
        %max3A_113 = arith.maxsi %max3A_73, %reduce_max3A_112 : i32
        %reduce_sum3A_114 = arith.constant true
        %reduce_sum3A_115 = vector.broadcast %reduce_sum3A_114 : i1 to vector<16xi1>
        %reduce_sum3A_116 = tpu.scan <sum>, %convert_element_type3A_91 masked %reduce_sum3A_115 : vector<16xi32>, vector<16xi1> -> vector<16xi32>
        %reduce_sum3A_117 = vector.extract %reduce_sum3A_116[15] : i32 from vector<16xi32>
        %add3A_118 = arith.addi %add3A_78, %reduce_sum3A_117 : i32
        %mul3A_119 = arith.constant 4 : i32
        %mul3A_120 = arith.muli %while3A_42, %mul3A_119 : i32
        %add3A_121 = arith.constant 2 : i32
        %add3A_122 = arith.addi %mul3A_120, %add3A_121 : i32
        %mul3A_123 = arith.constant 16 : i32
        %mul3A_124 = arith.muli %add3A_122, %mul3A_123 : i32
        %get3A_125 = arith.index_cast %mul3A_124 : i32 to index
        %get3A_126 = tpu.vector_load %arg12[%get3A_125] {strides = array<i32>} : memref<5120xi32, #tpu.memory_space<vmem>>, vector<16xi32>,
        %gather3A_127 = tpu.vector_load_idx %arg10[%get3A_126] : memref<5120xf32, #tpu.memory_space<vmem>>[vector<16xi32>], vector<16xf32>,
        %eq3A_128 = arith.constant 1.000000e+00 : f32
        %eq3A_129 = vector.broadcast %eq3A_128 : f32 to vector<16xf32>
        %eq3A_130 = arith.cmpf oeq, %gather3A_127, %eq3A_129 : vector<16xf32>
        %convert_element_type3A_131 = arith.extui %eq3A_130 : vector<16xi1> to vector<16xi32>
        %broadcast_in_dim3A_132 = arith.constant true
        %broadcast_in_dim3A_133 = vector.broadcast %broadcast_in_dim3A_132 : i1 to vector<16xi1>
        %masked_cumsum3A_134 = tpu.scan <sum>, %convert_element_type3A_131 masked %broadcast_in_dim3A_133 : vector<16xi32>, vector<16xi1> -> vector<16xi32>
        %sub3A_135 = arith.subi %while3A_4, %add3A_118 : i32
        %broadcast_in_dim3A_136 = vector.broadcast %sub3A_135 : i32 to vector<16xi32>
        %eq3A_137 = arith.cmpi eq, %masked_cumsum3A_134, %broadcast_in_dim3A_136 : vector<16xi32>
        %gt3A_138 = arith.constant 0 : i32
        %gt3A_139 = vector.broadcast %gt3A_138 : i32 to vector<16xi32>
        %gt3A_140 = arith.cmpi sgt, %convert_element_type3A_131, %gt3A_139 : vector<16xi32>
        %and3A_141 = arith.andi %eq3A_137, %gt3A_140 : vector<16xi1>
        %get3A_142 = arith.index_cast %mul3A_124 : i32 to index
        %get3A_143 = tpu.vector_load %arg13[%get3A_142] {strides = array<i32>} : memref<5120xi32, #tpu.memory_space<vmem>>, vector<16xi32>,
        %select_n3A_144 = arith.select %and3A_141, %get3A_143, %broadcast_in_dim3A_3 : vector<16xi1>, vector<16xi32>
        %reduce_max3A_145 = arith.constant true
        %reduce_max3A_146 = vector.broadcast %reduce_max3A_145 : i1 to vector<16xi1>
        %reduce_max3A_147 = arith.constant -2147483648 : i32
        %reduce_max3A_148 = vector.broadcast %reduce_max3A_147 : i32 to vector<16xi32>
        %reduce_max3A_149 = arith.xori %select_n3A_144, %reduce_max3A_148 : vector<16xi32>
        %reduce_max3A_150 = tpu.scan <max>, %reduce_max3A_149 masked %reduce_max3A_146 : vector<16xi32>, vector<16xi1> -> vector<16xi32>
        %reduce_max3A_151 = arith.xori %reduce_max3A_150, %reduce_max3A_148 : vector<16xi32>
        %reduce_max3A_152 = vector.extract %reduce_max3A_151[15] : i32 from vector<16xi32>
        %max3A_153 = arith.maxsi %max3A_113, %reduce_max3A_152 : i32
        %reduce_sum3A_154 = arith.constant true
        %reduce_sum3A_155 = vector.broadcast %reduce_sum3A_154 : i1 to vector<16xi1>
        %reduce_sum3A_156 = tpu.scan <sum>, %convert_element_type3A_131 masked %reduce_sum3A_155 : vector<16xi32>, vector<16xi1> -> vector<16xi32>
        %reduce_sum3A_157 = vector.extract %reduce_sum3A_156[15] : i32 from vector<16xi32>
        %add3A_158 = arith.addi %add3A_118, %reduce_sum3A_157 : i32
        %mul3A_159 = arith.constant 4 : i32
        %mul3A_160 = arith.muli %while3A_42, %mul3A_159 : i32
        %add3A_161 = arith.constant 3 : i32
        %add3A_162 = arith.addi %mul3A_160, %add3A_161 : i32
        %mul3A_163 = arith.constant 16 : i32
        %mul3A_164 = arith.muli %add3A_162, %mul3A_163 : i32
        %get3A_165 = arith.index_cast %mul3A_164 : i32 to index
        %get3A_166 = tpu.vector_load %arg12[%get3A_165] {strides = array<i32>} : memref<5120xi32, #tpu.memory_space<vmem>>, vector<16xi32>,
        %gather3A_167 = tpu.vector_load_idx %arg10[%get3A_166] : memref<5120xf32, #tpu.memory_space<vmem>>[vector<16xi32>], vector<16xf32>,
        %eq3A_168 = arith.constant 1.000000e+00 : f32
        %eq3A_169 = vector.broadcast %eq3A_168 : f32 to vector<16xf32>
        %eq3A_170 = arith.cmpf oeq, %gather3A_167, %eq3A_169 : vector<16xf32>
        %convert_element_type3A_171 = arith.extui %eq3A_170 : vector<16xi1> to vector<16xi32>
        %broadcast_in_dim3A_172 = arith.constant true
        %broadcast_in_dim3A_173 = vector.broadcast %broadcast_in_dim3A_172 : i1 to vector<16xi1>
        %masked_cumsum3A_174 = tpu.scan <sum>, %convert_element_type3A_171 masked %broadcast_in_dim3A_173 : vector<16xi32>, vector<16xi1> -> vector<16xi32>
        %sub3A_175 = arith.subi %while3A_4, %add3A_158 : i32
        %broadcast_in_dim3A_176 = vector.broadcast %sub3A_175 : i32 to vector<16xi32>
        %eq3A_177 = arith.cmpi eq, %masked_cumsum3A_174, %broadcast_in_dim3A_176 : vector<16xi32>
        %gt3A_178 = arith.constant 0 : i32
        %gt3A_179 = vector.broadcast %gt3A_178 : i32 to vector<16xi32>
        %gt3A_180 = arith.cmpi sgt, %convert_element_type3A_171, %gt3A_179 : vector<16xi32>
        %and3A_181 = arith.andi %eq3A_177, %gt3A_180 : vector<16xi1>
        %get3A_182 = arith.index_cast %mul3A_164 : i32 to index
        %get3A_183 = tpu.vector_load %arg13[%get3A_182] {strides = array<i32>} : memref<5120xi32, #tpu.memory_space<vmem>>, vector<16xi32>,
        %select_n3A_184 = arith.select %and3A_181, %get3A_183, %broadcast_in_dim3A_3 : vector<16xi1>, vector<16xi32>
        %reduce_max3A_185 = arith.constant true
        %reduce_max3A_186 = vector.broadcast %reduce_max3A_185 : i1 to vector<16xi1>
        %reduce_max3A_187 = arith.constant -2147483648 : i32
        %reduce_max3A_188 = vector.broadcast %reduce_max3A_187 : i32 to vector<16xi32>
        %reduce_max3A_189 = arith.xori %select_n3A_184, %reduce_max3A_188 : vector<16xi32>
        %reduce_max3A_190 = tpu.scan <max>, %reduce_max3A_189 masked %reduce_max3A_186 : vector<16xi32>, vector<16xi1> -> vector<16xi32>
        %reduce_max3A_191 = arith.xori %reduce_max3A_190, %reduce_max3A_188 : vector<16xi32>
        %reduce_max3A_192 = vector.extract %reduce_max3A_191[15] : i32 from vector<16xi32>
        %max3A_193 = arith.maxsi %max3A_153, %reduce_max3A_192 : i32
        %reduce_sum3A_194 = arith.constant true
        %reduce_sum3A_195 = vector.broadcast %reduce_sum3A_194 : i1 to vector<16xi1>
        %reduce_sum3A_196 = tpu.scan <sum>, %convert_element_type3A_171 masked %reduce_sum3A_195 : vector<16xi32>, vector<16xi1> -> vector<16xi32>
        %reduce_sum3A_197 = vector.extract %reduce_sum3A_196[15] : i32 from vector<16xi32>
        %add3A_198 = arith.addi %add3A_158, %reduce_sum3A_197 : i32
        %add3A_199 = arith.constant 1 : i32
        %add3A_200 = arith.addi %while3A_42, %add3A_199 : i32
        scf.yield %add3A_200, %add3A_198, %max3A_193 : i32, i32, i32
      }
      %gt3A = arith.constant 128 : i32
      %gt3A_9 = arith.cmpi sgt, %while3A_8#1, %gt3A : i32
      %jit3A = arith.constant -2147483648 : i32
      %select_n3A = arith.select %gt3A_9, %while3A_8#2, %jit3A : i32
      %broadcast_in_dim3A_10 = vector.broadcast %select_n3A : i32 to vector<16xi32>
      %broadcast_in_dim3A_11 = vector.broadcast %while3A_8#2 : i32 to vector<16xi32>
      %scan3A = arith.constant 0 : i32
      %scan3A_12 = arith.constant 80 : i32
      %scan3A_13 = arith.addi %scan3A, %scan3A_12 : i32
      %scan3A_14 = arith.constant 1 : i32
      %scan3A_15:2 = scf.for %scan3A_42 = %scan3A to %scan3A_13 step %scan3A_14 iter_args(%scan3A_43 = %broadcast_in_dim3A_3, %scan3A_44 = %broadcast_in_dim3A_3) -> (vector<16xi32>, vector<16xi32>)  : i32 {
        %mul3A_45 = arith.constant 4 : i32
        %mul3A_46 = arith.muli %scan3A_42, %mul3A_45 : i32
        %add3A_47 = arith.constant 0 : i32
        %add3A_48 = arith.addi %mul3A_46, %add3A_47 : i32
        %mul3A_49 = arith.constant 16 : i32
        %mul3A_50 = arith.muli %add3A_48, %mul3A_49 : i32
        %get3A = arith.index_cast %mul3A_50 : i32 to index
        %get3A_51 = tpu.vector_load %arg10[%get3A] {strides = array<i32>} : memref<5120xf32, #tpu.memory_space<vmem>>, vector<16xf32>,
        %get3A_52 = arith.index_cast %mul3A_50 : i32 to index
        %get3A_53 = tpu.vector_load %arg11[%get3A_52] {strides = array<i32>} : memref<5120xi32, #tpu.memory_space<vmem>>, vector<16xi32>,
        %eq3A = arith.constant 1.000000e+00 : f32
        %eq3A_54 = vector.broadcast %eq3A : f32 to vector<16xf32>
        %eq3A_55 = arith.cmpf oeq, %get3A_51, %eq3A_54 : vector<16xf32>
        %lt3A_56 = arith.cmpi slt, %get3A_53, %broadcast_in_dim3A_10 : vector<16xi32>
        %and3A = arith.andi %eq3A_55, %lt3A_56 : vector<16xi1>
        %jit3A_57 = arith.constant -1.000000e+00 : f32
        %broadcast_in_dim3A_58 = vector.broadcast %jit3A_57 : f32 to vector<16xf32>
        %select_n3A_59 = arith.select %and3A, %broadcast_in_dim3A_58, %get3A_51 : vector<16xi1>, vector<16xf32>
        %swap3A = arith.index_cast %mul3A_50 : i32 to index
        %swap3A_60 = tpu.vector_load %arg10[%swap3A] {strides = array<i32>} : memref<5120xf32, #tpu.memory_space<vmem>>, vector<16xf32>,
        tpu.vector_store %arg10[%swap3A], %select_n3A_59 {strides = array<i32>} : memref<5120xf32, #tpu.memory_space<vmem>>, vector<16xf32>,
        %ge3A = arith.cmpi sge, %get3A_53, %broadcast_in_dim3A_11 : vector<16xi32>
        %and3A_61 = arith.andi %eq3A_55, %ge3A : vector<16xi1>
        %convert_element_type3A_62 = arith.extui %and3A_61 : vector<16xi1> to vector<16xi32>
        %add3A_63 = arith.addi %scan3A_43, %convert_element_type3A_62 : vector<16xi32>
        %convert_element_type3A_64 = arith.extui %eq3A_55 : vector<16xi1> to vector<16xi32>
        %add3A_65 = arith.addi %scan3A_44, %convert_element_type3A_64 : vector<16xi32>
        %mul3A_66 = arith.constant 4 : i32
        %mul3A_67 = arith.muli %scan3A_42, %mul3A_66 : i32
        %add3A_68 = arith.constant 1 : i32
        %add3A_69 = arith.addi %mul3A_67, %add3A_68 : i32
        %mul3A_70 = arith.constant 16 : i32
        %mul3A_71 = arith.muli %add3A_69, %mul3A_70 : i32
        %get3A_72 = arith.index_cast %mul3A_71 : i32 to index
        %get3A_73 = tpu.vector_load %arg10[%get3A_72] {strides = array<i32>} : memref<5120xf32, #tpu.memory_space<vmem>>, vector<16xf32>,
        %get3A_74 = arith.index_cast %mul3A_71 : i32 to index
        %get3A_75 = tpu.vector_load %arg11[%get3A_74] {strides = array<i32>} : memref<5120xi32, #tpu.memory_space<vmem>>, vector<16xi32>,
        %eq3A_76 = arith.constant 1.000000e+00 : f32
        %eq3A_77 = vector.broadcast %eq3A_76 : f32 to vector<16xf32>
        %eq3A_78 = arith.cmpf oeq, %get3A_73, %eq3A_77 : vector<16xf32>
        %lt3A_79 = arith.cmpi slt, %get3A_75, %broadcast_in_dim3A_10 : vector<16xi32>
        %and3A_80 = arith.andi %eq3A_78, %lt3A_79 : vector<16xi1>
        %jit3A_81 = arith.constant -1.000000e+00 : f32
        %broadcast_in_dim3A_82 = vector.broadcast %jit3A_81 : f32 to vector<16xf32>
        %select_n3A_83 = arith.select %and3A_80, %broadcast_in_dim3A_82, %get3A_73 : vector<16xi1>, vector<16xf32>
        %swap3A_84 = arith.index_cast %mul3A_71 : i32 to index
        %swap3A_85 = tpu.vector_load %arg10[%swap3A_84] {strides = array<i32>} : memref<5120xf32, #tpu.memory_space<vmem>>, vector<16xf32>,
        tpu.vector_store %arg10[%swap3A_84], %select_n3A_83 {strides = array<i32>} : memref<5120xf32, #tpu.memory_space<vmem>>, vector<16xf32>,
        %ge3A_86 = arith.cmpi sge, %get3A_75, %broadcast_in_dim3A_11 : vector<16xi32>
        %and3A_87 = arith.andi %eq3A_78, %ge3A_86 : vector<16xi1>
        %convert_element_type3A_88 = arith.extui %and3A_87 : vector<16xi1> to vector<16xi32>
        %add3A_89 = arith.addi %add3A_63, %convert_element_type3A_88 : vector<16xi32>
        %convert_element_type3A_90 = arith.extui %eq3A_78 : vector<16xi1> to vector<16xi32>
        %add3A_91 = arith.addi %add3A_65, %convert_element_type3A_90 : vector<16xi32>
        %mul3A_92 = arith.constant 4 : i32
        %mul3A_93 = arith.muli %scan3A_42, %mul3A_92 : i32
        %add3A_94 = arith.constant 2 : i32
        %add3A_95 = arith.addi %mul3A_93, %add3A_94 : i32
        %mul3A_96 = arith.constant 16 : i32
        %mul3A_97 = arith.muli %add3A_95, %mul3A_96 : i32
        %get3A_98 = arith.index_cast %mul3A_97 : i32 to index
        %get3A_99 = tpu.vector_load %arg10[%get3A_98] {strides = array<i32>} : memref<5120xf32, #tpu.memory_space<vmem>>, vector<16xf32>,
        %get3A_100 = arith.index_cast %mul3A_97 : i32 to index
        %get3A_101 = tpu.vector_load %arg11[%get3A_100] {strides = array<i32>} : memref<5120xi32, #tpu.memory_space<vmem>>, vector<16xi32>,
        %eq3A_102 = arith.constant 1.000000e+00 : f32
        %eq3A_103 = vector.broadcast %eq3A_102 : f32 to vector<16xf32>
        %eq3A_104 = arith.cmpf oeq, %get3A_99, %eq3A_103 : vector<16xf32>
        %lt3A_105 = arith.cmpi slt, %get3A_101, %broadcast_in_dim3A_10 : vector<16xi32>
        %and3A_106 = arith.andi %eq3A_104, %lt3A_105 : vector<16xi1>
        %jit3A_107 = arith.constant -1.000000e+00 : f32
        %broadcast_in_dim3A_108 = vector.broadcast %jit3A_107 : f32 to vector<16xf32>
        %select_n3A_109 = arith.select %and3A_106, %broadcast_in_dim3A_108, %get3A_99 : vector<16xi1>, vector<16xf32>
        %swap3A_110 = arith.index_cast %mul3A_97 : i32 to index
        %swap3A_111 = tpu.vector_load %arg10[%swap3A_110] {strides = array<i32>} : memref<5120xf32, #tpu.memory_space<vmem>>, vector<16xf32>,
        tpu.vector_store %arg10[%swap3A_110], %select_n3A_109 {strides = array<i32>} : memref<5120xf32, #tpu.memory_space<vmem>>, vector<16xf32>,
        %ge3A_112 = arith.cmpi sge, %get3A_101, %broadcast_in_dim3A_11 : vector<16xi32>
        %and3A_113 = arith.andi %eq3A_104, %ge3A_112 : vector<16xi1>
        %convert_element_type3A_114 = arith.extui %and3A_113 : vector<16xi1> to vector<16xi32>
        %add3A_115 = arith.addi %add3A_89, %convert_element_type3A_114 : vector<16xi32>
        %convert_element_type3A_116 = arith.extui %eq3A_104 : vector<16xi1> to vector<16xi32>
        %add3A_117 = arith.addi %add3A_91, %convert_element_type3A_116 : vector<16xi32>
        %mul3A_118 = arith.constant 4 : i32
        %mul3A_119 = arith.muli %scan3A_42, %mul3A_118 : i32
        %add3A_120 = arith.constant 3 : i32
        %add3A_121 = arith.addi %mul3A_119, %add3A_120 : i32
        %mul3A_122 = arith.constant 16 : i32
        %mul3A_123 = arith.muli %add3A_121, %mul3A_122 : i32
        %get3A_124 = arith.index_cast %mul3A_123 : i32 to index
        %get3A_125 = tpu.vector_load %arg10[%get3A_124] {strides = array<i32>} : memref<5120xf32, #tpu.memory_space<vmem>>, vector<16xf32>,
        %get3A_126 = arith.index_cast %mul3A_123 : i32 to index
        %get3A_127 = tpu.vector_load %arg11[%get3A_126] {strides = array<i32>} : memref<5120xi32, #tpu.memory_space<vmem>>, vector<16xi32>,
        %eq3A_128 = arith.constant 1.000000e+00 : f32
        %eq3A_129 = vector.broadcast %eq3A_128 : f32 to vector<16xf32>
        %eq3A_130 = arith.cmpf oeq, %get3A_125, %eq3A_129 : vector<16xf32>
        %lt3A_131 = arith.cmpi slt, %get3A_127, %broadcast_in_dim3A_10 : vector<16xi32>
        %and3A_132 = arith.andi %eq3A_130, %lt3A_131 : vector<16xi1>
        %jit3A_133 = arith.constant -1.000000e+00 : f32
        %broadcast_in_dim3A_134 = vector.broadcast %jit3A_133 : f32 to vector<16xf32>
        %select_n3A_135 = arith.select %and3A_132, %broadcast_in_dim3A_134, %get3A_125 : vector<16xi1>, vector<16xf32>
        %swap3A_136 = arith.index_cast %mul3A_123 : i32 to index
        %swap3A_137 = tpu.vector_load %arg10[%swap3A_136] {strides = array<i32>} : memref<5120xf32, #tpu.memory_space<vmem>>, vector<16xf32>,
        tpu.vector_store %arg10[%swap3A_136], %select_n3A_135 {strides = array<i32>} : memref<5120xf32, #tpu.memory_space<vmem>>, vector<16xf32>,
        %ge3A_138 = arith.cmpi sge, %get3A_127, %broadcast_in_dim3A_11 : vector<16xi32>
        %and3A_139 = arith.andi %eq3A_130, %ge3A_138 : vector<16xi1>
        %convert_element_type3A_140 = arith.extui %and3A_139 : vector<16xi1> to vector<16xi32>
        %add3A_141 = arith.addi %add3A_115, %convert_element_type3A_140 : vector<16xi32>
        %convert_element_type3A_142 = arith.extui %eq3A_130 : vector<16xi1> to vector<16xi32>
        %add3A_143 = arith.addi %add3A_117, %convert_element_type3A_142 : vector<16xi32>
        scf.yield %add3A_141, %add3A_143 : vector<16xi32>, vector<16xi32>
      }
      %scan3A_16 = arith.constant 80 : i32
      %reduce_sum3A = arith.constant true
      %reduce_sum3A_17 = vector.broadcast %reduce_sum3A : i1 to vector<16xi1>
      %reduce_sum3A_18 = tpu.scan <sum>, %scan3A_15#0 masked %reduce_sum3A_17 : vector<16xi32>, vector<16xi1> -> vector<16xi32>
      %reduce_sum3A_19 = vector.extract %reduce_sum3A_18[15] : i32 from vector<16xi32>
      %reduce_sum3A_20 = arith.constant true
      %reduce_sum3A_21 = vector.broadcast %reduce_sum3A_20 : i1 to vector<16xi1>
      %reduce_sum3A_22 = tpu.scan <sum>, %scan3A_15#1 masked %reduce_sum3A_21 : vector<16xi32>, vector<16xi1> -> vector<16xi32>
      %reduce_sum3A_23 = vector.extract %reduce_sum3A_22[15] : i32 from vector<16xi32>
      %select_n3A_24 = arith.select %gt3A_9, %reduce_sum3A_19, %reduce_sum3A_23 : i32
      %sub3A = arith.constant 256 : i32
      %sub3A_25 = arith.subi %sub3A, %select_n3A_24 : i32
      "tpu.region"() ({
        %run_scoped3A = tpu.sem_alloc : memref<!tpu.dma_semaphore, #tpu.memory_space<semaphore_mem>>
        %dma_start3A = arith.constant 0 : i32
        %dma_start3A_42 = tpu.memref_slice %arg7[%add3A, %dma_start3A] : memref<4x5120xi32, #tpu.memory_space<hbm>> -> memref<1x5120xi32, #tpu.memory_space<hbm>>
        %dma_start3A_43 = tpu.memref_squeeze %dma_start3A_42 : memref<1x5120xi32, #tpu.memory_space<hbm>> -> memref<5120xi32, #tpu.memory_space<hbm>>
        %dma_start3A_44 = arith.constant 0 : i32
        %dma_start3A_45 = tpu.memref_slice %arg7[%add3A, %dma_start3A_44] : memref<4x5120xi32, #tpu.memory_space<hbm>> -> memref<1x5120xi32, #tpu.memory_space<hbm>>
        %dma_start3A_46 = tpu.memref_squeeze %dma_start3A_45 : memref<1x5120xi32, #tpu.memory_space<hbm>> -> memref<5120xi32, #tpu.memory_space<hbm>>
        tpu.enqueue_dma source(%dma_start3A_46 : memref<5120xi32, #tpu.memory_space<hbm>>) target(%arg12 : memref<5120xi32, #tpu.memory_space<vmem>>) target_semaphore(%run_scoped3A : memref<!tpu.dma_semaphore, #tpu.memory_space<semaphore_mem>>)
        %dma_wait3A = arith.constant 0 : i32
        %dma_wait3A_47 = tpu.memref_slice %arg7[%add3A, %dma_wait3A] : memref<4x5120xi32, #tpu.memory_space<hbm>> -> memref<1x5120xi32, #tpu.memory_space<hbm>>
        %dma_wait3A_48 = tpu.memref_squeeze %dma_wait3A_47 : memref<1x5120xi32, #tpu.memory_space<hbm>> -> memref<5120xi32, #tpu.memory_space<hbm>>
        %dma_wait3A_49 = arith.constant 0 : i32
        %dma_wait3A_50 = tpu.memref_slice %arg7[%add3A, %dma_wait3A_49] : memref<4x5120xi32, #tpu.memory_space<hbm>> -> memref<1x5120xi32, #tpu.memory_space<hbm>>
        %dma_wait3A_51 = tpu.memref_squeeze %dma_wait3A_50 : memref<1x5120xi32, #tpu.memory_space<hbm>> -> memref<5120xi32, #tpu.memory_space<hbm>>
        tpu.wait_dma2 semaphore(%run_scoped3A : memref<!tpu.dma_semaphore, #tpu.memory_space<semaphore_mem>>) src(%dma_wait3A_51 : memref<5120xi32, #tpu.memory_space<hbm>>) dst(%arg12 : memref<5120xi32, #tpu.memory_space<vmem>>)
        tpu.yield
      }) : () -> ()
      "tpu.region"() ({
        %run_scoped3A = tpu.sem_alloc : memref<!tpu.dma_semaphore, #tpu.memory_space<semaphore_mem>>
        %dma_start3A = arith.constant 0 : i32
        %dma_start3A_42 = tpu.memref_slice %arg8[%add3A, %dma_start3A] : memref<4x5120xi32, #tpu.memory_space<hbm>> -> memref<1x5120xi32, #tpu.memory_space<hbm>>
        %dma_start3A_43 = tpu.memref_squeeze %dma_start3A_42 : memref<1x5120xi32, #tpu.memory_space<hbm>> -> memref<5120xi32, #tpu.memory_space<hbm>>
        %dma_start3A_44 = arith.constant 0 : i32
        %dma_start3A_45 = tpu.memref_slice %arg8[%add3A, %dma_start3A_44] : memref<4x5120xi32, #tpu.memory_space<hbm>> -> memref<1x5120xi32, #tpu.memory_space<hbm>>
        %dma_start3A_46 = tpu.memref_squeeze %dma_start3A_45 : memref<1x5120xi32, #tpu.memory_space<hbm>> -> memref<5120xi32, #tpu.memory_space<hbm>>
        tpu.enqueue_dma source(%dma_start3A_46 : memref<5120xi32, #tpu.memory_space<hbm>>) target(%arg13 : memref<5120xi32, #tpu.memory_space<vmem>>) target_semaphore(%run_scoped3A : memref<!tpu.dma_semaphore, #tpu.memory_space<semaphore_mem>>)
        %dma_wait3A = arith.constant 0 : i32
        %dma_wait3A_47 = tpu.memref_slice %arg8[%add3A, %dma_wait3A] : memref<4x5120xi32, #tpu.memory_space<hbm>> -> memref<1x5120xi32, #tpu.memory_space<hbm>>
        %dma_wait3A_48 = tpu.memref_squeeze %dma_wait3A_47 : memref<1x5120xi32, #tpu.memory_space<hbm>> -> memref<5120xi32, #tpu.memory_space<hbm>>
        %dma_wait3A_49 = arith.constant 0 : i32
        %dma_wait3A_50 = tpu.memref_slice %arg8[%add3A, %dma_wait3A_49] : memref<4x5120xi32, #tpu.memory_space<hbm>> -> memref<1x5120xi32, #tpu.memory_space<hbm>>
        %dma_wait3A_51 = tpu.memref_squeeze %dma_wait3A_50 : memref<1x5120xi32, #tpu.memory_space<hbm>> -> memref<5120xi32, #tpu.memory_space<hbm>>
        tpu.wait_dma2 semaphore(%run_scoped3A : memref<!tpu.dma_semaphore, #tpu.memory_space<semaphore_mem>>) src(%dma_wait3A_51 : memref<5120xi32, #tpu.memory_space<hbm>>) dst(%arg13 : memref<5120xi32, #tpu.memory_space<vmem>>)
        tpu.yield
      }) : () -> ()
      "tpu.region"() ({
        %run_scoped3A = tpu.sem_alloc : memref<!tpu.dma_semaphore, #tpu.memory_space<semaphore_mem>>
        %dma_start3A = arith.constant 0 : i32
        %dma_start3A_42 = tpu.memref_slice %arg4[%add3A, %dma_start3A] : memref<4x5120xi32, #tpu.memory_space<hbm>> -> memref<1x5120xi32, #tpu.memory_space<hbm>>
        %dma_start3A_43 = tpu.memref_squeeze %dma_start3A_42 : memref<1x5120xi32, #tpu.memory_space<hbm>> -> memref<5120xi32, #tpu.memory_space<hbm>>
        %dma_start3A_44 = arith.constant 0 : i32
        %dma_start3A_45 = tpu.memref_slice %arg4[%add3A, %dma_start3A_44] : memref<4x5120xi32, #tpu.memory_space<hbm>> -> memref<1x5120xi32, #tpu.memory_space<hbm>>
        %dma_start3A_46 = tpu.memref_squeeze %dma_start3A_45 : memref<1x5120xi32, #tpu.memory_space<hbm>> -> memref<5120xi32, #tpu.memory_space<hbm>>
        tpu.enqueue_dma source(%dma_start3A_46 : memref<5120xi32, #tpu.memory_space<hbm>>) target(%arg11 : memref<5120xi32, #tpu.memory_space<vmem>>) target_semaphore(%run_scoped3A : memref<!tpu.dma_semaphore, #tpu.memory_space<semaphore_mem>>)
        %dma_wait3A = arith.constant 0 : i32
        %dma_wait3A_47 = tpu.memref_slice %arg4[%add3A, %dma_wait3A] : memref<4x5120xi32, #tpu.memory_space<hbm>> -> memref<1x5120xi32, #tpu.memory_space<hbm>>
        %dma_wait3A_48 = tpu.memref_squeeze %dma_wait3A_47 : memref<1x5120xi32, #tpu.memory_space<hbm>> -> memref<5120xi32, #tpu.memory_space<hbm>>
        %dma_wait3A_49 = arith.constant 0 : i32
        %dma_wait3A_50 = tpu.memref_slice %arg4[%add3A, %dma_wait3A_49] : memref<4x5120xi32, #tpu.memory_space<hbm>> -> memref<1x5120xi32, #tpu.memory_space<hbm>>
        %dma_wait3A_51 = tpu.memref_squeeze %dma_wait3A_50 : memref<1x5120xi32, #tpu.memory_space<hbm>> -> memref<5120xi32, #tpu.memory_space<hbm>>
        tpu.wait_dma2 semaphore(%run_scoped3A : memref<!tpu.dma_semaphore, #tpu.memory_space<semaphore_mem>>) src(%dma_wait3A_51 : memref<5120xi32, #tpu.memory_space<hbm>>) dst(%arg11 : memref<5120xi32, #tpu.memory_space<vmem>>)
        tpu.yield
      }) : () -> ()
      %jit3A_26 = arith.constant 1 : i32
      %jit3A_27 = arith.constant 5000 : i32
      %max3A = arith.maxsi %jit3A_26, %sub3A_25 : i32
      %min3A = arith.minsi %jit3A_27, %max3A : i32
      %while3A_28 = arith.constant 0 : i32
      %while3A_29 = arith.constant 0 : i32
      %while3A_30 = arith.constant 0 : i32
      %while3A_31:3 = scf.while (%while3A_42 = %while3A_28, %while3A_43 = %while3A_29, %while3A_44 = %while3A_30) : (i32, i32, i32) -> (i32, i32, i32) {
        %lt3A_45 = arith.constant 80 : i32
        %lt3A_46 = arith.cmpi slt, %while3A_42, %lt3A_45 : i32
        %le3A = arith.cmpi sle, %while3A_43, %min3A : i32
        %and3A = arith.andi %lt3A_46, %le3A : i1
        scf.condition(%and3A) %while3A_42, %while3A_43, %while3A_44 : i32, i32, i32
      } do {
      ^bb0(%while3A_42: i32, %while3A_43: i32, %while3A_44: i32):
        %mul3A_45 = arith.constant 4 : i32
        %mul3A_46 = arith.muli %while3A_42, %mul3A_45 : i32
        %add3A_47 = arith.constant 0 : i32
        %add3A_48 = arith.addi %mul3A_46, %add3A_47 : i32
        %mul3A_49 = arith.constant 16 : i32
        %mul3A_50 = arith.muli %add3A_48, %mul3A_49 : i32
        %get3A = arith.index_cast %mul3A_50 : i32 to index
        %get3A_51 = tpu.vector_load %arg12[%get3A] {strides = array<i32>} : memref<5120xi32, #tpu.memory_space<vmem>>, vector<16xi32>,
        %gather3A = tpu.vector_load_idx %arg10[%get3A_51] : memref<5120xf32, #tpu.memory_space<vmem>>[vector<16xi32>], vector<16xf32>,
        %eq3A = arith.constant 0.000000e+00 : f32
        %eq3A_52 = vector.broadcast %eq3A : f32 to vector<16xf32>
        %eq3A_53 = arith.cmpf oeq, %gather3A, %eq3A_52 : vector<16xf32>
        %convert_element_type3A_54 = arith.extui %eq3A_53 : vector<16xi1> to vector<16xi32>
        %broadcast_in_dim3A_55 = arith.constant true
        %broadcast_in_dim3A_56 = vector.broadcast %broadcast_in_dim3A_55 : i1 to vector<16xi1>
        %masked_cumsum3A = tpu.scan <sum>, %convert_element_type3A_54 masked %broadcast_in_dim3A_56 : vector<16xi32>, vector<16xi1> -> vector<16xi32>
        %sub3A_57 = arith.subi %min3A, %while3A_43 : i32
        %broadcast_in_dim3A_58 = vector.broadcast %sub3A_57 : i32 to vector<16xi32>
        %eq3A_59 = arith.cmpi eq, %masked_cumsum3A, %broadcast_in_dim3A_58 : vector<16xi32>
        %gt3A_60 = arith.constant 0 : i32
        %gt3A_61 = vector.broadcast %gt3A_60 : i32 to vector<16xi32>
        %gt3A_62 = arith.cmpi sgt, %convert_element_type3A_54, %gt3A_61 : vector<16xi32>
        %and3A = arith.andi %eq3A_59, %gt3A_62 : vector<16xi1>
        %get3A_63 = arith.index_cast %mul3A_50 : i32 to index
        %get3A_64 = tpu.vector_load %arg13[%get3A_63] {strides = array<i32>} : memref<5120xi32, #tpu.memory_space<vmem>>, vector<16xi32>,
        %select_n3A_65 = arith.select %and3A, %get3A_64, %broadcast_in_dim3A_3 : vector<16xi1>, vector<16xi32>
        %reduce_max3A = arith.constant true
        %reduce_max3A_66 = vector.broadcast %reduce_max3A : i1 to vector<16xi1>
        %reduce_max3A_67 = arith.constant -2147483648 : i32
        %reduce_max3A_68 = vector.broadcast %reduce_max3A_67 : i32 to vector<16xi32>
        %reduce_max3A_69 = arith.xori %select_n3A_65, %reduce_max3A_68 : vector<16xi32>
        %reduce_max3A_70 = tpu.scan <max>, %reduce_max3A_69 masked %reduce_max3A_66 : vector<16xi32>, vector<16xi1> -> vector<16xi32>
        %reduce_max3A_71 = arith.xori %reduce_max3A_70, %reduce_max3A_68 : vector<16xi32>
        %reduce_max3A_72 = vector.extract %reduce_max3A_71[15] : i32 from vector<16xi32>
        %max3A_73 = arith.maxsi %while3A_44, %reduce_max3A_72 : i32
        %reduce_sum3A_74 = arith.constant true
        %reduce_sum3A_75 = vector.broadcast %reduce_sum3A_74 : i1 to vector<16xi1>
        %reduce_sum3A_76 = tpu.scan <sum>, %convert_element_type3A_54 masked %reduce_sum3A_75 : vector<16xi32>, vector<16xi1> -> vector<16xi32>
        %reduce_sum3A_77 = vector.extract %reduce_sum3A_76[15] : i32 from vector<16xi32>
        %add3A_78 = arith.addi %while3A_43, %reduce_sum3A_77 : i32
        %mul3A_79 = arith.constant 4 : i32
        %mul3A_80 = arith.muli %while3A_42, %mul3A_79 : i32
        %add3A_81 = arith.constant 1 : i32
        %add3A_82 = arith.addi %mul3A_80, %add3A_81 : i32
        %mul3A_83 = arith.constant 16 : i32
        %mul3A_84 = arith.muli %add3A_82, %mul3A_83 : i32
        %get3A_85 = arith.index_cast %mul3A_84 : i32 to index
        %get3A_86 = tpu.vector_load %arg12[%get3A_85] {strides = array<i32>} : memref<5120xi32, #tpu.memory_space<vmem>>, vector<16xi32>,
        %gather3A_87 = tpu.vector_load_idx %arg10[%get3A_86] : memref<5120xf32, #tpu.memory_space<vmem>>[vector<16xi32>], vector<16xf32>,
        %eq3A_88 = arith.constant 0.000000e+00 : f32
        %eq3A_89 = vector.broadcast %eq3A_88 : f32 to vector<16xf32>
        %eq3A_90 = arith.cmpf oeq, %gather3A_87, %eq3A_89 : vector<16xf32>
        %convert_element_type3A_91 = arith.extui %eq3A_90 : vector<16xi1> to vector<16xi32>
        %broadcast_in_dim3A_92 = arith.constant true
        %broadcast_in_dim3A_93 = vector.broadcast %broadcast_in_dim3A_92 : i1 to vector<16xi1>
        %masked_cumsum3A_94 = tpu.scan <sum>, %convert_element_type3A_91 masked %broadcast_in_dim3A_93 : vector<16xi32>, vector<16xi1> -> vector<16xi32>
        %sub3A_95 = arith.subi %min3A, %add3A_78 : i32
        %broadcast_in_dim3A_96 = vector.broadcast %sub3A_95 : i32 to vector<16xi32>
        %eq3A_97 = arith.cmpi eq, %masked_cumsum3A_94, %broadcast_in_dim3A_96 : vector<16xi32>
        %gt3A_98 = arith.constant 0 : i32
        %gt3A_99 = vector.broadcast %gt3A_98 : i32 to vector<16xi32>
        %gt3A_100 = arith.cmpi sgt, %convert_element_type3A_91, %gt3A_99 : vector<16xi32>
        %and3A_101 = arith.andi %eq3A_97, %gt3A_100 : vector<16xi1>
        %get3A_102 = arith.index_cast %mul3A_84 : i32 to index
        %get3A_103 = tpu.vector_load %arg13[%get3A_102] {strides = array<i32>} : memref<5120xi32, #tpu.memory_space<vmem>>, vector<16xi32>,
        %select_n3A_104 = arith.select %and3A_101, %get3A_103, %broadcast_in_dim3A_3 : vector<16xi1>, vector<16xi32>
        %reduce_max3A_105 = arith.constant true
        %reduce_max3A_106 = vector.broadcast %reduce_max3A_105 : i1 to vector<16xi1>
        %reduce_max3A_107 = arith.constant -2147483648 : i32
        %reduce_max3A_108 = vector.broadcast %reduce_max3A_107 : i32 to vector<16xi32>
        %reduce_max3A_109 = arith.xori %select_n3A_104, %reduce_max3A_108 : vector<16xi32>
        %reduce_max3A_110 = tpu.scan <max>, %reduce_max3A_109 masked %reduce_max3A_106 : vector<16xi32>, vector<16xi1> -> vector<16xi32>
        %reduce_max3A_111 = arith.xori %reduce_max3A_110, %reduce_max3A_108 : vector<16xi32>
        %reduce_max3A_112 = vector.extract %reduce_max3A_111[15] : i32 from vector<16xi32>
        %max3A_113 = arith.maxsi %max3A_73, %reduce_max3A_112 : i32
        %reduce_sum3A_114 = arith.constant true
        %reduce_sum3A_115 = vector.broadcast %reduce_sum3A_114 : i1 to vector<16xi1>
        %reduce_sum3A_116 = tpu.scan <sum>, %convert_element_type3A_91 masked %reduce_sum3A_115 : vector<16xi32>, vector<16xi1> -> vector<16xi32>
        %reduce_sum3A_117 = vector.extract %reduce_sum3A_116[15] : i32 from vector<16xi32>
        %add3A_118 = arith.addi %add3A_78, %reduce_sum3A_117 : i32
        %mul3A_119 = arith.constant 4 : i32
        %mul3A_120 = arith.muli %while3A_42, %mul3A_119 : i32
        %add3A_121 = arith.constant 2 : i32
        %add3A_122 = arith.addi %mul3A_120, %add3A_121 : i32
        %mul3A_123 = arith.constant 16 : i32
        %mul3A_124 = arith.muli %add3A_122, %mul3A_123 : i32
        %get3A_125 = arith.index_cast %mul3A_124 : i32 to index
        %get3A_126 = tpu.vector_load %arg12[%get3A_125] {strides = array<i32>} : memref<5120xi32, #tpu.memory_space<vmem>>, vector<16xi32>,
        %gather3A_127 = tpu.vector_load_idx %arg10[%get3A_126] : memref<5120xf32, #tpu.memory_space<vmem>>[vector<16xi32>], vector<16xf32>,
        %eq3A_128 = arith.constant 0.000000e+00 : f32
        %eq3A_129 = vector.broadcast %eq3A_128 : f32 to vector<16xf32>
        %eq3A_130 = arith.cmpf oeq, %gather3A_127, %eq3A_129 : vector<16xf32>
        %convert_element_type3A_131 = arith.extui %eq3A_130 : vector<16xi1> to vector<16xi32>
        %broadcast_in_dim3A_132 = arith.constant true
        %broadcast_in_dim3A_133 = vector.broadcast %broadcast_in_dim3A_132 : i1 to vector<16xi1>
        %masked_cumsum3A_134 = tpu.scan <sum>, %convert_element_type3A_131 masked %broadcast_in_dim3A_133 : vector<16xi32>, vector<16xi1> -> vector<16xi32>
        %sub3A_135 = arith.subi %min3A, %add3A_118 : i32
        %broadcast_in_dim3A_136 = vector.broadcast %sub3A_135 : i32 to vector<16xi32>
        %eq3A_137 = arith.cmpi eq, %masked_cumsum3A_134, %broadcast_in_dim3A_136 : vector<16xi32>
        %gt3A_138 = arith.constant 0 : i32
        %gt3A_139 = vector.broadcast %gt3A_138 : i32 to vector<16xi32>
        %gt3A_140 = arith.cmpi sgt, %convert_element_type3A_131, %gt3A_139 : vector<16xi32>
        %and3A_141 = arith.andi %eq3A_137, %gt3A_140 : vector<16xi1>
        %get3A_142 = arith.index_cast %mul3A_124 : i32 to index
        %get3A_143 = tpu.vector_load %arg13[%get3A_142] {strides = array<i32>} : memref<5120xi32, #tpu.memory_space<vmem>>, vector<16xi32>,
        %select_n3A_144 = arith.select %and3A_141, %get3A_143, %broadcast_in_dim3A_3 : vector<16xi1>, vector<16xi32>
        %reduce_max3A_145 = arith.constant true
        %reduce_max3A_146 = vector.broadcast %reduce_max3A_145 : i1 to vector<16xi1>
        %reduce_max3A_147 = arith.constant -2147483648 : i32
        %reduce_max3A_148 = vector.broadcast %reduce_max3A_147 : i32 to vector<16xi32>
        %reduce_max3A_149 = arith.xori %select_n3A_144, %reduce_max3A_148 : vector<16xi32>
        %reduce_max3A_150 = tpu.scan <max>, %reduce_max3A_149 masked %reduce_max3A_146 : vector<16xi32>, vector<16xi1> -> vector<16xi32>
        %reduce_max3A_151 = arith.xori %reduce_max3A_150, %reduce_max3A_148 : vector<16xi32>
        %reduce_max3A_152 = vector.extract %reduce_max3A_151[15] : i32 from vector<16xi32>
        %max3A_153 = arith.maxsi %max3A_113, %reduce_max3A_152 : i32
        %reduce_sum3A_154 = arith.constant true
        %reduce_sum3A_155 = vector.broadcast %reduce_sum3A_154 : i1 to vector<16xi1>
        %reduce_sum3A_156 = tpu.scan <sum>, %convert_element_type3A_131 masked %reduce_sum3A_155 : vector<16xi32>, vector<16xi1> -> vector<16xi32>
        %reduce_sum3A_157 = vector.extract %reduce_sum3A_156[15] : i32 from vector<16xi32>
        %add3A_158 = arith.addi %add3A_118, %reduce_sum3A_157 : i32
        %mul3A_159 = arith.constant 4 : i32
        %mul3A_160 = arith.muli %while3A_42, %mul3A_159 : i32
        %add3A_161 = arith.constant 3 : i32
        %add3A_162 = arith.addi %mul3A_160, %add3A_161 : i32
        %mul3A_163 = arith.constant 16 : i32
        %mul3A_164 = arith.muli %add3A_162, %mul3A_163 : i32
        %get3A_165 = arith.index_cast %mul3A_164 : i32 to index
        %get3A_166 = tpu.vector_load %arg12[%get3A_165] {strides = array<i32>} : memref<5120xi32, #tpu.memory_space<vmem>>, vector<16xi32>,
        %gather3A_167 = tpu.vector_load_idx %arg10[%get3A_166] : memref<5120xf32, #tpu.memory_space<vmem>>[vector<16xi32>], vector<16xf32>,
        %eq3A_168 = arith.constant 0.000000e+00 : f32
        %eq3A_169 = vector.broadcast %eq3A_168 : f32 to vector<16xf32>
        %eq3A_170 = arith.cmpf oeq, %gather3A_167, %eq3A_169 : vector<16xf32>
        %convert_element_type3A_171 = arith.extui %eq3A_170 : vector<16xi1> to vector<16xi32>
        %broadcast_in_dim3A_172 = arith.constant true
        %broadcast_in_dim3A_173 = vector.broadcast %broadcast_in_dim3A_172 : i1 to vector<16xi1>
        %masked_cumsum3A_174 = tpu.scan <sum>, %convert_element_type3A_171 masked %broadcast_in_dim3A_173 : vector<16xi32>, vector<16xi1> -> vector<16xi32>
        %sub3A_175 = arith.subi %min3A, %add3A_158 : i32
        %broadcast_in_dim3A_176 = vector.broadcast %sub3A_175 : i32 to vector<16xi32>
        %eq3A_177 = arith.cmpi eq, %masked_cumsum3A_174, %broadcast_in_dim3A_176 : vector<16xi32>
        %gt3A_178 = arith.constant 0 : i32
        %gt3A_179 = vector.broadcast %gt3A_178 : i32 to vector<16xi32>
        %gt3A_180 = arith.cmpi sgt, %convert_element_type3A_171, %gt3A_179 : vector<16xi32>
        %and3A_181 = arith.andi %eq3A_177, %gt3A_180 : vector<16xi1>
        %get3A_182 = arith.index_cast %mul3A_164 : i32 to index
        %get3A_183 = tpu.vector_load %arg13[%get3A_182] {strides = array<i32>} : memref<5120xi32, #tpu.memory_space<vmem>>, vector<16xi32>,
        %select_n3A_184 = arith.select %and3A_181, %get3A_183, %broadcast_in_dim3A_3 : vector<16xi1>, vector<16xi32>
        %reduce_max3A_185 = arith.constant true
        %reduce_max3A_186 = vector.broadcast %reduce_max3A_185 : i1 to vector<16xi1>
        %reduce_max3A_187 = arith.constant -2147483648 : i32
        %reduce_max3A_188 = vector.broadcast %reduce_max3A_187 : i32 to vector<16xi32>
        %reduce_max3A_189 = arith.xori %select_n3A_184, %reduce_max3A_188 : vector<16xi32>
        %reduce_max3A_190 = tpu.scan <max>, %reduce_max3A_189 masked %reduce_max3A_186 : vector<16xi32>, vector<16xi1> -> vector<16xi32>
        %reduce_max3A_191 = arith.xori %reduce_max3A_190, %reduce_max3A_188 : vector<16xi32>
        %reduce_max3A_192 = vector.extract %reduce_max3A_191[15] : i32 from vector<16xi32>
        %max3A_193 = arith.maxsi %max3A_153, %reduce_max3A_192 : i32
        %reduce_sum3A_194 = arith.constant true
        %reduce_sum3A_195 = vector.broadcast %reduce_sum3A_194 : i1 to vector<16xi1>
        %reduce_sum3A_196 = tpu.scan <sum>, %convert_element_type3A_171 masked %reduce_sum3A_195 : vector<16xi32>, vector<16xi1> -> vector<16xi32>
        %reduce_sum3A_197 = vector.extract %reduce_sum3A_196[15] : i32 from vector<16xi32>
        %add3A_198 = arith.addi %add3A_158, %reduce_sum3A_197 : i32
        %add3A_199 = arith.constant 1 : i32
        %add3A_200 = arith.addi %while3A_42, %add3A_199 : i32
        scf.yield %add3A_200, %add3A_198, %max3A_193 : i32, i32, i32
      }
      %gt3A_32 = arith.cmpi sgt, %while3A_31#1, %min3A : i32
      %jit3A_33 = arith.constant -2147483648 : i32
      %select_n3A_34 = arith.select %gt3A_32, %while3A_31#2, %jit3A_33 : i32
      %broadcast_in_dim3A_35 = vector.broadcast %select_n3A_34 : i32 to vector<16xi32>
      %scan3A_36 = arith.constant 0 : i32
      %scan3A_37 = arith.constant 0 : i32
      %scan3A_38 = arith.constant 80 : i32
      %scan3A_39 = arith.addi %scan3A_37, %scan3A_38 : i32
      %scan3A_40 = arith.constant 1 : i32
      scf.for %scan3A_42 = %scan3A_37 to %scan3A_39 step %scan3A_40  : i32 {
        %mul3A_43 = arith.constant 4 : i32
        %mul3A_44 = arith.muli %scan3A_42, %mul3A_43 : i32
        %add3A_45 = arith.constant 0 : i32
        %add3A_46 = arith.addi %mul3A_44, %add3A_45 : i32
        %mul3A_47 = arith.constant 16 : i32
        %mul3A_48 = arith.muli %add3A_46, %mul3A_47 : i32
        %get3A = arith.index_cast %mul3A_48 : i32 to index
        %get3A_49 = tpu.vector_load %arg10[%get3A] {strides = array<i32>} : memref<5120xf32, #tpu.memory_space<vmem>>, vector<16xf32>,
        %get3A_50 = arith.index_cast %mul3A_48 : i32 to index
        %get3A_51 = tpu.vector_load %arg11[%get3A_50] {strides = array<i32>} : memref<5120xi32, #tpu.memory_space<vmem>>, vector<16xi32>,
        %eq3A = arith.constant 0.000000e+00 : f32
        %eq3A_52 = vector.broadcast %eq3A : f32 to vector<16xf32>
        %eq3A_53 = arith.cmpf oeq, %get3A_49, %eq3A_52 : vector<16xf32>
        %lt3A_54 = arith.cmpi slt, %get3A_51, %broadcast_in_dim3A_35 : vector<16xi32>
        %and3A = arith.andi %eq3A_53, %lt3A_54 : vector<16xi1>
        %jit3A_55 = arith.constant -1.000000e+00 : f32
        %broadcast_in_dim3A_56 = vector.broadcast %jit3A_55 : f32 to vector<16xf32>
        %select_n3A_57 = arith.select %and3A, %broadcast_in_dim3A_56, %get3A_49 : vector<16xi1>, vector<16xf32>
        %swap3A = arith.index_cast %mul3A_48 : i32 to index
        %swap3A_58 = tpu.vector_load %arg10[%swap3A] {strides = array<i32>} : memref<5120xf32, #tpu.memory_space<vmem>>, vector<16xf32>,
        tpu.vector_store %arg10[%swap3A], %select_n3A_57 {strides = array<i32>} : memref<5120xf32, #tpu.memory_space<vmem>>, vector<16xf32>,
        %mul3A_59 = arith.constant 4 : i32
        %mul3A_60 = arith.muli %scan3A_42, %mul3A_59 : i32
        %add3A_61 = arith.constant 1 : i32
        %add3A_62 = arith.addi %mul3A_60, %add3A_61 : i32
        %mul3A_63 = arith.constant 16 : i32
        %mul3A_64 = arith.muli %add3A_62, %mul3A_63 : i32
        %get3A_65 = arith.index_cast %mul3A_64 : i32 to index
        %get3A_66 = tpu.vector_load %arg10[%get3A_65] {strides = array<i32>} : memref<5120xf32, #tpu.memory_space<vmem>>, vector<16xf32>,
        %get3A_67 = arith.index_cast %mul3A_64 : i32 to index
        %get3A_68 = tpu.vector_load %arg11[%get3A_67] {strides = array<i32>} : memref<5120xi32, #tpu.memory_space<vmem>>, vector<16xi32>,
        %eq3A_69 = arith.constant 0.000000e+00 : f32
        %eq3A_70 = vector.broadcast %eq3A_69 : f32 to vector<16xf32>
        %eq3A_71 = arith.cmpf oeq, %get3A_66, %eq3A_70 : vector<16xf32>
        %lt3A_72 = arith.cmpi slt, %get3A_68, %broadcast_in_dim3A_35 : vector<16xi32>
        %and3A_73 = arith.andi %eq3A_71, %lt3A_72 : vector<16xi1>
        %jit3A_74 = arith.constant -1.000000e+00 : f32
        %broadcast_in_dim3A_75 = vector.broadcast %jit3A_74 : f32 to vector<16xf32>
        %select_n3A_76 = arith.select %and3A_73, %broadcast_in_dim3A_75, %get3A_66 : vector<16xi1>, vector<16xf32>
        %swap3A_77 = arith.index_cast %mul3A_64 : i32 to index
        %swap3A_78 = tpu.vector_load %arg10[%swap3A_77] {strides = array<i32>} : memref<5120xf32, #tpu.memory_space<vmem>>, vector<16xf32>,
        tpu.vector_store %arg10[%swap3A_77], %select_n3A_76 {strides = array<i32>} : memref<5120xf32, #tpu.memory_space<vmem>>, vector<16xf32>,
        %mul3A_79 = arith.constant 4 : i32
        %mul3A_80 = arith.muli %scan3A_42, %mul3A_79 : i32
        %add3A_81 = arith.constant 2 : i32
        %add3A_82 = arith.addi %mul3A_80, %add3A_81 : i32
        %mul3A_83 = arith.constant 16 : i32
        %mul3A_84 = arith.muli %add3A_82, %mul3A_83 : i32
        %get3A_85 = arith.index_cast %mul3A_84 : i32 to index
        %get3A_86 = tpu.vector_load %arg10[%get3A_85] {strides = array<i32>} : memref<5120xf32, #tpu.memory_space<vmem>>, vector<16xf32>,
        %get3A_87 = arith.index_cast %mul3A_84 : i32 to index
        %get3A_88 = tpu.vector_load %arg11[%get3A_87] {strides = array<i32>} : memref<5120xi32, #tpu.memory_space<vmem>>, vector<16xi32>,
        %eq3A_89 = arith.constant 0.000000e+00 : f32
        %eq3A_90 = vector.broadcast %eq3A_89 : f32 to vector<16xf32>
        %eq3A_91 = arith.cmpf oeq, %get3A_86, %eq3A_90 : vector<16xf32>
        %lt3A_92 = arith.cmpi slt, %get3A_88, %broadcast_in_dim3A_35 : vector<16xi32>
        %and3A_93 = arith.andi %eq3A_91, %lt3A_92 : vector<16xi1>
        %jit3A_94 = arith.constant -1.000000e+00 : f32
        %broadcast_in_dim3A_95 = vector.broadcast %jit3A_94 : f32 to vector<16xf32>
        %select_n3A_96 = arith.select %and3A_93, %broadcast_in_dim3A_95, %get3A_86 : vector<16xi1>, vector<16xf32>
        %swap3A_97 = arith.index_cast %mul3A_84 : i32 to index
        %swap3A_98 = tpu.vector_load %arg10[%swap3A_97] {strides = array<i32>} : memref<5120xf32, #tpu.memory_space<vmem>>, vector<16xf32>,
        tpu.vector_store %arg10[%swap3A_97], %select_n3A_96 {strides = array<i32>} : memref<5120xf32, #tpu.memory_space<vmem>>, vector<16xf32>,
        %mul3A_99 = arith.constant 4 : i32
        %mul3A_100 = arith.muli %scan3A_42, %mul3A_99 : i32
        %add3A_101 = arith.constant 3 : i32
        %add3A_102 = arith.addi %mul3A_100, %add3A_101 : i32
        %mul3A_103 = arith.constant 16 : i32
        %mul3A_104 = arith.muli %add3A_102, %mul3A_103 : i32
        %get3A_105 = arith.index_cast %mul3A_104 : i32 to index
        %get3A_106 = tpu.vector_load %arg10[%get3A_105] {strides = array<i32>} : memref<5120xf32, #tpu.memory_space<vmem>>, vector<16xf32>,
        %get3A_107 = arith.index_cast %mul3A_104 : i32 to index
        %get3A_108 = tpu.vector_load %arg11[%get3A_107] {strides = array<i32>} : memref<5120xi32, #tpu.memory_space<vmem>>, vector<16xi32>,
        %eq3A_109 = arith.constant 0.000000e+00 : f32
        %eq3A_110 = vector.broadcast %eq3A_109 : f32 to vector<16xf32>
        %eq3A_111 = arith.cmpf oeq, %get3A_106, %eq3A_110 : vector<16xf32>
        %lt3A_112 = arith.cmpi slt, %get3A_108, %broadcast_in_dim3A_35 : vector<16xi32>
        %and3A_113 = arith.andi %eq3A_111, %lt3A_112 : vector<16xi1>
        %jit3A_114 = arith.constant -1.000000e+00 : f32
        %broadcast_in_dim3A_115 = vector.broadcast %jit3A_114 : f32 to vector<16xf32>
        %select_n3A_116 = arith.select %and3A_113, %broadcast_in_dim3A_115, %get3A_106 : vector<16xi1>, vector<16xf32>
        %swap3A_117 = arith.index_cast %mul3A_104 : i32 to index
        %swap3A_118 = tpu.vector_load %arg10[%swap3A_117] {strides = array<i32>} : memref<5120xf32, #tpu.memory_space<vmem>>, vector<16xf32>,
        tpu.vector_store %arg10[%swap3A_117], %select_n3A_116 {strides = array<i32>} : memref<5120xf32, #tpu.memory_space<vmem>>, vector<16xf32>,
      }
      %scan3A_41 = arith.constant 80 : i32
      "tpu.region"() ({
        %run_scoped3A = tpu.sem_alloc : memref<!tpu.dma_semaphore, #tpu.memory_space<semaphore_mem>>
        %dma_start3A = arith.constant 0 : i32
        %dma_start3A_42 = tpu.memref_slice %arg9[%add3A, %dma_start3A] : memref<4x5120xf32, #tpu.memory_space<hbm>> -> memref<1x5120xf32, #tpu.memory_space<hbm>>
        %dma_start3A_43 = tpu.memref_squeeze %dma_start3A_42 : memref<1x5120xf32, #tpu.memory_space<hbm>> -> memref<5120xf32, #tpu.memory_space<hbm>>
        %dma_start3A_44 = arith.constant 0 : i32
        %dma_start3A_45 = tpu.memref_slice %arg9[%add3A, %dma_start3A_44] : memref<4x5120xf32, #tpu.memory_space<hbm>> -> memref<1x5120xf32, #tpu.memory_space<hbm>>
        %dma_start3A_46 = tpu.memref_squeeze %dma_start3A_45 : memref<1x5120xf32, #tpu.memory_space<hbm>> -> memref<5120xf32, #tpu.memory_space<hbm>>
        tpu.enqueue_dma source(%arg10 : memref<5120xf32, #tpu.memory_space<vmem>>) target(%dma_start3A_46 : memref<5120xf32, #tpu.memory_space<hbm>>) target_semaphore(%run_scoped3A : memref<!tpu.dma_semaphore, #tpu.memory_space<semaphore_mem>>)
        %dma_wait3A = arith.constant 0 : i32
        %dma_wait3A_47 = tpu.memref_slice %arg9[%add3A, %dma_wait3A] : memref<4x5120xf32, #tpu.memory_space<hbm>> -> memref<1x5120xf32, #tpu.memory_space<hbm>>
        %dma_wait3A_48 = tpu.memref_squeeze %dma_wait3A_47 : memref<1x5120xf32, #tpu.memory_space<hbm>> -> memref<5120xf32, #tpu.memory_space<hbm>>
        %dma_wait3A_49 = arith.constant 0 : i32
        %dma_wait3A_50 = tpu.memref_slice %arg9[%add3A, %dma_wait3A_49] : memref<4x5120xf32, #tpu.memory_space<hbm>> -> memref<1x5120xf32, #tpu.memory_space<hbm>>
        %dma_wait3A_51 = tpu.memref_squeeze %dma_wait3A_50 : memref<1x5120xf32, #tpu.memory_space<hbm>> -> memref<5120xf32, #tpu.memory_space<hbm>>
        tpu.wait_dma2 semaphore(%run_scoped3A : memref<!tpu.dma_semaphore, #tpu.memory_space<semaphore_mem>>) src(%arg10 : memref<5120xf32, #tpu.memory_space<vmem>>) dst(%dma_wait3A_51 : memref<5120xf32, #tpu.memory_space<hbm>>)
        tpu.yield
      }) : () -> ()
    } else {
    }
    return
  }
}

module attributes {stable_mosaic.version = 14 : i64} {
  func.func @_body(%arg0: memref<4x8x5120xf32, #tpu.memory_space<vmem>>, %arg1: memref<4x8x128xf32, #tpu.memory_space<vmem>>, %arg2: memref<4x64x128xf32, #tpu.memory_space<vmem>>, %arg3: memref<4x64x128xf32, #tpu.memory_space<vmem>>, %arg4: memref<4x5120xf32, #tpu.memory_space<vmem>>, %arg5: memref<4x5120xf32, #tpu.memory_space<vmem>>, %arg6: memref<8x128xf32, #tpu.memory_space<vmem>>, %arg7: memref<256x5120xf32, #tpu.memory_space<vmem>>) attributes {dimension_semantics = [], scalar_prefetch = 0 : i64, scratch_operands = 1 : i64, tpu.core_type = #tpu.core_type<tc>} {
    %get3A = arith.constant 0 : index
    %get3A_0 = arith.constant 0 : index
    %get3A_1 = arith.constant 0 : index
    %get3A_2 = vector.load %arg2[%get3A, %get3A_0, %get3A_1] : memref<4x64x128xf32, #tpu.memory_space<vmem>>, vector<1x64x128xf32>
    %get3A_3 = vector.shape_cast %get3A_2 : vector<1x64x128xf32> to vector<64x128xf32>
    %get3A_4 = arith.constant 0 : index
    %get3A_5 = arith.constant 0 : index
    %get3A_6 = arith.constant 0 : index
    %get3A_7 = vector.load %arg3[%get3A_4, %get3A_5, %get3A_6] : memref<4x64x128xf32, #tpu.memory_space<vmem>>, vector<1x64x128xf32>
    %get3A_8 = vector.shape_cast %get3A_7 : vector<1x64x128xf32> to vector<64x128xf32>
    %get3A_9 = arith.constant 0 : index
    %get3A_10 = arith.constant 0 : index
    %get3A_11 = arith.constant 0 : index
    %get3A_12 = vector.load %arg1[%get3A_9, %get3A_10, %get3A_11] : memref<4x8x128xf32, #tpu.memory_space<vmem>>, vector<1x8x128xf32>
    %get3A_13 = vector.shape_cast %get3A_12 : vector<1x8x128xf32> to vector<8x128xf32>
    %slice3A = vector.extract_strided_slice %get3A_13 {offsets = [0, 0], sizes = [1, 128], strides = [1, 1]} : vector<8x128xf32> to vector<1x128xf32>
    %mul3A = vector.broadcast %slice3A : vector<1x128xf32> to vector<64x128xf32>
    %mul3A_14 = arith.mulf %get3A_3, %mul3A : vector<64x128xf32>
    %reduce_sum3A = arith.constant dense<0.000000e+00> : vector<64xf32>
    %reduce_sum3A_15 = vector.multi_reduction <add>, %mul3A_14, %reduce_sum3A [1] : vector<64x128xf32> to vector<64xf32>
    %broadcast_in_dim3A = vector.shape_cast %reduce_sum3A_15 : vector<64xf32> to vector<64x1xf32>
    %slice3A_16 = vector.extract_strided_slice %get3A_13 {offsets = [1, 0], sizes = [1, 128], strides = [1, 1]} : vector<8x128xf32> to vector<1x128xf32>
    %mul3A_17 = vector.broadcast %slice3A_16 : vector<1x128xf32> to vector<64x128xf32>
    %mul3A_18 = arith.mulf %get3A_3, %mul3A_17 : vector<64x128xf32>
    %reduce_sum3A_19 = arith.constant dense<0.000000e+00> : vector<64xf32>
    %reduce_sum3A_20 = vector.multi_reduction <add>, %mul3A_18, %reduce_sum3A_19 [1] : vector<64x128xf32> to vector<64xf32>
    %broadcast_in_dim3A_21 = vector.shape_cast %reduce_sum3A_20 : vector<64xf32> to vector<64x1xf32>
    %slice3A_22 = vector.extract_strided_slice %get3A_13 {offsets = [2, 0], sizes = [1, 128], strides = [1, 1]} : vector<8x128xf32> to vector<1x128xf32>
    %mul3A_23 = vector.broadcast %slice3A_22 : vector<1x128xf32> to vector<64x128xf32>
    %mul3A_24 = arith.mulf %get3A_3, %mul3A_23 : vector<64x128xf32>
    %reduce_sum3A_25 = arith.constant dense<0.000000e+00> : vector<64xf32>
    %reduce_sum3A_26 = vector.multi_reduction <add>, %mul3A_24, %reduce_sum3A_25 [1] : vector<64x128xf32> to vector<64xf32>
    %broadcast_in_dim3A_27 = vector.shape_cast %reduce_sum3A_26 : vector<64xf32> to vector<64x1xf32>
    %slice3A_28 = vector.extract_strided_slice %get3A_13 {offsets = [3, 0], sizes = [1, 128], strides = [1, 1]} : vector<8x128xf32> to vector<1x128xf32>
    %mul3A_29 = vector.broadcast %slice3A_28 : vector<1x128xf32> to vector<64x128xf32>
    %mul3A_30 = arith.mulf %get3A_3, %mul3A_29 : vector<64x128xf32>
    %reduce_sum3A_31 = arith.constant dense<0.000000e+00> : vector<64xf32>
    %reduce_sum3A_32 = vector.multi_reduction <add>, %mul3A_30, %reduce_sum3A_31 [1] : vector<64x128xf32> to vector<64xf32>
    %broadcast_in_dim3A_33 = vector.shape_cast %reduce_sum3A_32 : vector<64xf32> to vector<64x1xf32>
    %slice3A_34 = vector.extract_strided_slice %get3A_13 {offsets = [0, 0], sizes = [1, 128], strides = [1, 1]} : vector<8x128xf32> to vector<1x128xf32>
    %mul3A_35 = vector.broadcast %slice3A_34 : vector<1x128xf32> to vector<64x128xf32>
    %mul3A_36 = arith.mulf %get3A_8, %mul3A_35 : vector<64x128xf32>
    %reduce_sum3A_37 = arith.constant dense<0.000000e+00> : vector<64xf32>
    %reduce_sum3A_38 = vector.multi_reduction <add>, %mul3A_36, %reduce_sum3A_37 [1] : vector<64x128xf32> to vector<64xf32>
    %broadcast_in_dim3A_39 = vector.shape_cast %reduce_sum3A_38 : vector<64xf32> to vector<64x1xf32>
    %slice3A_40 = vector.extract_strided_slice %get3A_13 {offsets = [1, 0], sizes = [1, 128], strides = [1, 1]} : vector<8x128xf32> to vector<1x128xf32>
    %mul3A_41 = vector.broadcast %slice3A_40 : vector<1x128xf32> to vector<64x128xf32>
    %mul3A_42 = arith.mulf %get3A_8, %mul3A_41 : vector<64x128xf32>
    %reduce_sum3A_43 = arith.constant dense<0.000000e+00> : vector<64xf32>
    %reduce_sum3A_44 = vector.multi_reduction <add>, %mul3A_42, %reduce_sum3A_43 [1] : vector<64x128xf32> to vector<64xf32>
    %broadcast_in_dim3A_45 = vector.shape_cast %reduce_sum3A_44 : vector<64xf32> to vector<64x1xf32>
    %slice3A_46 = vector.extract_strided_slice %get3A_13 {offsets = [2, 0], sizes = [1, 128], strides = [1, 1]} : vector<8x128xf32> to vector<1x128xf32>
    %mul3A_47 = vector.broadcast %slice3A_46 : vector<1x128xf32> to vector<64x128xf32>
    %mul3A_48 = arith.mulf %get3A_8, %mul3A_47 : vector<64x128xf32>
    %reduce_sum3A_49 = arith.constant dense<0.000000e+00> : vector<64xf32>
    %reduce_sum3A_50 = vector.multi_reduction <add>, %mul3A_48, %reduce_sum3A_49 [1] : vector<64x128xf32> to vector<64xf32>
    %broadcast_in_dim3A_51 = vector.shape_cast %reduce_sum3A_50 : vector<64xf32> to vector<64x1xf32>
    %slice3A_52 = vector.extract_strided_slice %get3A_13 {offsets = [3, 0], sizes = [1, 128], strides = [1, 1]} : vector<8x128xf32> to vector<1x128xf32>
    %mul3A_53 = vector.broadcast %slice3A_52 : vector<1x128xf32> to vector<64x128xf32>
    %mul3A_54 = arith.mulf %get3A_8, %mul3A_53 : vector<64x128xf32>
    %reduce_sum3A_55 = arith.constant dense<0.000000e+00> : vector<64xf32>
    %reduce_sum3A_56 = vector.multi_reduction <add>, %mul3A_54, %reduce_sum3A_55 [1] : vector<64x128xf32> to vector<64xf32>
    %broadcast_in_dim3A_57 = vector.shape_cast %reduce_sum3A_56 : vector<64xf32> to vector<64x1xf32>
    %reduce_sum3A_58 = arith.constant dense<0.000000e+00> : vector<64xf32>
    %reduce_sum3A_59 = vector.multi_reduction <add>, %get3A_3, %reduce_sum3A_58 [1] : vector<64x128xf32> to vector<64xf32>
    %broadcast_in_dim3A_60 = vector.shape_cast %reduce_sum3A_59 : vector<64xf32> to vector<64x1xf32>
    %gt3A = arith.constant 0.000000e+00 : f32
    %gt3A_61 = vector.broadcast %gt3A : f32 to vector<64x1xf32>
    %gt3A_62 = arith.cmpf ogt, %broadcast_in_dim3A_60, %gt3A_61 : vector<64x1xf32>
    %sub3A = arith.subf %broadcast_in_dim3A_27, %broadcast_in_dim3A : vector<64x1xf32>
    %add3A = arith.constant 1.000000e+00 : f32
    %add3A_63 = vector.broadcast %add3A : f32 to vector<64x1xf32>
    %add3A_64 = arith.addf %sub3A, %add3A_63 : vector<64x1xf32>
    %sub3A_65 = arith.subf %broadcast_in_dim3A_33, %broadcast_in_dim3A_21 : vector<64x1xf32>
    %add3A_66 = arith.constant 1.000000e+00 : f32
    %add3A_67 = vector.broadcast %add3A_66 : f32 to vector<64x1xf32>
    %add3A_68 = arith.addf %sub3A_65, %add3A_67 : vector<64x1xf32>
    %mul3A_69 = arith.mulf %add3A_64, %add3A_68 : vector<64x1xf32>
    %sub3A_70 = arith.subf %broadcast_in_dim3A_51, %broadcast_in_dim3A_39 : vector<64x1xf32>
    %add3A_71 = arith.constant 1.000000e+00 : f32
    %add3A_72 = vector.broadcast %add3A_71 : f32 to vector<64x1xf32>
    %add3A_73 = arith.addf %sub3A_70, %add3A_72 : vector<64x1xf32>
    %sub3A_74 = arith.subf %broadcast_in_dim3A_57, %broadcast_in_dim3A_45 : vector<64x1xf32>
    %add3A_75 = arith.constant 1.000000e+00 : f32
    %add3A_76 = vector.broadcast %add3A_75 : f32 to vector<64x1xf32>
    %add3A_77 = arith.addf %sub3A_74, %add3A_76 : vector<64x1xf32>
    %mul3A_78 = arith.mulf %add3A_73, %add3A_77 : vector<64x1xf32>
    %get3A_79 = arith.constant 0 : index
    %get3A_80 = arith.constant 0 : index
    %get3A_81 = arith.constant 0 : index
    %get3A_82 = vector.load %arg0[%get3A_79, %get3A_80, %get3A_81] : memref<4x8x5120xf32, #tpu.memory_space<vmem>>, vector<1x8x512xf32>
    %get3A_83 = vector.shape_cast %get3A_82 : vector<1x8x512xf32> to vector<8x512xf32>
    %slice3A_84 = vector.extract_strided_slice %get3A_83 {offsets = [0, 0], sizes = [1, 512], strides = [1, 1]} : vector<8x512xf32> to vector<1x512xf32>
    %slice3A_85 = vector.extract_strided_slice %get3A_83 {offsets = [1, 0], sizes = [1, 512], strides = [1, 1]} : vector<8x512xf32> to vector<1x512xf32>
    %slice3A_86 = vector.extract_strided_slice %get3A_83 {offsets = [2, 0], sizes = [1, 512], strides = [1, 1]} : vector<8x512xf32> to vector<1x512xf32>
    %slice3A_87 = vector.extract_strided_slice %get3A_83 {offsets = [3, 0], sizes = [1, 512], strides = [1, 1]} : vector<8x512xf32> to vector<1x512xf32>
    %slice3A_88 = vector.extract_strided_slice %get3A_83 {offsets = [4, 0], sizes = [1, 512], strides = [1, 1]} : vector<8x512xf32> to vector<1x512xf32>
    %slice3A_89 = vector.extract_strided_slice %get3A_83 {offsets = [5, 0], sizes = [1, 512], strides = [1, 1]} : vector<8x512xf32> to vector<1x512xf32>
    %slice3A_90 = vector.extract_strided_slice %get3A_83 {offsets = [6, 0], sizes = [1, 512], strides = [1, 1]} : vector<8x512xf32> to vector<1x512xf32>
    %slice3A_91 = vector.extract_strided_slice %get3A_83 {offsets = [7, 0], sizes = [1, 512], strides = [1, 1]} : vector<8x512xf32> to vector<1x512xf32>
    %sub3A_92 = arith.subf %slice3A_86, %slice3A_84 : vector<1x512xf32>
    %add3A_93 = arith.constant 1.000000e+00 : f32
    %add3A_94 = vector.broadcast %add3A_93 : f32 to vector<1x512xf32>
    %add3A_95 = arith.addf %sub3A_92, %add3A_94 : vector<1x512xf32>
    %sub3A_96 = arith.subf %slice3A_87, %slice3A_85 : vector<1x512xf32>
    %add3A_97 = arith.constant 1.000000e+00 : f32
    %add3A_98 = vector.broadcast %add3A_97 : f32 to vector<1x512xf32>
    %add3A_99 = arith.addf %sub3A_96, %add3A_98 : vector<1x512xf32>
    %mul3A_100 = arith.mulf %add3A_95, %add3A_99 : vector<1x512xf32>
    %sub3A_101 = arith.subf %slice3A_90, %slice3A_88 : vector<1x512xf32>
    %add3A_102 = arith.constant 1.000000e+00 : f32
    %add3A_103 = vector.broadcast %add3A_102 : f32 to vector<1x512xf32>
    %add3A_104 = arith.addf %sub3A_101, %add3A_103 : vector<1x512xf32>
    %sub3A_105 = arith.subf %slice3A_91, %slice3A_89 : vector<1x512xf32>
    %add3A_106 = arith.constant 1.000000e+00 : f32
    %add3A_107 = vector.broadcast %add3A_106 : f32 to vector<1x512xf32>
    %add3A_108 = arith.addf %sub3A_105, %add3A_107 : vector<1x512xf32>
    %mul3A_109 = arith.mulf %add3A_104, %add3A_108 : vector<1x512xf32>
    %min3A = vector.broadcast %slice3A_86 : vector<1x512xf32> to vector<64x512xf32>
    %min3A_110 = vector.broadcast %broadcast_in_dim3A_27 : vector<64x1xf32> to vector<64x512xf32>
    %min3A_111 = arith.minimumf %min3A, %min3A_110 : vector<64x512xf32>
    %max3A = vector.broadcast %slice3A_84 : vector<1x512xf32> to vector<64x512xf32>
    %max3A_112 = vector.broadcast %broadcast_in_dim3A : vector<64x1xf32> to vector<64x512xf32>
    %max3A_113 = arith.maximumf %max3A, %max3A_112 : vector<64x512xf32>
    %sub3A_114 = arith.subf %min3A_111, %max3A_113 : vector<64x512xf32>
    %add3A_115 = arith.constant 1.000000e+00 : f32
    %add3A_116 = vector.broadcast %add3A_115 : f32 to vector<64x512xf32>
    %add3A_117 = arith.addf %sub3A_114, %add3A_116 : vector<64x512xf32>
    %min3A_118 = vector.broadcast %slice3A_87 : vector<1x512xf32> to vector<64x512xf32>
    %min3A_119 = vector.broadcast %broadcast_in_dim3A_33 : vector<64x1xf32> to vector<64x512xf32>
    %min3A_120 = arith.minimumf %min3A_118, %min3A_119 : vector<64x512xf32>
    %max3A_121 = vector.broadcast %slice3A_85 : vector<1x512xf32> to vector<64x512xf32>
    %max3A_122 = vector.broadcast %broadcast_in_dim3A_21 : vector<64x1xf32> to vector<64x512xf32>
    %max3A_123 = arith.maximumf %max3A_121, %max3A_122 : vector<64x512xf32>
    %sub3A_124 = arith.subf %min3A_120, %max3A_123 : vector<64x512xf32>
    %add3A_125 = arith.constant 1.000000e+00 : f32
    %add3A_126 = vector.broadcast %add3A_125 : f32 to vector<64x512xf32>
    %add3A_127 = arith.addf %sub3A_124, %add3A_126 : vector<64x512xf32>
    %jit3A = arith.constant 0.000000e+00 : f32
    %max3A_128 = vector.broadcast %jit3A : f32 to vector<64x512xf32>
    %max3A_129 = arith.maximumf %max3A_128, %add3A_117 : vector<64x512xf32>
    %jit3A_130 = arith.constant 0.000000e+00 : f32
    %max3A_131 = vector.broadcast %jit3A_130 : f32 to vector<64x512xf32>
    %max3A_132 = arith.maximumf %max3A_131, %add3A_127 : vector<64x512xf32>
    %mul3A_133 = arith.mulf %max3A_129, %max3A_132 : vector<64x512xf32>
    %add3A_134 = vector.broadcast %mul3A_100 : vector<1x512xf32> to vector<64x512xf32>
    %add3A_135 = vector.broadcast %mul3A_69 : vector<64x1xf32> to vector<64x512xf32>
    %add3A_136 = arith.addf %add3A_134, %add3A_135 : vector<64x512xf32>
    %sub3A_137 = arith.subf %add3A_136, %mul3A_133 : vector<64x512xf32>
    %div3A = arith.divf %mul3A_133, %sub3A_137 : vector<64x512xf32>
    %min3A_138 = vector.broadcast %slice3A_90 : vector<1x512xf32> to vector<64x512xf32>
    %min3A_139 = vector.broadcast %broadcast_in_dim3A_51 : vector<64x1xf32> to vector<64x512xf32>
    %min3A_140 = arith.minimumf %min3A_138, %min3A_139 : vector<64x512xf32>
    %max3A_141 = vector.broadcast %slice3A_88 : vector<1x512xf32> to vector<64x512xf32>
    %max3A_142 = vector.broadcast %broadcast_in_dim3A_39 : vector<64x1xf32> to vector<64x512xf32>
    %max3A_143 = arith.maximumf %max3A_141, %max3A_142 : vector<64x512xf32>
    %sub3A_144 = arith.subf %min3A_140, %max3A_143 : vector<64x512xf32>
    %add3A_145 = arith.constant 1.000000e+00 : f32
    %add3A_146 = vector.broadcast %add3A_145 : f32 to vector<64x512xf32>
    %add3A_147 = arith.addf %sub3A_144, %add3A_146 : vector<64x512xf32>
    %min3A_148 = vector.broadcast %slice3A_91 : vector<1x512xf32> to vector<64x512xf32>
    %min3A_149 = vector.broadcast %broadcast_in_dim3A_57 : vector<64x1xf32> to vector<64x512xf32>
    %min3A_150 = arith.minimumf %min3A_148, %min3A_149 : vector<64x512xf32>
    %max3A_151 = vector.broadcast %slice3A_89 : vector<1x512xf32> to vector<64x512xf32>
    %max3A_152 = vector.broadcast %broadcast_in_dim3A_45 : vector<64x1xf32> to vector<64x512xf32>
    %max3A_153 = arith.maximumf %max3A_151, %max3A_152 : vector<64x512xf32>
    %sub3A_154 = arith.subf %min3A_150, %max3A_153 : vector<64x512xf32>
    %add3A_155 = arith.constant 1.000000e+00 : f32
    %add3A_156 = vector.broadcast %add3A_155 : f32 to vector<64x512xf32>
    %add3A_157 = arith.addf %sub3A_154, %add3A_156 : vector<64x512xf32>
    %jit3A_158 = arith.constant 0.000000e+00 : f32
    %max3A_159 = vector.broadcast %jit3A_158 : f32 to vector<64x512xf32>
    %max3A_160 = arith.maximumf %max3A_159, %add3A_147 : vector<64x512xf32>
    %jit3A_161 = arith.constant 0.000000e+00 : f32
    %max3A_162 = vector.broadcast %jit3A_161 : f32 to vector<64x512xf32>
    %max3A_163 = arith.maximumf %max3A_162, %add3A_157 : vector<64x512xf32>
    %mul3A_164 = arith.mulf %max3A_160, %max3A_163 : vector<64x512xf32>
    %add3A_165 = vector.broadcast %mul3A_109 : vector<1x512xf32> to vector<64x512xf32>
    %add3A_166 = vector.broadcast %mul3A_78 : vector<64x1xf32> to vector<64x512xf32>
    %add3A_167 = arith.addf %add3A_165, %add3A_166 : vector<64x512xf32>
    %sub3A_168 = arith.subf %add3A_167, %mul3A_164 : vector<64x512xf32>
    %div3A_169 = arith.divf %mul3A_164, %sub3A_168 : vector<64x512xf32>
    %mul3A_170 = arith.mulf %div3A, %div3A_169 : vector<64x512xf32>
    %jit3A_171 = arith.constant 0.000000e+00 : f32
    %broadcast_in_dim3A_172 = vector.shape_cast %gt3A_62 : vector<64x1xi1> to vector<64x1xi1>
    %broadcast_in_dim3A_173 = vector.broadcast %broadcast_in_dim3A_172 : vector<64x1xi1> to vector<64x512xi1>
    %broadcast_in_dim3A_174 = vector.broadcast %jit3A_171 : f32 to vector<64x512xf32>
    %select_n3A = arith.select %broadcast_in_dim3A_173, %mul3A_170, %broadcast_in_dim3A_174 : vector<64x512xi1>, vector<64x512xf32>
    %swap3A = arith.constant 0 : index
    %swap3A_175 = arith.constant 0 : index
    %swap3A_176 = vector.load %arg7[%swap3A, %swap3A_175] : memref<256x5120xf32, #tpu.memory_space<vmem>>, vector<64x512xf32>
    tpu.vector_store %arg7[%swap3A, %swap3A_175], %select_n3A {strides = array<i32>} : memref<256x5120xf32, #tpu.memory_space<vmem>>, vector<64x512xf32>,
    %get3A_177 = arith.constant 0 : index
    %get3A_178 = arith.constant 0 : index
    %get3A_179 = arith.constant 512 : index
    %get3A_180 = vector.load %arg0[%get3A_177, %get3A_178, %get3A_179] : memref<4x8x5120xf32, #tpu.memory_space<vmem>>, vector<1x8x512xf32>
    %get3A_181 = vector.shape_cast %get3A_180 : vector<1x8x512xf32> to vector<8x512xf32>
    %slice3A_182 = vector.extract_strided_slice %get3A_181 {offsets = [0, 0], sizes = [1, 512], strides = [1, 1]} : vector<8x512xf32> to vector<1x512xf32>
    %slice3A_183 = vector.extract_strided_slice %get3A_181 {offsets = [1, 0], sizes = [1, 512], strides = [1, 1]} : vector<8x512xf32> to vector<1x512xf32>
    %slice3A_184 = vector.extract_strided_slice %get3A_181 {offsets = [2, 0], sizes = [1, 512], strides = [1, 1]} : vector<8x512xf32> to vector<1x512xf32>
    %slice3A_185 = vector.extract_strided_slice %get3A_181 {offsets = [3, 0], sizes = [1, 512], strides = [1, 1]} : vector<8x512xf32> to vector<1x512xf32>
    %slice3A_186 = vector.extract_strided_slice %get3A_181 {offsets = [4, 0], sizes = [1, 512], strides = [1, 1]} : vector<8x512xf32> to vector<1x512xf32>
    %slice3A_187 = vector.extract_strided_slice %get3A_181 {offsets = [5, 0], sizes = [1, 512], strides = [1, 1]} : vector<8x512xf32> to vector<1x512xf32>
    %slice3A_188 = vector.extract_strided_slice %get3A_181 {offsets = [6, 0], sizes = [1, 512], strides = [1, 1]} : vector<8x512xf32> to vector<1x512xf32>
    %slice3A_189 = vector.extract_strided_slice %get3A_181 {offsets = [7, 0], sizes = [1, 512], strides = [1, 1]} : vector<8x512xf32> to vector<1x512xf32>
    %sub3A_190 = arith.subf %slice3A_184, %slice3A_182 : vector<1x512xf32>
    %add3A_191 = arith.constant 1.000000e+00 : f32
    %add3A_192 = vector.broadcast %add3A_191 : f32 to vector<1x512xf32>
    %add3A_193 = arith.addf %sub3A_190, %add3A_192 : vector<1x512xf32>
    %sub3A_194 = arith.subf %slice3A_185, %slice3A_183 : vector<1x512xf32>
    %add3A_195 = arith.constant 1.000000e+00 : f32
    %add3A_196 = vector.broadcast %add3A_195 : f32 to vector<1x512xf32>
    %add3A_197 = arith.addf %sub3A_194, %add3A_196 : vector<1x512xf32>
    %mul3A_198 = arith.mulf %add3A_193, %add3A_197 : vector<1x512xf32>
    %sub3A_199 = arith.subf %slice3A_188, %slice3A_186 : vector<1x512xf32>
    %add3A_200 = arith.constant 1.000000e+00 : f32
    %add3A_201 = vector.broadcast %add3A_200 : f32 to vector<1x512xf32>
    %add3A_202 = arith.addf %sub3A_199, %add3A_201 : vector<1x512xf32>
    %sub3A_203 = arith.subf %slice3A_189, %slice3A_187 : vector<1x512xf32>
    %add3A_204 = arith.constant 1.000000e+00 : f32
    %add3A_205 = vector.broadcast %add3A_204 : f32 to vector<1x512xf32>
    %add3A_206 = arith.addf %sub3A_203, %add3A_205 : vector<1x512xf32>
    %mul3A_207 = arith.mulf %add3A_202, %add3A_206 : vector<1x512xf32>
    %min3A_208 = vector.broadcast %slice3A_184 : vector<1x512xf32> to vector<64x512xf32>
    %min3A_209 = vector.broadcast %broadcast_in_dim3A_27 : vector<64x1xf32> to vector<64x512xf32>
    %min3A_210 = arith.minimumf %min3A_208, %min3A_209 : vector<64x512xf32>
    %max3A_211 = vector.broadcast %slice3A_182 : vector<1x512xf32> to vector<64x512xf32>
    %max3A_212 = vector.broadcast %broadcast_in_dim3A : vector<64x1xf32> to vector<64x512xf32>
    %max3A_213 = arith.maximumf %max3A_211, %max3A_212 : vector<64x512xf32>
    %sub3A_214 = arith.subf %min3A_210, %max3A_213 : vector<64x512xf32>
    %add3A_215 = arith.constant 1.000000e+00 : f32
    %add3A_216 = vector.broadcast %add3A_215 : f32 to vector<64x512xf32>
    %add3A_217 = arith.addf %sub3A_214, %add3A_216 : vector<64x512xf32>
    %min3A_218 = vector.broadcast %slice3A_185 : vector<1x512xf32> to vector<64x512xf32>
    %min3A_219 = vector.broadcast %broadcast_in_dim3A_33 : vector<64x1xf32> to vector<64x512xf32>
    %min3A_220 = arith.minimumf %min3A_218, %min3A_219 : vector<64x512xf32>
    %max3A_221 = vector.broadcast %slice3A_183 : vector<1x512xf32> to vector<64x512xf32>
    %max3A_222 = vector.broadcast %broadcast_in_dim3A_21 : vector<64x1xf32> to vector<64x512xf32>
    %max3A_223 = arith.maximumf %max3A_221, %max3A_222 : vector<64x512xf32>
    %sub3A_224 = arith.subf %min3A_220, %max3A_223 : vector<64x512xf32>
    %add3A_225 = arith.constant 1.000000e+00 : f32
    %add3A_226 = vector.broadcast %add3A_225 : f32 to vector<64x512xf32>
    %add3A_227 = arith.addf %sub3A_224, %add3A_226 : vector<64x512xf32>
    %jit3A_228 = arith.constant 0.000000e+00 : f32
    %max3A_229 = vector.broadcast %jit3A_228 : f32 to vector<64x512xf32>
    %max3A_230 = arith.maximumf %max3A_229, %add3A_217 : vector<64x512xf32>
    %jit3A_231 = arith.constant 0.000000e+00 : f32
    %max3A_232 = vector.broadcast %jit3A_231 : f32 to vector<64x512xf32>
    %max3A_233 = arith.maximumf %max3A_232, %add3A_227 : vector<64x512xf32>
    %mul3A_234 = arith.mulf %max3A_230, %max3A_233 : vector<64x512xf32>
    %add3A_235 = vector.broadcast %mul3A_198 : vector<1x512xf32> to vector<64x512xf32>
    %add3A_236 = vector.broadcast %mul3A_69 : vector<64x1xf32> to vector<64x512xf32>
    %add3A_237 = arith.addf %add3A_235, %add3A_236 : vector<64x512xf32>
    %sub3A_238 = arith.subf %add3A_237, %mul3A_234 : vector<64x512xf32>
    %div3A_239 = arith.divf %mul3A_234, %sub3A_238 : vector<64x512xf32>
    %min3A_240 = vector.broadcast %slice3A_188 : vector<1x512xf32> to vector<64x512xf32>
    %min3A_241 = vector.broadcast %broadcast_in_dim3A_51 : vector<64x1xf32> to vector<64x512xf32>
    %min3A_242 = arith.minimumf %min3A_240, %min3A_241 : vector<64x512xf32>
    %max3A_243 = vector.broadcast %slice3A_186 : vector<1x512xf32> to vector<64x512xf32>
    %max3A_244 = vector.broadcast %broadcast_in_dim3A_39 : vector<64x1xf32> to vector<64x512xf32>
    %max3A_245 = arith.maximumf %max3A_243, %max3A_244 : vector<64x512xf32>
    %sub3A_246 = arith.subf %min3A_242, %max3A_245 : vector<64x512xf32>
    %add3A_247 = arith.constant 1.000000e+00 : f32
    %add3A_248 = vector.broadcast %add3A_247 : f32 to vector<64x512xf32>
    %add3A_249 = arith.addf %sub3A_246, %add3A_248 : vector<64x512xf32>
    %min3A_250 = vector.broadcast %slice3A_189 : vector<1x512xf32> to vector<64x512xf32>
    %min3A_251 = vector.broadcast %broadcast_in_dim3A_57 : vector<64x1xf32> to vector<64x512xf32>
    %min3A_252 = arith.minimumf %min3A_250, %min3A_251 : vector<64x512xf32>
    %max3A_253 = vector.broadcast %slice3A_187 : vector<1x512xf32> to vector<64x512xf32>
    %max3A_254 = vector.broadcast %broadcast_in_dim3A_45 : vector<64x1xf32> to vector<64x512xf32>
    %max3A_255 = arith.maximumf %max3A_253, %max3A_254 : vector<64x512xf32>
    %sub3A_256 = arith.subf %min3A_252, %max3A_255 : vector<64x512xf32>
    %add3A_257 = arith.constant 1.000000e+00 : f32
    %add3A_258 = vector.broadcast %add3A_257 : f32 to vector<64x512xf32>
    %add3A_259 = arith.addf %sub3A_256, %add3A_258 : vector<64x512xf32>
    %jit3A_260 = arith.constant 0.000000e+00 : f32
    %max3A_261 = vector.broadcast %jit3A_260 : f32 to vector<64x512xf32>
    %max3A_262 = arith.maximumf %max3A_261, %add3A_249 : vector<64x512xf32>
    %jit3A_263 = arith.constant 0.000000e+00 : f32
    %max3A_264 = vector.broadcast %jit3A_263 : f32 to vector<64x512xf32>
    %max3A_265 = arith.maximumf %max3A_264, %add3A_259 : vector<64x512xf32>
    %mul3A_266 = arith.mulf %max3A_262, %max3A_265 : vector<64x512xf32>
    %add3A_267 = vector.broadcast %mul3A_207 : vector<1x512xf32> to vector<64x512xf32>
    %add3A_268 = vector.broadcast %mul3A_78 : vector<64x1xf32> to vector<64x512xf32>
    %add3A_269 = arith.addf %add3A_267, %add3A_268 : vector<64x512xf32>
    %sub3A_270 = arith.subf %add3A_269, %mul3A_266 : vector<64x512xf32>
    %div3A_271 = arith.divf %mul3A_266, %sub3A_270 : vector<64x512xf32>
    %mul3A_272 = arith.mulf %div3A_239, %div3A_271 : vector<64x512xf32>
    %jit3A_273 = arith.constant 0.000000e+00 : f32
    %broadcast_in_dim3A_274 = vector.shape_cast %gt3A_62 : vector<64x1xi1> to vector<64x1xi1>
    %broadcast_in_dim3A_275 = vector.broadcast %broadcast_in_dim3A_274 : vector<64x1xi1> to vector<64x512xi1>
    %broadcast_in_dim3A_276 = vector.broadcast %jit3A_273 : f32 to vector<64x512xf32>
    %select_n3A_277 = arith.select %broadcast_in_dim3A_275, %mul3A_272, %broadcast_in_dim3A_276 : vector<64x512xi1>, vector<64x512xf32>
    %swap3A_278 = arith.constant 0 : index
    %swap3A_279 = arith.constant 512 : index
    %swap3A_280 = vector.load %arg7[%swap3A_278, %swap3A_279] : memref<256x5120xf32, #tpu.memory_space<vmem>>, vector<64x512xf32>
    tpu.vector_store %arg7[%swap3A_278, %swap3A_279], %select_n3A_277 {strides = array<i32>} : memref<256x5120xf32, #tpu.memory_space<vmem>>, vector<64x512xf32>,
    %get3A_281 = arith.constant 0 : index
    %get3A_282 = arith.constant 0 : index
    %get3A_283 = arith.constant 1024 : index
    %get3A_284 = vector.load %arg0[%get3A_281, %get3A_282, %get3A_283] : memref<4x8x5120xf32, #tpu.memory_space<vmem>>, vector<1x8x512xf32>
    %get3A_285 = vector.shape_cast %get3A_284 : vector<1x8x512xf32> to vector<8x512xf32>
    %slice3A_286 = vector.extract_strided_slice %get3A_285 {offsets = [0, 0], sizes = [1, 512], strides = [1, 1]} : vector<8x512xf32> to vector<1x512xf32>
    %slice3A_287 = vector.extract_strided_slice %get3A_285 {offsets = [1, 0], sizes = [1, 512], strides = [1, 1]} : vector<8x512xf32> to vector<1x512xf32>
    %slice3A_288 = vector.extract_strided_slice %get3A_285 {offsets = [2, 0], sizes = [1, 512], strides = [1, 1]} : vector<8x512xf32> to vector<1x512xf32>
    %slice3A_289 = vector.extract_strided_slice %get3A_285 {offsets = [3, 0], sizes = [1, 512], strides = [1, 1]} : vector<8x512xf32> to vector<1x512xf32>
    %slice3A_290 = vector.extract_strided_slice %get3A_285 {offsets = [4, 0], sizes = [1, 512], strides = [1, 1]} : vector<8x512xf32> to vector<1x512xf32>
    %slice3A_291 = vector.extract_strided_slice %get3A_285 {offsets = [5, 0], sizes = [1, 512], strides = [1, 1]} : vector<8x512xf32> to vector<1x512xf32>
    %slice3A_292 = vector.extract_strided_slice %get3A_285 {offsets = [6, 0], sizes = [1, 512], strides = [1, 1]} : vector<8x512xf32> to vector<1x512xf32>
    %slice3A_293 = vector.extract_strided_slice %get3A_285 {offsets = [7, 0], sizes = [1, 512], strides = [1, 1]} : vector<8x512xf32> to vector<1x512xf32>
    %sub3A_294 = arith.subf %slice3A_288, %slice3A_286 : vector<1x512xf32>
    %add3A_295 = arith.constant 1.000000e+00 : f32
    %add3A_296 = vector.broadcast %add3A_295 : f32 to vector<1x512xf32>
    %add3A_297 = arith.addf %sub3A_294, %add3A_296 : vector<1x512xf32>
    %sub3A_298 = arith.subf %slice3A_289, %slice3A_287 : vector<1x512xf32>
    %add3A_299 = arith.constant 1.000000e+00 : f32
    %add3A_300 = vector.broadcast %add3A_299 : f32 to vector<1x512xf32>
    %add3A_301 = arith.addf %sub3A_298, %add3A_300 : vector<1x512xf32>
    %mul3A_302 = arith.mulf %add3A_297, %add3A_301 : vector<1x512xf32>
    %sub3A_303 = arith.subf %slice3A_292, %slice3A_290 : vector<1x512xf32>
    %add3A_304 = arith.constant 1.000000e+00 : f32
    %add3A_305 = vector.broadcast %add3A_304 : f32 to vector<1x512xf32>
    %add3A_306 = arith.addf %sub3A_303, %add3A_305 : vector<1x512xf32>
    %sub3A_307 = arith.subf %slice3A_293, %slice3A_291 : vector<1x512xf32>
    %add3A_308 = arith.constant 1.000000e+00 : f32
    %add3A_309 = vector.broadcast %add3A_308 : f32 to vector<1x512xf32>
    %add3A_310 = arith.addf %sub3A_307, %add3A_309 : vector<1x512xf32>
    %mul3A_311 = arith.mulf %add3A_306, %add3A_310 : vector<1x512xf32>
    %min3A_312 = vector.broadcast %slice3A_288 : vector<1x512xf32> to vector<64x512xf32>
    %min3A_313 = vector.broadcast %broadcast_in_dim3A_27 : vector<64x1xf32> to vector<64x512xf32>
    %min3A_314 = arith.minimumf %min3A_312, %min3A_313 : vector<64x512xf32>
    %max3A_315 = vector.broadcast %slice3A_286 : vector<1x512xf32> to vector<64x512xf32>
    %max3A_316 = vector.broadcast %broadcast_in_dim3A : vector<64x1xf32> to vector<64x512xf32>
    %max3A_317 = arith.maximumf %max3A_315, %max3A_316 : vector<64x512xf32>
    %sub3A_318 = arith.subf %min3A_314, %max3A_317 : vector<64x512xf32>
    %add3A_319 = arith.constant 1.000000e+00 : f32
    %add3A_320 = vector.broadcast %add3A_319 : f32 to vector<64x512xf32>
    %add3A_321 = arith.addf %sub3A_318, %add3A_320 : vector<64x512xf32>
    %min3A_322 = vector.broadcast %slice3A_289 : vector<1x512xf32> to vector<64x512xf32>
    %min3A_323 = vector.broadcast %broadcast_in_dim3A_33 : vector<64x1xf32> to vector<64x512xf32>
    %min3A_324 = arith.minimumf %min3A_322, %min3A_323 : vector<64x512xf32>
    %max3A_325 = vector.broadcast %slice3A_287 : vector<1x512xf32> to vector<64x512xf32>
    %max3A_326 = vector.broadcast %broadcast_in_dim3A_21 : vector<64x1xf32> to vector<64x512xf32>
    %max3A_327 = arith.maximumf %max3A_325, %max3A_326 : vector<64x512xf32>
    %sub3A_328 = arith.subf %min3A_324, %max3A_327 : vector<64x512xf32>
    %add3A_329 = arith.constant 1.000000e+00 : f32
    %add3A_330 = vector.broadcast %add3A_329 : f32 to vector<64x512xf32>
    %add3A_331 = arith.addf %sub3A_328, %add3A_330 : vector<64x512xf32>
    %jit3A_332 = arith.constant 0.000000e+00 : f32
    %max3A_333 = vector.broadcast %jit3A_332 : f32 to vector<64x512xf32>
    %max3A_334 = arith.maximumf %max3A_333, %add3A_321 : vector<64x512xf32>
    %jit3A_335 = arith.constant 0.000000e+00 : f32
    %max3A_336 = vector.broadcast %jit3A_335 : f32 to vector<64x512xf32>
    %max3A_337 = arith.maximumf %max3A_336, %add3A_331 : vector<64x512xf32>
    %mul3A_338 = arith.mulf %max3A_334, %max3A_337 : vector<64x512xf32>
    %add3A_339 = vector.broadcast %mul3A_302 : vector<1x512xf32> to vector<64x512xf32>
    %add3A_340 = vector.broadcast %mul3A_69 : vector<64x1xf32> to vector<64x512xf32>
    %add3A_341 = arith.addf %add3A_339, %add3A_340 : vector<64x512xf32>
    %sub3A_342 = arith.subf %add3A_341, %mul3A_338 : vector<64x512xf32>
    %div3A_343 = arith.divf %mul3A_338, %sub3A_342 : vector<64x512xf32>
    %min3A_344 = vector.broadcast %slice3A_292 : vector<1x512xf32> to vector<64x512xf32>
    %min3A_345 = vector.broadcast %broadcast_in_dim3A_51 : vector<64x1xf32> to vector<64x512xf32>
    %min3A_346 = arith.minimumf %min3A_344, %min3A_345 : vector<64x512xf32>
    %max3A_347 = vector.broadcast %slice3A_290 : vector<1x512xf32> to vector<64x512xf32>
    %max3A_348 = vector.broadcast %broadcast_in_dim3A_39 : vector<64x1xf32> to vector<64x512xf32>
    %max3A_349 = arith.maximumf %max3A_347, %max3A_348 : vector<64x512xf32>
    %sub3A_350 = arith.subf %min3A_346, %max3A_349 : vector<64x512xf32>
    %add3A_351 = arith.constant 1.000000e+00 : f32
    %add3A_352 = vector.broadcast %add3A_351 : f32 to vector<64x512xf32>
    %add3A_353 = arith.addf %sub3A_350, %add3A_352 : vector<64x512xf32>
    %min3A_354 = vector.broadcast %slice3A_293 : vector<1x512xf32> to vector<64x512xf32>
    %min3A_355 = vector.broadcast %broadcast_in_dim3A_57 : vector<64x1xf32> to vector<64x512xf32>
    %min3A_356 = arith.minimumf %min3A_354, %min3A_355 : vector<64x512xf32>
    %max3A_357 = vector.broadcast %slice3A_291 : vector<1x512xf32> to vector<64x512xf32>
    %max3A_358 = vector.broadcast %broadcast_in_dim3A_45 : vector<64x1xf32> to vector<64x512xf32>
    %max3A_359 = arith.maximumf %max3A_357, %max3A_358 : vector<64x512xf32>
    %sub3A_360 = arith.subf %min3A_356, %max3A_359 : vector<64x512xf32>
    %add3A_361 = arith.constant 1.000000e+00 : f32
    %add3A_362 = vector.broadcast %add3A_361 : f32 to vector<64x512xf32>
    %add3A_363 = arith.addf %sub3A_360, %add3A_362 : vector<64x512xf32>
    %jit3A_364 = arith.constant 0.000000e+00 : f32
    %max3A_365 = vector.broadcast %jit3A_364 : f32 to vector<64x512xf32>
    %max3A_366 = arith.maximumf %max3A_365, %add3A_353 : vector<64x512xf32>
    %jit3A_367 = arith.constant 0.000000e+00 : f32
    %max3A_368 = vector.broadcast %jit3A_367 : f32 to vector<64x512xf32>
    %max3A_369 = arith.maximumf %max3A_368, %add3A_363 : vector<64x512xf32>
    %mul3A_370 = arith.mulf %max3A_366, %max3A_369 : vector<64x512xf32>
    %add3A_371 = vector.broadcast %mul3A_311 : vector<1x512xf32> to vector<64x512xf32>
    %add3A_372 = vector.broadcast %mul3A_78 : vector<64x1xf32> to vector<64x512xf32>
    %add3A_373 = arith.addf %add3A_371, %add3A_372 : vector<64x512xf32>
    %sub3A_374 = arith.subf %add3A_373, %mul3A_370 : vector<64x512xf32>
    %div3A_375 = arith.divf %mul3A_370, %sub3A_374 : vector<64x512xf32>
    %mul3A_376 = arith.mulf %div3A_343, %div3A_375 : vector<64x512xf32>
    %jit3A_377 = arith.constant 0.000000e+00 : f32
    %broadcast_in_dim3A_378 = vector.shape_cast %gt3A_62 : vector<64x1xi1> to vector<64x1xi1>
    %broadcast_in_dim3A_379 = vector.broadcast %broadcast_in_dim3A_378 : vector<64x1xi1> to vector<64x512xi1>
    %broadcast_in_dim3A_380 = vector.broadcast %jit3A_377 : f32 to vector<64x512xf32>
    %select_n3A_381 = arith.select %broadcast_in_dim3A_379, %mul3A_376, %broadcast_in_dim3A_380 : vector<64x512xi1>, vector<64x512xf32>
    %swap3A_382 = arith.constant 0 : index
    %swap3A_383 = arith.constant 1024 : index
    %swap3A_384 = vector.load %arg7[%swap3A_382, %swap3A_383] : memref<256x5120xf32, #tpu.memory_space<vmem>>, vector<64x512xf32>
    tpu.vector_store %arg7[%swap3A_382, %swap3A_383], %select_n3A_381 {strides = array<i32>} : memref<256x5120xf32, #tpu.memory_space<vmem>>, vector<64x512xf32>,
    %get3A_385 = arith.constant 0 : index
    %get3A_386 = arith.constant 0 : index
    %get3A_387 = arith.constant 1536 : index
    %get3A_388 = vector.load %arg0[%get3A_385, %get3A_386, %get3A_387] : memref<4x8x5120xf32, #tpu.memory_space<vmem>>, vector<1x8x512xf32>
    %get3A_389 = vector.shape_cast %get3A_388 : vector<1x8x512xf32> to vector<8x512xf32>
    %slice3A_390 = vector.extract_strided_slice %get3A_389 {offsets = [0, 0], sizes = [1, 512], strides = [1, 1]} : vector<8x512xf32> to vector<1x512xf32>
    %slice3A_391 = vector.extract_strided_slice %get3A_389 {offsets = [1, 0], sizes = [1, 512], strides = [1, 1]} : vector<8x512xf32> to vector<1x512xf32>
    %slice3A_392 = vector.extract_strided_slice %get3A_389 {offsets = [2, 0], sizes = [1, 512], strides = [1, 1]} : vector<8x512xf32> to vector<1x512xf32>
    %slice3A_393 = vector.extract_strided_slice %get3A_389 {offsets = [3, 0], sizes = [1, 512], strides = [1, 1]} : vector<8x512xf32> to vector<1x512xf32>
    %slice3A_394 = vector.extract_strided_slice %get3A_389 {offsets = [4, 0], sizes = [1, 512], strides = [1, 1]} : vector<8x512xf32> to vector<1x512xf32>
    %slice3A_395 = vector.extract_strided_slice %get3A_389 {offsets = [5, 0], sizes = [1, 512], strides = [1, 1]} : vector<8x512xf32> to vector<1x512xf32>
    %slice3A_396 = vector.extract_strided_slice %get3A_389 {offsets = [6, 0], sizes = [1, 512], strides = [1, 1]} : vector<8x512xf32> to vector<1x512xf32>
    %slice3A_397 = vector.extract_strided_slice %get3A_389 {offsets = [7, 0], sizes = [1, 512], strides = [1, 1]} : vector<8x512xf32> to vector<1x512xf32>
    %sub3A_398 = arith.subf %slice3A_392, %slice3A_390 : vector<1x512xf32>
    %add3A_399 = arith.constant 1.000000e+00 : f32
    %add3A_400 = vector.broadcast %add3A_399 : f32 to vector<1x512xf32>
    %add3A_401 = arith.addf %sub3A_398, %add3A_400 : vector<1x512xf32>
    %sub3A_402 = arith.subf %slice3A_393, %slice3A_391 : vector<1x512xf32>
    %add3A_403 = arith.constant 1.000000e+00 : f32
    %add3A_404 = vector.broadcast %add3A_403 : f32 to vector<1x512xf32>
    %add3A_405 = arith.addf %sub3A_402, %add3A_404 : vector<1x512xf32>
    %mul3A_406 = arith.mulf %add3A_401, %add3A_405 : vector<1x512xf32>
    %sub3A_407 = arith.subf %slice3A_396, %slice3A_394 : vector<1x512xf32>
    %add3A_408 = arith.constant 1.000000e+00 : f32
    %add3A_409 = vector.broadcast %add3A_408 : f32 to vector<1x512xf32>
    %add3A_410 = arith.addf %sub3A_407, %add3A_409 : vector<1x512xf32>
    %sub3A_411 = arith.subf %slice3A_397, %slice3A_395 : vector<1x512xf32>
    %add3A_412 = arith.constant 1.000000e+00 : f32
    %add3A_413 = vector.broadcast %add3A_412 : f32 to vector<1x512xf32>
    %add3A_414 = arith.addf %sub3A_411, %add3A_413 : vector<1x512xf32>
    %mul3A_415 = arith.mulf %add3A_410, %add3A_414 : vector<1x512xf32>
    %min3A_416 = vector.broadcast %slice3A_392 : vector<1x512xf32> to vector<64x512xf32>
    %min3A_417 = vector.broadcast %broadcast_in_dim3A_27 : vector<64x1xf32> to vector<64x512xf32>
    %min3A_418 = arith.minimumf %min3A_416, %min3A_417 : vector<64x512xf32>
    %max3A_419 = vector.broadcast %slice3A_390 : vector<1x512xf32> to vector<64x512xf32>
    %max3A_420 = vector.broadcast %broadcast_in_dim3A : vector<64x1xf32> to vector<64x512xf32>
    %max3A_421 = arith.maximumf %max3A_419, %max3A_420 : vector<64x512xf32>
    %sub3A_422 = arith.subf %min3A_418, %max3A_421 : vector<64x512xf32>
    %add3A_423 = arith.constant 1.000000e+00 : f32
    %add3A_424 = vector.broadcast %add3A_423 : f32 to vector<64x512xf32>
    %add3A_425 = arith.addf %sub3A_422, %add3A_424 : vector<64x512xf32>
    %min3A_426 = vector.broadcast %slice3A_393 : vector<1x512xf32> to vector<64x512xf32>
    %min3A_427 = vector.broadcast %broadcast_in_dim3A_33 : vector<64x1xf32> to vector<64x512xf32>
    %min3A_428 = arith.minimumf %min3A_426, %min3A_427 : vector<64x512xf32>
    %max3A_429 = vector.broadcast %slice3A_391 : vector<1x512xf32> to vector<64x512xf32>
    %max3A_430 = vector.broadcast %broadcast_in_dim3A_21 : vector<64x1xf32> to vector<64x512xf32>
    %max3A_431 = arith.maximumf %max3A_429, %max3A_430 : vector<64x512xf32>
    %sub3A_432 = arith.subf %min3A_428, %max3A_431 : vector<64x512xf32>
    %add3A_433 = arith.constant 1.000000e+00 : f32
    %add3A_434 = vector.broadcast %add3A_433 : f32 to vector<64x512xf32>
    %add3A_435 = arith.addf %sub3A_432, %add3A_434 : vector<64x512xf32>
    %jit3A_436 = arith.constant 0.000000e+00 : f32
    %max3A_437 = vector.broadcast %jit3A_436 : f32 to vector<64x512xf32>
    %max3A_438 = arith.maximumf %max3A_437, %add3A_425 : vector<64x512xf32>
    %jit3A_439 = arith.constant 0.000000e+00 : f32
    %max3A_440 = vector.broadcast %jit3A_439 : f32 to vector<64x512xf32>
    %max3A_441 = arith.maximumf %max3A_440, %add3A_435 : vector<64x512xf32>
    %mul3A_442 = arith.mulf %max3A_438, %max3A_441 : vector<64x512xf32>
    %add3A_443 = vector.broadcast %mul3A_406 : vector<1x512xf32> to vector<64x512xf32>
    %add3A_444 = vector.broadcast %mul3A_69 : vector<64x1xf32> to vector<64x512xf32>
    %add3A_445 = arith.addf %add3A_443, %add3A_444 : vector<64x512xf32>
    %sub3A_446 = arith.subf %add3A_445, %mul3A_442 : vector<64x512xf32>
    %div3A_447 = arith.divf %mul3A_442, %sub3A_446 : vector<64x512xf32>
    %min3A_448 = vector.broadcast %slice3A_396 : vector<1x512xf32> to vector<64x512xf32>
    %min3A_449 = vector.broadcast %broadcast_in_dim3A_51 : vector<64x1xf32> to vector<64x512xf32>
    %min3A_450 = arith.minimumf %min3A_448, %min3A_449 : vector<64x512xf32>
    %max3A_451 = vector.broadcast %slice3A_394 : vector<1x512xf32> to vector<64x512xf32>
    %max3A_452 = vector.broadcast %broadcast_in_dim3A_39 : vector<64x1xf32> to vector<64x512xf32>
    %max3A_453 = arith.maximumf %max3A_451, %max3A_452 : vector<64x512xf32>
    %sub3A_454 = arith.subf %min3A_450, %max3A_453 : vector<64x512xf32>
    %add3A_455 = arith.constant 1.000000e+00 : f32
    %add3A_456 = vector.broadcast %add3A_455 : f32 to vector<64x512xf32>
    %add3A_457 = arith.addf %sub3A_454, %add3A_456 : vector<64x512xf32>
    %min3A_458 = vector.broadcast %slice3A_397 : vector<1x512xf32> to vector<64x512xf32>
    %min3A_459 = vector.broadcast %broadcast_in_dim3A_57 : vector<64x1xf32> to vector<64x512xf32>
    %min3A_460 = arith.minimumf %min3A_458, %min3A_459 : vector<64x512xf32>
    %max3A_461 = vector.broadcast %slice3A_395 : vector<1x512xf32> to vector<64x512xf32>
    %max3A_462 = vector.broadcast %broadcast_in_dim3A_45 : vector<64x1xf32> to vector<64x512xf32>
    %max3A_463 = arith.maximumf %max3A_461, %max3A_462 : vector<64x512xf32>
    %sub3A_464 = arith.subf %min3A_460, %max3A_463 : vector<64x512xf32>
    %add3A_465 = arith.constant 1.000000e+00 : f32
    %add3A_466 = vector.broadcast %add3A_465 : f32 to vector<64x512xf32>
    %add3A_467 = arith.addf %sub3A_464, %add3A_466 : vector<64x512xf32>
    %jit3A_468 = arith.constant 0.000000e+00 : f32
    %max3A_469 = vector.broadcast %jit3A_468 : f32 to vector<64x512xf32>
    %max3A_470 = arith.maximumf %max3A_469, %add3A_457 : vector<64x512xf32>
    %jit3A_471 = arith.constant 0.000000e+00 : f32
    %max3A_472 = vector.broadcast %jit3A_471 : f32 to vector<64x512xf32>
    %max3A_473 = arith.maximumf %max3A_472, %add3A_467 : vector<64x512xf32>
    %mul3A_474 = arith.mulf %max3A_470, %max3A_473 : vector<64x512xf32>
    %add3A_475 = vector.broadcast %mul3A_415 : vector<1x512xf32> to vector<64x512xf32>
    %add3A_476 = vector.broadcast %mul3A_78 : vector<64x1xf32> to vector<64x512xf32>
    %add3A_477 = arith.addf %add3A_475, %add3A_476 : vector<64x512xf32>
    %sub3A_478 = arith.subf %add3A_477, %mul3A_474 : vector<64x512xf32>
    %div3A_479 = arith.divf %mul3A_474, %sub3A_478 : vector<64x512xf32>
    %mul3A_480 = arith.mulf %div3A_447, %div3A_479 : vector<64x512xf32>
    %jit3A_481 = arith.constant 0.000000e+00 : f32
    %broadcast_in_dim3A_482 = vector.shape_cast %gt3A_62 : vector<64x1xi1> to vector<64x1xi1>
    %broadcast_in_dim3A_483 = vector.broadcast %broadcast_in_dim3A_482 : vector<64x1xi1> to vector<64x512xi1>
    %broadcast_in_dim3A_484 = vector.broadcast %jit3A_481 : f32 to vector<64x512xf32>
    %select_n3A_485 = arith.select %broadcast_in_dim3A_483, %mul3A_480, %broadcast_in_dim3A_484 : vector<64x512xi1>, vector<64x512xf32>
    %swap3A_486 = arith.constant 0 : index
    %swap3A_487 = arith.constant 1536 : index
    %swap3A_488 = vector.load %arg7[%swap3A_486, %swap3A_487] : memref<256x5120xf32, #tpu.memory_space<vmem>>, vector<64x512xf32>
    tpu.vector_store %arg7[%swap3A_486, %swap3A_487], %select_n3A_485 {strides = array<i32>} : memref<256x5120xf32, #tpu.memory_space<vmem>>, vector<64x512xf32>,
    %get3A_489 = arith.constant 0 : index
    %get3A_490 = arith.constant 0 : index
    %get3A_491 = arith.constant 2048 : index
    %get3A_492 = vector.load %arg0[%get3A_489, %get3A_490, %get3A_491] : memref<4x8x5120xf32, #tpu.memory_space<vmem>>, vector<1x8x512xf32>
    %get3A_493 = vector.shape_cast %get3A_492 : vector<1x8x512xf32> to vector<8x512xf32>
    %slice3A_494 = vector.extract_strided_slice %get3A_493 {offsets = [0, 0], sizes = [1, 512], strides = [1, 1]} : vector<8x512xf32> to vector<1x512xf32>
    %slice3A_495 = vector.extract_strided_slice %get3A_493 {offsets = [1, 0], sizes = [1, 512], strides = [1, 1]} : vector<8x512xf32> to vector<1x512xf32>
    %slice3A_496 = vector.extract_strided_slice %get3A_493 {offsets = [2, 0], sizes = [1, 512], strides = [1, 1]} : vector<8x512xf32> to vector<1x512xf32>
    %slice3A_497 = vector.extract_strided_slice %get3A_493 {offsets = [3, 0], sizes = [1, 512], strides = [1, 1]} : vector<8x512xf32> to vector<1x512xf32>
    %slice3A_498 = vector.extract_strided_slice %get3A_493 {offsets = [4, 0], sizes = [1, 512], strides = [1, 1]} : vector<8x512xf32> to vector<1x512xf32>
    %slice3A_499 = vector.extract_strided_slice %get3A_493 {offsets = [5, 0], sizes = [1, 512], strides = [1, 1]} : vector<8x512xf32> to vector<1x512xf32>
    %slice3A_500 = vector.extract_strided_slice %get3A_493 {offsets = [6, 0], sizes = [1, 512], strides = [1, 1]} : vector<8x512xf32> to vector<1x512xf32>
    %slice3A_501 = vector.extract_strided_slice %get3A_493 {offsets = [7, 0], sizes = [1, 512], strides = [1, 1]} : vector<8x512xf32> to vector<1x512xf32>
    %sub3A_502 = arith.subf %slice3A_496, %slice3A_494 : vector<1x512xf32>
    %add3A_503 = arith.constant 1.000000e+00 : f32
    %add3A_504 = vector.broadcast %add3A_503 : f32 to vector<1x512xf32>
    %add3A_505 = arith.addf %sub3A_502, %add3A_504 : vector<1x512xf32>
    %sub3A_506 = arith.subf %slice3A_497, %slice3A_495 : vector<1x512xf32>
    %add3A_507 = arith.constant 1.000000e+00 : f32
    %add3A_508 = vector.broadcast %add3A_507 : f32 to vector<1x512xf32>
    %add3A_509 = arith.addf %sub3A_506, %add3A_508 : vector<1x512xf32>
    %mul3A_510 = arith.mulf %add3A_505, %add3A_509 : vector<1x512xf32>
    %sub3A_511 = arith.subf %slice3A_500, %slice3A_498 : vector<1x512xf32>
    %add3A_512 = arith.constant 1.000000e+00 : f32
    %add3A_513 = vector.broadcast %add3A_512 : f32 to vector<1x512xf32>
    %add3A_514 = arith.addf %sub3A_511, %add3A_513 : vector<1x512xf32>
    %sub3A_515 = arith.subf %slice3A_501, %slice3A_499 : vector<1x512xf32>
    %add3A_516 = arith.constant 1.000000e+00 : f32
    %add3A_517 = vector.broadcast %add3A_516 : f32 to vector<1x512xf32>
    %add3A_518 = arith.addf %sub3A_515, %add3A_517 : vector<1x512xf32>
    %mul3A_519 = arith.mulf %add3A_514, %add3A_518 : vector<1x512xf32>
    %min3A_520 = vector.broadcast %slice3A_496 : vector<1x512xf32> to vector<64x512xf32>
    %min3A_521 = vector.broadcast %broadcast_in_dim3A_27 : vector<64x1xf32> to vector<64x512xf32>
    %min3A_522 = arith.minimumf %min3A_520, %min3A_521 : vector<64x512xf32>
    %max3A_523 = vector.broadcast %slice3A_494 : vector<1x512xf32> to vector<64x512xf32>
    %max3A_524 = vector.broadcast %broadcast_in_dim3A : vector<64x1xf32> to vector<64x512xf32>
    %max3A_525 = arith.maximumf %max3A_523, %max3A_524 : vector<64x512xf32>
    %sub3A_526 = arith.subf %min3A_522, %max3A_525 : vector<64x512xf32>
    %add3A_527 = arith.constant 1.000000e+00 : f32
    %add3A_528 = vector.broadcast %add3A_527 : f32 to vector<64x512xf32>
    %add3A_529 = arith.addf %sub3A_526, %add3A_528 : vector<64x512xf32>
    %min3A_530 = vector.broadcast %slice3A_497 : vector<1x512xf32> to vector<64x512xf32>
    %min3A_531 = vector.broadcast %broadcast_in_dim3A_33 : vector<64x1xf32> to vector<64x512xf32>
    %min3A_532 = arith.minimumf %min3A_530, %min3A_531 : vector<64x512xf32>
    %max3A_533 = vector.broadcast %slice3A_495 : vector<1x512xf32> to vector<64x512xf32>
    %max3A_534 = vector.broadcast %broadcast_in_dim3A_21 : vector<64x1xf32> to vector<64x512xf32>
    %max3A_535 = arith.maximumf %max3A_533, %max3A_534 : vector<64x512xf32>
    %sub3A_536 = arith.subf %min3A_532, %max3A_535 : vector<64x512xf32>
    %add3A_537 = arith.constant 1.000000e+00 : f32
    %add3A_538 = vector.broadcast %add3A_537 : f32 to vector<64x512xf32>
    %add3A_539 = arith.addf %sub3A_536, %add3A_538 : vector<64x512xf32>
    %jit3A_540 = arith.constant 0.000000e+00 : f32
    %max3A_541 = vector.broadcast %jit3A_540 : f32 to vector<64x512xf32>
    %max3A_542 = arith.maximumf %max3A_541, %add3A_529 : vector<64x512xf32>
    %jit3A_543 = arith.constant 0.000000e+00 : f32
    %max3A_544 = vector.broadcast %jit3A_543 : f32 to vector<64x512xf32>
    %max3A_545 = arith.maximumf %max3A_544, %add3A_539 : vector<64x512xf32>
    %mul3A_546 = arith.mulf %max3A_542, %max3A_545 : vector<64x512xf32>
    %add3A_547 = vector.broadcast %mul3A_510 : vector<1x512xf32> to vector<64x512xf32>
    %add3A_548 = vector.broadcast %mul3A_69 : vector<64x1xf32> to vector<64x512xf32>
    %add3A_549 = arith.addf %add3A_547, %add3A_548 : vector<64x512xf32>
    %sub3A_550 = arith.subf %add3A_549, %mul3A_546 : vector<64x512xf32>
    %div3A_551 = arith.divf %mul3A_546, %sub3A_550 : vector<64x512xf32>
    %min3A_552 = vector.broadcast %slice3A_500 : vector<1x512xf32> to vector<64x512xf32>
    %min3A_553 = vector.broadcast %broadcast_in_dim3A_51 : vector<64x1xf32> to vector<64x512xf32>
    %min3A_554 = arith.minimumf %min3A_552, %min3A_553 : vector<64x512xf32>
    %max3A_555 = vector.broadcast %slice3A_498 : vector<1x512xf32> to vector<64x512xf32>
    %max3A_556 = vector.broadcast %broadcast_in_dim3A_39 : vector<64x1xf32> to vector<64x512xf32>
    %max3A_557 = arith.maximumf %max3A_555, %max3A_556 : vector<64x512xf32>
    %sub3A_558 = arith.subf %min3A_554, %max3A_557 : vector<64x512xf32>
    %add3A_559 = arith.constant 1.000000e+00 : f32
    %add3A_560 = vector.broadcast %add3A_559 : f32 to vector<64x512xf32>
    %add3A_561 = arith.addf %sub3A_558, %add3A_560 : vector<64x512xf32>
    %min3A_562 = vector.broadcast %slice3A_501 : vector<1x512xf32> to vector<64x512xf32>
    %min3A_563 = vector.broadcast %broadcast_in_dim3A_57 : vector<64x1xf32> to vector<64x512xf32>
    %min3A_564 = arith.minimumf %min3A_562, %min3A_563 : vector<64x512xf32>
    %max3A_565 = vector.broadcast %slice3A_499 : vector<1x512xf32> to vector<64x512xf32>
    %max3A_566 = vector.broadcast %broadcast_in_dim3A_45 : vector<64x1xf32> to vector<64x512xf32>
    %max3A_567 = arith.maximumf %max3A_565, %max3A_566 : vector<64x512xf32>
    %sub3A_568 = arith.subf %min3A_564, %max3A_567 : vector<64x512xf32>
    %add3A_569 = arith.constant 1.000000e+00 : f32
    %add3A_570 = vector.broadcast %add3A_569 : f32 to vector<64x512xf32>
    %add3A_571 = arith.addf %sub3A_568, %add3A_570 : vector<64x512xf32>
    %jit3A_572 = arith.constant 0.000000e+00 : f32
    %max3A_573 = vector.broadcast %jit3A_572 : f32 to vector<64x512xf32>
    %max3A_574 = arith.maximumf %max3A_573, %add3A_561 : vector<64x512xf32>
    %jit3A_575 = arith.constant 0.000000e+00 : f32
    %max3A_576 = vector.broadcast %jit3A_575 : f32 to vector<64x512xf32>
    %max3A_577 = arith.maximumf %max3A_576, %add3A_571 : vector<64x512xf32>
    %mul3A_578 = arith.mulf %max3A_574, %max3A_577 : vector<64x512xf32>
    %add3A_579 = vector.broadcast %mul3A_519 : vector<1x512xf32> to vector<64x512xf32>
    %add3A_580 = vector.broadcast %mul3A_78 : vector<64x1xf32> to vector<64x512xf32>
    %add3A_581 = arith.addf %add3A_579, %add3A_580 : vector<64x512xf32>
    %sub3A_582 = arith.subf %add3A_581, %mul3A_578 : vector<64x512xf32>
    %div3A_583 = arith.divf %mul3A_578, %sub3A_582 : vector<64x512xf32>
    %mul3A_584 = arith.mulf %div3A_551, %div3A_583 : vector<64x512xf32>
    %jit3A_585 = arith.constant 0.000000e+00 : f32
    %broadcast_in_dim3A_586 = vector.shape_cast %gt3A_62 : vector<64x1xi1> to vector<64x1xi1>
    %broadcast_in_dim3A_587 = vector.broadcast %broadcast_in_dim3A_586 : vector<64x1xi1> to vector<64x512xi1>
    %broadcast_in_dim3A_588 = vector.broadcast %jit3A_585 : f32 to vector<64x512xf32>
    %select_n3A_589 = arith.select %broadcast_in_dim3A_587, %mul3A_584, %broadcast_in_dim3A_588 : vector<64x512xi1>, vector<64x512xf32>
    %swap3A_590 = arith.constant 0 : index
    %swap3A_591 = arith.constant 2048 : index
    %swap3A_592 = vector.load %arg7[%swap3A_590, %swap3A_591] : memref<256x5120xf32, #tpu.memory_space<vmem>>, vector<64x512xf32>
    tpu.vector_store %arg7[%swap3A_590, %swap3A_591], %select_n3A_589 {strides = array<i32>} : memref<256x5120xf32, #tpu.memory_space<vmem>>, vector<64x512xf32>,
    %get3A_593 = arith.constant 0 : index
    %get3A_594 = arith.constant 0 : index
    %get3A_595 = arith.constant 2560 : index
    %get3A_596 = vector.load %arg0[%get3A_593, %get3A_594, %get3A_595] : memref<4x8x5120xf32, #tpu.memory_space<vmem>>, vector<1x8x512xf32>
    %get3A_597 = vector.shape_cast %get3A_596 : vector<1x8x512xf32> to vector<8x512xf32>
    %slice3A_598 = vector.extract_strided_slice %get3A_597 {offsets = [0, 0], sizes = [1, 512], strides = [1, 1]} : vector<8x512xf32> to vector<1x512xf32>
    %slice3A_599 = vector.extract_strided_slice %get3A_597 {offsets = [1, 0], sizes = [1, 512], strides = [1, 1]} : vector<8x512xf32> to vector<1x512xf32>
    %slice3A_600 = vector.extract_strided_slice %get3A_597 {offsets = [2, 0], sizes = [1, 512], strides = [1, 1]} : vector<8x512xf32> to vector<1x512xf32>
    %slice3A_601 = vector.extract_strided_slice %get3A_597 {offsets = [3, 0], sizes = [1, 512], strides = [1, 1]} : vector<8x512xf32> to vector<1x512xf32>
    %slice3A_602 = vector.extract_strided_slice %get3A_597 {offsets = [4, 0], sizes = [1, 512], strides = [1, 1]} : vector<8x512xf32> to vector<1x512xf32>
    %slice3A_603 = vector.extract_strided_slice %get3A_597 {offsets = [5, 0], sizes = [1, 512], strides = [1, 1]} : vector<8x512xf32> to vector<1x512xf32>
    %slice3A_604 = vector.extract_strided_slice %get3A_597 {offsets = [6, 0], sizes = [1, 512], strides = [1, 1]} : vector<8x512xf32> to vector<1x512xf32>
    %slice3A_605 = vector.extract_strided_slice %get3A_597 {offsets = [7, 0], sizes = [1, 512], strides = [1, 1]} : vector<8x512xf32> to vector<1x512xf32>
    %sub3A_606 = arith.subf %slice3A_600, %slice3A_598 : vector<1x512xf32>
    %add3A_607 = arith.constant 1.000000e+00 : f32
    %add3A_608 = vector.broadcast %add3A_607 : f32 to vector<1x512xf32>
    %add3A_609 = arith.addf %sub3A_606, %add3A_608 : vector<1x512xf32>
    %sub3A_610 = arith.subf %slice3A_601, %slice3A_599 : vector<1x512xf32>
    %add3A_611 = arith.constant 1.000000e+00 : f32
    %add3A_612 = vector.broadcast %add3A_611 : f32 to vector<1x512xf32>
    %add3A_613 = arith.addf %sub3A_610, %add3A_612 : vector<1x512xf32>
    %mul3A_614 = arith.mulf %add3A_609, %add3A_613 : vector<1x512xf32>
    %sub3A_615 = arith.subf %slice3A_604, %slice3A_602 : vector<1x512xf32>
    %add3A_616 = arith.constant 1.000000e+00 : f32
    %add3A_617 = vector.broadcast %add3A_616 : f32 to vector<1x512xf32>
    %add3A_618 = arith.addf %sub3A_615, %add3A_617 : vector<1x512xf32>
    %sub3A_619 = arith.subf %slice3A_605, %slice3A_603 : vector<1x512xf32>
    %add3A_620 = arith.constant 1.000000e+00 : f32
    %add3A_621 = vector.broadcast %add3A_620 : f32 to vector<1x512xf32>
    %add3A_622 = arith.addf %sub3A_619, %add3A_621 : vector<1x512xf32>
    %mul3A_623 = arith.mulf %add3A_618, %add3A_622 : vector<1x512xf32>
    %min3A_624 = vector.broadcast %slice3A_600 : vector<1x512xf32> to vector<64x512xf32>
    %min3A_625 = vector.broadcast %broadcast_in_dim3A_27 : vector<64x1xf32> to vector<64x512xf32>
    %min3A_626 = arith.minimumf %min3A_624, %min3A_625 : vector<64x512xf32>
    %max3A_627 = vector.broadcast %slice3A_598 : vector<1x512xf32> to vector<64x512xf32>
    %max3A_628 = vector.broadcast %broadcast_in_dim3A : vector<64x1xf32> to vector<64x512xf32>
    %max3A_629 = arith.maximumf %max3A_627, %max3A_628 : vector<64x512xf32>
    %sub3A_630 = arith.subf %min3A_626, %max3A_629 : vector<64x512xf32>
    %add3A_631 = arith.constant 1.000000e+00 : f32
    %add3A_632 = vector.broadcast %add3A_631 : f32 to vector<64x512xf32>
    %add3A_633 = arith.addf %sub3A_630, %add3A_632 : vector<64x512xf32>
    %min3A_634 = vector.broadcast %slice3A_601 : vector<1x512xf32> to vector<64x512xf32>
    %min3A_635 = vector.broadcast %broadcast_in_dim3A_33 : vector<64x1xf32> to vector<64x512xf32>
    %min3A_636 = arith.minimumf %min3A_634, %min3A_635 : vector<64x512xf32>
    %max3A_637 = vector.broadcast %slice3A_599 : vector<1x512xf32> to vector<64x512xf32>
    %max3A_638 = vector.broadcast %broadcast_in_dim3A_21 : vector<64x1xf32> to vector<64x512xf32>
    %max3A_639 = arith.maximumf %max3A_637, %max3A_638 : vector<64x512xf32>
    %sub3A_640 = arith.subf %min3A_636, %max3A_639 : vector<64x512xf32>
    %add3A_641 = arith.constant 1.000000e+00 : f32
    %add3A_642 = vector.broadcast %add3A_641 : f32 to vector<64x512xf32>
    %add3A_643 = arith.addf %sub3A_640, %add3A_642 : vector<64x512xf32>
    %jit3A_644 = arith.constant 0.000000e+00 : f32
    %max3A_645 = vector.broadcast %jit3A_644 : f32 to vector<64x512xf32>
    %max3A_646 = arith.maximumf %max3A_645, %add3A_633 : vector<64x512xf32>
    %jit3A_647 = arith.constant 0.000000e+00 : f32
    %max3A_648 = vector.broadcast %jit3A_647 : f32 to vector<64x512xf32>
    %max3A_649 = arith.maximumf %max3A_648, %add3A_643 : vector<64x512xf32>
    %mul3A_650 = arith.mulf %max3A_646, %max3A_649 : vector<64x512xf32>
    %add3A_651 = vector.broadcast %mul3A_614 : vector<1x512xf32> to vector<64x512xf32>
    %add3A_652 = vector.broadcast %mul3A_69 : vector<64x1xf32> to vector<64x512xf32>
    %add3A_653 = arith.addf %add3A_651, %add3A_652 : vector<64x512xf32>
    %sub3A_654 = arith.subf %add3A_653, %mul3A_650 : vector<64x512xf32>
    %div3A_655 = arith.divf %mul3A_650, %sub3A_654 : vector<64x512xf32>
    %min3A_656 = vector.broadcast %slice3A_604 : vector<1x512xf32> to vector<64x512xf32>
    %min3A_657 = vector.broadcast %broadcast_in_dim3A_51 : vector<64x1xf32> to vector<64x512xf32>
    %min3A_658 = arith.minimumf %min3A_656, %min3A_657 : vector<64x512xf32>
    %max3A_659 = vector.broadcast %slice3A_602 : vector<1x512xf32> to vector<64x512xf32>
    %max3A_660 = vector.broadcast %broadcast_in_dim3A_39 : vector<64x1xf32> to vector<64x512xf32>
    %max3A_661 = arith.maximumf %max3A_659, %max3A_660 : vector<64x512xf32>
    %sub3A_662 = arith.subf %min3A_658, %max3A_661 : vector<64x512xf32>
    %add3A_663 = arith.constant 1.000000e+00 : f32
    %add3A_664 = vector.broadcast %add3A_663 : f32 to vector<64x512xf32>
    %add3A_665 = arith.addf %sub3A_662, %add3A_664 : vector<64x512xf32>
    %min3A_666 = vector.broadcast %slice3A_605 : vector<1x512xf32> to vector<64x512xf32>
    %min3A_667 = vector.broadcast %broadcast_in_dim3A_57 : vector<64x1xf32> to vector<64x512xf32>
    %min3A_668 = arith.minimumf %min3A_666, %min3A_667 : vector<64x512xf32>
    %max3A_669 = vector.broadcast %slice3A_603 : vector<1x512xf32> to vector<64x512xf32>
    %max3A_670 = vector.broadcast %broadcast_in_dim3A_45 : vector<64x1xf32> to vector<64x512xf32>
    %max3A_671 = arith.maximumf %max3A_669, %max3A_670 : vector<64x512xf32>
    %sub3A_672 = arith.subf %min3A_668, %max3A_671 : vector<64x512xf32>
    %add3A_673 = arith.constant 1.000000e+00 : f32
    %add3A_674 = vector.broadcast %add3A_673 : f32 to vector<64x512xf32>
    %add3A_675 = arith.addf %sub3A_672, %add3A_674 : vector<64x512xf32>
    %jit3A_676 = arith.constant 0.000000e+00 : f32
    %max3A_677 = vector.broadcast %jit3A_676 : f32 to vector<64x512xf32>
    %max3A_678 = arith.maximumf %max3A_677, %add3A_665 : vector<64x512xf32>
    %jit3A_679 = arith.constant 0.000000e+00 : f32
    %max3A_680 = vector.broadcast %jit3A_679 : f32 to vector<64x512xf32>
    %max3A_681 = arith.maximumf %max3A_680, %add3A_675 : vector<64x512xf32>
    %mul3A_682 = arith.mulf %max3A_678, %max3A_681 : vector<64x512xf32>
    %add3A_683 = vector.broadcast %mul3A_623 : vector<1x512xf32> to vector<64x512xf32>
    %add3A_684 = vector.broadcast %mul3A_78 : vector<64x1xf32> to vector<64x512xf32>
    %add3A_685 = arith.addf %add3A_683, %add3A_684 : vector<64x512xf32>
    %sub3A_686 = arith.subf %add3A_685, %mul3A_682 : vector<64x512xf32>
    %div3A_687 = arith.divf %mul3A_682, %sub3A_686 : vector<64x512xf32>
    %mul3A_688 = arith.mulf %div3A_655, %div3A_687 : vector<64x512xf32>
    %jit3A_689 = arith.constant 0.000000e+00 : f32
    %broadcast_in_dim3A_690 = vector.shape_cast %gt3A_62 : vector<64x1xi1> to vector<64x1xi1>
    %broadcast_in_dim3A_691 = vector.broadcast %broadcast_in_dim3A_690 : vector<64x1xi1> to vector<64x512xi1>
    %broadcast_in_dim3A_692 = vector.broadcast %jit3A_689 : f32 to vector<64x512xf32>
    %select_n3A_693 = arith.select %broadcast_in_dim3A_691, %mul3A_688, %broadcast_in_dim3A_692 : vector<64x512xi1>, vector<64x512xf32>
    %swap3A_694 = arith.constant 0 : index
    %swap3A_695 = arith.constant 2560 : index
    %swap3A_696 = vector.load %arg7[%swap3A_694, %swap3A_695] : memref<256x5120xf32, #tpu.memory_space<vmem>>, vector<64x512xf32>
    tpu.vector_store %arg7[%swap3A_694, %swap3A_695], %select_n3A_693 {strides = array<i32>} : memref<256x5120xf32, #tpu.memory_space<vmem>>, vector<64x512xf32>,
    %get3A_697 = arith.constant 0 : index
    %get3A_698 = arith.constant 0 : index
    %get3A_699 = arith.constant 3072 : index
    %get3A_700 = vector.load %arg0[%get3A_697, %get3A_698, %get3A_699] : memref<4x8x5120xf32, #tpu.memory_space<vmem>>, vector<1x8x512xf32>
    %get3A_701 = vector.shape_cast %get3A_700 : vector<1x8x512xf32> to vector<8x512xf32>
    %slice3A_702 = vector.extract_strided_slice %get3A_701 {offsets = [0, 0], sizes = [1, 512], strides = [1, 1]} : vector<8x512xf32> to vector<1x512xf32>
    %slice3A_703 = vector.extract_strided_slice %get3A_701 {offsets = [1, 0], sizes = [1, 512], strides = [1, 1]} : vector<8x512xf32> to vector<1x512xf32>
    %slice3A_704 = vector.extract_strided_slice %get3A_701 {offsets = [2, 0], sizes = [1, 512], strides = [1, 1]} : vector<8x512xf32> to vector<1x512xf32>
    %slice3A_705 = vector.extract_strided_slice %get3A_701 {offsets = [3, 0], sizes = [1, 512], strides = [1, 1]} : vector<8x512xf32> to vector<1x512xf32>
    %slice3A_706 = vector.extract_strided_slice %get3A_701 {offsets = [4, 0], sizes = [1, 512], strides = [1, 1]} : vector<8x512xf32> to vector<1x512xf32>
    %slice3A_707 = vector.extract_strided_slice %get3A_701 {offsets = [5, 0], sizes = [1, 512], strides = [1, 1]} : vector<8x512xf32> to vector<1x512xf32>
    %slice3A_708 = vector.extract_strided_slice %get3A_701 {offsets = [6, 0], sizes = [1, 512], strides = [1, 1]} : vector<8x512xf32> to vector<1x512xf32>
    %slice3A_709 = vector.extract_strided_slice %get3A_701 {offsets = [7, 0], sizes = [1, 512], strides = [1, 1]} : vector<8x512xf32> to vector<1x512xf32>
    %sub3A_710 = arith.subf %slice3A_704, %slice3A_702 : vector<1x512xf32>
    %add3A_711 = arith.constant 1.000000e+00 : f32
    %add3A_712 = vector.broadcast %add3A_711 : f32 to vector<1x512xf32>
    %add3A_713 = arith.addf %sub3A_710, %add3A_712 : vector<1x512xf32>
    %sub3A_714 = arith.subf %slice3A_705, %slice3A_703 : vector<1x512xf32>
    %add3A_715 = arith.constant 1.000000e+00 : f32
    %add3A_716 = vector.broadcast %add3A_715 : f32 to vector<1x512xf32>
    %add3A_717 = arith.addf %sub3A_714, %add3A_716 : vector<1x512xf32>
    %mul3A_718 = arith.mulf %add3A_713, %add3A_717 : vector<1x512xf32>
    %sub3A_719 = arith.subf %slice3A_708, %slice3A_706 : vector<1x512xf32>
    %add3A_720 = arith.constant 1.000000e+00 : f32
    %add3A_721 = vector.broadcast %add3A_720 : f32 to vector<1x512xf32>
    %add3A_722 = arith.addf %sub3A_719, %add3A_721 : vector<1x512xf32>
    %sub3A_723 = arith.subf %slice3A_709, %slice3A_707 : vector<1x512xf32>
    %add3A_724 = arith.constant 1.000000e+00 : f32
    %add3A_725 = vector.broadcast %add3A_724 : f32 to vector<1x512xf32>
    %add3A_726 = arith.addf %sub3A_723, %add3A_725 : vector<1x512xf32>
    %mul3A_727 = arith.mulf %add3A_722, %add3A_726 : vector<1x512xf32>
    %min3A_728 = vector.broadcast %slice3A_704 : vector<1x512xf32> to vector<64x512xf32>
    %min3A_729 = vector.broadcast %broadcast_in_dim3A_27 : vector<64x1xf32> to vector<64x512xf32>
    %min3A_730 = arith.minimumf %min3A_728, %min3A_729 : vector<64x512xf32>
    %max3A_731 = vector.broadcast %slice3A_702 : vector<1x512xf32> to vector<64x512xf32>
    %max3A_732 = vector.broadcast %broadcast_in_dim3A : vector<64x1xf32> to vector<64x512xf32>
    %max3A_733 = arith.maximumf %max3A_731, %max3A_732 : vector<64x512xf32>
    %sub3A_734 = arith.subf %min3A_730, %max3A_733 : vector<64x512xf32>
    %add3A_735 = arith.constant 1.000000e+00 : f32
    %add3A_736 = vector.broadcast %add3A_735 : f32 to vector<64x512xf32>
    %add3A_737 = arith.addf %sub3A_734, %add3A_736 : vector<64x512xf32>
    %min3A_738 = vector.broadcast %slice3A_705 : vector<1x512xf32> to vector<64x512xf32>
    %min3A_739 = vector.broadcast %broadcast_in_dim3A_33 : vector<64x1xf32> to vector<64x512xf32>
    %min3A_740 = arith.minimumf %min3A_738, %min3A_739 : vector<64x512xf32>
    %max3A_741 = vector.broadcast %slice3A_703 : vector<1x512xf32> to vector<64x512xf32>
    %max3A_742 = vector.broadcast %broadcast_in_dim3A_21 : vector<64x1xf32> to vector<64x512xf32>
    %max3A_743 = arith.maximumf %max3A_741, %max3A_742 : vector<64x512xf32>
    %sub3A_744 = arith.subf %min3A_740, %max3A_743 : vector<64x512xf32>
    %add3A_745 = arith.constant 1.000000e+00 : f32
    %add3A_746 = vector.broadcast %add3A_745 : f32 to vector<64x512xf32>
    %add3A_747 = arith.addf %sub3A_744, %add3A_746 : vector<64x512xf32>
    %jit3A_748 = arith.constant 0.000000e+00 : f32
    %max3A_749 = vector.broadcast %jit3A_748 : f32 to vector<64x512xf32>
    %max3A_750 = arith.maximumf %max3A_749, %add3A_737 : vector<64x512xf32>
    %jit3A_751 = arith.constant 0.000000e+00 : f32
    %max3A_752 = vector.broadcast %jit3A_751 : f32 to vector<64x512xf32>
    %max3A_753 = arith.maximumf %max3A_752, %add3A_747 : vector<64x512xf32>
    %mul3A_754 = arith.mulf %max3A_750, %max3A_753 : vector<64x512xf32>
    %add3A_755 = vector.broadcast %mul3A_718 : vector<1x512xf32> to vector<64x512xf32>
    %add3A_756 = vector.broadcast %mul3A_69 : vector<64x1xf32> to vector<64x512xf32>
    %add3A_757 = arith.addf %add3A_755, %add3A_756 : vector<64x512xf32>
    %sub3A_758 = arith.subf %add3A_757, %mul3A_754 : vector<64x512xf32>
    %div3A_759 = arith.divf %mul3A_754, %sub3A_758 : vector<64x512xf32>
    %min3A_760 = vector.broadcast %slice3A_708 : vector<1x512xf32> to vector<64x512xf32>
    %min3A_761 = vector.broadcast %broadcast_in_dim3A_51 : vector<64x1xf32> to vector<64x512xf32>
    %min3A_762 = arith.minimumf %min3A_760, %min3A_761 : vector<64x512xf32>
    %max3A_763 = vector.broadcast %slice3A_706 : vector<1x512xf32> to vector<64x512xf32>
    %max3A_764 = vector.broadcast %broadcast_in_dim3A_39 : vector<64x1xf32> to vector<64x512xf32>
    %max3A_765 = arith.maximumf %max3A_763, %max3A_764 : vector<64x512xf32>
    %sub3A_766 = arith.subf %min3A_762, %max3A_765 : vector<64x512xf32>
    %add3A_767 = arith.constant 1.000000e+00 : f32
    %add3A_768 = vector.broadcast %add3A_767 : f32 to vector<64x512xf32>
    %add3A_769 = arith.addf %sub3A_766, %add3A_768 : vector<64x512xf32>
    %min3A_770 = vector.broadcast %slice3A_709 : vector<1x512xf32> to vector<64x512xf32>
    %min3A_771 = vector.broadcast %broadcast_in_dim3A_57 : vector<64x1xf32> to vector<64x512xf32>
    %min3A_772 = arith.minimumf %min3A_770, %min3A_771 : vector<64x512xf32>
    %max3A_773 = vector.broadcast %slice3A_707 : vector<1x512xf32> to vector<64x512xf32>
    %max3A_774 = vector.broadcast %broadcast_in_dim3A_45 : vector<64x1xf32> to vector<64x512xf32>
    %max3A_775 = arith.maximumf %max3A_773, %max3A_774 : vector<64x512xf32>
    %sub3A_776 = arith.subf %min3A_772, %max3A_775 : vector<64x512xf32>
    %add3A_777 = arith.constant 1.000000e+00 : f32
    %add3A_778 = vector.broadcast %add3A_777 : f32 to vector<64x512xf32>
    %add3A_779 = arith.addf %sub3A_776, %add3A_778 : vector<64x512xf32>
    %jit3A_780 = arith.constant 0.000000e+00 : f32
    %max3A_781 = vector.broadcast %jit3A_780 : f32 to vector<64x512xf32>
    %max3A_782 = arith.maximumf %max3A_781, %add3A_769 : vector<64x512xf32>
    %jit3A_783 = arith.constant 0.000000e+00 : f32
    %max3A_784 = vector.broadcast %jit3A_783 : f32 to vector<64x512xf32>
    %max3A_785 = arith.maximumf %max3A_784, %add3A_779 : vector<64x512xf32>
    %mul3A_786 = arith.mulf %max3A_782, %max3A_785 : vector<64x512xf32>
    %add3A_787 = vector.broadcast %mul3A_727 : vector<1x512xf32> to vector<64x512xf32>
    %add3A_788 = vector.broadcast %mul3A_78 : vector<64x1xf32> to vector<64x512xf32>
    %add3A_789 = arith.addf %add3A_787, %add3A_788 : vector<64x512xf32>
    %sub3A_790 = arith.subf %add3A_789, %mul3A_786 : vector<64x512xf32>
    %div3A_791 = arith.divf %mul3A_786, %sub3A_790 : vector<64x512xf32>
    %mul3A_792 = arith.mulf %div3A_759, %div3A_791 : vector<64x512xf32>
    %jit3A_793 = arith.constant 0.000000e+00 : f32
    %broadcast_in_dim3A_794 = vector.shape_cast %gt3A_62 : vector<64x1xi1> to vector<64x1xi1>
    %broadcast_in_dim3A_795 = vector.broadcast %broadcast_in_dim3A_794 : vector<64x1xi1> to vector<64x512xi1>
    %broadcast_in_dim3A_796 = vector.broadcast %jit3A_793 : f32 to vector<64x512xf32>
    %select_n3A_797 = arith.select %broadcast_in_dim3A_795, %mul3A_792, %broadcast_in_dim3A_796 : vector<64x512xi1>, vector<64x512xf32>
    %swap3A_798 = arith.constant 0 : index
    %swap3A_799 = arith.constant 3072 : index
    %swap3A_800 = vector.load %arg7[%swap3A_798, %swap3A_799] : memref<256x5120xf32, #tpu.memory_space<vmem>>, vector<64x512xf32>
    tpu.vector_store %arg7[%swap3A_798, %swap3A_799], %select_n3A_797 {strides = array<i32>} : memref<256x5120xf32, #tpu.memory_space<vmem>>, vector<64x512xf32>,
    %get3A_801 = arith.constant 0 : index
    %get3A_802 = arith.constant 0 : index
    %get3A_803 = arith.constant 3584 : index
    %get3A_804 = vector.load %arg0[%get3A_801, %get3A_802, %get3A_803] : memref<4x8x5120xf32, #tpu.memory_space<vmem>>, vector<1x8x512xf32>
    %get3A_805 = vector.shape_cast %get3A_804 : vector<1x8x512xf32> to vector<8x512xf32>
    %slice3A_806 = vector.extract_strided_slice %get3A_805 {offsets = [0, 0], sizes = [1, 512], strides = [1, 1]} : vector<8x512xf32> to vector<1x512xf32>
    %slice3A_807 = vector.extract_strided_slice %get3A_805 {offsets = [1, 0], sizes = [1, 512], strides = [1, 1]} : vector<8x512xf32> to vector<1x512xf32>
    %slice3A_808 = vector.extract_strided_slice %get3A_805 {offsets = [2, 0], sizes = [1, 512], strides = [1, 1]} : vector<8x512xf32> to vector<1x512xf32>
    %slice3A_809 = vector.extract_strided_slice %get3A_805 {offsets = [3, 0], sizes = [1, 512], strides = [1, 1]} : vector<8x512xf32> to vector<1x512xf32>
    %slice3A_810 = vector.extract_strided_slice %get3A_805 {offsets = [4, 0], sizes = [1, 512], strides = [1, 1]} : vector<8x512xf32> to vector<1x512xf32>
    %slice3A_811 = vector.extract_strided_slice %get3A_805 {offsets = [5, 0], sizes = [1, 512], strides = [1, 1]} : vector<8x512xf32> to vector<1x512xf32>
    %slice3A_812 = vector.extract_strided_slice %get3A_805 {offsets = [6, 0], sizes = [1, 512], strides = [1, 1]} : vector<8x512xf32> to vector<1x512xf32>
    %slice3A_813 = vector.extract_strided_slice %get3A_805 {offsets = [7, 0], sizes = [1, 512], strides = [1, 1]} : vector<8x512xf32> to vector<1x512xf32>
    %sub3A_814 = arith.subf %slice3A_808, %slice3A_806 : vector<1x512xf32>
    %add3A_815 = arith.constant 1.000000e+00 : f32
    %add3A_816 = vector.broadcast %add3A_815 : f32 to vector<1x512xf32>
    %add3A_817 = arith.addf %sub3A_814, %add3A_816 : vector<1x512xf32>
    %sub3A_818 = arith.subf %slice3A_809, %slice3A_807 : vector<1x512xf32>
    %add3A_819 = arith.constant 1.000000e+00 : f32
    %add3A_820 = vector.broadcast %add3A_819 : f32 to vector<1x512xf32>
    %add3A_821 = arith.addf %sub3A_818, %add3A_820 : vector<1x512xf32>
    %mul3A_822 = arith.mulf %add3A_817, %add3A_821 : vector<1x512xf32>
    %sub3A_823 = arith.subf %slice3A_812, %slice3A_810 : vector<1x512xf32>
    %add3A_824 = arith.constant 1.000000e+00 : f32
    %add3A_825 = vector.broadcast %add3A_824 : f32 to vector<1x512xf32>
    %add3A_826 = arith.addf %sub3A_823, %add3A_825 : vector<1x512xf32>
    %sub3A_827 = arith.subf %slice3A_813, %slice3A_811 : vector<1x512xf32>
    %add3A_828 = arith.constant 1.000000e+00 : f32
    %add3A_829 = vector.broadcast %add3A_828 : f32 to vector<1x512xf32>
    %add3A_830 = arith.addf %sub3A_827, %add3A_829 : vector<1x512xf32>
    %mul3A_831 = arith.mulf %add3A_826, %add3A_830 : vector<1x512xf32>
    %min3A_832 = vector.broadcast %slice3A_808 : vector<1x512xf32> to vector<64x512xf32>
    %min3A_833 = vector.broadcast %broadcast_in_dim3A_27 : vector<64x1xf32> to vector<64x512xf32>
    %min3A_834 = arith.minimumf %min3A_832, %min3A_833 : vector<64x512xf32>
    %max3A_835 = vector.broadcast %slice3A_806 : vector<1x512xf32> to vector<64x512xf32>
    %max3A_836 = vector.broadcast %broadcast_in_dim3A : vector<64x1xf32> to vector<64x512xf32>
    %max3A_837 = arith.maximumf %max3A_835, %max3A_836 : vector<64x512xf32>
    %sub3A_838 = arith.subf %min3A_834, %max3A_837 : vector<64x512xf32>
    %add3A_839 = arith.constant 1.000000e+00 : f32
    %add3A_840 = vector.broadcast %add3A_839 : f32 to vector<64x512xf32>
    %add3A_841 = arith.addf %sub3A_838, %add3A_840 : vector<64x512xf32>
    %min3A_842 = vector.broadcast %slice3A_809 : vector<1x512xf32> to vector<64x512xf32>
    %min3A_843 = vector.broadcast %broadcast_in_dim3A_33 : vector<64x1xf32> to vector<64x512xf32>
    %min3A_844 = arith.minimumf %min3A_842, %min3A_843 : vector<64x512xf32>
    %max3A_845 = vector.broadcast %slice3A_807 : vector<1x512xf32> to vector<64x512xf32>
    %max3A_846 = vector.broadcast %broadcast_in_dim3A_21 : vector<64x1xf32> to vector<64x512xf32>
    %max3A_847 = arith.maximumf %max3A_845, %max3A_846 : vector<64x512xf32>
    %sub3A_848 = arith.subf %min3A_844, %max3A_847 : vector<64x512xf32>
    %add3A_849 = arith.constant 1.000000e+00 : f32
    %add3A_850 = vector.broadcast %add3A_849 : f32 to vector<64x512xf32>
    %add3A_851 = arith.addf %sub3A_848, %add3A_850 : vector<64x512xf32>
    %jit3A_852 = arith.constant 0.000000e+00 : f32
    %max3A_853 = vector.broadcast %jit3A_852 : f32 to vector<64x512xf32>
    %max3A_854 = arith.maximumf %max3A_853, %add3A_841 : vector<64x512xf32>
    %jit3A_855 = arith.constant 0.000000e+00 : f32
    %max3A_856 = vector.broadcast %jit3A_855 : f32 to vector<64x512xf32>
    %max3A_857 = arith.maximumf %max3A_856, %add3A_851 : vector<64x512xf32>
    %mul3A_858 = arith.mulf %max3A_854, %max3A_857 : vector<64x512xf32>
    %add3A_859 = vector.broadcast %mul3A_822 : vector<1x512xf32> to vector<64x512xf32>
    %add3A_860 = vector.broadcast %mul3A_69 : vector<64x1xf32> to vector<64x512xf32>
    %add3A_861 = arith.addf %add3A_859, %add3A_860 : vector<64x512xf32>
    %sub3A_862 = arith.subf %add3A_861, %mul3A_858 : vector<64x512xf32>
    %div3A_863 = arith.divf %mul3A_858, %sub3A_862 : vector<64x512xf32>
    %min3A_864 = vector.broadcast %slice3A_812 : vector<1x512xf32> to vector<64x512xf32>
    %min3A_865 = vector.broadcast %broadcast_in_dim3A_51 : vector<64x1xf32> to vector<64x512xf32>
    %min3A_866 = arith.minimumf %min3A_864, %min3A_865 : vector<64x512xf32>
    %max3A_867 = vector.broadcast %slice3A_810 : vector<1x512xf32> to vector<64x512xf32>
    %max3A_868 = vector.broadcast %broadcast_in_dim3A_39 : vector<64x1xf32> to vector<64x512xf32>
    %max3A_869 = arith.maximumf %max3A_867, %max3A_868 : vector<64x512xf32>
    %sub3A_870 = arith.subf %min3A_866, %max3A_869 : vector<64x512xf32>
    %add3A_871 = arith.constant 1.000000e+00 : f32
    %add3A_872 = vector.broadcast %add3A_871 : f32 to vector<64x512xf32>
    %add3A_873 = arith.addf %sub3A_870, %add3A_872 : vector<64x512xf32>
    %min3A_874 = vector.broadcast %slice3A_813 : vector<1x512xf32> to vector<64x512xf32>
    %min3A_875 = vector.broadcast %broadcast_in_dim3A_57 : vector<64x1xf32> to vector<64x512xf32>
    %min3A_876 = arith.minimumf %min3A_874, %min3A_875 : vector<64x512xf32>
    %max3A_877 = vector.broadcast %slice3A_811 : vector<1x512xf32> to vector<64x512xf32>
    %max3A_878 = vector.broadcast %broadcast_in_dim3A_45 : vector<64x1xf32> to vector<64x512xf32>
    %max3A_879 = arith.maximumf %max3A_877, %max3A_878 : vector<64x512xf32>
    %sub3A_880 = arith.subf %min3A_876, %max3A_879 : vector<64x512xf32>
    %add3A_881 = arith.constant 1.000000e+00 : f32
    %add3A_882 = vector.broadcast %add3A_881 : f32 to vector<64x512xf32>
    %add3A_883 = arith.addf %sub3A_880, %add3A_882 : vector<64x512xf32>
    %jit3A_884 = arith.constant 0.000000e+00 : f32
    %max3A_885 = vector.broadcast %jit3A_884 : f32 to vector<64x512xf32>
    %max3A_886 = arith.maximumf %max3A_885, %add3A_873 : vector<64x512xf32>
    %jit3A_887 = arith.constant 0.000000e+00 : f32
    %max3A_888 = vector.broadcast %jit3A_887 : f32 to vector<64x512xf32>
    %max3A_889 = arith.maximumf %max3A_888, %add3A_883 : vector<64x512xf32>
    %mul3A_890 = arith.mulf %max3A_886, %max3A_889 : vector<64x512xf32>
    %add3A_891 = vector.broadcast %mul3A_831 : vector<1x512xf32> to vector<64x512xf32>
    %add3A_892 = vector.broadcast %mul3A_78 : vector<64x1xf32> to vector<64x512xf32>
    %add3A_893 = arith.addf %add3A_891, %add3A_892 : vector<64x512xf32>
    %sub3A_894 = arith.subf %add3A_893, %mul3A_890 : vector<64x512xf32>
    %div3A_895 = arith.divf %mul3A_890, %sub3A_894 : vector<64x512xf32>
    %mul3A_896 = arith.mulf %div3A_863, %div3A_895 : vector<64x512xf32>
    %jit3A_897 = arith.constant 0.000000e+00 : f32
    %broadcast_in_dim3A_898 = vector.shape_cast %gt3A_62 : vector<64x1xi1> to vector<64x1xi1>
    %broadcast_in_dim3A_899 = vector.broadcast %broadcast_in_dim3A_898 : vector<64x1xi1> to vector<64x512xi1>
    %broadcast_in_dim3A_900 = vector.broadcast %jit3A_897 : f32 to vector<64x512xf32>
    %select_n3A_901 = arith.select %broadcast_in_dim3A_899, %mul3A_896, %broadcast_in_dim3A_900 : vector<64x512xi1>, vector<64x512xf32>
    %swap3A_902 = arith.constant 0 : index
    %swap3A_903 = arith.constant 3584 : index
    %swap3A_904 = vector.load %arg7[%swap3A_902, %swap3A_903] : memref<256x5120xf32, #tpu.memory_space<vmem>>, vector<64x512xf32>
    tpu.vector_store %arg7[%swap3A_902, %swap3A_903], %select_n3A_901 {strides = array<i32>} : memref<256x5120xf32, #tpu.memory_space<vmem>>, vector<64x512xf32>,
    %get3A_905 = arith.constant 0 : index
    %get3A_906 = arith.constant 0 : index
    %get3A_907 = arith.constant 4096 : index
    %get3A_908 = vector.load %arg0[%get3A_905, %get3A_906, %get3A_907] : memref<4x8x5120xf32, #tpu.memory_space<vmem>>, vector<1x8x512xf32>
    %get3A_909 = vector.shape_cast %get3A_908 : vector<1x8x512xf32> to vector<8x512xf32>
    %slice3A_910 = vector.extract_strided_slice %get3A_909 {offsets = [0, 0], sizes = [1, 512], strides = [1, 1]} : vector<8x512xf32> to vector<1x512xf32>
    %slice3A_911 = vector.extract_strided_slice %get3A_909 {offsets = [1, 0], sizes = [1, 512], strides = [1, 1]} : vector<8x512xf32> to vector<1x512xf32>
    %slice3A_912 = vector.extract_strided_slice %get3A_909 {offsets = [2, 0], sizes = [1, 512], strides = [1, 1]} : vector<8x512xf32> to vector<1x512xf32>
    %slice3A_913 = vector.extract_strided_slice %get3A_909 {offsets = [3, 0], sizes = [1, 512], strides = [1, 1]} : vector<8x512xf32> to vector<1x512xf32>
    %slice3A_914 = vector.extract_strided_slice %get3A_909 {offsets = [4, 0], sizes = [1, 512], strides = [1, 1]} : vector<8x512xf32> to vector<1x512xf32>
    %slice3A_915 = vector.extract_strided_slice %get3A_909 {offsets = [5, 0], sizes = [1, 512], strides = [1, 1]} : vector<8x512xf32> to vector<1x512xf32>
    %slice3A_916 = vector.extract_strided_slice %get3A_909 {offsets = [6, 0], sizes = [1, 512], strides = [1, 1]} : vector<8x512xf32> to vector<1x512xf32>
    %slice3A_917 = vector.extract_strided_slice %get3A_909 {offsets = [7, 0], sizes = [1, 512], strides = [1, 1]} : vector<8x512xf32> to vector<1x512xf32>
    %sub3A_918 = arith.subf %slice3A_912, %slice3A_910 : vector<1x512xf32>
    %add3A_919 = arith.constant 1.000000e+00 : f32
    %add3A_920 = vector.broadcast %add3A_919 : f32 to vector<1x512xf32>
    %add3A_921 = arith.addf %sub3A_918, %add3A_920 : vector<1x512xf32>
    %sub3A_922 = arith.subf %slice3A_913, %slice3A_911 : vector<1x512xf32>
    %add3A_923 = arith.constant 1.000000e+00 : f32
    %add3A_924 = vector.broadcast %add3A_923 : f32 to vector<1x512xf32>
    %add3A_925 = arith.addf %sub3A_922, %add3A_924 : vector<1x512xf32>
    %mul3A_926 = arith.mulf %add3A_921, %add3A_925 : vector<1x512xf32>
    %sub3A_927 = arith.subf %slice3A_916, %slice3A_914 : vector<1x512xf32>
    %add3A_928 = arith.constant 1.000000e+00 : f32
    %add3A_929 = vector.broadcast %add3A_928 : f32 to vector<1x512xf32>
    %add3A_930 = arith.addf %sub3A_927, %add3A_929 : vector<1x512xf32>
    %sub3A_931 = arith.subf %slice3A_917, %slice3A_915 : vector<1x512xf32>
    %add3A_932 = arith.constant 1.000000e+00 : f32
    %add3A_933 = vector.broadcast %add3A_932 : f32 to vector<1x512xf32>
    %add3A_934 = arith.addf %sub3A_931, %add3A_933 : vector<1x512xf32>
    %mul3A_935 = arith.mulf %add3A_930, %add3A_934 : vector<1x512xf32>
    %min3A_936 = vector.broadcast %slice3A_912 : vector<1x512xf32> to vector<64x512xf32>
    %min3A_937 = vector.broadcast %broadcast_in_dim3A_27 : vector<64x1xf32> to vector<64x512xf32>
    %min3A_938 = arith.minimumf %min3A_936, %min3A_937 : vector<64x512xf32>
    %max3A_939 = vector.broadcast %slice3A_910 : vector<1x512xf32> to vector<64x512xf32>
    %max3A_940 = vector.broadcast %broadcast_in_dim3A : vector<64x1xf32> to vector<64x512xf32>
    %max3A_941 = arith.maximumf %max3A_939, %max3A_940 : vector<64x512xf32>
    %sub3A_942 = arith.subf %min3A_938, %max3A_941 : vector<64x512xf32>
    %add3A_943 = arith.constant 1.000000e+00 : f32
    %add3A_944 = vector.broadcast %add3A_943 : f32 to vector<64x512xf32>
    %add3A_945 = arith.addf %sub3A_942, %add3A_944 : vector<64x512xf32>
    %min3A_946 = vector.broadcast %slice3A_913 : vector<1x512xf32> to vector<64x512xf32>
    %min3A_947 = vector.broadcast %broadcast_in_dim3A_33 : vector<64x1xf32> to vector<64x512xf32>
    %min3A_948 = arith.minimumf %min3A_946, %min3A_947 : vector<64x512xf32>
    %max3A_949 = vector.broadcast %slice3A_911 : vector<1x512xf32> to vector<64x512xf32>
    %max3A_950 = vector.broadcast %broadcast_in_dim3A_21 : vector<64x1xf32> to vector<64x512xf32>
    %max3A_951 = arith.maximumf %max3A_949, %max3A_950 : vector<64x512xf32>
    %sub3A_952 = arith.subf %min3A_948, %max3A_951 : vector<64x512xf32>
    %add3A_953 = arith.constant 1.000000e+00 : f32
    %add3A_954 = vector.broadcast %add3A_953 : f32 to vector<64x512xf32>
    %add3A_955 = arith.addf %sub3A_952, %add3A_954 : vector<64x512xf32>
    %jit3A_956 = arith.constant 0.000000e+00 : f32
    %max3A_957 = vector.broadcast %jit3A_956 : f32 to vector<64x512xf32>
    %max3A_958 = arith.maximumf %max3A_957, %add3A_945 : vector<64x512xf32>
    %jit3A_959 = arith.constant 0.000000e+00 : f32
    %max3A_960 = vector.broadcast %jit3A_959 : f32 to vector<64x512xf32>
    %max3A_961 = arith.maximumf %max3A_960, %add3A_955 : vector<64x512xf32>
    %mul3A_962 = arith.mulf %max3A_958, %max3A_961 : vector<64x512xf32>
    %add3A_963 = vector.broadcast %mul3A_926 : vector<1x512xf32> to vector<64x512xf32>
    %add3A_964 = vector.broadcast %mul3A_69 : vector<64x1xf32> to vector<64x512xf32>
    %add3A_965 = arith.addf %add3A_963, %add3A_964 : vector<64x512xf32>
    %sub3A_966 = arith.subf %add3A_965, %mul3A_962 : vector<64x512xf32>
    %div3A_967 = arith.divf %mul3A_962, %sub3A_966 : vector<64x512xf32>
    %min3A_968 = vector.broadcast %slice3A_916 : vector<1x512xf32> to vector<64x512xf32>
    %min3A_969 = vector.broadcast %broadcast_in_dim3A_51 : vector<64x1xf32> to vector<64x512xf32>
    %min3A_970 = arith.minimumf %min3A_968, %min3A_969 : vector<64x512xf32>
    %max3A_971 = vector.broadcast %slice3A_914 : vector<1x512xf32> to vector<64x512xf32>
    %max3A_972 = vector.broadcast %broadcast_in_dim3A_39 : vector<64x1xf32> to vector<64x512xf32>
    %max3A_973 = arith.maximumf %max3A_971, %max3A_972 : vector<64x512xf32>
    %sub3A_974 = arith.subf %min3A_970, %max3A_973 : vector<64x512xf32>
    %add3A_975 = arith.constant 1.000000e+00 : f32
    %add3A_976 = vector.broadcast %add3A_975 : f32 to vector<64x512xf32>
    %add3A_977 = arith.addf %sub3A_974, %add3A_976 : vector<64x512xf32>
    %min3A_978 = vector.broadcast %slice3A_917 : vector<1x512xf32> to vector<64x512xf32>
    %min3A_979 = vector.broadcast %broadcast_in_dim3A_57 : vector<64x1xf32> to vector<64x512xf32>
    %min3A_980 = arith.minimumf %min3A_978, %min3A_979 : vector<64x512xf32>
    %max3A_981 = vector.broadcast %slice3A_915 : vector<1x512xf32> to vector<64x512xf32>
    %max3A_982 = vector.broadcast %broadcast_in_dim3A_45 : vector<64x1xf32> to vector<64x512xf32>
    %max3A_983 = arith.maximumf %max3A_981, %max3A_982 : vector<64x512xf32>
    %sub3A_984 = arith.subf %min3A_980, %max3A_983 : vector<64x512xf32>
    %add3A_985 = arith.constant 1.000000e+00 : f32
    %add3A_986 = vector.broadcast %add3A_985 : f32 to vector<64x512xf32>
    %add3A_987 = arith.addf %sub3A_984, %add3A_986 : vector<64x512xf32>
    %jit3A_988 = arith.constant 0.000000e+00 : f32
    %max3A_989 = vector.broadcast %jit3A_988 : f32 to vector<64x512xf32>
    %max3A_990 = arith.maximumf %max3A_989, %add3A_977 : vector<64x512xf32>
    %jit3A_991 = arith.constant 0.000000e+00 : f32
    %max3A_992 = vector.broadcast %jit3A_991 : f32 to vector<64x512xf32>
    %max3A_993 = arith.maximumf %max3A_992, %add3A_987 : vector<64x512xf32>
    %mul3A_994 = arith.mulf %max3A_990, %max3A_993 : vector<64x512xf32>
    %add3A_995 = vector.broadcast %mul3A_935 : vector<1x512xf32> to vector<64x512xf32>
    %add3A_996 = vector.broadcast %mul3A_78 : vector<64x1xf32> to vector<64x512xf32>
    %add3A_997 = arith.addf %add3A_995, %add3A_996 : vector<64x512xf32>
    %sub3A_998 = arith.subf %add3A_997, %mul3A_994 : vector<64x512xf32>
    %div3A_999 = arith.divf %mul3A_994, %sub3A_998 : vector<64x512xf32>
    %mul3A_1000 = arith.mulf %div3A_967, %div3A_999 : vector<64x512xf32>
    %jit3A_1001 = arith.constant 0.000000e+00 : f32
    %broadcast_in_dim3A_1002 = vector.shape_cast %gt3A_62 : vector<64x1xi1> to vector<64x1xi1>
    %broadcast_in_dim3A_1003 = vector.broadcast %broadcast_in_dim3A_1002 : vector<64x1xi1> to vector<64x512xi1>
    %broadcast_in_dim3A_1004 = vector.broadcast %jit3A_1001 : f32 to vector<64x512xf32>
    %select_n3A_1005 = arith.select %broadcast_in_dim3A_1003, %mul3A_1000, %broadcast_in_dim3A_1004 : vector<64x512xi1>, vector<64x512xf32>
    %swap3A_1006 = arith.constant 0 : index
    %swap3A_1007 = arith.constant 4096 : index
    %swap3A_1008 = vector.load %arg7[%swap3A_1006, %swap3A_1007] : memref<256x5120xf32, #tpu.memory_space<vmem>>, vector<64x512xf32>
    tpu.vector_store %arg7[%swap3A_1006, %swap3A_1007], %select_n3A_1005 {strides = array<i32>} : memref<256x5120xf32, #tpu.memory_space<vmem>>, vector<64x512xf32>,
    %get3A_1009 = arith.constant 0 : index
    %get3A_1010 = arith.constant 0 : index
    %get3A_1011 = arith.constant 4608 : index
    %get3A_1012 = vector.load %arg0[%get3A_1009, %get3A_1010, %get3A_1011] : memref<4x8x5120xf32, #tpu.memory_space<vmem>>, vector<1x8x512xf32>
    %get3A_1013 = vector.shape_cast %get3A_1012 : vector<1x8x512xf32> to vector<8x512xf32>
    %slice3A_1014 = vector.extract_strided_slice %get3A_1013 {offsets = [0, 0], sizes = [1, 512], strides = [1, 1]} : vector<8x512xf32> to vector<1x512xf32>
    %slice3A_1015 = vector.extract_strided_slice %get3A_1013 {offsets = [1, 0], sizes = [1, 512], strides = [1, 1]} : vector<8x512xf32> to vector<1x512xf32>
    %slice3A_1016 = vector.extract_strided_slice %get3A_1013 {offsets = [2, 0], sizes = [1, 512], strides = [1, 1]} : vector<8x512xf32> to vector<1x512xf32>
    %slice3A_1017 = vector.extract_strided_slice %get3A_1013 {offsets = [3, 0], sizes = [1, 512], strides = [1, 1]} : vector<8x512xf32> to vector<1x512xf32>
    %slice3A_1018 = vector.extract_strided_slice %get3A_1013 {offsets = [4, 0], sizes = [1, 512], strides = [1, 1]} : vector<8x512xf32> to vector<1x512xf32>
    %slice3A_1019 = vector.extract_strided_slice %get3A_1013 {offsets = [5, 0], sizes = [1, 512], strides = [1, 1]} : vector<8x512xf32> to vector<1x512xf32>
    %slice3A_1020 = vector.extract_strided_slice %get3A_1013 {offsets = [6, 0], sizes = [1, 512], strides = [1, 1]} : vector<8x512xf32> to vector<1x512xf32>
    %slice3A_1021 = vector.extract_strided_slice %get3A_1013 {offsets = [7, 0], sizes = [1, 512], strides = [1, 1]} : vector<8x512xf32> to vector<1x512xf32>
    %sub3A_1022 = arith.subf %slice3A_1016, %slice3A_1014 : vector<1x512xf32>
    %add3A_1023 = arith.constant 1.000000e+00 : f32
    %add3A_1024 = vector.broadcast %add3A_1023 : f32 to vector<1x512xf32>
    %add3A_1025 = arith.addf %sub3A_1022, %add3A_1024 : vector<1x512xf32>
    %sub3A_1026 = arith.subf %slice3A_1017, %slice3A_1015 : vector<1x512xf32>
    %add3A_1027 = arith.constant 1.000000e+00 : f32
    %add3A_1028 = vector.broadcast %add3A_1027 : f32 to vector<1x512xf32>
    %add3A_1029 = arith.addf %sub3A_1026, %add3A_1028 : vector<1x512xf32>
    %mul3A_1030 = arith.mulf %add3A_1025, %add3A_1029 : vector<1x512xf32>
    %sub3A_1031 = arith.subf %slice3A_1020, %slice3A_1018 : vector<1x512xf32>
    %add3A_1032 = arith.constant 1.000000e+00 : f32
    %add3A_1033 = vector.broadcast %add3A_1032 : f32 to vector<1x512xf32>
    %add3A_1034 = arith.addf %sub3A_1031, %add3A_1033 : vector<1x512xf32>
    %sub3A_1035 = arith.subf %slice3A_1021, %slice3A_1019 : vector<1x512xf32>
    %add3A_1036 = arith.constant 1.000000e+00 : f32
    %add3A_1037 = vector.broadcast %add3A_1036 : f32 to vector<1x512xf32>
    %add3A_1038 = arith.addf %sub3A_1035, %add3A_1037 : vector<1x512xf32>
    %mul3A_1039 = arith.mulf %add3A_1034, %add3A_1038 : vector<1x512xf32>
    %min3A_1040 = vector.broadcast %slice3A_1016 : vector<1x512xf32> to vector<64x512xf32>
    %min3A_1041 = vector.broadcast %broadcast_in_dim3A_27 : vector<64x1xf32> to vector<64x512xf32>
    %min3A_1042 = arith.minimumf %min3A_1040, %min3A_1041 : vector<64x512xf32>
    %max3A_1043 = vector.broadcast %slice3A_1014 : vector<1x512xf32> to vector<64x512xf32>
    %max3A_1044 = vector.broadcast %broadcast_in_dim3A : vector<64x1xf32> to vector<64x512xf32>
    %max3A_1045 = arith.maximumf %max3A_1043, %max3A_1044 : vector<64x512xf32>
    %sub3A_1046 = arith.subf %min3A_1042, %max3A_1045 : vector<64x512xf32>
    %add3A_1047 = arith.constant 1.000000e+00 : f32
    %add3A_1048 = vector.broadcast %add3A_1047 : f32 to vector<64x512xf32>
    %add3A_1049 = arith.addf %sub3A_1046, %add3A_1048 : vector<64x512xf32>
    %min3A_1050 = vector.broadcast %slice3A_1017 : vector<1x512xf32> to vector<64x512xf32>
    %min3A_1051 = vector.broadcast %broadcast_in_dim3A_33 : vector<64x1xf32> to vector<64x512xf32>
    %min3A_1052 = arith.minimumf %min3A_1050, %min3A_1051 : vector<64x512xf32>
    %max3A_1053 = vector.broadcast %slice3A_1015 : vector<1x512xf32> to vector<64x512xf32>
    %max3A_1054 = vector.broadcast %broadcast_in_dim3A_21 : vector<64x1xf32> to vector<64x512xf32>
    %max3A_1055 = arith.maximumf %max3A_1053, %max3A_1054 : vector<64x512xf32>
    %sub3A_1056 = arith.subf %min3A_1052, %max3A_1055 : vector<64x512xf32>
    %add3A_1057 = arith.constant 1.000000e+00 : f32
    %add3A_1058 = vector.broadcast %add3A_1057 : f32 to vector<64x512xf32>
    %add3A_1059 = arith.addf %sub3A_1056, %add3A_1058 : vector<64x512xf32>
    %jit3A_1060 = arith.constant 0.000000e+00 : f32
    %max3A_1061 = vector.broadcast %jit3A_1060 : f32 to vector<64x512xf32>
    %max3A_1062 = arith.maximumf %max3A_1061, %add3A_1049 : vector<64x512xf32>
    %jit3A_1063 = arith.constant 0.000000e+00 : f32
    %max3A_1064 = vector.broadcast %jit3A_1063 : f32 to vector<64x512xf32>
    %max3A_1065 = arith.maximumf %max3A_1064, %add3A_1059 : vector<64x512xf32>
    %mul3A_1066 = arith.mulf %max3A_1062, %max3A_1065 : vector<64x512xf32>
    %add3A_1067 = vector.broadcast %mul3A_1030 : vector<1x512xf32> to vector<64x512xf32>
    %add3A_1068 = vector.broadcast %mul3A_69 : vector<64x1xf32> to vector<64x512xf32>
    %add3A_1069 = arith.addf %add3A_1067, %add3A_1068 : vector<64x512xf32>
    %sub3A_1070 = arith.subf %add3A_1069, %mul3A_1066 : vector<64x512xf32>
    %div3A_1071 = arith.divf %mul3A_1066, %sub3A_1070 : vector<64x512xf32>
    %min3A_1072 = vector.broadcast %slice3A_1020 : vector<1x512xf32> to vector<64x512xf32>
    %min3A_1073 = vector.broadcast %broadcast_in_dim3A_51 : vector<64x1xf32> to vector<64x512xf32>
    %min3A_1074 = arith.minimumf %min3A_1072, %min3A_1073 : vector<64x512xf32>
    %max3A_1075 = vector.broadcast %slice3A_1018 : vector<1x512xf32> to vector<64x512xf32>
    %max3A_1076 = vector.broadcast %broadcast_in_dim3A_39 : vector<64x1xf32> to vector<64x512xf32>
    %max3A_1077 = arith.maximumf %max3A_1075, %max3A_1076 : vector<64x512xf32>
    %sub3A_1078 = arith.subf %min3A_1074, %max3A_1077 : vector<64x512xf32>
    %add3A_1079 = arith.constant 1.000000e+00 : f32
    %add3A_1080 = vector.broadcast %add3A_1079 : f32 to vector<64x512xf32>
    %add3A_1081 = arith.addf %sub3A_1078, %add3A_1080 : vector<64x512xf32>
    %min3A_1082 = vector.broadcast %slice3A_1021 : vector<1x512xf32> to vector<64x512xf32>
    %min3A_1083 = vector.broadcast %broadcast_in_dim3A_57 : vector<64x1xf32> to vector<64x512xf32>
    %min3A_1084 = arith.minimumf %min3A_1082, %min3A_1083 : vector<64x512xf32>
    %max3A_1085 = vector.broadcast %slice3A_1019 : vector<1x512xf32> to vector<64x512xf32>
    %max3A_1086 = vector.broadcast %broadcast_in_dim3A_45 : vector<64x1xf32> to vector<64x512xf32>
    %max3A_1087 = arith.maximumf %max3A_1085, %max3A_1086 : vector<64x512xf32>
    %sub3A_1088 = arith.subf %min3A_1084, %max3A_1087 : vector<64x512xf32>
    %add3A_1089 = arith.constant 1.000000e+00 : f32
    %add3A_1090 = vector.broadcast %add3A_1089 : f32 to vector<64x512xf32>
    %add3A_1091 = arith.addf %sub3A_1088, %add3A_1090 : vector<64x512xf32>
    %jit3A_1092 = arith.constant 0.000000e+00 : f32
    %max3A_1093 = vector.broadcast %jit3A_1092 : f32 to vector<64x512xf32>
    %max3A_1094 = arith.maximumf %max3A_1093, %add3A_1081 : vector<64x512xf32>
    %jit3A_1095 = arith.constant 0.000000e+00 : f32
    %max3A_1096 = vector.broadcast %jit3A_1095 : f32 to vector<64x512xf32>
    %max3A_1097 = arith.maximumf %max3A_1096, %add3A_1091 : vector<64x512xf32>
    %mul3A_1098 = arith.mulf %max3A_1094, %max3A_1097 : vector<64x512xf32>
    %add3A_1099 = vector.broadcast %mul3A_1039 : vector<1x512xf32> to vector<64x512xf32>
    %add3A_1100 = vector.broadcast %mul3A_78 : vector<64x1xf32> to vector<64x512xf32>
    %add3A_1101 = arith.addf %add3A_1099, %add3A_1100 : vector<64x512xf32>
    %sub3A_1102 = arith.subf %add3A_1101, %mul3A_1098 : vector<64x512xf32>
    %div3A_1103 = arith.divf %mul3A_1098, %sub3A_1102 : vector<64x512xf32>
    %mul3A_1104 = arith.mulf %div3A_1071, %div3A_1103 : vector<64x512xf32>
    %jit3A_1105 = arith.constant 0.000000e+00 : f32
    %broadcast_in_dim3A_1106 = vector.shape_cast %gt3A_62 : vector<64x1xi1> to vector<64x1xi1>
    %broadcast_in_dim3A_1107 = vector.broadcast %broadcast_in_dim3A_1106 : vector<64x1xi1> to vector<64x512xi1>
    %broadcast_in_dim3A_1108 = vector.broadcast %jit3A_1105 : f32 to vector<64x512xf32>
    %select_n3A_1109 = arith.select %broadcast_in_dim3A_1107, %mul3A_1104, %broadcast_in_dim3A_1108 : vector<64x512xi1>, vector<64x512xf32>
    %swap3A_1110 = arith.constant 0 : index
    %swap3A_1111 = arith.constant 4608 : index
    %swap3A_1112 = vector.load %arg7[%swap3A_1110, %swap3A_1111] : memref<256x5120xf32, #tpu.memory_space<vmem>>, vector<64x512xf32>
    tpu.vector_store %arg7[%swap3A_1110, %swap3A_1111], %select_n3A_1109 {strides = array<i32>} : memref<256x5120xf32, #tpu.memory_space<vmem>>, vector<64x512xf32>,
    %get3A_1113 = arith.constant 1 : index
    %get3A_1114 = arith.constant 0 : index
    %get3A_1115 = arith.constant 0 : index
    %get3A_1116 = vector.load %arg2[%get3A_1113, %get3A_1114, %get3A_1115] : memref<4x64x128xf32, #tpu.memory_space<vmem>>, vector<1x64x128xf32>
    %get3A_1117 = vector.shape_cast %get3A_1116 : vector<1x64x128xf32> to vector<64x128xf32>
    %get3A_1118 = arith.constant 1 : index
    %get3A_1119 = arith.constant 0 : index
    %get3A_1120 = arith.constant 0 : index
    %get3A_1121 = vector.load %arg3[%get3A_1118, %get3A_1119, %get3A_1120] : memref<4x64x128xf32, #tpu.memory_space<vmem>>, vector<1x64x128xf32>
    %get3A_1122 = vector.shape_cast %get3A_1121 : vector<1x64x128xf32> to vector<64x128xf32>
    %get3A_1123 = arith.constant 1 : index
    %get3A_1124 = arith.constant 0 : index
    %get3A_1125 = arith.constant 0 : index
    %get3A_1126 = vector.load %arg1[%get3A_1123, %get3A_1124, %get3A_1125] : memref<4x8x128xf32, #tpu.memory_space<vmem>>, vector<1x8x128xf32>
    %get3A_1127 = vector.shape_cast %get3A_1126 : vector<1x8x128xf32> to vector<8x128xf32>
    %slice3A_1128 = vector.extract_strided_slice %get3A_1127 {offsets = [0, 0], sizes = [1, 128], strides = [1, 1]} : vector<8x128xf32> to vector<1x128xf32>
    %mul3A_1129 = vector.broadcast %slice3A_1128 : vector<1x128xf32> to vector<64x128xf32>
    %mul3A_1130 = arith.mulf %get3A_1117, %mul3A_1129 : vector<64x128xf32>
    %reduce_sum3A_1131 = arith.constant dense<0.000000e+00> : vector<64xf32>
    %reduce_sum3A_1132 = vector.multi_reduction <add>, %mul3A_1130, %reduce_sum3A_1131 [1] : vector<64x128xf32> to vector<64xf32>
    %broadcast_in_dim3A_1133 = vector.shape_cast %reduce_sum3A_1132 : vector<64xf32> to vector<64x1xf32>
    %slice3A_1134 = vector.extract_strided_slice %get3A_1127 {offsets = [1, 0], sizes = [1, 128], strides = [1, 1]} : vector<8x128xf32> to vector<1x128xf32>
    %mul3A_1135 = vector.broadcast %slice3A_1134 : vector<1x128xf32> to vector<64x128xf32>
    %mul3A_1136 = arith.mulf %get3A_1117, %mul3A_1135 : vector<64x128xf32>
    %reduce_sum3A_1137 = arith.constant dense<0.000000e+00> : vector<64xf32>
    %reduce_sum3A_1138 = vector.multi_reduction <add>, %mul3A_1136, %reduce_sum3A_1137 [1] : vector<64x128xf32> to vector<64xf32>
    %broadcast_in_dim3A_1139 = vector.shape_cast %reduce_sum3A_1138 : vector<64xf32> to vector<64x1xf32>
    %slice3A_1140 = vector.extract_strided_slice %get3A_1127 {offsets = [2, 0], sizes = [1, 128], strides = [1, 1]} : vector<8x128xf32> to vector<1x128xf32>
    %mul3A_1141 = vector.broadcast %slice3A_1140 : vector<1x128xf32> to vector<64x128xf32>
    %mul3A_1142 = arith.mulf %get3A_1117, %mul3A_1141 : vector<64x128xf32>
    %reduce_sum3A_1143 = arith.constant dense<0.000000e+00> : vector<64xf32>
    %reduce_sum3A_1144 = vector.multi_reduction <add>, %mul3A_1142, %reduce_sum3A_1143 [1] : vector<64x128xf32> to vector<64xf32>
    %broadcast_in_dim3A_1145 = vector.shape_cast %reduce_sum3A_1144 : vector<64xf32> to vector<64x1xf32>
    %slice3A_1146 = vector.extract_strided_slice %get3A_1127 {offsets = [3, 0], sizes = [1, 128], strides = [1, 1]} : vector<8x128xf32> to vector<1x128xf32>
    %mul3A_1147 = vector.broadcast %slice3A_1146 : vector<1x128xf32> to vector<64x128xf32>
    %mul3A_1148 = arith.mulf %get3A_1117, %mul3A_1147 : vector<64x128xf32>
    %reduce_sum3A_1149 = arith.constant dense<0.000000e+00> : vector<64xf32>
    %reduce_sum3A_1150 = vector.multi_reduction <add>, %mul3A_1148, %reduce_sum3A_1149 [1] : vector<64x128xf32> to vector<64xf32>
    %broadcast_in_dim3A_1151 = vector.shape_cast %reduce_sum3A_1150 : vector<64xf32> to vector<64x1xf32>
    %slice3A_1152 = vector.extract_strided_slice %get3A_1127 {offsets = [0, 0], sizes = [1, 128], strides = [1, 1]} : vector<8x128xf32> to vector<1x128xf32>
    %mul3A_1153 = vector.broadcast %slice3A_1152 : vector<1x128xf32> to vector<64x128xf32>
    %mul3A_1154 = arith.mulf %get3A_1122, %mul3A_1153 : vector<64x128xf32>
    %reduce_sum3A_1155 = arith.constant dense<0.000000e+00> : vector<64xf32>
    %reduce_sum3A_1156 = vector.multi_reduction <add>, %mul3A_1154, %reduce_sum3A_1155 [1] : vector<64x128xf32> to vector<64xf32>
    %broadcast_in_dim3A_1157 = vector.shape_cast %reduce_sum3A_1156 : vector<64xf32> to vector<64x1xf32>
    %slice3A_1158 = vector.extract_strided_slice %get3A_1127 {offsets = [1, 0], sizes = [1, 128], strides = [1, 1]} : vector<8x128xf32> to vector<1x128xf32>
    %mul3A_1159 = vector.broadcast %slice3A_1158 : vector<1x128xf32> to vector<64x128xf32>
    %mul3A_1160 = arith.mulf %get3A_1122, %mul3A_1159 : vector<64x128xf32>
    %reduce_sum3A_1161 = arith.constant dense<0.000000e+00> : vector<64xf32>
    %reduce_sum3A_1162 = vector.multi_reduction <add>, %mul3A_1160, %reduce_sum3A_1161 [1] : vector<64x128xf32> to vector<64xf32>
    %broadcast_in_dim3A_1163 = vector.shape_cast %reduce_sum3A_1162 : vector<64xf32> to vector<64x1xf32>
    %slice3A_1164 = vector.extract_strided_slice %get3A_1127 {offsets = [2, 0], sizes = [1, 128], strides = [1, 1]} : vector<8x128xf32> to vector<1x128xf32>
    %mul3A_1165 = vector.broadcast %slice3A_1164 : vector<1x128xf32> to vector<64x128xf32>
    %mul3A_1166 = arith.mulf %get3A_1122, %mul3A_1165 : vector<64x128xf32>
    %reduce_sum3A_1167 = arith.constant dense<0.000000e+00> : vector<64xf32>
    %reduce_sum3A_1168 = vector.multi_reduction <add>, %mul3A_1166, %reduce_sum3A_1167 [1] : vector<64x128xf32> to vector<64xf32>
    %broadcast_in_dim3A_1169 = vector.shape_cast %reduce_sum3A_1168 : vector<64xf32> to vector<64x1xf32>
    %slice3A_1170 = vector.extract_strided_slice %get3A_1127 {offsets = [3, 0], sizes = [1, 128], strides = [1, 1]} : vector<8x128xf32> to vector<1x128xf32>
    %mul3A_1171 = vector.broadcast %slice3A_1170 : vector<1x128xf32> to vector<64x128xf32>
    %mul3A_1172 = arith.mulf %get3A_1122, %mul3A_1171 : vector<64x128xf32>
    %reduce_sum3A_1173 = arith.constant dense<0.000000e+00> : vector<64xf32>
    %reduce_sum3A_1174 = vector.multi_reduction <add>, %mul3A_1172, %reduce_sum3A_1173 [1] : vector<64x128xf32> to vector<64xf32>
    %broadcast_in_dim3A_1175 = vector.shape_cast %reduce_sum3A_1174 : vector<64xf32> to vector<64x1xf32>
    %reduce_sum3A_1176 = arith.constant dense<0.000000e+00> : vector<64xf32>
    %reduce_sum3A_1177 = vector.multi_reduction <add>, %get3A_1117, %reduce_sum3A_1176 [1] : vector<64x128xf32> to vector<64xf32>
    %broadcast_in_dim3A_1178 = vector.shape_cast %reduce_sum3A_1177 : vector<64xf32> to vector<64x1xf32>
    %gt3A_1179 = arith.constant 0.000000e+00 : f32
    %gt3A_1180 = vector.broadcast %gt3A_1179 : f32 to vector<64x1xf32>
    %gt3A_1181 = arith.cmpf ogt, %broadcast_in_dim3A_1178, %gt3A_1180 : vector<64x1xf32>
    %sub3A_1182 = arith.subf %broadcast_in_dim3A_1145, %broadcast_in_dim3A_1133 : vector<64x1xf32>
    %add3A_1183 = arith.constant 1.000000e+00 : f32
    %add3A_1184 = vector.broadcast %add3A_1183 : f32 to vector<64x1xf32>
    %add3A_1185 = arith.addf %sub3A_1182, %add3A_1184 : vector<64x1xf32>
    %sub3A_1186 = arith.subf %broadcast_in_dim3A_1151, %broadcast_in_dim3A_1139 : vector<64x1xf32>
    %add3A_1187 = arith.constant 1.000000e+00 : f32
    %add3A_1188 = vector.broadcast %add3A_1187 : f32 to vector<64x1xf32>
    %add3A_1189 = arith.addf %sub3A_1186, %add3A_1188 : vector<64x1xf32>
    %mul3A_1190 = arith.mulf %add3A_1185, %add3A_1189 : vector<64x1xf32>
    %sub3A_1191 = arith.subf %broadcast_in_dim3A_1169, %broadcast_in_dim3A_1157 : vector<64x1xf32>
    %add3A_1192 = arith.constant 1.000000e+00 : f32
    %add3A_1193 = vector.broadcast %add3A_1192 : f32 to vector<64x1xf32>
    %add3A_1194 = arith.addf %sub3A_1191, %add3A_1193 : vector<64x1xf32>
    %sub3A_1195 = arith.subf %broadcast_in_dim3A_1175, %broadcast_in_dim3A_1163 : vector<64x1xf32>
    %add3A_1196 = arith.constant 1.000000e+00 : f32
    %add3A_1197 = vector.broadcast %add3A_1196 : f32 to vector<64x1xf32>
    %add3A_1198 = arith.addf %sub3A_1195, %add3A_1197 : vector<64x1xf32>
    %mul3A_1199 = arith.mulf %add3A_1194, %add3A_1198 : vector<64x1xf32>
    %get3A_1200 = arith.constant 1 : index
    %get3A_1201 = arith.constant 0 : index
    %get3A_1202 = arith.constant 0 : index
    %get3A_1203 = vector.load %arg0[%get3A_1200, %get3A_1201, %get3A_1202] : memref<4x8x5120xf32, #tpu.memory_space<vmem>>, vector<1x8x512xf32>
    %get3A_1204 = vector.shape_cast %get3A_1203 : vector<1x8x512xf32> to vector<8x512xf32>
    %slice3A_1205 = vector.extract_strided_slice %get3A_1204 {offsets = [0, 0], sizes = [1, 512], strides = [1, 1]} : vector<8x512xf32> to vector<1x512xf32>
    %slice3A_1206 = vector.extract_strided_slice %get3A_1204 {offsets = [1, 0], sizes = [1, 512], strides = [1, 1]} : vector<8x512xf32> to vector<1x512xf32>
    %slice3A_1207 = vector.extract_strided_slice %get3A_1204 {offsets = [2, 0], sizes = [1, 512], strides = [1, 1]} : vector<8x512xf32> to vector<1x512xf32>
    %slice3A_1208 = vector.extract_strided_slice %get3A_1204 {offsets = [3, 0], sizes = [1, 512], strides = [1, 1]} : vector<8x512xf32> to vector<1x512xf32>
    %slice3A_1209 = vector.extract_strided_slice %get3A_1204 {offsets = [4, 0], sizes = [1, 512], strides = [1, 1]} : vector<8x512xf32> to vector<1x512xf32>
    %slice3A_1210 = vector.extract_strided_slice %get3A_1204 {offsets = [5, 0], sizes = [1, 512], strides = [1, 1]} : vector<8x512xf32> to vector<1x512xf32>
    %slice3A_1211 = vector.extract_strided_slice %get3A_1204 {offsets = [6, 0], sizes = [1, 512], strides = [1, 1]} : vector<8x512xf32> to vector<1x512xf32>
    %slice3A_1212 = vector.extract_strided_slice %get3A_1204 {offsets = [7, 0], sizes = [1, 512], strides = [1, 1]} : vector<8x512xf32> to vector<1x512xf32>
    %sub3A_1213 = arith.subf %slice3A_1207, %slice3A_1205 : vector<1x512xf32>
    %add3A_1214 = arith.constant 1.000000e+00 : f32
    %add3A_1215 = vector.broadcast %add3A_1214 : f32 to vector<1x512xf32>
    %add3A_1216 = arith.addf %sub3A_1213, %add3A_1215 : vector<1x512xf32>
    %sub3A_1217 = arith.subf %slice3A_1208, %slice3A_1206 : vector<1x512xf32>
    %add3A_1218 = arith.constant 1.000000e+00 : f32
    %add3A_1219 = vector.broadcast %add3A_1218 : f32 to vector<1x512xf32>
    %add3A_1220 = arith.addf %sub3A_1217, %add3A_1219 : vector<1x512xf32>
    %mul3A_1221 = arith.mulf %add3A_1216, %add3A_1220 : vector<1x512xf32>
    %sub3A_1222 = arith.subf %slice3A_1211, %slice3A_1209 : vector<1x512xf32>
    %add3A_1223 = arith.constant 1.000000e+00 : f32
    %add3A_1224 = vector.broadcast %add3A_1223 : f32 to vector<1x512xf32>
    %add3A_1225 = arith.addf %sub3A_1222, %add3A_1224 : vector<1x512xf32>
    %sub3A_1226 = arith.subf %slice3A_1212, %slice3A_1210 : vector<1x512xf32>
    %add3A_1227 = arith.constant 1.000000e+00 : f32
    %add3A_1228 = vector.broadcast %add3A_1227 : f32 to vector<1x512xf32>
    %add3A_1229 = arith.addf %sub3A_1226, %add3A_1228 : vector<1x512xf32>
    %mul3A_1230 = arith.mulf %add3A_1225, %add3A_1229 : vector<1x512xf32>
    %min3A_1231 = vector.broadcast %slice3A_1207 : vector<1x512xf32> to vector<64x512xf32>
    %min3A_1232 = vector.broadcast %broadcast_in_dim3A_1145 : vector<64x1xf32> to vector<64x512xf32>
    %min3A_1233 = arith.minimumf %min3A_1231, %min3A_1232 : vector<64x512xf32>
    %max3A_1234 = vector.broadcast %slice3A_1205 : vector<1x512xf32> to vector<64x512xf32>
    %max3A_1235 = vector.broadcast %broadcast_in_dim3A_1133 : vector<64x1xf32> to vector<64x512xf32>
    %max3A_1236 = arith.maximumf %max3A_1234, %max3A_1235 : vector<64x512xf32>
    %sub3A_1237 = arith.subf %min3A_1233, %max3A_1236 : vector<64x512xf32>
    %add3A_1238 = arith.constant 1.000000e+00 : f32
    %add3A_1239 = vector.broadcast %add3A_1238 : f32 to vector<64x512xf32>
    %add3A_1240 = arith.addf %sub3A_1237, %add3A_1239 : vector<64x512xf32>
    %min3A_1241 = vector.broadcast %slice3A_1208 : vector<1x512xf32> to vector<64x512xf32>
    %min3A_1242 = vector.broadcast %broadcast_in_dim3A_1151 : vector<64x1xf32> to vector<64x512xf32>
    %min3A_1243 = arith.minimumf %min3A_1241, %min3A_1242 : vector<64x512xf32>
    %max3A_1244 = vector.broadcast %slice3A_1206 : vector<1x512xf32> to vector<64x512xf32>
    %max3A_1245 = vector.broadcast %broadcast_in_dim3A_1139 : vector<64x1xf32> to vector<64x512xf32>
    %max3A_1246 = arith.maximumf %max3A_1244, %max3A_1245 : vector<64x512xf32>
    %sub3A_1247 = arith.subf %min3A_1243, %max3A_1246 : vector<64x512xf32>
    %add3A_1248 = arith.constant 1.000000e+00 : f32
    %add3A_1249 = vector.broadcast %add3A_1248 : f32 to vector<64x512xf32>
    %add3A_1250 = arith.addf %sub3A_1247, %add3A_1249 : vector<64x512xf32>
    %jit3A_1251 = arith.constant 0.000000e+00 : f32
    %max3A_1252 = vector.broadcast %jit3A_1251 : f32 to vector<64x512xf32>
    %max3A_1253 = arith.maximumf %max3A_1252, %add3A_1240 : vector<64x512xf32>
    %jit3A_1254 = arith.constant 0.000000e+00 : f32
    %max3A_1255 = vector.broadcast %jit3A_1254 : f32 to vector<64x512xf32>
    %max3A_1256 = arith.maximumf %max3A_1255, %add3A_1250 : vector<64x512xf32>
    %mul3A_1257 = arith.mulf %max3A_1253, %max3A_1256 : vector<64x512xf32>
    %add3A_1258 = vector.broadcast %mul3A_1221 : vector<1x512xf32> to vector<64x512xf32>
    %add3A_1259 = vector.broadcast %mul3A_1190 : vector<64x1xf32> to vector<64x512xf32>
    %add3A_1260 = arith.addf %add3A_1258, %add3A_1259 : vector<64x512xf32>
    %sub3A_1261 = arith.subf %add3A_1260, %mul3A_1257 : vector<64x512xf32>
    %div3A_1262 = arith.divf %mul3A_1257, %sub3A_1261 : vector<64x512xf32>
    %min3A_1263 = vector.broadcast %slice3A_1211 : vector<1x512xf32> to vector<64x512xf32>
    %min3A_1264 = vector.broadcast %broadcast_in_dim3A_1169 : vector<64x1xf32> to vector<64x512xf32>
    %min3A_1265 = arith.minimumf %min3A_1263, %min3A_1264 : vector<64x512xf32>
    %max3A_1266 = vector.broadcast %slice3A_1209 : vector<1x512xf32> to vector<64x512xf32>
    %max3A_1267 = vector.broadcast %broadcast_in_dim3A_1157 : vector<64x1xf32> to vector<64x512xf32>
    %max3A_1268 = arith.maximumf %max3A_1266, %max3A_1267 : vector<64x512xf32>
    %sub3A_1269 = arith.subf %min3A_1265, %max3A_1268 : vector<64x512xf32>
    %add3A_1270 = arith.constant 1.000000e+00 : f32
    %add3A_1271 = vector.broadcast %add3A_1270 : f32 to vector<64x512xf32>
    %add3A_1272 = arith.addf %sub3A_1269, %add3A_1271 : vector<64x512xf32>
    %min3A_1273 = vector.broadcast %slice3A_1212 : vector<1x512xf32> to vector<64x512xf32>
    %min3A_1274 = vector.broadcast %broadcast_in_dim3A_1175 : vector<64x1xf32> to vector<64x512xf32>
    %min3A_1275 = arith.minimumf %min3A_1273, %min3A_1274 : vector<64x512xf32>
    %max3A_1276 = vector.broadcast %slice3A_1210 : vector<1x512xf32> to vector<64x512xf32>
    %max3A_1277 = vector.broadcast %broadcast_in_dim3A_1163 : vector<64x1xf32> to vector<64x512xf32>
    %max3A_1278 = arith.maximumf %max3A_1276, %max3A_1277 : vector<64x512xf32>
    %sub3A_1279 = arith.subf %min3A_1275, %max3A_1278 : vector<64x512xf32>
    %add3A_1280 = arith.constant 1.000000e+00 : f32
    %add3A_1281 = vector.broadcast %add3A_1280 : f32 to vector<64x512xf32>
    %add3A_1282 = arith.addf %sub3A_1279, %add3A_1281 : vector<64x512xf32>
    %jit3A_1283 = arith.constant 0.000000e+00 : f32
    %max3A_1284 = vector.broadcast %jit3A_1283 : f32 to vector<64x512xf32>
    %max3A_1285 = arith.maximumf %max3A_1284, %add3A_1272 : vector<64x512xf32>
    %jit3A_1286 = arith.constant 0.000000e+00 : f32
    %max3A_1287 = vector.broadcast %jit3A_1286 : f32 to vector<64x512xf32>
    %max3A_1288 = arith.maximumf %max3A_1287, %add3A_1282 : vector<64x512xf32>
    %mul3A_1289 = arith.mulf %max3A_1285, %max3A_1288 : vector<64x512xf32>
    %add3A_1290 = vector.broadcast %mul3A_1230 : vector<1x512xf32> to vector<64x512xf32>
    %add3A_1291 = vector.broadcast %mul3A_1199 : vector<64x1xf32> to vector<64x512xf32>
    %add3A_1292 = arith.addf %add3A_1290, %add3A_1291 : vector<64x512xf32>
    %sub3A_1293 = arith.subf %add3A_1292, %mul3A_1289 : vector<64x512xf32>
    %div3A_1294 = arith.divf %mul3A_1289, %sub3A_1293 : vector<64x512xf32>
    %mul3A_1295 = arith.mulf %div3A_1262, %div3A_1294 : vector<64x512xf32>
    %jit3A_1296 = arith.constant 0.000000e+00 : f32
    %broadcast_in_dim3A_1297 = vector.shape_cast %gt3A_1181 : vector<64x1xi1> to vector<64x1xi1>
    %broadcast_in_dim3A_1298 = vector.broadcast %broadcast_in_dim3A_1297 : vector<64x1xi1> to vector<64x512xi1>
    %broadcast_in_dim3A_1299 = vector.broadcast %jit3A_1296 : f32 to vector<64x512xf32>
    %select_n3A_1300 = arith.select %broadcast_in_dim3A_1298, %mul3A_1295, %broadcast_in_dim3A_1299 : vector<64x512xi1>, vector<64x512xf32>
    %swap3A_1301 = arith.constant 64 : index
    %swap3A_1302 = arith.constant 0 : index
    %swap3A_1303 = vector.load %arg7[%swap3A_1301, %swap3A_1302] : memref<256x5120xf32, #tpu.memory_space<vmem>>, vector<64x512xf32>
    tpu.vector_store %arg7[%swap3A_1301, %swap3A_1302], %select_n3A_1300 {strides = array<i32>} : memref<256x5120xf32, #tpu.memory_space<vmem>>, vector<64x512xf32>,
    %get3A_1304 = arith.constant 1 : index
    %get3A_1305 = arith.constant 0 : index
    %get3A_1306 = arith.constant 512 : index
    %get3A_1307 = vector.load %arg0[%get3A_1304, %get3A_1305, %get3A_1306] : memref<4x8x5120xf32, #tpu.memory_space<vmem>>, vector<1x8x512xf32>
    %get3A_1308 = vector.shape_cast %get3A_1307 : vector<1x8x512xf32> to vector<8x512xf32>
    %slice3A_1309 = vector.extract_strided_slice %get3A_1308 {offsets = [0, 0], sizes = [1, 512], strides = [1, 1]} : vector<8x512xf32> to vector<1x512xf32>
    %slice3A_1310 = vector.extract_strided_slice %get3A_1308 {offsets = [1, 0], sizes = [1, 512], strides = [1, 1]} : vector<8x512xf32> to vector<1x512xf32>
    %slice3A_1311 = vector.extract_strided_slice %get3A_1308 {offsets = [2, 0], sizes = [1, 512], strides = [1, 1]} : vector<8x512xf32> to vector<1x512xf32>
    %slice3A_1312 = vector.extract_strided_slice %get3A_1308 {offsets = [3, 0], sizes = [1, 512], strides = [1, 1]} : vector<8x512xf32> to vector<1x512xf32>
    %slice3A_1313 = vector.extract_strided_slice %get3A_1308 {offsets = [4, 0], sizes = [1, 512], strides = [1, 1]} : vector<8x512xf32> to vector<1x512xf32>
    %slice3A_1314 = vector.extract_strided_slice %get3A_1308 {offsets = [5, 0], sizes = [1, 512], strides = [1, 1]} : vector<8x512xf32> to vector<1x512xf32>
    %slice3A_1315 = vector.extract_strided_slice %get3A_1308 {offsets = [6, 0], sizes = [1, 512], strides = [1, 1]} : vector<8x512xf32> to vector<1x512xf32>
    %slice3A_1316 = vector.extract_strided_slice %get3A_1308 {offsets = [7, 0], sizes = [1, 512], strides = [1, 1]} : vector<8x512xf32> to vector<1x512xf32>
    %sub3A_1317 = arith.subf %slice3A_1311, %slice3A_1309 : vector<1x512xf32>
    %add3A_1318 = arith.constant 1.000000e+00 : f32
    %add3A_1319 = vector.broadcast %add3A_1318 : f32 to vector<1x512xf32>
    %add3A_1320 = arith.addf %sub3A_1317, %add3A_1319 : vector<1x512xf32>
    %sub3A_1321 = arith.subf %slice3A_1312, %slice3A_1310 : vector<1x512xf32>
    %add3A_1322 = arith.constant 1.000000e+00 : f32
    %add3A_1323 = vector.broadcast %add3A_1322 : f32 to vector<1x512xf32>
    %add3A_1324 = arith.addf %sub3A_1321, %add3A_1323 : vector<1x512xf32>
    %mul3A_1325 = arith.mulf %add3A_1320, %add3A_1324 : vector<1x512xf32>
    %sub3A_1326 = arith.subf %slice3A_1315, %slice3A_1313 : vector<1x512xf32>
    %add3A_1327 = arith.constant 1.000000e+00 : f32
    %add3A_1328 = vector.broadcast %add3A_1327 : f32 to vector<1x512xf32>
    %add3A_1329 = arith.addf %sub3A_1326, %add3A_1328 : vector<1x512xf32>
    %sub3A_1330 = arith.subf %slice3A_1316, %slice3A_1314 : vector<1x512xf32>
    %add3A_1331 = arith.constant 1.000000e+00 : f32
    %add3A_1332 = vector.broadcast %add3A_1331 : f32 to vector<1x512xf32>
    %add3A_1333 = arith.addf %sub3A_1330, %add3A_1332 : vector<1x512xf32>
    %mul3A_1334 = arith.mulf %add3A_1329, %add3A_1333 : vector<1x512xf32>
    %min3A_1335 = vector.broadcast %slice3A_1311 : vector<1x512xf32> to vector<64x512xf32>
    %min3A_1336 = vector.broadcast %broadcast_in_dim3A_1145 : vector<64x1xf32> to vector<64x512xf32>
    %min3A_1337 = arith.minimumf %min3A_1335, %min3A_1336 : vector<64x512xf32>
    %max3A_1338 = vector.broadcast %slice3A_1309 : vector<1x512xf32> to vector<64x512xf32>
    %max3A_1339 = vector.broadcast %broadcast_in_dim3A_1133 : vector<64x1xf32> to vector<64x512xf32>
    %max3A_1340 = arith.maximumf %max3A_1338, %max3A_1339 : vector<64x512xf32>
    %sub3A_1341 = arith.subf %min3A_1337, %max3A_1340 : vector<64x512xf32>
    %add3A_1342 = arith.constant 1.000000e+00 : f32
    %add3A_1343 = vector.broadcast %add3A_1342 : f32 to vector<64x512xf32>
    %add3A_1344 = arith.addf %sub3A_1341, %add3A_1343 : vector<64x512xf32>
    %min3A_1345 = vector.broadcast %slice3A_1312 : vector<1x512xf32> to vector<64x512xf32>
    %min3A_1346 = vector.broadcast %broadcast_in_dim3A_1151 : vector<64x1xf32> to vector<64x512xf32>
    %min3A_1347 = arith.minimumf %min3A_1345, %min3A_1346 : vector<64x512xf32>
    %max3A_1348 = vector.broadcast %slice3A_1310 : vector<1x512xf32> to vector<64x512xf32>
    %max3A_1349 = vector.broadcast %broadcast_in_dim3A_1139 : vector<64x1xf32> to vector<64x512xf32>
    %max3A_1350 = arith.maximumf %max3A_1348, %max3A_1349 : vector<64x512xf32>
    %sub3A_1351 = arith.subf %min3A_1347, %max3A_1350 : vector<64x512xf32>
    %add3A_1352 = arith.constant 1.000000e+00 : f32
    %add3A_1353 = vector.broadcast %add3A_1352 : f32 to vector<64x512xf32>
    %add3A_1354 = arith.addf %sub3A_1351, %add3A_1353 : vector<64x512xf32>
    %jit3A_1355 = arith.constant 0.000000e+00 : f32
    %max3A_1356 = vector.broadcast %jit3A_1355 : f32 to vector<64x512xf32>
    %max3A_1357 = arith.maximumf %max3A_1356, %add3A_1344 : vector<64x512xf32>
    %jit3A_1358 = arith.constant 0.000000e+00 : f32
    %max3A_1359 = vector.broadcast %jit3A_1358 : f32 to vector<64x512xf32>
    %max3A_1360 = arith.maximumf %max3A_1359, %add3A_1354 : vector<64x512xf32>
    %mul3A_1361 = arith.mulf %max3A_1357, %max3A_1360 : vector<64x512xf32>
    %add3A_1362 = vector.broadcast %mul3A_1325 : vector<1x512xf32> to vector<64x512xf32>
    %add3A_1363 = vector.broadcast %mul3A_1190 : vector<64x1xf32> to vector<64x512xf32>
    %add3A_1364 = arith.addf %add3A_1362, %add3A_1363 : vector<64x512xf32>
    %sub3A_1365 = arith.subf %add3A_1364, %mul3A_1361 : vector<64x512xf32>
    %div3A_1366 = arith.divf %mul3A_1361, %sub3A_1365 : vector<64x512xf32>
    %min3A_1367 = vector.broadcast %slice3A_1315 : vector<1x512xf32> to vector<64x512xf32>
    %min3A_1368 = vector.broadcast %broadcast_in_dim3A_1169 : vector<64x1xf32> to vector<64x512xf32>
    %min3A_1369 = arith.minimumf %min3A_1367, %min3A_1368 : vector<64x512xf32>
    %max3A_1370 = vector.broadcast %slice3A_1313 : vector<1x512xf32> to vector<64x512xf32>
    %max3A_1371 = vector.broadcast %broadcast_in_dim3A_1157 : vector<64x1xf32> to vector<64x512xf32>
    %max3A_1372 = arith.maximumf %max3A_1370, %max3A_1371 : vector<64x512xf32>
    %sub3A_1373 = arith.subf %min3A_1369, %max3A_1372 : vector<64x512xf32>
    %add3A_1374 = arith.constant 1.000000e+00 : f32
    %add3A_1375 = vector.broadcast %add3A_1374 : f32 to vector<64x512xf32>
    %add3A_1376 = arith.addf %sub3A_1373, %add3A_1375 : vector<64x512xf32>
    %min3A_1377 = vector.broadcast %slice3A_1316 : vector<1x512xf32> to vector<64x512xf32>
    %min3A_1378 = vector.broadcast %broadcast_in_dim3A_1175 : vector<64x1xf32> to vector<64x512xf32>
    %min3A_1379 = arith.minimumf %min3A_1377, %min3A_1378 : vector<64x512xf32>
    %max3A_1380 = vector.broadcast %slice3A_1314 : vector<1x512xf32> to vector<64x512xf32>
    %max3A_1381 = vector.broadcast %broadcast_in_dim3A_1163 : vector<64x1xf32> to vector<64x512xf32>
    %max3A_1382 = arith.maximumf %max3A_1380, %max3A_1381 : vector<64x512xf32>
    %sub3A_1383 = arith.subf %min3A_1379, %max3A_1382 : vector<64x512xf32>
    %add3A_1384 = arith.constant 1.000000e+00 : f32
    %add3A_1385 = vector.broadcast %add3A_1384 : f32 to vector<64x512xf32>
    %add3A_1386 = arith.addf %sub3A_1383, %add3A_1385 : vector<64x512xf32>
    %jit3A_1387 = arith.constant 0.000000e+00 : f32
    %max3A_1388 = vector.broadcast %jit3A_1387 : f32 to vector<64x512xf32>
    %max3A_1389 = arith.maximumf %max3A_1388, %add3A_1376 : vector<64x512xf32>
    %jit3A_1390 = arith.constant 0.000000e+00 : f32
    %max3A_1391 = vector.broadcast %jit3A_1390 : f32 to vector<64x512xf32>
    %max3A_1392 = arith.maximumf %max3A_1391, %add3A_1386 : vector<64x512xf32>
    %mul3A_1393 = arith.mulf %max3A_1389, %max3A_1392 : vector<64x512xf32>
    %add3A_1394 = vector.broadcast %mul3A_1334 : vector<1x512xf32> to vector<64x512xf32>
    %add3A_1395 = vector.broadcast %mul3A_1199 : vector<64x1xf32> to vector<64x512xf32>
    %add3A_1396 = arith.addf %add3A_1394, %add3A_1395 : vector<64x512xf32>
    %sub3A_1397 = arith.subf %add3A_1396, %mul3A_1393 : vector<64x512xf32>
    %div3A_1398 = arith.divf %mul3A_1393, %sub3A_1397 : vector<64x512xf32>
    %mul3A_1399 = arith.mulf %div3A_1366, %div3A_1398 : vector<64x512xf32>
    %jit3A_1400 = arith.constant 0.000000e+00 : f32
    %broadcast_in_dim3A_1401 = vector.shape_cast %gt3A_1181 : vector<64x1xi1> to vector<64x1xi1>
    %broadcast_in_dim3A_1402 = vector.broadcast %broadcast_in_dim3A_1401 : vector<64x1xi1> to vector<64x512xi1>
    %broadcast_in_dim3A_1403 = vector.broadcast %jit3A_1400 : f32 to vector<64x512xf32>
    %select_n3A_1404 = arith.select %broadcast_in_dim3A_1402, %mul3A_1399, %broadcast_in_dim3A_1403 : vector<64x512xi1>, vector<64x512xf32>
    %swap3A_1405 = arith.constant 64 : index
    %swap3A_1406 = arith.constant 512 : index
    %swap3A_1407 = vector.load %arg7[%swap3A_1405, %swap3A_1406] : memref<256x5120xf32, #tpu.memory_space<vmem>>, vector<64x512xf32>
    tpu.vector_store %arg7[%swap3A_1405, %swap3A_1406], %select_n3A_1404 {strides = array<i32>} : memref<256x5120xf32, #tpu.memory_space<vmem>>, vector<64x512xf32>,
    %get3A_1408 = arith.constant 1 : index
    %get3A_1409 = arith.constant 0 : index
    %get3A_1410 = arith.constant 1024 : index
    %get3A_1411 = vector.load %arg0[%get3A_1408, %get3A_1409, %get3A_1410] : memref<4x8x5120xf32, #tpu.memory_space<vmem>>, vector<1x8x512xf32>
    %get3A_1412 = vector.shape_cast %get3A_1411 : vector<1x8x512xf32> to vector<8x512xf32>
    %slice3A_1413 = vector.extract_strided_slice %get3A_1412 {offsets = [0, 0], sizes = [1, 512], strides = [1, 1]} : vector<8x512xf32> to vector<1x512xf32>
    %slice3A_1414 = vector.extract_strided_slice %get3A_1412 {offsets = [1, 0], sizes = [1, 512], strides = [1, 1]} : vector<8x512xf32> to vector<1x512xf32>
    %slice3A_1415 = vector.extract_strided_slice %get3A_1412 {offsets = [2, 0], sizes = [1, 512], strides = [1, 1]} : vector<8x512xf32> to vector<1x512xf32>
    %slice3A_1416 = vector.extract_strided_slice %get3A_1412 {offsets = [3, 0], sizes = [1, 512], strides = [1, 1]} : vector<8x512xf32> to vector<1x512xf32>
    %slice3A_1417 = vector.extract_strided_slice %get3A_1412 {offsets = [4, 0], sizes = [1, 512], strides = [1, 1]} : vector<8x512xf32> to vector<1x512xf32>
    %slice3A_1418 = vector.extract_strided_slice %get3A_1412 {offsets = [5, 0], sizes = [1, 512], strides = [1, 1]} : vector<8x512xf32> to vector<1x512xf32>
    %slice3A_1419 = vector.extract_strided_slice %get3A_1412 {offsets = [6, 0], sizes = [1, 512], strides = [1, 1]} : vector<8x512xf32> to vector<1x512xf32>
    %slice3A_1420 = vector.extract_strided_slice %get3A_1412 {offsets = [7, 0], sizes = [1, 512], strides = [1, 1]} : vector<8x512xf32> to vector<1x512xf32>
    %sub3A_1421 = arith.subf %slice3A_1415, %slice3A_1413 : vector<1x512xf32>
    %add3A_1422 = arith.constant 1.000000e+00 : f32
    %add3A_1423 = vector.broadcast %add3A_1422 : f32 to vector<1x512xf32>
    %add3A_1424 = arith.addf %sub3A_1421, %add3A_1423 : vector<1x512xf32>
    %sub3A_1425 = arith.subf %slice3A_1416, %slice3A_1414 : vector<1x512xf32>
    %add3A_1426 = arith.constant 1.000000e+00 : f32
    %add3A_1427 = vector.broadcast %add3A_1426 : f32 to vector<1x512xf32>
    %add3A_1428 = arith.addf %sub3A_1425, %add3A_1427 : vector<1x512xf32>
    %mul3A_1429 = arith.mulf %add3A_1424, %add3A_1428 : vector<1x512xf32>
    %sub3A_1430 = arith.subf %slice3A_1419, %slice3A_1417 : vector<1x512xf32>
    %add3A_1431 = arith.constant 1.000000e+00 : f32
    %add3A_1432 = vector.broadcast %add3A_1431 : f32 to vector<1x512xf32>
    %add3A_1433 = arith.addf %sub3A_1430, %add3A_1432 : vector<1x512xf32>
    %sub3A_1434 = arith.subf %slice3A_1420, %slice3A_1418 : vector<1x512xf32>
    %add3A_1435 = arith.constant 1.000000e+00 : f32
    %add3A_1436 = vector.broadcast %add3A_1435 : f32 to vector<1x512xf32>
    %add3A_1437 = arith.addf %sub3A_1434, %add3A_1436 : vector<1x512xf32>
    %mul3A_1438 = arith.mulf %add3A_1433, %add3A_1437 : vector<1x512xf32>
    %min3A_1439 = vector.broadcast %slice3A_1415 : vector<1x512xf32> to vector<64x512xf32>
    %min3A_1440 = vector.broadcast %broadcast_in_dim3A_1145 : vector<64x1xf32> to vector<64x512xf32>
    %min3A_1441 = arith.minimumf %min3A_1439, %min3A_1440 : vector<64x512xf32>
    %max3A_1442 = vector.broadcast %slice3A_1413 : vector<1x512xf32> to vector<64x512xf32>
    %max3A_1443 = vector.broadcast %broadcast_in_dim3A_1133 : vector<64x1xf32> to vector<64x512xf32>
    %max3A_1444 = arith.maximumf %max3A_1442, %max3A_1443 : vector<64x512xf32>
    %sub3A_1445 = arith.subf %min3A_1441, %max3A_1444 : vector<64x512xf32>
    %add3A_1446 = arith.constant 1.000000e+00 : f32
    %add3A_1447 = vector.broadcast %add3A_1446 : f32 to vector<64x512xf32>
    %add3A_1448 = arith.addf %sub3A_1445, %add3A_1447 : vector<64x512xf32>
    %min3A_1449 = vector.broadcast %slice3A_1416 : vector<1x512xf32> to vector<64x512xf32>
    %min3A_1450 = vector.broadcast %broadcast_in_dim3A_1151 : vector<64x1xf32> to vector<64x512xf32>
    %min3A_1451 = arith.minimumf %min3A_1449, %min3A_1450 : vector<64x512xf32>
    %max3A_1452 = vector.broadcast %slice3A_1414 : vector<1x512xf32> to vector<64x512xf32>
    %max3A_1453 = vector.broadcast %broadcast_in_dim3A_1139 : vector<64x1xf32> to vector<64x512xf32>
    %max3A_1454 = arith.maximumf %max3A_1452, %max3A_1453 : vector<64x512xf32>
    %sub3A_1455 = arith.subf %min3A_1451, %max3A_1454 : vector<64x512xf32>
    %add3A_1456 = arith.constant 1.000000e+00 : f32
    %add3A_1457 = vector.broadcast %add3A_1456 : f32 to vector<64x512xf32>
    %add3A_1458 = arith.addf %sub3A_1455, %add3A_1457 : vector<64x512xf32>
    %jit3A_1459 = arith.constant 0.000000e+00 : f32
    %max3A_1460 = vector.broadcast %jit3A_1459 : f32 to vector<64x512xf32>
    %max3A_1461 = arith.maximumf %max3A_1460, %add3A_1448 : vector<64x512xf32>
    %jit3A_1462 = arith.constant 0.000000e+00 : f32
    %max3A_1463 = vector.broadcast %jit3A_1462 : f32 to vector<64x512xf32>
    %max3A_1464 = arith.maximumf %max3A_1463, %add3A_1458 : vector<64x512xf32>
    %mul3A_1465 = arith.mulf %max3A_1461, %max3A_1464 : vector<64x512xf32>
    %add3A_1466 = vector.broadcast %mul3A_1429 : vector<1x512xf32> to vector<64x512xf32>
    %add3A_1467 = vector.broadcast %mul3A_1190 : vector<64x1xf32> to vector<64x512xf32>
    %add3A_1468 = arith.addf %add3A_1466, %add3A_1467 : vector<64x512xf32>
    %sub3A_1469 = arith.subf %add3A_1468, %mul3A_1465 : vector<64x512xf32>
    %div3A_1470 = arith.divf %mul3A_1465, %sub3A_1469 : vector<64x512xf32>
    %min3A_1471 = vector.broadcast %slice3A_1419 : vector<1x512xf32> to vector<64x512xf32>
    %min3A_1472 = vector.broadcast %broadcast_in_dim3A_1169 : vector<64x1xf32> to vector<64x512xf32>
    %min3A_1473 = arith.minimumf %min3A_1471, %min3A_1472 : vector<64x512xf32>
    %max3A_1474 = vector.broadcast %slice3A_1417 : vector<1x512xf32> to vector<64x512xf32>
    %max3A_1475 = vector.broadcast %broadcast_in_dim3A_1157 : vector<64x1xf32> to vector<64x512xf32>
    %max3A_1476 = arith.maximumf %max3A_1474, %max3A_1475 : vector<64x512xf32>
    %sub3A_1477 = arith.subf %min3A_1473, %max3A_1476 : vector<64x512xf32>
    %add3A_1478 = arith.constant 1.000000e+00 : f32
    %add3A_1479 = vector.broadcast %add3A_1478 : f32 to vector<64x512xf32>
    %add3A_1480 = arith.addf %sub3A_1477, %add3A_1479 : vector<64x512xf32>
    %min3A_1481 = vector.broadcast %slice3A_1420 : vector<1x512xf32> to vector<64x512xf32>
    %min3A_1482 = vector.broadcast %broadcast_in_dim3A_1175 : vector<64x1xf32> to vector<64x512xf32>
    %min3A_1483 = arith.minimumf %min3A_1481, %min3A_1482 : vector<64x512xf32>
    %max3A_1484 = vector.broadcast %slice3A_1418 : vector<1x512xf32> to vector<64x512xf32>
    %max3A_1485 = vector.broadcast %broadcast_in_dim3A_1163 : vector<64x1xf32> to vector<64x512xf32>
    %max3A_1486 = arith.maximumf %max3A_1484, %max3A_1485 : vector<64x512xf32>
    %sub3A_1487 = arith.subf %min3A_1483, %max3A_1486 : vector<64x512xf32>
    %add3A_1488 = arith.constant 1.000000e+00 : f32
    %add3A_1489 = vector.broadcast %add3A_1488 : f32 to vector<64x512xf32>
    %add3A_1490 = arith.addf %sub3A_1487, %add3A_1489 : vector<64x512xf32>
    %jit3A_1491 = arith.constant 0.000000e+00 : f32
    %max3A_1492 = vector.broadcast %jit3A_1491 : f32 to vector<64x512xf32>
    %max3A_1493 = arith.maximumf %max3A_1492, %add3A_1480 : vector<64x512xf32>
    %jit3A_1494 = arith.constant 0.000000e+00 : f32
    %max3A_1495 = vector.broadcast %jit3A_1494 : f32 to vector<64x512xf32>
    %max3A_1496 = arith.maximumf %max3A_1495, %add3A_1490 : vector<64x512xf32>
    %mul3A_1497 = arith.mulf %max3A_1493, %max3A_1496 : vector<64x512xf32>
    %add3A_1498 = vector.broadcast %mul3A_1438 : vector<1x512xf32> to vector<64x512xf32>
    %add3A_1499 = vector.broadcast %mul3A_1199 : vector<64x1xf32> to vector<64x512xf32>
    %add3A_1500 = arith.addf %add3A_1498, %add3A_1499 : vector<64x512xf32>
    %sub3A_1501 = arith.subf %add3A_1500, %mul3A_1497 : vector<64x512xf32>
    %div3A_1502 = arith.divf %mul3A_1497, %sub3A_1501 : vector<64x512xf32>
    %mul3A_1503 = arith.mulf %div3A_1470, %div3A_1502 : vector<64x512xf32>
    %jit3A_1504 = arith.constant 0.000000e+00 : f32
    %broadcast_in_dim3A_1505 = vector.shape_cast %gt3A_1181 : vector<64x1xi1> to vector<64x1xi1>
    %broadcast_in_dim3A_1506 = vector.broadcast %broadcast_in_dim3A_1505 : vector<64x1xi1> to vector<64x512xi1>
    %broadcast_in_dim3A_1507 = vector.broadcast %jit3A_1504 : f32 to vector<64x512xf32>
    %select_n3A_1508 = arith.select %broadcast_in_dim3A_1506, %mul3A_1503, %broadcast_in_dim3A_1507 : vector<64x512xi1>, vector<64x512xf32>
    %swap3A_1509 = arith.constant 64 : index
    %swap3A_1510 = arith.constant 1024 : index
    %swap3A_1511 = vector.load %arg7[%swap3A_1509, %swap3A_1510] : memref<256x5120xf32, #tpu.memory_space<vmem>>, vector<64x512xf32>
    tpu.vector_store %arg7[%swap3A_1509, %swap3A_1510], %select_n3A_1508 {strides = array<i32>} : memref<256x5120xf32, #tpu.memory_space<vmem>>, vector<64x512xf32>,
    %get3A_1512 = arith.constant 1 : index
    %get3A_1513 = arith.constant 0 : index
    %get3A_1514 = arith.constant 1536 : index
    %get3A_1515 = vector.load %arg0[%get3A_1512, %get3A_1513, %get3A_1514] : memref<4x8x5120xf32, #tpu.memory_space<vmem>>, vector<1x8x512xf32>
    %get3A_1516 = vector.shape_cast %get3A_1515 : vector<1x8x512xf32> to vector<8x512xf32>
    %slice3A_1517 = vector.extract_strided_slice %get3A_1516 {offsets = [0, 0], sizes = [1, 512], strides = [1, 1]} : vector<8x512xf32> to vector<1x512xf32>
    %slice3A_1518 = vector.extract_strided_slice %get3A_1516 {offsets = [1, 0], sizes = [1, 512], strides = [1, 1]} : vector<8x512xf32> to vector<1x512xf32>
    %slice3A_1519 = vector.extract_strided_slice %get3A_1516 {offsets = [2, 0], sizes = [1, 512], strides = [1, 1]} : vector<8x512xf32> to vector<1x512xf32>
    %slice3A_1520 = vector.extract_strided_slice %get3A_1516 {offsets = [3, 0], sizes = [1, 512], strides = [1, 1]} : vector<8x512xf32> to vector<1x512xf32>
    %slice3A_1521 = vector.extract_strided_slice %get3A_1516 {offsets = [4, 0], sizes = [1, 512], strides = [1, 1]} : vector<8x512xf32> to vector<1x512xf32>
    %slice3A_1522 = vector.extract_strided_slice %get3A_1516 {offsets = [5, 0], sizes = [1, 512], strides = [1, 1]} : vector<8x512xf32> to vector<1x512xf32>
    %slice3A_1523 = vector.extract_strided_slice %get3A_1516 {offsets = [6, 0], sizes = [1, 512], strides = [1, 1]} : vector<8x512xf32> to vector<1x512xf32>
    %slice3A_1524 = vector.extract_strided_slice %get3A_1516 {offsets = [7, 0], sizes = [1, 512], strides = [1, 1]} : vector<8x512xf32> to vector<1x512xf32>
    %sub3A_1525 = arith.subf %slice3A_1519, %slice3A_1517 : vector<1x512xf32>
    %add3A_1526 = arith.constant 1.000000e+00 : f32
    %add3A_1527 = vector.broadcast %add3A_1526 : f32 to vector<1x512xf32>
    %add3A_1528 = arith.addf %sub3A_1525, %add3A_1527 : vector<1x512xf32>
    %sub3A_1529 = arith.subf %slice3A_1520, %slice3A_1518 : vector<1x512xf32>
    %add3A_1530 = arith.constant 1.000000e+00 : f32
    %add3A_1531 = vector.broadcast %add3A_1530 : f32 to vector<1x512xf32>
    %add3A_1532 = arith.addf %sub3A_1529, %add3A_1531 : vector<1x512xf32>
    %mul3A_1533 = arith.mulf %add3A_1528, %add3A_1532 : vector<1x512xf32>
    %sub3A_1534 = arith.subf %slice3A_1523, %slice3A_1521 : vector<1x512xf32>
    %add3A_1535 = arith.constant 1.000000e+00 : f32
    %add3A_1536 = vector.broadcast %add3A_1535 : f32 to vector<1x512xf32>
    %add3A_1537 = arith.addf %sub3A_1534, %add3A_1536 : vector<1x512xf32>
    %sub3A_1538 = arith.subf %slice3A_1524, %slice3A_1522 : vector<1x512xf32>
    %add3A_1539 = arith.constant 1.000000e+00 : f32
    %add3A_1540 = vector.broadcast %add3A_1539 : f32 to vector<1x512xf32>
    %add3A_1541 = arith.addf %sub3A_1538, %add3A_1540 : vector<1x512xf32>
    %mul3A_1542 = arith.mulf %add3A_1537, %add3A_1541 : vector<1x512xf32>
    %min3A_1543 = vector.broadcast %slice3A_1519 : vector<1x512xf32> to vector<64x512xf32>
    %min3A_1544 = vector.broadcast %broadcast_in_dim3A_1145 : vector<64x1xf32> to vector<64x512xf32>
    %min3A_1545 = arith.minimumf %min3A_1543, %min3A_1544 : vector<64x512xf32>
    %max3A_1546 = vector.broadcast %slice3A_1517 : vector<1x512xf32> to vector<64x512xf32>
    %max3A_1547 = vector.broadcast %broadcast_in_dim3A_1133 : vector<64x1xf32> to vector<64x512xf32>
    %max3A_1548 = arith.maximumf %max3A_1546, %max3A_1547 : vector<64x512xf32>
    %sub3A_1549 = arith.subf %min3A_1545, %max3A_1548 : vector<64x512xf32>
    %add3A_1550 = arith.constant 1.000000e+00 : f32
    %add3A_1551 = vector.broadcast %add3A_1550 : f32 to vector<64x512xf32>
    %add3A_1552 = arith.addf %sub3A_1549, %add3A_1551 : vector<64x512xf32>
    %min3A_1553 = vector.broadcast %slice3A_1520 : vector<1x512xf32> to vector<64x512xf32>
    %min3A_1554 = vector.broadcast %broadcast_in_dim3A_1151 : vector<64x1xf32> to vector<64x512xf32>
    %min3A_1555 = arith.minimumf %min3A_1553, %min3A_1554 : vector<64x512xf32>
    %max3A_1556 = vector.broadcast %slice3A_1518 : vector<1x512xf32> to vector<64x512xf32>
    %max3A_1557 = vector.broadcast %broadcast_in_dim3A_1139 : vector<64x1xf32> to vector<64x512xf32>
    %max3A_1558 = arith.maximumf %max3A_1556, %max3A_1557 : vector<64x512xf32>
    %sub3A_1559 = arith.subf %min3A_1555, %max3A_1558 : vector<64x512xf32>
    %add3A_1560 = arith.constant 1.000000e+00 : f32
    %add3A_1561 = vector.broadcast %add3A_1560 : f32 to vector<64x512xf32>
    %add3A_1562 = arith.addf %sub3A_1559, %add3A_1561 : vector<64x512xf32>
    %jit3A_1563 = arith.constant 0.000000e+00 : f32
    %max3A_1564 = vector.broadcast %jit3A_1563 : f32 to vector<64x512xf32>
    %max3A_1565 = arith.maximumf %max3A_1564, %add3A_1552 : vector<64x512xf32>
    %jit3A_1566 = arith.constant 0.000000e+00 : f32
    %max3A_1567 = vector.broadcast %jit3A_1566 : f32 to vector<64x512xf32>
    %max3A_1568 = arith.maximumf %max3A_1567, %add3A_1562 : vector<64x512xf32>
    %mul3A_1569 = arith.mulf %max3A_1565, %max3A_1568 : vector<64x512xf32>
    %add3A_1570 = vector.broadcast %mul3A_1533 : vector<1x512xf32> to vector<64x512xf32>
    %add3A_1571 = vector.broadcast %mul3A_1190 : vector<64x1xf32> to vector<64x512xf32>
    %add3A_1572 = arith.addf %add3A_1570, %add3A_1571 : vector<64x512xf32>
    %sub3A_1573 = arith.subf %add3A_1572, %mul3A_1569 : vector<64x512xf32>
    %div3A_1574 = arith.divf %mul3A_1569, %sub3A_1573 : vector<64x512xf32>
    %min3A_1575 = vector.broadcast %slice3A_1523 : vector<1x512xf32> to vector<64x512xf32>
    %min3A_1576 = vector.broadcast %broadcast_in_dim3A_1169 : vector<64x1xf32> to vector<64x512xf32>
    %min3A_1577 = arith.minimumf %min3A_1575, %min3A_1576 : vector<64x512xf32>
    %max3A_1578 = vector.broadcast %slice3A_1521 : vector<1x512xf32> to vector<64x512xf32>
    %max3A_1579 = vector.broadcast %broadcast_in_dim3A_1157 : vector<64x1xf32> to vector<64x512xf32>
    %max3A_1580 = arith.maximumf %max3A_1578, %max3A_1579 : vector<64x512xf32>
    %sub3A_1581 = arith.subf %min3A_1577, %max3A_1580 : vector<64x512xf32>
    %add3A_1582 = arith.constant 1.000000e+00 : f32
    %add3A_1583 = vector.broadcast %add3A_1582 : f32 to vector<64x512xf32>
    %add3A_1584 = arith.addf %sub3A_1581, %add3A_1583 : vector<64x512xf32>
    %min3A_1585 = vector.broadcast %slice3A_1524 : vector<1x512xf32> to vector<64x512xf32>
    %min3A_1586 = vector.broadcast %broadcast_in_dim3A_1175 : vector<64x1xf32> to vector<64x512xf32>
    %min3A_1587 = arith.minimumf %min3A_1585, %min3A_1586 : vector<64x512xf32>
    %max3A_1588 = vector.broadcast %slice3A_1522 : vector<1x512xf32> to vector<64x512xf32>
    %max3A_1589 = vector.broadcast %broadcast_in_dim3A_1163 : vector<64x1xf32> to vector<64x512xf32>
    %max3A_1590 = arith.maximumf %max3A_1588, %max3A_1589 : vector<64x512xf32>
    %sub3A_1591 = arith.subf %min3A_1587, %max3A_1590 : vector<64x512xf32>
    %add3A_1592 = arith.constant 1.000000e+00 : f32
    %add3A_1593 = vector.broadcast %add3A_1592 : f32 to vector<64x512xf32>
    %add3A_1594 = arith.addf %sub3A_1591, %add3A_1593 : vector<64x512xf32>
    %jit3A_1595 = arith.constant 0.000000e+00 : f32
    %max3A_1596 = vector.broadcast %jit3A_1595 : f32 to vector<64x512xf32>
    %max3A_1597 = arith.maximumf %max3A_1596, %add3A_1584 : vector<64x512xf32>
    %jit3A_1598 = arith.constant 0.000000e+00 : f32
    %max3A_1599 = vector.broadcast %jit3A_1598 : f32 to vector<64x512xf32>
    %max3A_1600 = arith.maximumf %max3A_1599, %add3A_1594 : vector<64x512xf32>
    %mul3A_1601 = arith.mulf %max3A_1597, %max3A_1600 : vector<64x512xf32>
    %add3A_1602 = vector.broadcast %mul3A_1542 : vector<1x512xf32> to vector<64x512xf32>
    %add3A_1603 = vector.broadcast %mul3A_1199 : vector<64x1xf32> to vector<64x512xf32>
    %add3A_1604 = arith.addf %add3A_1602, %add3A_1603 : vector<64x512xf32>
    %sub3A_1605 = arith.subf %add3A_1604, %mul3A_1601 : vector<64x512xf32>
    %div3A_1606 = arith.divf %mul3A_1601, %sub3A_1605 : vector<64x512xf32>
    %mul3A_1607 = arith.mulf %div3A_1574, %div3A_1606 : vector<64x512xf32>
    %jit3A_1608 = arith.constant 0.000000e+00 : f32
    %broadcast_in_dim3A_1609 = vector.shape_cast %gt3A_1181 : vector<64x1xi1> to vector<64x1xi1>
    %broadcast_in_dim3A_1610 = vector.broadcast %broadcast_in_dim3A_1609 : vector<64x1xi1> to vector<64x512xi1>
    %broadcast_in_dim3A_1611 = vector.broadcast %jit3A_1608 : f32 to vector<64x512xf32>
    %select_n3A_1612 = arith.select %broadcast_in_dim3A_1610, %mul3A_1607, %broadcast_in_dim3A_1611 : vector<64x512xi1>, vector<64x512xf32>
    %swap3A_1613 = arith.constant 64 : index
    %swap3A_1614 = arith.constant 1536 : index
    %swap3A_1615 = vector.load %arg7[%swap3A_1613, %swap3A_1614] : memref<256x5120xf32, #tpu.memory_space<vmem>>, vector<64x512xf32>
    tpu.vector_store %arg7[%swap3A_1613, %swap3A_1614], %select_n3A_1612 {strides = array<i32>} : memref<256x5120xf32, #tpu.memory_space<vmem>>, vector<64x512xf32>,
    %get3A_1616 = arith.constant 1 : index
    %get3A_1617 = arith.constant 0 : index
    %get3A_1618 = arith.constant 2048 : index
    %get3A_1619 = vector.load %arg0[%get3A_1616, %get3A_1617, %get3A_1618] : memref<4x8x5120xf32, #tpu.memory_space<vmem>>, vector<1x8x512xf32>
    %get3A_1620 = vector.shape_cast %get3A_1619 : vector<1x8x512xf32> to vector<8x512xf32>
    %slice3A_1621 = vector.extract_strided_slice %get3A_1620 {offsets = [0, 0], sizes = [1, 512], strides = [1, 1]} : vector<8x512xf32> to vector<1x512xf32>
    %slice3A_1622 = vector.extract_strided_slice %get3A_1620 {offsets = [1, 0], sizes = [1, 512], strides = [1, 1]} : vector<8x512xf32> to vector<1x512xf32>
    %slice3A_1623 = vector.extract_strided_slice %get3A_1620 {offsets = [2, 0], sizes = [1, 512], strides = [1, 1]} : vector<8x512xf32> to vector<1x512xf32>
    %slice3A_1624 = vector.extract_strided_slice %get3A_1620 {offsets = [3, 0], sizes = [1, 512], strides = [1, 1]} : vector<8x512xf32> to vector<1x512xf32>
    %slice3A_1625 = vector.extract_strided_slice %get3A_1620 {offsets = [4, 0], sizes = [1, 512], strides = [1, 1]} : vector<8x512xf32> to vector<1x512xf32>
    %slice3A_1626 = vector.extract_strided_slice %get3A_1620 {offsets = [5, 0], sizes = [1, 512], strides = [1, 1]} : vector<8x512xf32> to vector<1x512xf32>
    %slice3A_1627 = vector.extract_strided_slice %get3A_1620 {offsets = [6, 0], sizes = [1, 512], strides = [1, 1]} : vector<8x512xf32> to vector<1x512xf32>
    %slice3A_1628 = vector.extract_strided_slice %get3A_1620 {offsets = [7, 0], sizes = [1, 512], strides = [1, 1]} : vector<8x512xf32> to vector<1x512xf32>
    %sub3A_1629 = arith.subf %slice3A_1623, %slice3A_1621 : vector<1x512xf32>
    %add3A_1630 = arith.constant 1.000000e+00 : f32
    %add3A_1631 = vector.broadcast %add3A_1630 : f32 to vector<1x512xf32>
    %add3A_1632 = arith.addf %sub3A_1629, %add3A_1631 : vector<1x512xf32>
    %sub3A_1633 = arith.subf %slice3A_1624, %slice3A_1622 : vector<1x512xf32>
    %add3A_1634 = arith.constant 1.000000e+00 : f32
    %add3A_1635 = vector.broadcast %add3A_1634 : f32 to vector<1x512xf32>
    %add3A_1636 = arith.addf %sub3A_1633, %add3A_1635 : vector<1x512xf32>
    %mul3A_1637 = arith.mulf %add3A_1632, %add3A_1636 : vector<1x512xf32>
    %sub3A_1638 = arith.subf %slice3A_1627, %slice3A_1625 : vector<1x512xf32>
    %add3A_1639 = arith.constant 1.000000e+00 : f32
    %add3A_1640 = vector.broadcast %add3A_1639 : f32 to vector<1x512xf32>
    %add3A_1641 = arith.addf %sub3A_1638, %add3A_1640 : vector<1x512xf32>
    %sub3A_1642 = arith.subf %slice3A_1628, %slice3A_1626 : vector<1x512xf32>
    %add3A_1643 = arith.constant 1.000000e+00 : f32
    %add3A_1644 = vector.broadcast %add3A_1643 : f32 to vector<1x512xf32>
    %add3A_1645 = arith.addf %sub3A_1642, %add3A_1644 : vector<1x512xf32>
    %mul3A_1646 = arith.mulf %add3A_1641, %add3A_1645 : vector<1x512xf32>
    %min3A_1647 = vector.broadcast %slice3A_1623 : vector<1x512xf32> to vector<64x512xf32>
    %min3A_1648 = vector.broadcast %broadcast_in_dim3A_1145 : vector<64x1xf32> to vector<64x512xf32>
    %min3A_1649 = arith.minimumf %min3A_1647, %min3A_1648 : vector<64x512xf32>
    %max3A_1650 = vector.broadcast %slice3A_1621 : vector<1x512xf32> to vector<64x512xf32>
    %max3A_1651 = vector.broadcast %broadcast_in_dim3A_1133 : vector<64x1xf32> to vector<64x512xf32>
    %max3A_1652 = arith.maximumf %max3A_1650, %max3A_1651 : vector<64x512xf32>
    %sub3A_1653 = arith.subf %min3A_1649, %max3A_1652 : vector<64x512xf32>
    %add3A_1654 = arith.constant 1.000000e+00 : f32
    %add3A_1655 = vector.broadcast %add3A_1654 : f32 to vector<64x512xf32>
    %add3A_1656 = arith.addf %sub3A_1653, %add3A_1655 : vector<64x512xf32>
    %min3A_1657 = vector.broadcast %slice3A_1624 : vector<1x512xf32> to vector<64x512xf32>
    %min3A_1658 = vector.broadcast %broadcast_in_dim3A_1151 : vector<64x1xf32> to vector<64x512xf32>
    %min3A_1659 = arith.minimumf %min3A_1657, %min3A_1658 : vector<64x512xf32>
    %max3A_1660 = vector.broadcast %slice3A_1622 : vector<1x512xf32> to vector<64x512xf32>
    %max3A_1661 = vector.broadcast %broadcast_in_dim3A_1139 : vector<64x1xf32> to vector<64x512xf32>
    %max3A_1662 = arith.maximumf %max3A_1660, %max3A_1661 : vector<64x512xf32>
    %sub3A_1663 = arith.subf %min3A_1659, %max3A_1662 : vector<64x512xf32>
    %add3A_1664 = arith.constant 1.000000e+00 : f32
    %add3A_1665 = vector.broadcast %add3A_1664 : f32 to vector<64x512xf32>
    %add3A_1666 = arith.addf %sub3A_1663, %add3A_1665 : vector<64x512xf32>
    %jit3A_1667 = arith.constant 0.000000e+00 : f32
    %max3A_1668 = vector.broadcast %jit3A_1667 : f32 to vector<64x512xf32>
    %max3A_1669 = arith.maximumf %max3A_1668, %add3A_1656 : vector<64x512xf32>
    %jit3A_1670 = arith.constant 0.000000e+00 : f32
    %max3A_1671 = vector.broadcast %jit3A_1670 : f32 to vector<64x512xf32>
    %max3A_1672 = arith.maximumf %max3A_1671, %add3A_1666 : vector<64x512xf32>
    %mul3A_1673 = arith.mulf %max3A_1669, %max3A_1672 : vector<64x512xf32>
    %add3A_1674 = vector.broadcast %mul3A_1637 : vector<1x512xf32> to vector<64x512xf32>
    %add3A_1675 = vector.broadcast %mul3A_1190 : vector<64x1xf32> to vector<64x512xf32>
    %add3A_1676 = arith.addf %add3A_1674, %add3A_1675 : vector<64x512xf32>
    %sub3A_1677 = arith.subf %add3A_1676, %mul3A_1673 : vector<64x512xf32>
    %div3A_1678 = arith.divf %mul3A_1673, %sub3A_1677 : vector<64x512xf32>
    %min3A_1679 = vector.broadcast %slice3A_1627 : vector<1x512xf32> to vector<64x512xf32>
    %min3A_1680 = vector.broadcast %broadcast_in_dim3A_1169 : vector<64x1xf32> to vector<64x512xf32>
    %min3A_1681 = arith.minimumf %min3A_1679, %min3A_1680 : vector<64x512xf32>
    %max3A_1682 = vector.broadcast %slice3A_1625 : vector<1x512xf32> to vector<64x512xf32>
    %max3A_1683 = vector.broadcast %broadcast_in_dim3A_1157 : vector<64x1xf32> to vector<64x512xf32>
    %max3A_1684 = arith.maximumf %max3A_1682, %max3A_1683 : vector<64x512xf32>
    %sub3A_1685 = arith.subf %min3A_1681, %max3A_1684 : vector<64x512xf32>
    %add3A_1686 = arith.constant 1.000000e+00 : f32
    %add3A_1687 = vector.broadcast %add3A_1686 : f32 to vector<64x512xf32>
    %add3A_1688 = arith.addf %sub3A_1685, %add3A_1687 : vector<64x512xf32>
    %min3A_1689 = vector.broadcast %slice3A_1628 : vector<1x512xf32> to vector<64x512xf32>
    %min3A_1690 = vector.broadcast %broadcast_in_dim3A_1175 : vector<64x1xf32> to vector<64x512xf32>
    %min3A_1691 = arith.minimumf %min3A_1689, %min3A_1690 : vector<64x512xf32>
    %max3A_1692 = vector.broadcast %slice3A_1626 : vector<1x512xf32> to vector<64x512xf32>
    %max3A_1693 = vector.broadcast %broadcast_in_dim3A_1163 : vector<64x1xf32> to vector<64x512xf32>
    %max3A_1694 = arith.maximumf %max3A_1692, %max3A_1693 : vector<64x512xf32>
    %sub3A_1695 = arith.subf %min3A_1691, %max3A_1694 : vector<64x512xf32>
    %add3A_1696 = arith.constant 1.000000e+00 : f32
    %add3A_1697 = vector.broadcast %add3A_1696 : f32 to vector<64x512xf32>
    %add3A_1698 = arith.addf %sub3A_1695, %add3A_1697 : vector<64x512xf32>
    %jit3A_1699 = arith.constant 0.000000e+00 : f32
    %max3A_1700 = vector.broadcast %jit3A_1699 : f32 to vector<64x512xf32>
    %max3A_1701 = arith.maximumf %max3A_1700, %add3A_1688 : vector<64x512xf32>
    %jit3A_1702 = arith.constant 0.000000e+00 : f32
    %max3A_1703 = vector.broadcast %jit3A_1702 : f32 to vector<64x512xf32>
    %max3A_1704 = arith.maximumf %max3A_1703, %add3A_1698 : vector<64x512xf32>
    %mul3A_1705 = arith.mulf %max3A_1701, %max3A_1704 : vector<64x512xf32>
    %add3A_1706 = vector.broadcast %mul3A_1646 : vector<1x512xf32> to vector<64x512xf32>
    %add3A_1707 = vector.broadcast %mul3A_1199 : vector<64x1xf32> to vector<64x512xf32>
    %add3A_1708 = arith.addf %add3A_1706, %add3A_1707 : vector<64x512xf32>
    %sub3A_1709 = arith.subf %add3A_1708, %mul3A_1705 : vector<64x512xf32>
    %div3A_1710 = arith.divf %mul3A_1705, %sub3A_1709 : vector<64x512xf32>
    %mul3A_1711 = arith.mulf %div3A_1678, %div3A_1710 : vector<64x512xf32>
    %jit3A_1712 = arith.constant 0.000000e+00 : f32
    %broadcast_in_dim3A_1713 = vector.shape_cast %gt3A_1181 : vector<64x1xi1> to vector<64x1xi1>
    %broadcast_in_dim3A_1714 = vector.broadcast %broadcast_in_dim3A_1713 : vector<64x1xi1> to vector<64x512xi1>
    %broadcast_in_dim3A_1715 = vector.broadcast %jit3A_1712 : f32 to vector<64x512xf32>
    %select_n3A_1716 = arith.select %broadcast_in_dim3A_1714, %mul3A_1711, %broadcast_in_dim3A_1715 : vector<64x512xi1>, vector<64x512xf32>
    %swap3A_1717 = arith.constant 64 : index
    %swap3A_1718 = arith.constant 2048 : index
    %swap3A_1719 = vector.load %arg7[%swap3A_1717, %swap3A_1718] : memref<256x5120xf32, #tpu.memory_space<vmem>>, vector<64x512xf32>
    tpu.vector_store %arg7[%swap3A_1717, %swap3A_1718], %select_n3A_1716 {strides = array<i32>} : memref<256x5120xf32, #tpu.memory_space<vmem>>, vector<64x512xf32>,
    %get3A_1720 = arith.constant 1 : index
    %get3A_1721 = arith.constant 0 : index
    %get3A_1722 = arith.constant 2560 : index
    %get3A_1723 = vector.load %arg0[%get3A_1720, %get3A_1721, %get3A_1722] : memref<4x8x5120xf32, #tpu.memory_space<vmem>>, vector<1x8x512xf32>
    %get3A_1724 = vector.shape_cast %get3A_1723 : vector<1x8x512xf32> to vector<8x512xf32>
    %slice3A_1725 = vector.extract_strided_slice %get3A_1724 {offsets = [0, 0], sizes = [1, 512], strides = [1, 1]} : vector<8x512xf32> to vector<1x512xf32>
    %slice3A_1726 = vector.extract_strided_slice %get3A_1724 {offsets = [1, 0], sizes = [1, 512], strides = [1, 1]} : vector<8x512xf32> to vector<1x512xf32>
    %slice3A_1727 = vector.extract_strided_slice %get3A_1724 {offsets = [2, 0], sizes = [1, 512], strides = [1, 1]} : vector<8x512xf32> to vector<1x512xf32>
    %slice3A_1728 = vector.extract_strided_slice %get3A_1724 {offsets = [3, 0], sizes = [1, 512], strides = [1, 1]} : vector<8x512xf32> to vector<1x512xf32>
    %slice3A_1729 = vector.extract_strided_slice %get3A_1724 {offsets = [4, 0], sizes = [1, 512], strides = [1, 1]} : vector<8x512xf32> to vector<1x512xf32>
    %slice3A_1730 = vector.extract_strided_slice %get3A_1724 {offsets = [5, 0], sizes = [1, 512], strides = [1, 1]} : vector<8x512xf32> to vector<1x512xf32>
    %slice3A_1731 = vector.extract_strided_slice %get3A_1724 {offsets = [6, 0], sizes = [1, 512], strides = [1, 1]} : vector<8x512xf32> to vector<1x512xf32>
    %slice3A_1732 = vector.extract_strided_slice %get3A_1724 {offsets = [7, 0], sizes = [1, 512], strides = [1, 1]} : vector<8x512xf32> to vector<1x512xf32>
    %sub3A_1733 = arith.subf %slice3A_1727, %slice3A_1725 : vector<1x512xf32>
    %add3A_1734 = arith.constant 1.000000e+00 : f32
    %add3A_1735 = vector.broadcast %add3A_1734 : f32 to vector<1x512xf32>
    %add3A_1736 = arith.addf %sub3A_1733, %add3A_1735 : vector<1x512xf32>
    %sub3A_1737 = arith.subf %slice3A_1728, %slice3A_1726 : vector<1x512xf32>
    %add3A_1738 = arith.constant 1.000000e+00 : f32
    %add3A_1739 = vector.broadcast %add3A_1738 : f32 to vector<1x512xf32>
    %add3A_1740 = arith.addf %sub3A_1737, %add3A_1739 : vector<1x512xf32>
    %mul3A_1741 = arith.mulf %add3A_1736, %add3A_1740 : vector<1x512xf32>
    %sub3A_1742 = arith.subf %slice3A_1731, %slice3A_1729 : vector<1x512xf32>
    %add3A_1743 = arith.constant 1.000000e+00 : f32
    %add3A_1744 = vector.broadcast %add3A_1743 : f32 to vector<1x512xf32>
    %add3A_1745 = arith.addf %sub3A_1742, %add3A_1744 : vector<1x512xf32>
    %sub3A_1746 = arith.subf %slice3A_1732, %slice3A_1730 : vector<1x512xf32>
    %add3A_1747 = arith.constant 1.000000e+00 : f32
    %add3A_1748 = vector.broadcast %add3A_1747 : f32 to vector<1x512xf32>
    %add3A_1749 = arith.addf %sub3A_1746, %add3A_1748 : vector<1x512xf32>
    %mul3A_1750 = arith.mulf %add3A_1745, %add3A_1749 : vector<1x512xf32>
    %min3A_1751 = vector.broadcast %slice3A_1727 : vector<1x512xf32> to vector<64x512xf32>
    %min3A_1752 = vector.broadcast %broadcast_in_dim3A_1145 : vector<64x1xf32> to vector<64x512xf32>
    %min3A_1753 = arith.minimumf %min3A_1751, %min3A_1752 : vector<64x512xf32>
    %max3A_1754 = vector.broadcast %slice3A_1725 : vector<1x512xf32> to vector<64x512xf32>
    %max3A_1755 = vector.broadcast %broadcast_in_dim3A_1133 : vector<64x1xf32> to vector<64x512xf32>
    %max3A_1756 = arith.maximumf %max3A_1754, %max3A_1755 : vector<64x512xf32>
    %sub3A_1757 = arith.subf %min3A_1753, %max3A_1756 : vector<64x512xf32>
    %add3A_1758 = arith.constant 1.000000e+00 : f32
    %add3A_1759 = vector.broadcast %add3A_1758 : f32 to vector<64x512xf32>
    %add3A_1760 = arith.addf %sub3A_1757, %add3A_1759 : vector<64x512xf32>
    %min3A_1761 = vector.broadcast %slice3A_1728 : vector<1x512xf32> to vector<64x512xf32>
    %min3A_1762 = vector.broadcast %broadcast_in_dim3A_1151 : vector<64x1xf32> to vector<64x512xf32>
    %min3A_1763 = arith.minimumf %min3A_1761, %min3A_1762 : vector<64x512xf32>
    %max3A_1764 = vector.broadcast %slice3A_1726 : vector<1x512xf32> to vector<64x512xf32>
    %max3A_1765 = vector.broadcast %broadcast_in_dim3A_1139 : vector<64x1xf32> to vector<64x512xf32>
    %max3A_1766 = arith.maximumf %max3A_1764, %max3A_1765 : vector<64x512xf32>
    %sub3A_1767 = arith.subf %min3A_1763, %max3A_1766 : vector<64x512xf32>
    %add3A_1768 = arith.constant 1.000000e+00 : f32
    %add3A_1769 = vector.broadcast %add3A_1768 : f32 to vector<64x512xf32>
    %add3A_1770 = arith.addf %sub3A_1767, %add3A_1769 : vector<64x512xf32>
    %jit3A_1771 = arith.constant 0.000000e+00 : f32
    %max3A_1772 = vector.broadcast %jit3A_1771 : f32 to vector<64x512xf32>
    %max3A_1773 = arith.maximumf %max3A_1772, %add3A_1760 : vector<64x512xf32>
    %jit3A_1774 = arith.constant 0.000000e+00 : f32
    %max3A_1775 = vector.broadcast %jit3A_1774 : f32 to vector<64x512xf32>
    %max3A_1776 = arith.maximumf %max3A_1775, %add3A_1770 : vector<64x512xf32>
    %mul3A_1777 = arith.mulf %max3A_1773, %max3A_1776 : vector<64x512xf32>
    %add3A_1778 = vector.broadcast %mul3A_1741 : vector<1x512xf32> to vector<64x512xf32>
    %add3A_1779 = vector.broadcast %mul3A_1190 : vector<64x1xf32> to vector<64x512xf32>
    %add3A_1780 = arith.addf %add3A_1778, %add3A_1779 : vector<64x512xf32>
    %sub3A_1781 = arith.subf %add3A_1780, %mul3A_1777 : vector<64x512xf32>
    %div3A_1782 = arith.divf %mul3A_1777, %sub3A_1781 : vector<64x512xf32>
    %min3A_1783 = vector.broadcast %slice3A_1731 : vector<1x512xf32> to vector<64x512xf32>
    %min3A_1784 = vector.broadcast %broadcast_in_dim3A_1169 : vector<64x1xf32> to vector<64x512xf32>
    %min3A_1785 = arith.minimumf %min3A_1783, %min3A_1784 : vector<64x512xf32>
    %max3A_1786 = vector.broadcast %slice3A_1729 : vector<1x512xf32> to vector<64x512xf32>
    %max3A_1787 = vector.broadcast %broadcast_in_dim3A_1157 : vector<64x1xf32> to vector<64x512xf32>
    %max3A_1788 = arith.maximumf %max3A_1786, %max3A_1787 : vector<64x512xf32>
    %sub3A_1789 = arith.subf %min3A_1785, %max3A_1788 : vector<64x512xf32>
    %add3A_1790 = arith.constant 1.000000e+00 : f32
    %add3A_1791 = vector.broadcast %add3A_1790 : f32 to vector<64x512xf32>
    %add3A_1792 = arith.addf %sub3A_1789, %add3A_1791 : vector<64x512xf32>
    %min3A_1793 = vector.broadcast %slice3A_1732 : vector<1x512xf32> to vector<64x512xf32>
    %min3A_1794 = vector.broadcast %broadcast_in_dim3A_1175 : vector<64x1xf32> to vector<64x512xf32>
    %min3A_1795 = arith.minimumf %min3A_1793, %min3A_1794 : vector<64x512xf32>
    %max3A_1796 = vector.broadcast %slice3A_1730 : vector<1x512xf32> to vector<64x512xf32>
    %max3A_1797 = vector.broadcast %broadcast_in_dim3A_1163 : vector<64x1xf32> to vector<64x512xf32>
    %max3A_1798 = arith.maximumf %max3A_1796, %max3A_1797 : vector<64x512xf32>
    %sub3A_1799 = arith.subf %min3A_1795, %max3A_1798 : vector<64x512xf32>
    %add3A_1800 = arith.constant 1.000000e+00 : f32
    %add3A_1801 = vector.broadcast %add3A_1800 : f32 to vector<64x512xf32>
    %add3A_1802 = arith.addf %sub3A_1799, %add3A_1801 : vector<64x512xf32>
    %jit3A_1803 = arith.constant 0.000000e+00 : f32
    %max3A_1804 = vector.broadcast %jit3A_1803 : f32 to vector<64x512xf32>
    %max3A_1805 = arith.maximumf %max3A_1804, %add3A_1792 : vector<64x512xf32>
    %jit3A_1806 = arith.constant 0.000000e+00 : f32
    %max3A_1807 = vector.broadcast %jit3A_1806 : f32 to vector<64x512xf32>
    %max3A_1808 = arith.maximumf %max3A_1807, %add3A_1802 : vector<64x512xf32>
    %mul3A_1809 = arith.mulf %max3A_1805, %max3A_1808 : vector<64x512xf32>
    %add3A_1810 = vector.broadcast %mul3A_1750 : vector<1x512xf32> to vector<64x512xf32>
    %add3A_1811 = vector.broadcast %mul3A_1199 : vector<64x1xf32> to vector<64x512xf32>
    %add3A_1812 = arith.addf %add3A_1810, %add3A_1811 : vector<64x512xf32>
    %sub3A_1813 = arith.subf %add3A_1812, %mul3A_1809 : vector<64x512xf32>
    %div3A_1814 = arith.divf %mul3A_1809, %sub3A_1813 : vector<64x512xf32>
    %mul3A_1815 = arith.mulf %div3A_1782, %div3A_1814 : vector<64x512xf32>
    %jit3A_1816 = arith.constant 0.000000e+00 : f32
    %broadcast_in_dim3A_1817 = vector.shape_cast %gt3A_1181 : vector<64x1xi1> to vector<64x1xi1>
    %broadcast_in_dim3A_1818 = vector.broadcast %broadcast_in_dim3A_1817 : vector<64x1xi1> to vector<64x512xi1>
    %broadcast_in_dim3A_1819 = vector.broadcast %jit3A_1816 : f32 to vector<64x512xf32>
    %select_n3A_1820 = arith.select %broadcast_in_dim3A_1818, %mul3A_1815, %broadcast_in_dim3A_1819 : vector<64x512xi1>, vector<64x512xf32>
    %swap3A_1821 = arith.constant 64 : index
    %swap3A_1822 = arith.constant 2560 : index
    %swap3A_1823 = vector.load %arg7[%swap3A_1821, %swap3A_1822] : memref<256x5120xf32, #tpu.memory_space<vmem>>, vector<64x512xf32>
    tpu.vector_store %arg7[%swap3A_1821, %swap3A_1822], %select_n3A_1820 {strides = array<i32>} : memref<256x5120xf32, #tpu.memory_space<vmem>>, vector<64x512xf32>,
    %get3A_1824 = arith.constant 1 : index
    %get3A_1825 = arith.constant 0 : index
    %get3A_1826 = arith.constant 3072 : index
    %get3A_1827 = vector.load %arg0[%get3A_1824, %get3A_1825, %get3A_1826] : memref<4x8x5120xf32, #tpu.memory_space<vmem>>, vector<1x8x512xf32>
    %get3A_1828 = vector.shape_cast %get3A_1827 : vector<1x8x512xf32> to vector<8x512xf32>
    %slice3A_1829 = vector.extract_strided_slice %get3A_1828 {offsets = [0, 0], sizes = [1, 512], strides = [1, 1]} : vector<8x512xf32> to vector<1x512xf32>
    %slice3A_1830 = vector.extract_strided_slice %get3A_1828 {offsets = [1, 0], sizes = [1, 512], strides = [1, 1]} : vector<8x512xf32> to vector<1x512xf32>
    %slice3A_1831 = vector.extract_strided_slice %get3A_1828 {offsets = [2, 0], sizes = [1, 512], strides = [1, 1]} : vector<8x512xf32> to vector<1x512xf32>
    %slice3A_1832 = vector.extract_strided_slice %get3A_1828 {offsets = [3, 0], sizes = [1, 512], strides = [1, 1]} : vector<8x512xf32> to vector<1x512xf32>
    %slice3A_1833 = vector.extract_strided_slice %get3A_1828 {offsets = [4, 0], sizes = [1, 512], strides = [1, 1]} : vector<8x512xf32> to vector<1x512xf32>
    %slice3A_1834 = vector.extract_strided_slice %get3A_1828 {offsets = [5, 0], sizes = [1, 512], strides = [1, 1]} : vector<8x512xf32> to vector<1x512xf32>
    %slice3A_1835 = vector.extract_strided_slice %get3A_1828 {offsets = [6, 0], sizes = [1, 512], strides = [1, 1]} : vector<8x512xf32> to vector<1x512xf32>
    %slice3A_1836 = vector.extract_strided_slice %get3A_1828 {offsets = [7, 0], sizes = [1, 512], strides = [1, 1]} : vector<8x512xf32> to vector<1x512xf32>
    %sub3A_1837 = arith.subf %slice3A_1831, %slice3A_1829 : vector<1x512xf32>
    %add3A_1838 = arith.constant 1.000000e+00 : f32
    %add3A_1839 = vector.broadcast %add3A_1838 : f32 to vector<1x512xf32>
    %add3A_1840 = arith.addf %sub3A_1837, %add3A_1839 : vector<1x512xf32>
    %sub3A_1841 = arith.subf %slice3A_1832, %slice3A_1830 : vector<1x512xf32>
    %add3A_1842 = arith.constant 1.000000e+00 : f32
    %add3A_1843 = vector.broadcast %add3A_1842 : f32 to vector<1x512xf32>
    %add3A_1844 = arith.addf %sub3A_1841, %add3A_1843 : vector<1x512xf32>
    %mul3A_1845 = arith.mulf %add3A_1840, %add3A_1844 : vector<1x512xf32>
    %sub3A_1846 = arith.subf %slice3A_1835, %slice3A_1833 : vector<1x512xf32>
    %add3A_1847 = arith.constant 1.000000e+00 : f32
    %add3A_1848 = vector.broadcast %add3A_1847 : f32 to vector<1x512xf32>
    %add3A_1849 = arith.addf %sub3A_1846, %add3A_1848 : vector<1x512xf32>
    %sub3A_1850 = arith.subf %slice3A_1836, %slice3A_1834 : vector<1x512xf32>
    %add3A_1851 = arith.constant 1.000000e+00 : f32
    %add3A_1852 = vector.broadcast %add3A_1851 : f32 to vector<1x512xf32>
    %add3A_1853 = arith.addf %sub3A_1850, %add3A_1852 : vector<1x512xf32>
    %mul3A_1854 = arith.mulf %add3A_1849, %add3A_1853 : vector<1x512xf32>
    %min3A_1855 = vector.broadcast %slice3A_1831 : vector<1x512xf32> to vector<64x512xf32>
    %min3A_1856 = vector.broadcast %broadcast_in_dim3A_1145 : vector<64x1xf32> to vector<64x512xf32>
    %min3A_1857 = arith.minimumf %min3A_1855, %min3A_1856 : vector<64x512xf32>
    %max3A_1858 = vector.broadcast %slice3A_1829 : vector<1x512xf32> to vector<64x512xf32>
    %max3A_1859 = vector.broadcast %broadcast_in_dim3A_1133 : vector<64x1xf32> to vector<64x512xf32>
    %max3A_1860 = arith.maximumf %max3A_1858, %max3A_1859 : vector<64x512xf32>
    %sub3A_1861 = arith.subf %min3A_1857, %max3A_1860 : vector<64x512xf32>
    %add3A_1862 = arith.constant 1.000000e+00 : f32
    %add3A_1863 = vector.broadcast %add3A_1862 : f32 to vector<64x512xf32>
    %add3A_1864 = arith.addf %sub3A_1861, %add3A_1863 : vector<64x512xf32>
    %min3A_1865 = vector.broadcast %slice3A_1832 : vector<1x512xf32> to vector<64x512xf32>
    %min3A_1866 = vector.broadcast %broadcast_in_dim3A_1151 : vector<64x1xf32> to vector<64x512xf32>
    %min3A_1867 = arith.minimumf %min3A_1865, %min3A_1866 : vector<64x512xf32>
    %max3A_1868 = vector.broadcast %slice3A_1830 : vector<1x512xf32> to vector<64x512xf32>
    %max3A_1869 = vector.broadcast %broadcast_in_dim3A_1139 : vector<64x1xf32> to vector<64x512xf32>
    %max3A_1870 = arith.maximumf %max3A_1868, %max3A_1869 : vector<64x512xf32>
    %sub3A_1871 = arith.subf %min3A_1867, %max3A_1870 : vector<64x512xf32>
    %add3A_1872 = arith.constant 1.000000e+00 : f32
    %add3A_1873 = vector.broadcast %add3A_1872 : f32 to vector<64x512xf32>
    %add3A_1874 = arith.addf %sub3A_1871, %add3A_1873 : vector<64x512xf32>
    %jit3A_1875 = arith.constant 0.000000e+00 : f32
    %max3A_1876 = vector.broadcast %jit3A_1875 : f32 to vector<64x512xf32>
    %max3A_1877 = arith.maximumf %max3A_1876, %add3A_1864 : vector<64x512xf32>
    %jit3A_1878 = arith.constant 0.000000e+00 : f32
    %max3A_1879 = vector.broadcast %jit3A_1878 : f32 to vector<64x512xf32>
    %max3A_1880 = arith.maximumf %max3A_1879, %add3A_1874 : vector<64x512xf32>
    %mul3A_1881 = arith.mulf %max3A_1877, %max3A_1880 : vector<64x512xf32>
    %add3A_1882 = vector.broadcast %mul3A_1845 : vector<1x512xf32> to vector<64x512xf32>
    %add3A_1883 = vector.broadcast %mul3A_1190 : vector<64x1xf32> to vector<64x512xf32>
    %add3A_1884 = arith.addf %add3A_1882, %add3A_1883 : vector<64x512xf32>
    %sub3A_1885 = arith.subf %add3A_1884, %mul3A_1881 : vector<64x512xf32>
    %div3A_1886 = arith.divf %mul3A_1881, %sub3A_1885 : vector<64x512xf32>
    %min3A_1887 = vector.broadcast %slice3A_1835 : vector<1x512xf32> to vector<64x512xf32>
    %min3A_1888 = vector.broadcast %broadcast_in_dim3A_1169 : vector<64x1xf32> to vector<64x512xf32>
    %min3A_1889 = arith.minimumf %min3A_1887, %min3A_1888 : vector<64x512xf32>
    %max3A_1890 = vector.broadcast %slice3A_1833 : vector<1x512xf32> to vector<64x512xf32>
    %max3A_1891 = vector.broadcast %broadcast_in_dim3A_1157 : vector<64x1xf32> to vector<64x512xf32>
    %max3A_1892 = arith.maximumf %max3A_1890, %max3A_1891 : vector<64x512xf32>
    %sub3A_1893 = arith.subf %min3A_1889, %max3A_1892 : vector<64x512xf32>
    %add3A_1894 = arith.constant 1.000000e+00 : f32
    %add3A_1895 = vector.broadcast %add3A_1894 : f32 to vector<64x512xf32>
    %add3A_1896 = arith.addf %sub3A_1893, %add3A_1895 : vector<64x512xf32>
    %min3A_1897 = vector.broadcast %slice3A_1836 : vector<1x512xf32> to vector<64x512xf32>
    %min3A_1898 = vector.broadcast %broadcast_in_dim3A_1175 : vector<64x1xf32> to vector<64x512xf32>
    %min3A_1899 = arith.minimumf %min3A_1897, %min3A_1898 : vector<64x512xf32>
    %max3A_1900 = vector.broadcast %slice3A_1834 : vector<1x512xf32> to vector<64x512xf32>
    %max3A_1901 = vector.broadcast %broadcast_in_dim3A_1163 : vector<64x1xf32> to vector<64x512xf32>
    %max3A_1902 = arith.maximumf %max3A_1900, %max3A_1901 : vector<64x512xf32>
    %sub3A_1903 = arith.subf %min3A_1899, %max3A_1902 : vector<64x512xf32>
    %add3A_1904 = arith.constant 1.000000e+00 : f32
    %add3A_1905 = vector.broadcast %add3A_1904 : f32 to vector<64x512xf32>
    %add3A_1906 = arith.addf %sub3A_1903, %add3A_1905 : vector<64x512xf32>
    %jit3A_1907 = arith.constant 0.000000e+00 : f32
    %max3A_1908 = vector.broadcast %jit3A_1907 : f32 to vector<64x512xf32>
    %max3A_1909 = arith.maximumf %max3A_1908, %add3A_1896 : vector<64x512xf32>
    %jit3A_1910 = arith.constant 0.000000e+00 : f32
    %max3A_1911 = vector.broadcast %jit3A_1910 : f32 to vector<64x512xf32>
    %max3A_1912 = arith.maximumf %max3A_1911, %add3A_1906 : vector<64x512xf32>
    %mul3A_1913 = arith.mulf %max3A_1909, %max3A_1912 : vector<64x512xf32>
    %add3A_1914 = vector.broadcast %mul3A_1854 : vector<1x512xf32> to vector<64x512xf32>
    %add3A_1915 = vector.broadcast %mul3A_1199 : vector<64x1xf32> to vector<64x512xf32>
    %add3A_1916 = arith.addf %add3A_1914, %add3A_1915 : vector<64x512xf32>
    %sub3A_1917 = arith.subf %add3A_1916, %mul3A_1913 : vector<64x512xf32>
    %div3A_1918 = arith.divf %mul3A_1913, %sub3A_1917 : vector<64x512xf32>
    %mul3A_1919 = arith.mulf %div3A_1886, %div3A_1918 : vector<64x512xf32>
    %jit3A_1920 = arith.constant 0.000000e+00 : f32
    %broadcast_in_dim3A_1921 = vector.shape_cast %gt3A_1181 : vector<64x1xi1> to vector<64x1xi1>
    %broadcast_in_dim3A_1922 = vector.broadcast %broadcast_in_dim3A_1921 : vector<64x1xi1> to vector<64x512xi1>
    %broadcast_in_dim3A_1923 = vector.broadcast %jit3A_1920 : f32 to vector<64x512xf32>
    %select_n3A_1924 = arith.select %broadcast_in_dim3A_1922, %mul3A_1919, %broadcast_in_dim3A_1923 : vector<64x512xi1>, vector<64x512xf32>
    %swap3A_1925 = arith.constant 64 : index
    %swap3A_1926 = arith.constant 3072 : index
    %swap3A_1927 = vector.load %arg7[%swap3A_1925, %swap3A_1926] : memref<256x5120xf32, #tpu.memory_space<vmem>>, vector<64x512xf32>
    tpu.vector_store %arg7[%swap3A_1925, %swap3A_1926], %select_n3A_1924 {strides = array<i32>} : memref<256x5120xf32, #tpu.memory_space<vmem>>, vector<64x512xf32>,
    %get3A_1928 = arith.constant 1 : index
    %get3A_1929 = arith.constant 0 : index
    %get3A_1930 = arith.constant 3584 : index
    %get3A_1931 = vector.load %arg0[%get3A_1928, %get3A_1929, %get3A_1930] : memref<4x8x5120xf32, #tpu.memory_space<vmem>>, vector<1x8x512xf32>
    %get3A_1932 = vector.shape_cast %get3A_1931 : vector<1x8x512xf32> to vector<8x512xf32>
    %slice3A_1933 = vector.extract_strided_slice %get3A_1932 {offsets = [0, 0], sizes = [1, 512], strides = [1, 1]} : vector<8x512xf32> to vector<1x512xf32>
    %slice3A_1934 = vector.extract_strided_slice %get3A_1932 {offsets = [1, 0], sizes = [1, 512], strides = [1, 1]} : vector<8x512xf32> to vector<1x512xf32>
    %slice3A_1935 = vector.extract_strided_slice %get3A_1932 {offsets = [2, 0], sizes = [1, 512], strides = [1, 1]} : vector<8x512xf32> to vector<1x512xf32>
    %slice3A_1936 = vector.extract_strided_slice %get3A_1932 {offsets = [3, 0], sizes = [1, 512], strides = [1, 1]} : vector<8x512xf32> to vector<1x512xf32>
    %slice3A_1937 = vector.extract_strided_slice %get3A_1932 {offsets = [4, 0], sizes = [1, 512], strides = [1, 1]} : vector<8x512xf32> to vector<1x512xf32>
    %slice3A_1938 = vector.extract_strided_slice %get3A_1932 {offsets = [5, 0], sizes = [1, 512], strides = [1, 1]} : vector<8x512xf32> to vector<1x512xf32>
    %slice3A_1939 = vector.extract_strided_slice %get3A_1932 {offsets = [6, 0], sizes = [1, 512], strides = [1, 1]} : vector<8x512xf32> to vector<1x512xf32>
    %slice3A_1940 = vector.extract_strided_slice %get3A_1932 {offsets = [7, 0], sizes = [1, 512], strides = [1, 1]} : vector<8x512xf32> to vector<1x512xf32>
    %sub3A_1941 = arith.subf %slice3A_1935, %slice3A_1933 : vector<1x512xf32>
    %add3A_1942 = arith.constant 1.000000e+00 : f32
    %add3A_1943 = vector.broadcast %add3A_1942 : f32 to vector<1x512xf32>
    %add3A_1944 = arith.addf %sub3A_1941, %add3A_1943 : vector<1x512xf32>
    %sub3A_1945 = arith.subf %slice3A_1936, %slice3A_1934 : vector<1x512xf32>
    %add3A_1946 = arith.constant 1.000000e+00 : f32
    %add3A_1947 = vector.broadcast %add3A_1946 : f32 to vector<1x512xf32>
    %add3A_1948 = arith.addf %sub3A_1945, %add3A_1947 : vector<1x512xf32>
    %mul3A_1949 = arith.mulf %add3A_1944, %add3A_1948 : vector<1x512xf32>
    %sub3A_1950 = arith.subf %slice3A_1939, %slice3A_1937 : vector<1x512xf32>
    %add3A_1951 = arith.constant 1.000000e+00 : f32
    %add3A_1952 = vector.broadcast %add3A_1951 : f32 to vector<1x512xf32>
    %add3A_1953 = arith.addf %sub3A_1950, %add3A_1952 : vector<1x512xf32>
    %sub3A_1954 = arith.subf %slice3A_1940, %slice3A_1938 : vector<1x512xf32>
    %add3A_1955 = arith.constant 1.000000e+00 : f32
    %add3A_1956 = vector.broadcast %add3A_1955 : f32 to vector<1x512xf32>
    %add3A_1957 = arith.addf %sub3A_1954, %add3A_1956 : vector<1x512xf32>
    %mul3A_1958 = arith.mulf %add3A_1953, %add3A_1957 : vector<1x512xf32>
    %min3A_1959 = vector.broadcast %slice3A_1935 : vector<1x512xf32> to vector<64x512xf32>
    %min3A_1960 = vector.broadcast %broadcast_in_dim3A_1145 : vector<64x1xf32> to vector<64x512xf32>
    %min3A_1961 = arith.minimumf %min3A_1959, %min3A_1960 : vector<64x512xf32>
    %max3A_1962 = vector.broadcast %slice3A_1933 : vector<1x512xf32> to vector<64x512xf32>
    %max3A_1963 = vector.broadcast %broadcast_in_dim3A_1133 : vector<64x1xf32> to vector<64x512xf32>
    %max3A_1964 = arith.maximumf %max3A_1962, %max3A_1963 : vector<64x512xf32>
    %sub3A_1965 = arith.subf %min3A_1961, %max3A_1964 : vector<64x512xf32>
    %add3A_1966 = arith.constant 1.000000e+00 : f32
    %add3A_1967 = vector.broadcast %add3A_1966 : f32 to vector<64x512xf32>
    %add3A_1968 = arith.addf %sub3A_1965, %add3A_1967 : vector<64x512xf32>
    %min3A_1969 = vector.broadcast %slice3A_1936 : vector<1x512xf32> to vector<64x512xf32>
    %min3A_1970 = vector.broadcast %broadcast_in_dim3A_1151 : vector<64x1xf32> to vector<64x512xf32>
    %min3A_1971 = arith.minimumf %min3A_1969, %min3A_1970 : vector<64x512xf32>
    %max3A_1972 = vector.broadcast %slice3A_1934 : vector<1x512xf32> to vector<64x512xf32>
    %max3A_1973 = vector.broadcast %broadcast_in_dim3A_1139 : vector<64x1xf32> to vector<64x512xf32>
    %max3A_1974 = arith.maximumf %max3A_1972, %max3A_1973 : vector<64x512xf32>
    %sub3A_1975 = arith.subf %min3A_1971, %max3A_1974 : vector<64x512xf32>
    %add3A_1976 = arith.constant 1.000000e+00 : f32
    %add3A_1977 = vector.broadcast %add3A_1976 : f32 to vector<64x512xf32>
    %add3A_1978 = arith.addf %sub3A_1975, %add3A_1977 : vector<64x512xf32>
    %jit3A_1979 = arith.constant 0.000000e+00 : f32
    %max3A_1980 = vector.broadcast %jit3A_1979 : f32 to vector<64x512xf32>
    %max3A_1981 = arith.maximumf %max3A_1980, %add3A_1968 : vector<64x512xf32>
    %jit3A_1982 = arith.constant 0.000000e+00 : f32
    %max3A_1983 = vector.broadcast %jit3A_1982 : f32 to vector<64x512xf32>
    %max3A_1984 = arith.maximumf %max3A_1983, %add3A_1978 : vector<64x512xf32>
    %mul3A_1985 = arith.mulf %max3A_1981, %max3A_1984 : vector<64x512xf32>
    %add3A_1986 = vector.broadcast %mul3A_1949 : vector<1x512xf32> to vector<64x512xf32>
    %add3A_1987 = vector.broadcast %mul3A_1190 : vector<64x1xf32> to vector<64x512xf32>
    %add3A_1988 = arith.addf %add3A_1986, %add3A_1987 : vector<64x512xf32>
    %sub3A_1989 = arith.subf %add3A_1988, %mul3A_1985 : vector<64x512xf32>
    %div3A_1990 = arith.divf %mul3A_1985, %sub3A_1989 : vector<64x512xf32>
    %min3A_1991 = vector.broadcast %slice3A_1939 : vector<1x512xf32> to vector<64x512xf32>
    %min3A_1992 = vector.broadcast %broadcast_in_dim3A_1169 : vector<64x1xf32> to vector<64x512xf32>
    %min3A_1993 = arith.minimumf %min3A_1991, %min3A_1992 : vector<64x512xf32>
    %max3A_1994 = vector.broadcast %slice3A_1937 : vector<1x512xf32> to vector<64x512xf32>
    %max3A_1995 = vector.broadcast %broadcast_in_dim3A_1157 : vector<64x1xf32> to vector<64x512xf32>
    %max3A_1996 = arith.maximumf %max3A_1994, %max3A_1995 : vector<64x512xf32>
    %sub3A_1997 = arith.subf %min3A_1993, %max3A_1996 : vector<64x512xf32>
    %add3A_1998 = arith.constant 1.000000e+00 : f32
    %add3A_1999 = vector.broadcast %add3A_1998 : f32 to vector<64x512xf32>
    %add3A_2000 = arith.addf %sub3A_1997, %add3A_1999 : vector<64x512xf32>
    %min3A_2001 = vector.broadcast %slice3A_1940 : vector<1x512xf32> to vector<64x512xf32>
    %min3A_2002 = vector.broadcast %broadcast_in_dim3A_1175 : vector<64x1xf32> to vector<64x512xf32>
    %min3A_2003 = arith.minimumf %min3A_2001, %min3A_2002 : vector<64x512xf32>
    %max3A_2004 = vector.broadcast %slice3A_1938 : vector<1x512xf32> to vector<64x512xf32>
    %max3A_2005 = vector.broadcast %broadcast_in_dim3A_1163 : vector<64x1xf32> to vector<64x512xf32>
    %max3A_2006 = arith.maximumf %max3A_2004, %max3A_2005 : vector<64x512xf32>
    %sub3A_2007 = arith.subf %min3A_2003, %max3A_2006 : vector<64x512xf32>
    %add3A_2008 = arith.constant 1.000000e+00 : f32
    %add3A_2009 = vector.broadcast %add3A_2008 : f32 to vector<64x512xf32>
    %add3A_2010 = arith.addf %sub3A_2007, %add3A_2009 : vector<64x512xf32>
    %jit3A_2011 = arith.constant 0.000000e+00 : f32
    %max3A_2012 = vector.broadcast %jit3A_2011 : f32 to vector<64x512xf32>
    %max3A_2013 = arith.maximumf %max3A_2012, %add3A_2000 : vector<64x512xf32>
    %jit3A_2014 = arith.constant 0.000000e+00 : f32
    %max3A_2015 = vector.broadcast %jit3A_2014 : f32 to vector<64x512xf32>
    %max3A_2016 = arith.maximumf %max3A_2015, %add3A_2010 : vector<64x512xf32>
    %mul3A_2017 = arith.mulf %max3A_2013, %max3A_2016 : vector<64x512xf32>
    %add3A_2018 = vector.broadcast %mul3A_1958 : vector<1x512xf32> to vector<64x512xf32>
    %add3A_2019 = vector.broadcast %mul3A_1199 : vector<64x1xf32> to vector<64x512xf32>
    %add3A_2020 = arith.addf %add3A_2018, %add3A_2019 : vector<64x512xf32>
    %sub3A_2021 = arith.subf %add3A_2020, %mul3A_2017 : vector<64x512xf32>
    %div3A_2022 = arith.divf %mul3A_2017, %sub3A_2021 : vector<64x512xf32>
    %mul3A_2023 = arith.mulf %div3A_1990, %div3A_2022 : vector<64x512xf32>
    %jit3A_2024 = arith.constant 0.000000e+00 : f32
    %broadcast_in_dim3A_2025 = vector.shape_cast %gt3A_1181 : vector<64x1xi1> to vector<64x1xi1>
    %broadcast_in_dim3A_2026 = vector.broadcast %broadcast_in_dim3A_2025 : vector<64x1xi1> to vector<64x512xi1>
    %broadcast_in_dim3A_2027 = vector.broadcast %jit3A_2024 : f32 to vector<64x512xf32>
    %select_n3A_2028 = arith.select %broadcast_in_dim3A_2026, %mul3A_2023, %broadcast_in_dim3A_2027 : vector<64x512xi1>, vector<64x512xf32>
    %swap3A_2029 = arith.constant 64 : index
    %swap3A_2030 = arith.constant 3584 : index
    %swap3A_2031 = vector.load %arg7[%swap3A_2029, %swap3A_2030] : memref<256x5120xf32, #tpu.memory_space<vmem>>, vector<64x512xf32>
    tpu.vector_store %arg7[%swap3A_2029, %swap3A_2030], %select_n3A_2028 {strides = array<i32>} : memref<256x5120xf32, #tpu.memory_space<vmem>>, vector<64x512xf32>,
    %get3A_2032 = arith.constant 1 : index
    %get3A_2033 = arith.constant 0 : index
    %get3A_2034 = arith.constant 4096 : index
    %get3A_2035 = vector.load %arg0[%get3A_2032, %get3A_2033, %get3A_2034] : memref<4x8x5120xf32, #tpu.memory_space<vmem>>, vector<1x8x512xf32>
    %get3A_2036 = vector.shape_cast %get3A_2035 : vector<1x8x512xf32> to vector<8x512xf32>
    %slice3A_2037 = vector.extract_strided_slice %get3A_2036 {offsets = [0, 0], sizes = [1, 512], strides = [1, 1]} : vector<8x512xf32> to vector<1x512xf32>
    %slice3A_2038 = vector.extract_strided_slice %get3A_2036 {offsets = [1, 0], sizes = [1, 512], strides = [1, 1]} : vector<8x512xf32> to vector<1x512xf32>
    %slice3A_2039 = vector.extract_strided_slice %get3A_2036 {offsets = [2, 0], sizes = [1, 512], strides = [1, 1]} : vector<8x512xf32> to vector<1x512xf32>
    %slice3A_2040 = vector.extract_strided_slice %get3A_2036 {offsets = [3, 0], sizes = [1, 512], strides = [1, 1]} : vector<8x512xf32> to vector<1x512xf32>
    %slice3A_2041 = vector.extract_strided_slice %get3A_2036 {offsets = [4, 0], sizes = [1, 512], strides = [1, 1]} : vector<8x512xf32> to vector<1x512xf32>
    %slice3A_2042 = vector.extract_strided_slice %get3A_2036 {offsets = [5, 0], sizes = [1, 512], strides = [1, 1]} : vector<8x512xf32> to vector<1x512xf32>
    %slice3A_2043 = vector.extract_strided_slice %get3A_2036 {offsets = [6, 0], sizes = [1, 512], strides = [1, 1]} : vector<8x512xf32> to vector<1x512xf32>
    %slice3A_2044 = vector.extract_strided_slice %get3A_2036 {offsets = [7, 0], sizes = [1, 512], strides = [1, 1]} : vector<8x512xf32> to vector<1x512xf32>
    %sub3A_2045 = arith.subf %slice3A_2039, %slice3A_2037 : vector<1x512xf32>
    %add3A_2046 = arith.constant 1.000000e+00 : f32
    %add3A_2047 = vector.broadcast %add3A_2046 : f32 to vector<1x512xf32>
    %add3A_2048 = arith.addf %sub3A_2045, %add3A_2047 : vector<1x512xf32>
    %sub3A_2049 = arith.subf %slice3A_2040, %slice3A_2038 : vector<1x512xf32>
    %add3A_2050 = arith.constant 1.000000e+00 : f32
    %add3A_2051 = vector.broadcast %add3A_2050 : f32 to vector<1x512xf32>
    %add3A_2052 = arith.addf %sub3A_2049, %add3A_2051 : vector<1x512xf32>
    %mul3A_2053 = arith.mulf %add3A_2048, %add3A_2052 : vector<1x512xf32>
    %sub3A_2054 = arith.subf %slice3A_2043, %slice3A_2041 : vector<1x512xf32>
    %add3A_2055 = arith.constant 1.000000e+00 : f32
    %add3A_2056 = vector.broadcast %add3A_2055 : f32 to vector<1x512xf32>
    %add3A_2057 = arith.addf %sub3A_2054, %add3A_2056 : vector<1x512xf32>
    %sub3A_2058 = arith.subf %slice3A_2044, %slice3A_2042 : vector<1x512xf32>
    %add3A_2059 = arith.constant 1.000000e+00 : f32
    %add3A_2060 = vector.broadcast %add3A_2059 : f32 to vector<1x512xf32>
    %add3A_2061 = arith.addf %sub3A_2058, %add3A_2060 : vector<1x512xf32>
    %mul3A_2062 = arith.mulf %add3A_2057, %add3A_2061 : vector<1x512xf32>
    %min3A_2063 = vector.broadcast %slice3A_2039 : vector<1x512xf32> to vector<64x512xf32>
    %min3A_2064 = vector.broadcast %broadcast_in_dim3A_1145 : vector<64x1xf32> to vector<64x512xf32>
    %min3A_2065 = arith.minimumf %min3A_2063, %min3A_2064 : vector<64x512xf32>
    %max3A_2066 = vector.broadcast %slice3A_2037 : vector<1x512xf32> to vector<64x512xf32>
    %max3A_2067 = vector.broadcast %broadcast_in_dim3A_1133 : vector<64x1xf32> to vector<64x512xf32>
    %max3A_2068 = arith.maximumf %max3A_2066, %max3A_2067 : vector<64x512xf32>
    %sub3A_2069 = arith.subf %min3A_2065, %max3A_2068 : vector<64x512xf32>
    %add3A_2070 = arith.constant 1.000000e+00 : f32
    %add3A_2071 = vector.broadcast %add3A_2070 : f32 to vector<64x512xf32>
    %add3A_2072 = arith.addf %sub3A_2069, %add3A_2071 : vector<64x512xf32>
    %min3A_2073 = vector.broadcast %slice3A_2040 : vector<1x512xf32> to vector<64x512xf32>
    %min3A_2074 = vector.broadcast %broadcast_in_dim3A_1151 : vector<64x1xf32> to vector<64x512xf32>
    %min3A_2075 = arith.minimumf %min3A_2073, %min3A_2074 : vector<64x512xf32>
    %max3A_2076 = vector.broadcast %slice3A_2038 : vector<1x512xf32> to vector<64x512xf32>
    %max3A_2077 = vector.broadcast %broadcast_in_dim3A_1139 : vector<64x1xf32> to vector<64x512xf32>
    %max3A_2078 = arith.maximumf %max3A_2076, %max3A_2077 : vector<64x512xf32>
    %sub3A_2079 = arith.subf %min3A_2075, %max3A_2078 : vector<64x512xf32>
    %add3A_2080 = arith.constant 1.000000e+00 : f32
    %add3A_2081 = vector.broadcast %add3A_2080 : f32 to vector<64x512xf32>
    %add3A_2082 = arith.addf %sub3A_2079, %add3A_2081 : vector<64x512xf32>
    %jit3A_2083 = arith.constant 0.000000e+00 : f32
    %max3A_2084 = vector.broadcast %jit3A_2083 : f32 to vector<64x512xf32>
    %max3A_2085 = arith.maximumf %max3A_2084, %add3A_2072 : vector<64x512xf32>
    %jit3A_2086 = arith.constant 0.000000e+00 : f32
    %max3A_2087 = vector.broadcast %jit3A_2086 : f32 to vector<64x512xf32>
    %max3A_2088 = arith.maximumf %max3A_2087, %add3A_2082 : vector<64x512xf32>
    %mul3A_2089 = arith.mulf %max3A_2085, %max3A_2088 : vector<64x512xf32>
    %add3A_2090 = vector.broadcast %mul3A_2053 : vector<1x512xf32> to vector<64x512xf32>
    %add3A_2091 = vector.broadcast %mul3A_1190 : vector<64x1xf32> to vector<64x512xf32>
    %add3A_2092 = arith.addf %add3A_2090, %add3A_2091 : vector<64x512xf32>
    %sub3A_2093 = arith.subf %add3A_2092, %mul3A_2089 : vector<64x512xf32>
    %div3A_2094 = arith.divf %mul3A_2089, %sub3A_2093 : vector<64x512xf32>
    %min3A_2095 = vector.broadcast %slice3A_2043 : vector<1x512xf32> to vector<64x512xf32>
    %min3A_2096 = vector.broadcast %broadcast_in_dim3A_1169 : vector<64x1xf32> to vector<64x512xf32>
    %min3A_2097 = arith.minimumf %min3A_2095, %min3A_2096 : vector<64x512xf32>
    %max3A_2098 = vector.broadcast %slice3A_2041 : vector<1x512xf32> to vector<64x512xf32>
    %max3A_2099 = vector.broadcast %broadcast_in_dim3A_1157 : vector<64x1xf32> to vector<64x512xf32>
    %max3A_2100 = arith.maximumf %max3A_2098, %max3A_2099 : vector<64x512xf32>
    %sub3A_2101 = arith.subf %min3A_2097, %max3A_2100 : vector<64x512xf32>
    %add3A_2102 = arith.constant 1.000000e+00 : f32
    %add3A_2103 = vector.broadcast %add3A_2102 : f32 to vector<64x512xf32>
    %add3A_2104 = arith.addf %sub3A_2101, %add3A_2103 : vector<64x512xf32>
    %min3A_2105 = vector.broadcast %slice3A_2044 : vector<1x512xf32> to vector<64x512xf32>
    %min3A_2106 = vector.broadcast %broadcast_in_dim3A_1175 : vector<64x1xf32> to vector<64x512xf32>
    %min3A_2107 = arith.minimumf %min3A_2105, %min3A_2106 : vector<64x512xf32>
    %max3A_2108 = vector.broadcast %slice3A_2042 : vector<1x512xf32> to vector<64x512xf32>
    %max3A_2109 = vector.broadcast %broadcast_in_dim3A_1163 : vector<64x1xf32> to vector<64x512xf32>
    %max3A_2110 = arith.maximumf %max3A_2108, %max3A_2109 : vector<64x512xf32>
    %sub3A_2111 = arith.subf %min3A_2107, %max3A_2110 : vector<64x512xf32>
    %add3A_2112 = arith.constant 1.000000e+00 : f32
    %add3A_2113 = vector.broadcast %add3A_2112 : f32 to vector<64x512xf32>
    %add3A_2114 = arith.addf %sub3A_2111, %add3A_2113 : vector<64x512xf32>
    %jit3A_2115 = arith.constant 0.000000e+00 : f32
    %max3A_2116 = vector.broadcast %jit3A_2115 : f32 to vector<64x512xf32>
    %max3A_2117 = arith.maximumf %max3A_2116, %add3A_2104 : vector<64x512xf32>
    %jit3A_2118 = arith.constant 0.000000e+00 : f32
    %max3A_2119 = vector.broadcast %jit3A_2118 : f32 to vector<64x512xf32>
    %max3A_2120 = arith.maximumf %max3A_2119, %add3A_2114 : vector<64x512xf32>
    %mul3A_2121 = arith.mulf %max3A_2117, %max3A_2120 : vector<64x512xf32>
    %add3A_2122 = vector.broadcast %mul3A_2062 : vector<1x512xf32> to vector<64x512xf32>
    %add3A_2123 = vector.broadcast %mul3A_1199 : vector<64x1xf32> to vector<64x512xf32>
    %add3A_2124 = arith.addf %add3A_2122, %add3A_2123 : vector<64x512xf32>
    %sub3A_2125 = arith.subf %add3A_2124, %mul3A_2121 : vector<64x512xf32>
    %div3A_2126 = arith.divf %mul3A_2121, %sub3A_2125 : vector<64x512xf32>
    %mul3A_2127 = arith.mulf %div3A_2094, %div3A_2126 : vector<64x512xf32>
    %jit3A_2128 = arith.constant 0.000000e+00 : f32
    %broadcast_in_dim3A_2129 = vector.shape_cast %gt3A_1181 : vector<64x1xi1> to vector<64x1xi1>
    %broadcast_in_dim3A_2130 = vector.broadcast %broadcast_in_dim3A_2129 : vector<64x1xi1> to vector<64x512xi1>
    %broadcast_in_dim3A_2131 = vector.broadcast %jit3A_2128 : f32 to vector<64x512xf32>
    %select_n3A_2132 = arith.select %broadcast_in_dim3A_2130, %mul3A_2127, %broadcast_in_dim3A_2131 : vector<64x512xi1>, vector<64x512xf32>
    %swap3A_2133 = arith.constant 64 : index
    %swap3A_2134 = arith.constant 4096 : index
    %swap3A_2135 = vector.load %arg7[%swap3A_2133, %swap3A_2134] : memref<256x5120xf32, #tpu.memory_space<vmem>>, vector<64x512xf32>
    tpu.vector_store %arg7[%swap3A_2133, %swap3A_2134], %select_n3A_2132 {strides = array<i32>} : memref<256x5120xf32, #tpu.memory_space<vmem>>, vector<64x512xf32>,
    %get3A_2136 = arith.constant 1 : index
    %get3A_2137 = arith.constant 0 : index
    %get3A_2138 = arith.constant 4608 : index
    %get3A_2139 = vector.load %arg0[%get3A_2136, %get3A_2137, %get3A_2138] : memref<4x8x5120xf32, #tpu.memory_space<vmem>>, vector<1x8x512xf32>
    %get3A_2140 = vector.shape_cast %get3A_2139 : vector<1x8x512xf32> to vector<8x512xf32>
    %slice3A_2141 = vector.extract_strided_slice %get3A_2140 {offsets = [0, 0], sizes = [1, 512], strides = [1, 1]} : vector<8x512xf32> to vector<1x512xf32>
    %slice3A_2142 = vector.extract_strided_slice %get3A_2140 {offsets = [1, 0], sizes = [1, 512], strides = [1, 1]} : vector<8x512xf32> to vector<1x512xf32>
    %slice3A_2143 = vector.extract_strided_slice %get3A_2140 {offsets = [2, 0], sizes = [1, 512], strides = [1, 1]} : vector<8x512xf32> to vector<1x512xf32>
    %slice3A_2144 = vector.extract_strided_slice %get3A_2140 {offsets = [3, 0], sizes = [1, 512], strides = [1, 1]} : vector<8x512xf32> to vector<1x512xf32>
    %slice3A_2145 = vector.extract_strided_slice %get3A_2140 {offsets = [4, 0], sizes = [1, 512], strides = [1, 1]} : vector<8x512xf32> to vector<1x512xf32>
    %slice3A_2146 = vector.extract_strided_slice %get3A_2140 {offsets = [5, 0], sizes = [1, 512], strides = [1, 1]} : vector<8x512xf32> to vector<1x512xf32>
    %slice3A_2147 = vector.extract_strided_slice %get3A_2140 {offsets = [6, 0], sizes = [1, 512], strides = [1, 1]} : vector<8x512xf32> to vector<1x512xf32>
    %slice3A_2148 = vector.extract_strided_slice %get3A_2140 {offsets = [7, 0], sizes = [1, 512], strides = [1, 1]} : vector<8x512xf32> to vector<1x512xf32>
    %sub3A_2149 = arith.subf %slice3A_2143, %slice3A_2141 : vector<1x512xf32>
    %add3A_2150 = arith.constant 1.000000e+00 : f32
    %add3A_2151 = vector.broadcast %add3A_2150 : f32 to vector<1x512xf32>
    %add3A_2152 = arith.addf %sub3A_2149, %add3A_2151 : vector<1x512xf32>
    %sub3A_2153 = arith.subf %slice3A_2144, %slice3A_2142 : vector<1x512xf32>
    %add3A_2154 = arith.constant 1.000000e+00 : f32
    %add3A_2155 = vector.broadcast %add3A_2154 : f32 to vector<1x512xf32>
    %add3A_2156 = arith.addf %sub3A_2153, %add3A_2155 : vector<1x512xf32>
    %mul3A_2157 = arith.mulf %add3A_2152, %add3A_2156 : vector<1x512xf32>
    %sub3A_2158 = arith.subf %slice3A_2147, %slice3A_2145 : vector<1x512xf32>
    %add3A_2159 = arith.constant 1.000000e+00 : f32
    %add3A_2160 = vector.broadcast %add3A_2159 : f32 to vector<1x512xf32>
    %add3A_2161 = arith.addf %sub3A_2158, %add3A_2160 : vector<1x512xf32>
    %sub3A_2162 = arith.subf %slice3A_2148, %slice3A_2146 : vector<1x512xf32>
    %add3A_2163 = arith.constant 1.000000e+00 : f32
    %add3A_2164 = vector.broadcast %add3A_2163 : f32 to vector<1x512xf32>
    %add3A_2165 = arith.addf %sub3A_2162, %add3A_2164 : vector<1x512xf32>
    %mul3A_2166 = arith.mulf %add3A_2161, %add3A_2165 : vector<1x512xf32>
    %min3A_2167 = vector.broadcast %slice3A_2143 : vector<1x512xf32> to vector<64x512xf32>
    %min3A_2168 = vector.broadcast %broadcast_in_dim3A_1145 : vector<64x1xf32> to vector<64x512xf32>
    %min3A_2169 = arith.minimumf %min3A_2167, %min3A_2168 : vector<64x512xf32>
    %max3A_2170 = vector.broadcast %slice3A_2141 : vector<1x512xf32> to vector<64x512xf32>
    %max3A_2171 = vector.broadcast %broadcast_in_dim3A_1133 : vector<64x1xf32> to vector<64x512xf32>
    %max3A_2172 = arith.maximumf %max3A_2170, %max3A_2171 : vector<64x512xf32>
    %sub3A_2173 = arith.subf %min3A_2169, %max3A_2172 : vector<64x512xf32>
    %add3A_2174 = arith.constant 1.000000e+00 : f32
    %add3A_2175 = vector.broadcast %add3A_2174 : f32 to vector<64x512xf32>
    %add3A_2176 = arith.addf %sub3A_2173, %add3A_2175 : vector<64x512xf32>
    %min3A_2177 = vector.broadcast %slice3A_2144 : vector<1x512xf32> to vector<64x512xf32>
    %min3A_2178 = vector.broadcast %broadcast_in_dim3A_1151 : vector<64x1xf32> to vector<64x512xf32>
    %min3A_2179 = arith.minimumf %min3A_2177, %min3A_2178 : vector<64x512xf32>
    %max3A_2180 = vector.broadcast %slice3A_2142 : vector<1x512xf32> to vector<64x512xf32>
    %max3A_2181 = vector.broadcast %broadcast_in_dim3A_1139 : vector<64x1xf32> to vector<64x512xf32>
    %max3A_2182 = arith.maximumf %max3A_2180, %max3A_2181 : vector<64x512xf32>
    %sub3A_2183 = arith.subf %min3A_2179, %max3A_2182 : vector<64x512xf32>
    %add3A_2184 = arith.constant 1.000000e+00 : f32
    %add3A_2185 = vector.broadcast %add3A_2184 : f32 to vector<64x512xf32>
    %add3A_2186 = arith.addf %sub3A_2183, %add3A_2185 : vector<64x512xf32>
    %jit3A_2187 = arith.constant 0.000000e+00 : f32
    %max3A_2188 = vector.broadcast %jit3A_2187 : f32 to vector<64x512xf32>
    %max3A_2189 = arith.maximumf %max3A_2188, %add3A_2176 : vector<64x512xf32>
    %jit3A_2190 = arith.constant 0.000000e+00 : f32
    %max3A_2191 = vector.broadcast %jit3A_2190 : f32 to vector<64x512xf32>
    %max3A_2192 = arith.maximumf %max3A_2191, %add3A_2186 : vector<64x512xf32>
    %mul3A_2193 = arith.mulf %max3A_2189, %max3A_2192 : vector<64x512xf32>
    %add3A_2194 = vector.broadcast %mul3A_2157 : vector<1x512xf32> to vector<64x512xf32>
    %add3A_2195 = vector.broadcast %mul3A_1190 : vector<64x1xf32> to vector<64x512xf32>
    %add3A_2196 = arith.addf %add3A_2194, %add3A_2195 : vector<64x512xf32>
    %sub3A_2197 = arith.subf %add3A_2196, %mul3A_2193 : vector<64x512xf32>
    %div3A_2198 = arith.divf %mul3A_2193, %sub3A_2197 : vector<64x512xf32>
    %min3A_2199 = vector.broadcast %slice3A_2147 : vector<1x512xf32> to vector<64x512xf32>
    %min3A_2200 = vector.broadcast %broadcast_in_dim3A_1169 : vector<64x1xf32> to vector<64x512xf32>
    %min3A_2201 = arith.minimumf %min3A_2199, %min3A_2200 : vector<64x512xf32>
    %max3A_2202 = vector.broadcast %slice3A_2145 : vector<1x512xf32> to vector<64x512xf32>
    %max3A_2203 = vector.broadcast %broadcast_in_dim3A_1157 : vector<64x1xf32> to vector<64x512xf32>
    %max3A_2204 = arith.maximumf %max3A_2202, %max3A_2203 : vector<64x512xf32>
    %sub3A_2205 = arith.subf %min3A_2201, %max3A_2204 : vector<64x512xf32>
    %add3A_2206 = arith.constant 1.000000e+00 : f32
    %add3A_2207 = vector.broadcast %add3A_2206 : f32 to vector<64x512xf32>
    %add3A_2208 = arith.addf %sub3A_2205, %add3A_2207 : vector<64x512xf32>
    %min3A_2209 = vector.broadcast %slice3A_2148 : vector<1x512xf32> to vector<64x512xf32>
    %min3A_2210 = vector.broadcast %broadcast_in_dim3A_1175 : vector<64x1xf32> to vector<64x512xf32>
    %min3A_2211 = arith.minimumf %min3A_2209, %min3A_2210 : vector<64x512xf32>
    %max3A_2212 = vector.broadcast %slice3A_2146 : vector<1x512xf32> to vector<64x512xf32>
    %max3A_2213 = vector.broadcast %broadcast_in_dim3A_1163 : vector<64x1xf32> to vector<64x512xf32>
    %max3A_2214 = arith.maximumf %max3A_2212, %max3A_2213 : vector<64x512xf32>
    %sub3A_2215 = arith.subf %min3A_2211, %max3A_2214 : vector<64x512xf32>
    %add3A_2216 = arith.constant 1.000000e+00 : f32
    %add3A_2217 = vector.broadcast %add3A_2216 : f32 to vector<64x512xf32>
    %add3A_2218 = arith.addf %sub3A_2215, %add3A_2217 : vector<64x512xf32>
    %jit3A_2219 = arith.constant 0.000000e+00 : f32
    %max3A_2220 = vector.broadcast %jit3A_2219 : f32 to vector<64x512xf32>
    %max3A_2221 = arith.maximumf %max3A_2220, %add3A_2208 : vector<64x512xf32>
    %jit3A_2222 = arith.constant 0.000000e+00 : f32
    %max3A_2223 = vector.broadcast %jit3A_2222 : f32 to vector<64x512xf32>
    %max3A_2224 = arith.maximumf %max3A_2223, %add3A_2218 : vector<64x512xf32>
    %mul3A_2225 = arith.mulf %max3A_2221, %max3A_2224 : vector<64x512xf32>
    %add3A_2226 = vector.broadcast %mul3A_2166 : vector<1x512xf32> to vector<64x512xf32>
    %add3A_2227 = vector.broadcast %mul3A_1199 : vector<64x1xf32> to vector<64x512xf32>
    %add3A_2228 = arith.addf %add3A_2226, %add3A_2227 : vector<64x512xf32>
    %sub3A_2229 = arith.subf %add3A_2228, %mul3A_2225 : vector<64x512xf32>
    %div3A_2230 = arith.divf %mul3A_2225, %sub3A_2229 : vector<64x512xf32>
    %mul3A_2231 = arith.mulf %div3A_2198, %div3A_2230 : vector<64x512xf32>
    %jit3A_2232 = arith.constant 0.000000e+00 : f32
    %broadcast_in_dim3A_2233 = vector.shape_cast %gt3A_1181 : vector<64x1xi1> to vector<64x1xi1>
    %broadcast_in_dim3A_2234 = vector.broadcast %broadcast_in_dim3A_2233 : vector<64x1xi1> to vector<64x512xi1>
    %broadcast_in_dim3A_2235 = vector.broadcast %jit3A_2232 : f32 to vector<64x512xf32>
    %select_n3A_2236 = arith.select %broadcast_in_dim3A_2234, %mul3A_2231, %broadcast_in_dim3A_2235 : vector<64x512xi1>, vector<64x512xf32>
    %swap3A_2237 = arith.constant 64 : index
    %swap3A_2238 = arith.constant 4608 : index
    %swap3A_2239 = vector.load %arg7[%swap3A_2237, %swap3A_2238] : memref<256x5120xf32, #tpu.memory_space<vmem>>, vector<64x512xf32>
    tpu.vector_store %arg7[%swap3A_2237, %swap3A_2238], %select_n3A_2236 {strides = array<i32>} : memref<256x5120xf32, #tpu.memory_space<vmem>>, vector<64x512xf32>,
    %get3A_2240 = arith.constant 2 : index
    %get3A_2241 = arith.constant 0 : index
    %get3A_2242 = arith.constant 0 : index
    %get3A_2243 = vector.load %arg2[%get3A_2240, %get3A_2241, %get3A_2242] : memref<4x64x128xf32, #tpu.memory_space<vmem>>, vector<1x64x128xf32>
    %get3A_2244 = vector.shape_cast %get3A_2243 : vector<1x64x128xf32> to vector<64x128xf32>
    %get3A_2245 = arith.constant 2 : index
    %get3A_2246 = arith.constant 0 : index
    %get3A_2247 = arith.constant 0 : index
    %get3A_2248 = vector.load %arg3[%get3A_2245, %get3A_2246, %get3A_2247] : memref<4x64x128xf32, #tpu.memory_space<vmem>>, vector<1x64x128xf32>
    %get3A_2249 = vector.shape_cast %get3A_2248 : vector<1x64x128xf32> to vector<64x128xf32>
    %get3A_2250 = arith.constant 2 : index
    %get3A_2251 = arith.constant 0 : index
    %get3A_2252 = arith.constant 0 : index
    %get3A_2253 = vector.load %arg1[%get3A_2250, %get3A_2251, %get3A_2252] : memref<4x8x128xf32, #tpu.memory_space<vmem>>, vector<1x8x128xf32>
    %get3A_2254 = vector.shape_cast %get3A_2253 : vector<1x8x128xf32> to vector<8x128xf32>
    %slice3A_2255 = vector.extract_strided_slice %get3A_2254 {offsets = [0, 0], sizes = [1, 128], strides = [1, 1]} : vector<8x128xf32> to vector<1x128xf32>
    %mul3A_2256 = vector.broadcast %slice3A_2255 : vector<1x128xf32> to vector<64x128xf32>
    %mul3A_2257 = arith.mulf %get3A_2244, %mul3A_2256 : vector<64x128xf32>
    %reduce_sum3A_2258 = arith.constant dense<0.000000e+00> : vector<64xf32>
    %reduce_sum3A_2259 = vector.multi_reduction <add>, %mul3A_2257, %reduce_sum3A_2258 [1] : vector<64x128xf32> to vector<64xf32>
    %broadcast_in_dim3A_2260 = vector.shape_cast %reduce_sum3A_2259 : vector<64xf32> to vector<64x1xf32>
    %slice3A_2261 = vector.extract_strided_slice %get3A_2254 {offsets = [1, 0], sizes = [1, 128], strides = [1, 1]} : vector<8x128xf32> to vector<1x128xf32>
    %mul3A_2262 = vector.broadcast %slice3A_2261 : vector<1x128xf32> to vector<64x128xf32>
    %mul3A_2263 = arith.mulf %get3A_2244, %mul3A_2262 : vector<64x128xf32>
    %reduce_sum3A_2264 = arith.constant dense<0.000000e+00> : vector<64xf32>
    %reduce_sum3A_2265 = vector.multi_reduction <add>, %mul3A_2263, %reduce_sum3A_2264 [1] : vector<64x128xf32> to vector<64xf32>
    %broadcast_in_dim3A_2266 = vector.shape_cast %reduce_sum3A_2265 : vector<64xf32> to vector<64x1xf32>
    %slice3A_2267 = vector.extract_strided_slice %get3A_2254 {offsets = [2, 0], sizes = [1, 128], strides = [1, 1]} : vector<8x128xf32> to vector<1x128xf32>
    %mul3A_2268 = vector.broadcast %slice3A_2267 : vector<1x128xf32> to vector<64x128xf32>
    %mul3A_2269 = arith.mulf %get3A_2244, %mul3A_2268 : vector<64x128xf32>
    %reduce_sum3A_2270 = arith.constant dense<0.000000e+00> : vector<64xf32>
    %reduce_sum3A_2271 = vector.multi_reduction <add>, %mul3A_2269, %reduce_sum3A_2270 [1] : vector<64x128xf32> to vector<64xf32>
    %broadcast_in_dim3A_2272 = vector.shape_cast %reduce_sum3A_2271 : vector<64xf32> to vector<64x1xf32>
    %slice3A_2273 = vector.extract_strided_slice %get3A_2254 {offsets = [3, 0], sizes = [1, 128], strides = [1, 1]} : vector<8x128xf32> to vector<1x128xf32>
    %mul3A_2274 = vector.broadcast %slice3A_2273 : vector<1x128xf32> to vector<64x128xf32>
    %mul3A_2275 = arith.mulf %get3A_2244, %mul3A_2274 : vector<64x128xf32>
    %reduce_sum3A_2276 = arith.constant dense<0.000000e+00> : vector<64xf32>
    %reduce_sum3A_2277 = vector.multi_reduction <add>, %mul3A_2275, %reduce_sum3A_2276 [1] : vector<64x128xf32> to vector<64xf32>
    %broadcast_in_dim3A_2278 = vector.shape_cast %reduce_sum3A_2277 : vector<64xf32> to vector<64x1xf32>
    %slice3A_2279 = vector.extract_strided_slice %get3A_2254 {offsets = [0, 0], sizes = [1, 128], strides = [1, 1]} : vector<8x128xf32> to vector<1x128xf32>
    %mul3A_2280 = vector.broadcast %slice3A_2279 : vector<1x128xf32> to vector<64x128xf32>
    %mul3A_2281 = arith.mulf %get3A_2249, %mul3A_2280 : vector<64x128xf32>
    %reduce_sum3A_2282 = arith.constant dense<0.000000e+00> : vector<64xf32>
    %reduce_sum3A_2283 = vector.multi_reduction <add>, %mul3A_2281, %reduce_sum3A_2282 [1] : vector<64x128xf32> to vector<64xf32>
    %broadcast_in_dim3A_2284 = vector.shape_cast %reduce_sum3A_2283 : vector<64xf32> to vector<64x1xf32>
    %slice3A_2285 = vector.extract_strided_slice %get3A_2254 {offsets = [1, 0], sizes = [1, 128], strides = [1, 1]} : vector<8x128xf32> to vector<1x128xf32>
    %mul3A_2286 = vector.broadcast %slice3A_2285 : vector<1x128xf32> to vector<64x128xf32>
    %mul3A_2287 = arith.mulf %get3A_2249, %mul3A_2286 : vector<64x128xf32>
    %reduce_sum3A_2288 = arith.constant dense<0.000000e+00> : vector<64xf32>
    %reduce_sum3A_2289 = vector.multi_reduction <add>, %mul3A_2287, %reduce_sum3A_2288 [1] : vector<64x128xf32> to vector<64xf32>
    %broadcast_in_dim3A_2290 = vector.shape_cast %reduce_sum3A_2289 : vector<64xf32> to vector<64x1xf32>
    %slice3A_2291 = vector.extract_strided_slice %get3A_2254 {offsets = [2, 0], sizes = [1, 128], strides = [1, 1]} : vector<8x128xf32> to vector<1x128xf32>
    %mul3A_2292 = vector.broadcast %slice3A_2291 : vector<1x128xf32> to vector<64x128xf32>
    %mul3A_2293 = arith.mulf %get3A_2249, %mul3A_2292 : vector<64x128xf32>
    %reduce_sum3A_2294 = arith.constant dense<0.000000e+00> : vector<64xf32>
    %reduce_sum3A_2295 = vector.multi_reduction <add>, %mul3A_2293, %reduce_sum3A_2294 [1] : vector<64x128xf32> to vector<64xf32>
    %broadcast_in_dim3A_2296 = vector.shape_cast %reduce_sum3A_2295 : vector<64xf32> to vector<64x1xf32>
    %slice3A_2297 = vector.extract_strided_slice %get3A_2254 {offsets = [3, 0], sizes = [1, 128], strides = [1, 1]} : vector<8x128xf32> to vector<1x128xf32>
    %mul3A_2298 = vector.broadcast %slice3A_2297 : vector<1x128xf32> to vector<64x128xf32>
    %mul3A_2299 = arith.mulf %get3A_2249, %mul3A_2298 : vector<64x128xf32>
    %reduce_sum3A_2300 = arith.constant dense<0.000000e+00> : vector<64xf32>
    %reduce_sum3A_2301 = vector.multi_reduction <add>, %mul3A_2299, %reduce_sum3A_2300 [1] : vector<64x128xf32> to vector<64xf32>
    %broadcast_in_dim3A_2302 = vector.shape_cast %reduce_sum3A_2301 : vector<64xf32> to vector<64x1xf32>
    %reduce_sum3A_2303 = arith.constant dense<0.000000e+00> : vector<64xf32>
    %reduce_sum3A_2304 = vector.multi_reduction <add>, %get3A_2244, %reduce_sum3A_2303 [1] : vector<64x128xf32> to vector<64xf32>
    %broadcast_in_dim3A_2305 = vector.shape_cast %reduce_sum3A_2304 : vector<64xf32> to vector<64x1xf32>
    %gt3A_2306 = arith.constant 0.000000e+00 : f32
    %gt3A_2307 = vector.broadcast %gt3A_2306 : f32 to vector<64x1xf32>
    %gt3A_2308 = arith.cmpf ogt, %broadcast_in_dim3A_2305, %gt3A_2307 : vector<64x1xf32>
    %sub3A_2309 = arith.subf %broadcast_in_dim3A_2272, %broadcast_in_dim3A_2260 : vector<64x1xf32>
    %add3A_2310 = arith.constant 1.000000e+00 : f32
    %add3A_2311 = vector.broadcast %add3A_2310 : f32 to vector<64x1xf32>
    %add3A_2312 = arith.addf %sub3A_2309, %add3A_2311 : vector<64x1xf32>
    %sub3A_2313 = arith.subf %broadcast_in_dim3A_2278, %broadcast_in_dim3A_2266 : vector<64x1xf32>
    %add3A_2314 = arith.constant 1.000000e+00 : f32
    %add3A_2315 = vector.broadcast %add3A_2314 : f32 to vector<64x1xf32>
    %add3A_2316 = arith.addf %sub3A_2313, %add3A_2315 : vector<64x1xf32>
    %mul3A_2317 = arith.mulf %add3A_2312, %add3A_2316 : vector<64x1xf32>
    %sub3A_2318 = arith.subf %broadcast_in_dim3A_2296, %broadcast_in_dim3A_2284 : vector<64x1xf32>
    %add3A_2319 = arith.constant 1.000000e+00 : f32
    %add3A_2320 = vector.broadcast %add3A_2319 : f32 to vector<64x1xf32>
    %add3A_2321 = arith.addf %sub3A_2318, %add3A_2320 : vector<64x1xf32>
    %sub3A_2322 = arith.subf %broadcast_in_dim3A_2302, %broadcast_in_dim3A_2290 : vector<64x1xf32>
    %add3A_2323 = arith.constant 1.000000e+00 : f32
    %add3A_2324 = vector.broadcast %add3A_2323 : f32 to vector<64x1xf32>
    %add3A_2325 = arith.addf %sub3A_2322, %add3A_2324 : vector<64x1xf32>
    %mul3A_2326 = arith.mulf %add3A_2321, %add3A_2325 : vector<64x1xf32>
    %get3A_2327 = arith.constant 2 : index
    %get3A_2328 = arith.constant 0 : index
    %get3A_2329 = arith.constant 0 : index
    %get3A_2330 = vector.load %arg0[%get3A_2327, %get3A_2328, %get3A_2329] : memref<4x8x5120xf32, #tpu.memory_space<vmem>>, vector<1x8x512xf32>
    %get3A_2331 = vector.shape_cast %get3A_2330 : vector<1x8x512xf32> to vector<8x512xf32>
    %slice3A_2332 = vector.extract_strided_slice %get3A_2331 {offsets = [0, 0], sizes = [1, 512], strides = [1, 1]} : vector<8x512xf32> to vector<1x512xf32>
    %slice3A_2333 = vector.extract_strided_slice %get3A_2331 {offsets = [1, 0], sizes = [1, 512], strides = [1, 1]} : vector<8x512xf32> to vector<1x512xf32>
    %slice3A_2334 = vector.extract_strided_slice %get3A_2331 {offsets = [2, 0], sizes = [1, 512], strides = [1, 1]} : vector<8x512xf32> to vector<1x512xf32>
    %slice3A_2335 = vector.extract_strided_slice %get3A_2331 {offsets = [3, 0], sizes = [1, 512], strides = [1, 1]} : vector<8x512xf32> to vector<1x512xf32>
    %slice3A_2336 = vector.extract_strided_slice %get3A_2331 {offsets = [4, 0], sizes = [1, 512], strides = [1, 1]} : vector<8x512xf32> to vector<1x512xf32>
    %slice3A_2337 = vector.extract_strided_slice %get3A_2331 {offsets = [5, 0], sizes = [1, 512], strides = [1, 1]} : vector<8x512xf32> to vector<1x512xf32>
    %slice3A_2338 = vector.extract_strided_slice %get3A_2331 {offsets = [6, 0], sizes = [1, 512], strides = [1, 1]} : vector<8x512xf32> to vector<1x512xf32>
    %slice3A_2339 = vector.extract_strided_slice %get3A_2331 {offsets = [7, 0], sizes = [1, 512], strides = [1, 1]} : vector<8x512xf32> to vector<1x512xf32>
    %sub3A_2340 = arith.subf %slice3A_2334, %slice3A_2332 : vector<1x512xf32>
    %add3A_2341 = arith.constant 1.000000e+00 : f32
    %add3A_2342 = vector.broadcast %add3A_2341 : f32 to vector<1x512xf32>
    %add3A_2343 = arith.addf %sub3A_2340, %add3A_2342 : vector<1x512xf32>
    %sub3A_2344 = arith.subf %slice3A_2335, %slice3A_2333 : vector<1x512xf32>
    %add3A_2345 = arith.constant 1.000000e+00 : f32
    %add3A_2346 = vector.broadcast %add3A_2345 : f32 to vector<1x512xf32>
    %add3A_2347 = arith.addf %sub3A_2344, %add3A_2346 : vector<1x512xf32>
    %mul3A_2348 = arith.mulf %add3A_2343, %add3A_2347 : vector<1x512xf32>
    %sub3A_2349 = arith.subf %slice3A_2338, %slice3A_2336 : vector<1x512xf32>
    %add3A_2350 = arith.constant 1.000000e+00 : f32
    %add3A_2351 = vector.broadcast %add3A_2350 : f32 to vector<1x512xf32>
    %add3A_2352 = arith.addf %sub3A_2349, %add3A_2351 : vector<1x512xf32>
    %sub3A_2353 = arith.subf %slice3A_2339, %slice3A_2337 : vector<1x512xf32>
    %add3A_2354 = arith.constant 1.000000e+00 : f32
    %add3A_2355 = vector.broadcast %add3A_2354 : f32 to vector<1x512xf32>
    %add3A_2356 = arith.addf %sub3A_2353, %add3A_2355 : vector<1x512xf32>
    %mul3A_2357 = arith.mulf %add3A_2352, %add3A_2356 : vector<1x512xf32>
    %min3A_2358 = vector.broadcast %slice3A_2334 : vector<1x512xf32> to vector<64x512xf32>
    %min3A_2359 = vector.broadcast %broadcast_in_dim3A_2272 : vector<64x1xf32> to vector<64x512xf32>
    %min3A_2360 = arith.minimumf %min3A_2358, %min3A_2359 : vector<64x512xf32>
    %max3A_2361 = vector.broadcast %slice3A_2332 : vector<1x512xf32> to vector<64x512xf32>
    %max3A_2362 = vector.broadcast %broadcast_in_dim3A_2260 : vector<64x1xf32> to vector<64x512xf32>
    %max3A_2363 = arith.maximumf %max3A_2361, %max3A_2362 : vector<64x512xf32>
    %sub3A_2364 = arith.subf %min3A_2360, %max3A_2363 : vector<64x512xf32>
    %add3A_2365 = arith.constant 1.000000e+00 : f32
    %add3A_2366 = vector.broadcast %add3A_2365 : f32 to vector<64x512xf32>
    %add3A_2367 = arith.addf %sub3A_2364, %add3A_2366 : vector<64x512xf32>
    %min3A_2368 = vector.broadcast %slice3A_2335 : vector<1x512xf32> to vector<64x512xf32>
    %min3A_2369 = vector.broadcast %broadcast_in_dim3A_2278 : vector<64x1xf32> to vector<64x512xf32>
    %min3A_2370 = arith.minimumf %min3A_2368, %min3A_2369 : vector<64x512xf32>
    %max3A_2371 = vector.broadcast %slice3A_2333 : vector<1x512xf32> to vector<64x512xf32>
    %max3A_2372 = vector.broadcast %broadcast_in_dim3A_2266 : vector<64x1xf32> to vector<64x512xf32>
    %max3A_2373 = arith.maximumf %max3A_2371, %max3A_2372 : vector<64x512xf32>
    %sub3A_2374 = arith.subf %min3A_2370, %max3A_2373 : vector<64x512xf32>
    %add3A_2375 = arith.constant 1.000000e+00 : f32
    %add3A_2376 = vector.broadcast %add3A_2375 : f32 to vector<64x512xf32>
    %add3A_2377 = arith.addf %sub3A_2374, %add3A_2376 : vector<64x512xf32>
    %jit3A_2378 = arith.constant 0.000000e+00 : f32
    %max3A_2379 = vector.broadcast %jit3A_2378 : f32 to vector<64x512xf32>
    %max3A_2380 = arith.maximumf %max3A_2379, %add3A_2367 : vector<64x512xf32>
    %jit3A_2381 = arith.constant 0.000000e+00 : f32
    %max3A_2382 = vector.broadcast %jit3A_2381 : f32 to vector<64x512xf32>
    %max3A_2383 = arith.maximumf %max3A_2382, %add3A_2377 : vector<64x512xf32>
    %mul3A_2384 = arith.mulf %max3A_2380, %max3A_2383 : vector<64x512xf32>
    %add3A_2385 = vector.broadcast %mul3A_2348 : vector<1x512xf32> to vector<64x512xf32>
    %add3A_2386 = vector.broadcast %mul3A_2317 : vector<64x1xf32> to vector<64x512xf32>
    %add3A_2387 = arith.addf %add3A_2385, %add3A_2386 : vector<64x512xf32>
    %sub3A_2388 = arith.subf %add3A_2387, %mul3A_2384 : vector<64x512xf32>
    %div3A_2389 = arith.divf %mul3A_2384, %sub3A_2388 : vector<64x512xf32>
    %min3A_2390 = vector.broadcast %slice3A_2338 : vector<1x512xf32> to vector<64x512xf32>
    %min3A_2391 = vector.broadcast %broadcast_in_dim3A_2296 : vector<64x1xf32> to vector<64x512xf32>
    %min3A_2392 = arith.minimumf %min3A_2390, %min3A_2391 : vector<64x512xf32>
    %max3A_2393 = vector.broadcast %slice3A_2336 : vector<1x512xf32> to vector<64x512xf32>
    %max3A_2394 = vector.broadcast %broadcast_in_dim3A_2284 : vector<64x1xf32> to vector<64x512xf32>
    %max3A_2395 = arith.maximumf %max3A_2393, %max3A_2394 : vector<64x512xf32>
    %sub3A_2396 = arith.subf %min3A_2392, %max3A_2395 : vector<64x512xf32>
    %add3A_2397 = arith.constant 1.000000e+00 : f32
    %add3A_2398 = vector.broadcast %add3A_2397 : f32 to vector<64x512xf32>
    %add3A_2399 = arith.addf %sub3A_2396, %add3A_2398 : vector<64x512xf32>
    %min3A_2400 = vector.broadcast %slice3A_2339 : vector<1x512xf32> to vector<64x512xf32>
    %min3A_2401 = vector.broadcast %broadcast_in_dim3A_2302 : vector<64x1xf32> to vector<64x512xf32>
    %min3A_2402 = arith.minimumf %min3A_2400, %min3A_2401 : vector<64x512xf32>
    %max3A_2403 = vector.broadcast %slice3A_2337 : vector<1x512xf32> to vector<64x512xf32>
    %max3A_2404 = vector.broadcast %broadcast_in_dim3A_2290 : vector<64x1xf32> to vector<64x512xf32>
    %max3A_2405 = arith.maximumf %max3A_2403, %max3A_2404 : vector<64x512xf32>
    %sub3A_2406 = arith.subf %min3A_2402, %max3A_2405 : vector<64x512xf32>
    %add3A_2407 = arith.constant 1.000000e+00 : f32
    %add3A_2408 = vector.broadcast %add3A_2407 : f32 to vector<64x512xf32>
    %add3A_2409 = arith.addf %sub3A_2406, %add3A_2408 : vector<64x512xf32>
    %jit3A_2410 = arith.constant 0.000000e+00 : f32
    %max3A_2411 = vector.broadcast %jit3A_2410 : f32 to vector<64x512xf32>
    %max3A_2412 = arith.maximumf %max3A_2411, %add3A_2399 : vector<64x512xf32>
    %jit3A_2413 = arith.constant 0.000000e+00 : f32
    %max3A_2414 = vector.broadcast %jit3A_2413 : f32 to vector<64x512xf32>
    %max3A_2415 = arith.maximumf %max3A_2414, %add3A_2409 : vector<64x512xf32>
    %mul3A_2416 = arith.mulf %max3A_2412, %max3A_2415 : vector<64x512xf32>
    %add3A_2417 = vector.broadcast %mul3A_2357 : vector<1x512xf32> to vector<64x512xf32>
    %add3A_2418 = vector.broadcast %mul3A_2326 : vector<64x1xf32> to vector<64x512xf32>
    %add3A_2419 = arith.addf %add3A_2417, %add3A_2418 : vector<64x512xf32>
    %sub3A_2420 = arith.subf %add3A_2419, %mul3A_2416 : vector<64x512xf32>
    %div3A_2421 = arith.divf %mul3A_2416, %sub3A_2420 : vector<64x512xf32>
    %mul3A_2422 = arith.mulf %div3A_2389, %div3A_2421 : vector<64x512xf32>
    %jit3A_2423 = arith.constant 0.000000e+00 : f32
    %broadcast_in_dim3A_2424 = vector.shape_cast %gt3A_2308 : vector<64x1xi1> to vector<64x1xi1>
    %broadcast_in_dim3A_2425 = vector.broadcast %broadcast_in_dim3A_2424 : vector<64x1xi1> to vector<64x512xi1>
    %broadcast_in_dim3A_2426 = vector.broadcast %jit3A_2423 : f32 to vector<64x512xf32>
    %select_n3A_2427 = arith.select %broadcast_in_dim3A_2425, %mul3A_2422, %broadcast_in_dim3A_2426 : vector<64x512xi1>, vector<64x512xf32>
    %swap3A_2428 = arith.constant 128 : index
    %swap3A_2429 = arith.constant 0 : index
    %swap3A_2430 = vector.load %arg7[%swap3A_2428, %swap3A_2429] : memref<256x5120xf32, #tpu.memory_space<vmem>>, vector<64x512xf32>
    tpu.vector_store %arg7[%swap3A_2428, %swap3A_2429], %select_n3A_2427 {strides = array<i32>} : memref<256x5120xf32, #tpu.memory_space<vmem>>, vector<64x512xf32>,
    %get3A_2431 = arith.constant 2 : index
    %get3A_2432 = arith.constant 0 : index
    %get3A_2433 = arith.constant 512 : index
    %get3A_2434 = vector.load %arg0[%get3A_2431, %get3A_2432, %get3A_2433] : memref<4x8x5120xf32, #tpu.memory_space<vmem>>, vector<1x8x512xf32>
    %get3A_2435 = vector.shape_cast %get3A_2434 : vector<1x8x512xf32> to vector<8x512xf32>
    %slice3A_2436 = vector.extract_strided_slice %get3A_2435 {offsets = [0, 0], sizes = [1, 512], strides = [1, 1]} : vector<8x512xf32> to vector<1x512xf32>
    %slice3A_2437 = vector.extract_strided_slice %get3A_2435 {offsets = [1, 0], sizes = [1, 512], strides = [1, 1]} : vector<8x512xf32> to vector<1x512xf32>
    %slice3A_2438 = vector.extract_strided_slice %get3A_2435 {offsets = [2, 0], sizes = [1, 512], strides = [1, 1]} : vector<8x512xf32> to vector<1x512xf32>
    %slice3A_2439 = vector.extract_strided_slice %get3A_2435 {offsets = [3, 0], sizes = [1, 512], strides = [1, 1]} : vector<8x512xf32> to vector<1x512xf32>
    %slice3A_2440 = vector.extract_strided_slice %get3A_2435 {offsets = [4, 0], sizes = [1, 512], strides = [1, 1]} : vector<8x512xf32> to vector<1x512xf32>
    %slice3A_2441 = vector.extract_strided_slice %get3A_2435 {offsets = [5, 0], sizes = [1, 512], strides = [1, 1]} : vector<8x512xf32> to vector<1x512xf32>
    %slice3A_2442 = vector.extract_strided_slice %get3A_2435 {offsets = [6, 0], sizes = [1, 512], strides = [1, 1]} : vector<8x512xf32> to vector<1x512xf32>
    %slice3A_2443 = vector.extract_strided_slice %get3A_2435 {offsets = [7, 0], sizes = [1, 512], strides = [1, 1]} : vector<8x512xf32> to vector<1x512xf32>
    %sub3A_2444 = arith.subf %slice3A_2438, %slice3A_2436 : vector<1x512xf32>
    %add3A_2445 = arith.constant 1.000000e+00 : f32
    %add3A_2446 = vector.broadcast %add3A_2445 : f32 to vector<1x512xf32>
    %add3A_2447 = arith.addf %sub3A_2444, %add3A_2446 : vector<1x512xf32>
    %sub3A_2448 = arith.subf %slice3A_2439, %slice3A_2437 : vector<1x512xf32>
    %add3A_2449 = arith.constant 1.000000e+00 : f32
    %add3A_2450 = vector.broadcast %add3A_2449 : f32 to vector<1x512xf32>
    %add3A_2451 = arith.addf %sub3A_2448, %add3A_2450 : vector<1x512xf32>
    %mul3A_2452 = arith.mulf %add3A_2447, %add3A_2451 : vector<1x512xf32>
    %sub3A_2453 = arith.subf %slice3A_2442, %slice3A_2440 : vector<1x512xf32>
    %add3A_2454 = arith.constant 1.000000e+00 : f32
    %add3A_2455 = vector.broadcast %add3A_2454 : f32 to vector<1x512xf32>
    %add3A_2456 = arith.addf %sub3A_2453, %add3A_2455 : vector<1x512xf32>
    %sub3A_2457 = arith.subf %slice3A_2443, %slice3A_2441 : vector<1x512xf32>
    %add3A_2458 = arith.constant 1.000000e+00 : f32
    %add3A_2459 = vector.broadcast %add3A_2458 : f32 to vector<1x512xf32>
    %add3A_2460 = arith.addf %sub3A_2457, %add3A_2459 : vector<1x512xf32>
    %mul3A_2461 = arith.mulf %add3A_2456, %add3A_2460 : vector<1x512xf32>
    %min3A_2462 = vector.broadcast %slice3A_2438 : vector<1x512xf32> to vector<64x512xf32>
    %min3A_2463 = vector.broadcast %broadcast_in_dim3A_2272 : vector<64x1xf32> to vector<64x512xf32>
    %min3A_2464 = arith.minimumf %min3A_2462, %min3A_2463 : vector<64x512xf32>
    %max3A_2465 = vector.broadcast %slice3A_2436 : vector<1x512xf32> to vector<64x512xf32>
    %max3A_2466 = vector.broadcast %broadcast_in_dim3A_2260 : vector<64x1xf32> to vector<64x512xf32>
    %max3A_2467 = arith.maximumf %max3A_2465, %max3A_2466 : vector<64x512xf32>
    %sub3A_2468 = arith.subf %min3A_2464, %max3A_2467 : vector<64x512xf32>
    %add3A_2469 = arith.constant 1.000000e+00 : f32
    %add3A_2470 = vector.broadcast %add3A_2469 : f32 to vector<64x512xf32>
    %add3A_2471 = arith.addf %sub3A_2468, %add3A_2470 : vector<64x512xf32>
    %min3A_2472 = vector.broadcast %slice3A_2439 : vector<1x512xf32> to vector<64x512xf32>
    %min3A_2473 = vector.broadcast %broadcast_in_dim3A_2278 : vector<64x1xf32> to vector<64x512xf32>
    %min3A_2474 = arith.minimumf %min3A_2472, %min3A_2473 : vector<64x512xf32>
    %max3A_2475 = vector.broadcast %slice3A_2437 : vector<1x512xf32> to vector<64x512xf32>
    %max3A_2476 = vector.broadcast %broadcast_in_dim3A_2266 : vector<64x1xf32> to vector<64x512xf32>
    %max3A_2477 = arith.maximumf %max3A_2475, %max3A_2476 : vector<64x512xf32>
    %sub3A_2478 = arith.subf %min3A_2474, %max3A_2477 : vector<64x512xf32>
    %add3A_2479 = arith.constant 1.000000e+00 : f32
    %add3A_2480 = vector.broadcast %add3A_2479 : f32 to vector<64x512xf32>
    %add3A_2481 = arith.addf %sub3A_2478, %add3A_2480 : vector<64x512xf32>
    %jit3A_2482 = arith.constant 0.000000e+00 : f32
    %max3A_2483 = vector.broadcast %jit3A_2482 : f32 to vector<64x512xf32>
    %max3A_2484 = arith.maximumf %max3A_2483, %add3A_2471 : vector<64x512xf32>
    %jit3A_2485 = arith.constant 0.000000e+00 : f32
    %max3A_2486 = vector.broadcast %jit3A_2485 : f32 to vector<64x512xf32>
    %max3A_2487 = arith.maximumf %max3A_2486, %add3A_2481 : vector<64x512xf32>
    %mul3A_2488 = arith.mulf %max3A_2484, %max3A_2487 : vector<64x512xf32>
    %add3A_2489 = vector.broadcast %mul3A_2452 : vector<1x512xf32> to vector<64x512xf32>
    %add3A_2490 = vector.broadcast %mul3A_2317 : vector<64x1xf32> to vector<64x512xf32>
    %add3A_2491 = arith.addf %add3A_2489, %add3A_2490 : vector<64x512xf32>
    %sub3A_2492 = arith.subf %add3A_2491, %mul3A_2488 : vector<64x512xf32>
    %div3A_2493 = arith.divf %mul3A_2488, %sub3A_2492 : vector<64x512xf32>
    %min3A_2494 = vector.broadcast %slice3A_2442 : vector<1x512xf32> to vector<64x512xf32>
    %min3A_2495 = vector.broadcast %broadcast_in_dim3A_2296 : vector<64x1xf32> to vector<64x512xf32>
    %min3A_2496 = arith.minimumf %min3A_2494, %min3A_2495 : vector<64x512xf32>
    %max3A_2497 = vector.broadcast %slice3A_2440 : vector<1x512xf32> to vector<64x512xf32>
    %max3A_2498 = vector.broadcast %broadcast_in_dim3A_2284 : vector<64x1xf32> to vector<64x512xf32>
    %max3A_2499 = arith.maximumf %max3A_2497, %max3A_2498 : vector<64x512xf32>
    %sub3A_2500 = arith.subf %min3A_2496, %max3A_2499 : vector<64x512xf32>
    %add3A_2501 = arith.constant 1.000000e+00 : f32
    %add3A_2502 = vector.broadcast %add3A_2501 : f32 to vector<64x512xf32>
    %add3A_2503 = arith.addf %sub3A_2500, %add3A_2502 : vector<64x512xf32>
    %min3A_2504 = vector.broadcast %slice3A_2443 : vector<1x512xf32> to vector<64x512xf32>
    %min3A_2505 = vector.broadcast %broadcast_in_dim3A_2302 : vector<64x1xf32> to vector<64x512xf32>
    %min3A_2506 = arith.minimumf %min3A_2504, %min3A_2505 : vector<64x512xf32>
    %max3A_2507 = vector.broadcast %slice3A_2441 : vector<1x512xf32> to vector<64x512xf32>
    %max3A_2508 = vector.broadcast %broadcast_in_dim3A_2290 : vector<64x1xf32> to vector<64x512xf32>
    %max3A_2509 = arith.maximumf %max3A_2507, %max3A_2508 : vector<64x512xf32>
    %sub3A_2510 = arith.subf %min3A_2506, %max3A_2509 : vector<64x512xf32>
    %add3A_2511 = arith.constant 1.000000e+00 : f32
    %add3A_2512 = vector.broadcast %add3A_2511 : f32 to vector<64x512xf32>
    %add3A_2513 = arith.addf %sub3A_2510, %add3A_2512 : vector<64x512xf32>
    %jit3A_2514 = arith.constant 0.000000e+00 : f32
    %max3A_2515 = vector.broadcast %jit3A_2514 : f32 to vector<64x512xf32>
    %max3A_2516 = arith.maximumf %max3A_2515, %add3A_2503 : vector<64x512xf32>
    %jit3A_2517 = arith.constant 0.000000e+00 : f32
    %max3A_2518 = vector.broadcast %jit3A_2517 : f32 to vector<64x512xf32>
    %max3A_2519 = arith.maximumf %max3A_2518, %add3A_2513 : vector<64x512xf32>
    %mul3A_2520 = arith.mulf %max3A_2516, %max3A_2519 : vector<64x512xf32>
    %add3A_2521 = vector.broadcast %mul3A_2461 : vector<1x512xf32> to vector<64x512xf32>
    %add3A_2522 = vector.broadcast %mul3A_2326 : vector<64x1xf32> to vector<64x512xf32>
    %add3A_2523 = arith.addf %add3A_2521, %add3A_2522 : vector<64x512xf32>
    %sub3A_2524 = arith.subf %add3A_2523, %mul3A_2520 : vector<64x512xf32>
    %div3A_2525 = arith.divf %mul3A_2520, %sub3A_2524 : vector<64x512xf32>
    %mul3A_2526 = arith.mulf %div3A_2493, %div3A_2525 : vector<64x512xf32>
    %jit3A_2527 = arith.constant 0.000000e+00 : f32
    %broadcast_in_dim3A_2528 = vector.shape_cast %gt3A_2308 : vector<64x1xi1> to vector<64x1xi1>
    %broadcast_in_dim3A_2529 = vector.broadcast %broadcast_in_dim3A_2528 : vector<64x1xi1> to vector<64x512xi1>
    %broadcast_in_dim3A_2530 = vector.broadcast %jit3A_2527 : f32 to vector<64x512xf32>
    %select_n3A_2531 = arith.select %broadcast_in_dim3A_2529, %mul3A_2526, %broadcast_in_dim3A_2530 : vector<64x512xi1>, vector<64x512xf32>
    %swap3A_2532 = arith.constant 128 : index
    %swap3A_2533 = arith.constant 512 : index
    %swap3A_2534 = vector.load %arg7[%swap3A_2532, %swap3A_2533] : memref<256x5120xf32, #tpu.memory_space<vmem>>, vector<64x512xf32>
    tpu.vector_store %arg7[%swap3A_2532, %swap3A_2533], %select_n3A_2531 {strides = array<i32>} : memref<256x5120xf32, #tpu.memory_space<vmem>>, vector<64x512xf32>,
    %get3A_2535 = arith.constant 2 : index
    %get3A_2536 = arith.constant 0 : index
    %get3A_2537 = arith.constant 1024 : index
    %get3A_2538 = vector.load %arg0[%get3A_2535, %get3A_2536, %get3A_2537] : memref<4x8x5120xf32, #tpu.memory_space<vmem>>, vector<1x8x512xf32>
    %get3A_2539 = vector.shape_cast %get3A_2538 : vector<1x8x512xf32> to vector<8x512xf32>
    %slice3A_2540 = vector.extract_strided_slice %get3A_2539 {offsets = [0, 0], sizes = [1, 512], strides = [1, 1]} : vector<8x512xf32> to vector<1x512xf32>
    %slice3A_2541 = vector.extract_strided_slice %get3A_2539 {offsets = [1, 0], sizes = [1, 512], strides = [1, 1]} : vector<8x512xf32> to vector<1x512xf32>
    %slice3A_2542 = vector.extract_strided_slice %get3A_2539 {offsets = [2, 0], sizes = [1, 512], strides = [1, 1]} : vector<8x512xf32> to vector<1x512xf32>
    %slice3A_2543 = vector.extract_strided_slice %get3A_2539 {offsets = [3, 0], sizes = [1, 512], strides = [1, 1]} : vector<8x512xf32> to vector<1x512xf32>
    %slice3A_2544 = vector.extract_strided_slice %get3A_2539 {offsets = [4, 0], sizes = [1, 512], strides = [1, 1]} : vector<8x512xf32> to vector<1x512xf32>
    %slice3A_2545 = vector.extract_strided_slice %get3A_2539 {offsets = [5, 0], sizes = [1, 512], strides = [1, 1]} : vector<8x512xf32> to vector<1x512xf32>
    %slice3A_2546 = vector.extract_strided_slice %get3A_2539 {offsets = [6, 0], sizes = [1, 512], strides = [1, 1]} : vector<8x512xf32> to vector<1x512xf32>
    %slice3A_2547 = vector.extract_strided_slice %get3A_2539 {offsets = [7, 0], sizes = [1, 512], strides = [1, 1]} : vector<8x512xf32> to vector<1x512xf32>
    %sub3A_2548 = arith.subf %slice3A_2542, %slice3A_2540 : vector<1x512xf32>
    %add3A_2549 = arith.constant 1.000000e+00 : f32
    %add3A_2550 = vector.broadcast %add3A_2549 : f32 to vector<1x512xf32>
    %add3A_2551 = arith.addf %sub3A_2548, %add3A_2550 : vector<1x512xf32>
    %sub3A_2552 = arith.subf %slice3A_2543, %slice3A_2541 : vector<1x512xf32>
    %add3A_2553 = arith.constant 1.000000e+00 : f32
    %add3A_2554 = vector.broadcast %add3A_2553 : f32 to vector<1x512xf32>
    %add3A_2555 = arith.addf %sub3A_2552, %add3A_2554 : vector<1x512xf32>
    %mul3A_2556 = arith.mulf %add3A_2551, %add3A_2555 : vector<1x512xf32>
    %sub3A_2557 = arith.subf %slice3A_2546, %slice3A_2544 : vector<1x512xf32>
    %add3A_2558 = arith.constant 1.000000e+00 : f32
    %add3A_2559 = vector.broadcast %add3A_2558 : f32 to vector<1x512xf32>
    %add3A_2560 = arith.addf %sub3A_2557, %add3A_2559 : vector<1x512xf32>
    %sub3A_2561 = arith.subf %slice3A_2547, %slice3A_2545 : vector<1x512xf32>
    %add3A_2562 = arith.constant 1.000000e+00 : f32
    %add3A_2563 = vector.broadcast %add3A_2562 : f32 to vector<1x512xf32>
    %add3A_2564 = arith.addf %sub3A_2561, %add3A_2563 : vector<1x512xf32>
    %mul3A_2565 = arith.mulf %add3A_2560, %add3A_2564 : vector<1x512xf32>
    %min3A_2566 = vector.broadcast %slice3A_2542 : vector<1x512xf32> to vector<64x512xf32>
    %min3A_2567 = vector.broadcast %broadcast_in_dim3A_2272 : vector<64x1xf32> to vector<64x512xf32>
    %min3A_2568 = arith.minimumf %min3A_2566, %min3A_2567 : vector<64x512xf32>
    %max3A_2569 = vector.broadcast %slice3A_2540 : vector<1x512xf32> to vector<64x512xf32>
    %max3A_2570 = vector.broadcast %broadcast_in_dim3A_2260 : vector<64x1xf32> to vector<64x512xf32>
    %max3A_2571 = arith.maximumf %max3A_2569, %max3A_2570 : vector<64x512xf32>
    %sub3A_2572 = arith.subf %min3A_2568, %max3A_2571 : vector<64x512xf32>
    %add3A_2573 = arith.constant 1.000000e+00 : f32
    %add3A_2574 = vector.broadcast %add3A_2573 : f32 to vector<64x512xf32>
    %add3A_2575 = arith.addf %sub3A_2572, %add3A_2574 : vector<64x512xf32>
    %min3A_2576 = vector.broadcast %slice3A_2543 : vector<1x512xf32> to vector<64x512xf32>
    %min3A_2577 = vector.broadcast %broadcast_in_dim3A_2278 : vector<64x1xf32> to vector<64x512xf32>
    %min3A_2578 = arith.minimumf %min3A_2576, %min3A_2577 : vector<64x512xf32>
    %max3A_2579 = vector.broadcast %slice3A_2541 : vector<1x512xf32> to vector<64x512xf32>
    %max3A_2580 = vector.broadcast %broadcast_in_dim3A_2266 : vector<64x1xf32> to vector<64x512xf32>
    %max3A_2581 = arith.maximumf %max3A_2579, %max3A_2580 : vector<64x512xf32>
    %sub3A_2582 = arith.subf %min3A_2578, %max3A_2581 : vector<64x512xf32>
    %add3A_2583 = arith.constant 1.000000e+00 : f32
    %add3A_2584 = vector.broadcast %add3A_2583 : f32 to vector<64x512xf32>
    %add3A_2585 = arith.addf %sub3A_2582, %add3A_2584 : vector<64x512xf32>
    %jit3A_2586 = arith.constant 0.000000e+00 : f32
    %max3A_2587 = vector.broadcast %jit3A_2586 : f32 to vector<64x512xf32>
    %max3A_2588 = arith.maximumf %max3A_2587, %add3A_2575 : vector<64x512xf32>
    %jit3A_2589 = arith.constant 0.000000e+00 : f32
    %max3A_2590 = vector.broadcast %jit3A_2589 : f32 to vector<64x512xf32>
    %max3A_2591 = arith.maximumf %max3A_2590, %add3A_2585 : vector<64x512xf32>
    %mul3A_2592 = arith.mulf %max3A_2588, %max3A_2591 : vector<64x512xf32>
    %add3A_2593 = vector.broadcast %mul3A_2556 : vector<1x512xf32> to vector<64x512xf32>
    %add3A_2594 = vector.broadcast %mul3A_2317 : vector<64x1xf32> to vector<64x512xf32>
    %add3A_2595 = arith.addf %add3A_2593, %add3A_2594 : vector<64x512xf32>
    %sub3A_2596 = arith.subf %add3A_2595, %mul3A_2592 : vector<64x512xf32>
    %div3A_2597 = arith.divf %mul3A_2592, %sub3A_2596 : vector<64x512xf32>
    %min3A_2598 = vector.broadcast %slice3A_2546 : vector<1x512xf32> to vector<64x512xf32>
    %min3A_2599 = vector.broadcast %broadcast_in_dim3A_2296 : vector<64x1xf32> to vector<64x512xf32>
    %min3A_2600 = arith.minimumf %min3A_2598, %min3A_2599 : vector<64x512xf32>
    %max3A_2601 = vector.broadcast %slice3A_2544 : vector<1x512xf32> to vector<64x512xf32>
    %max3A_2602 = vector.broadcast %broadcast_in_dim3A_2284 : vector<64x1xf32> to vector<64x512xf32>
    %max3A_2603 = arith.maximumf %max3A_2601, %max3A_2602 : vector<64x512xf32>
    %sub3A_2604 = arith.subf %min3A_2600, %max3A_2603 : vector<64x512xf32>
    %add3A_2605 = arith.constant 1.000000e+00 : f32
    %add3A_2606 = vector.broadcast %add3A_2605 : f32 to vector<64x512xf32>
    %add3A_2607 = arith.addf %sub3A_2604, %add3A_2606 : vector<64x512xf32>
    %min3A_2608 = vector.broadcast %slice3A_2547 : vector<1x512xf32> to vector<64x512xf32>
    %min3A_2609 = vector.broadcast %broadcast_in_dim3A_2302 : vector<64x1xf32> to vector<64x512xf32>
    %min3A_2610 = arith.minimumf %min3A_2608, %min3A_2609 : vector<64x512xf32>
    %max3A_2611 = vector.broadcast %slice3A_2545 : vector<1x512xf32> to vector<64x512xf32>
    %max3A_2612 = vector.broadcast %broadcast_in_dim3A_2290 : vector<64x1xf32> to vector<64x512xf32>
    %max3A_2613 = arith.maximumf %max3A_2611, %max3A_2612 : vector<64x512xf32>
    %sub3A_2614 = arith.subf %min3A_2610, %max3A_2613 : vector<64x512xf32>
    %add3A_2615 = arith.constant 1.000000e+00 : f32
    %add3A_2616 = vector.broadcast %add3A_2615 : f32 to vector<64x512xf32>
    %add3A_2617 = arith.addf %sub3A_2614, %add3A_2616 : vector<64x512xf32>
    %jit3A_2618 = arith.constant 0.000000e+00 : f32
    %max3A_2619 = vector.broadcast %jit3A_2618 : f32 to vector<64x512xf32>
    %max3A_2620 = arith.maximumf %max3A_2619, %add3A_2607 : vector<64x512xf32>
    %jit3A_2621 = arith.constant 0.000000e+00 : f32
    %max3A_2622 = vector.broadcast %jit3A_2621 : f32 to vector<64x512xf32>
    %max3A_2623 = arith.maximumf %max3A_2622, %add3A_2617 : vector<64x512xf32>
    %mul3A_2624 = arith.mulf %max3A_2620, %max3A_2623 : vector<64x512xf32>
    %add3A_2625 = vector.broadcast %mul3A_2565 : vector<1x512xf32> to vector<64x512xf32>
    %add3A_2626 = vector.broadcast %mul3A_2326 : vector<64x1xf32> to vector<64x512xf32>
    %add3A_2627 = arith.addf %add3A_2625, %add3A_2626 : vector<64x512xf32>
    %sub3A_2628 = arith.subf %add3A_2627, %mul3A_2624 : vector<64x512xf32>
    %div3A_2629 = arith.divf %mul3A_2624, %sub3A_2628 : vector<64x512xf32>
    %mul3A_2630 = arith.mulf %div3A_2597, %div3A_2629 : vector<64x512xf32>
    %jit3A_2631 = arith.constant 0.000000e+00 : f32
    %broadcast_in_dim3A_2632 = vector.shape_cast %gt3A_2308 : vector<64x1xi1> to vector<64x1xi1>
    %broadcast_in_dim3A_2633 = vector.broadcast %broadcast_in_dim3A_2632 : vector<64x1xi1> to vector<64x512xi1>
    %broadcast_in_dim3A_2634 = vector.broadcast %jit3A_2631 : f32 to vector<64x512xf32>
    %select_n3A_2635 = arith.select %broadcast_in_dim3A_2633, %mul3A_2630, %broadcast_in_dim3A_2634 : vector<64x512xi1>, vector<64x512xf32>
    %swap3A_2636 = arith.constant 128 : index
    %swap3A_2637 = arith.constant 1024 : index
    %swap3A_2638 = vector.load %arg7[%swap3A_2636, %swap3A_2637] : memref<256x5120xf32, #tpu.memory_space<vmem>>, vector<64x512xf32>
    tpu.vector_store %arg7[%swap3A_2636, %swap3A_2637], %select_n3A_2635 {strides = array<i32>} : memref<256x5120xf32, #tpu.memory_space<vmem>>, vector<64x512xf32>,
    %get3A_2639 = arith.constant 2 : index
    %get3A_2640 = arith.constant 0 : index
    %get3A_2641 = arith.constant 1536 : index
    %get3A_2642 = vector.load %arg0[%get3A_2639, %get3A_2640, %get3A_2641] : memref<4x8x5120xf32, #tpu.memory_space<vmem>>, vector<1x8x512xf32>
    %get3A_2643 = vector.shape_cast %get3A_2642 : vector<1x8x512xf32> to vector<8x512xf32>
    %slice3A_2644 = vector.extract_strided_slice %get3A_2643 {offsets = [0, 0], sizes = [1, 512], strides = [1, 1]} : vector<8x512xf32> to vector<1x512xf32>
    %slice3A_2645 = vector.extract_strided_slice %get3A_2643 {offsets = [1, 0], sizes = [1, 512], strides = [1, 1]} : vector<8x512xf32> to vector<1x512xf32>
    %slice3A_2646 = vector.extract_strided_slice %get3A_2643 {offsets = [2, 0], sizes = [1, 512], strides = [1, 1]} : vector<8x512xf32> to vector<1x512xf32>
    %slice3A_2647 = vector.extract_strided_slice %get3A_2643 {offsets = [3, 0], sizes = [1, 512], strides = [1, 1]} : vector<8x512xf32> to vector<1x512xf32>
    %slice3A_2648 = vector.extract_strided_slice %get3A_2643 {offsets = [4, 0], sizes = [1, 512], strides = [1, 1]} : vector<8x512xf32> to vector<1x512xf32>
    %slice3A_2649 = vector.extract_strided_slice %get3A_2643 {offsets = [5, 0], sizes = [1, 512], strides = [1, 1]} : vector<8x512xf32> to vector<1x512xf32>
    %slice3A_2650 = vector.extract_strided_slice %get3A_2643 {offsets = [6, 0], sizes = [1, 512], strides = [1, 1]} : vector<8x512xf32> to vector<1x512xf32>
    %slice3A_2651 = vector.extract_strided_slice %get3A_2643 {offsets = [7, 0], sizes = [1, 512], strides = [1, 1]} : vector<8x512xf32> to vector<1x512xf32>
    %sub3A_2652 = arith.subf %slice3A_2646, %slice3A_2644 : vector<1x512xf32>
    %add3A_2653 = arith.constant 1.000000e+00 : f32
    %add3A_2654 = vector.broadcast %add3A_2653 : f32 to vector<1x512xf32>
    %add3A_2655 = arith.addf %sub3A_2652, %add3A_2654 : vector<1x512xf32>
    %sub3A_2656 = arith.subf %slice3A_2647, %slice3A_2645 : vector<1x512xf32>
    %add3A_2657 = arith.constant 1.000000e+00 : f32
    %add3A_2658 = vector.broadcast %add3A_2657 : f32 to vector<1x512xf32>
    %add3A_2659 = arith.addf %sub3A_2656, %add3A_2658 : vector<1x512xf32>
    %mul3A_2660 = arith.mulf %add3A_2655, %add3A_2659 : vector<1x512xf32>
    %sub3A_2661 = arith.subf %slice3A_2650, %slice3A_2648 : vector<1x512xf32>
    %add3A_2662 = arith.constant 1.000000e+00 : f32
    %add3A_2663 = vector.broadcast %add3A_2662 : f32 to vector<1x512xf32>
    %add3A_2664 = arith.addf %sub3A_2661, %add3A_2663 : vector<1x512xf32>
    %sub3A_2665 = arith.subf %slice3A_2651, %slice3A_2649 : vector<1x512xf32>
    %add3A_2666 = arith.constant 1.000000e+00 : f32
    %add3A_2667 = vector.broadcast %add3A_2666 : f32 to vector<1x512xf32>
    %add3A_2668 = arith.addf %sub3A_2665, %add3A_2667 : vector<1x512xf32>
    %mul3A_2669 = arith.mulf %add3A_2664, %add3A_2668 : vector<1x512xf32>
    %min3A_2670 = vector.broadcast %slice3A_2646 : vector<1x512xf32> to vector<64x512xf32>
    %min3A_2671 = vector.broadcast %broadcast_in_dim3A_2272 : vector<64x1xf32> to vector<64x512xf32>
    %min3A_2672 = arith.minimumf %min3A_2670, %min3A_2671 : vector<64x512xf32>
    %max3A_2673 = vector.broadcast %slice3A_2644 : vector<1x512xf32> to vector<64x512xf32>
    %max3A_2674 = vector.broadcast %broadcast_in_dim3A_2260 : vector<64x1xf32> to vector<64x512xf32>
    %max3A_2675 = arith.maximumf %max3A_2673, %max3A_2674 : vector<64x512xf32>
    %sub3A_2676 = arith.subf %min3A_2672, %max3A_2675 : vector<64x512xf32>
    %add3A_2677 = arith.constant 1.000000e+00 : f32
    %add3A_2678 = vector.broadcast %add3A_2677 : f32 to vector<64x512xf32>
    %add3A_2679 = arith.addf %sub3A_2676, %add3A_2678 : vector<64x512xf32>
    %min3A_2680 = vector.broadcast %slice3A_2647 : vector<1x512xf32> to vector<64x512xf32>
    %min3A_2681 = vector.broadcast %broadcast_in_dim3A_2278 : vector<64x1xf32> to vector<64x512xf32>
    %min3A_2682 = arith.minimumf %min3A_2680, %min3A_2681 : vector<64x512xf32>
    %max3A_2683 = vector.broadcast %slice3A_2645 : vector<1x512xf32> to vector<64x512xf32>
    %max3A_2684 = vector.broadcast %broadcast_in_dim3A_2266 : vector<64x1xf32> to vector<64x512xf32>
    %max3A_2685 = arith.maximumf %max3A_2683, %max3A_2684 : vector<64x512xf32>
    %sub3A_2686 = arith.subf %min3A_2682, %max3A_2685 : vector<64x512xf32>
    %add3A_2687 = arith.constant 1.000000e+00 : f32
    %add3A_2688 = vector.broadcast %add3A_2687 : f32 to vector<64x512xf32>
    %add3A_2689 = arith.addf %sub3A_2686, %add3A_2688 : vector<64x512xf32>
    %jit3A_2690 = arith.constant 0.000000e+00 : f32
    %max3A_2691 = vector.broadcast %jit3A_2690 : f32 to vector<64x512xf32>
    %max3A_2692 = arith.maximumf %max3A_2691, %add3A_2679 : vector<64x512xf32>
    %jit3A_2693 = arith.constant 0.000000e+00 : f32
    %max3A_2694 = vector.broadcast %jit3A_2693 : f32 to vector<64x512xf32>
    %max3A_2695 = arith.maximumf %max3A_2694, %add3A_2689 : vector<64x512xf32>
    %mul3A_2696 = arith.mulf %max3A_2692, %max3A_2695 : vector<64x512xf32>
    %add3A_2697 = vector.broadcast %mul3A_2660 : vector<1x512xf32> to vector<64x512xf32>
    %add3A_2698 = vector.broadcast %mul3A_2317 : vector<64x1xf32> to vector<64x512xf32>
    %add3A_2699 = arith.addf %add3A_2697, %add3A_2698 : vector<64x512xf32>
    %sub3A_2700 = arith.subf %add3A_2699, %mul3A_2696 : vector<64x512xf32>
    %div3A_2701 = arith.divf %mul3A_2696, %sub3A_2700 : vector<64x512xf32>
    %min3A_2702 = vector.broadcast %slice3A_2650 : vector<1x512xf32> to vector<64x512xf32>
    %min3A_2703 = vector.broadcast %broadcast_in_dim3A_2296 : vector<64x1xf32> to vector<64x512xf32>
    %min3A_2704 = arith.minimumf %min3A_2702, %min3A_2703 : vector<64x512xf32>
    %max3A_2705 = vector.broadcast %slice3A_2648 : vector<1x512xf32> to vector<64x512xf32>
    %max3A_2706 = vector.broadcast %broadcast_in_dim3A_2284 : vector<64x1xf32> to vector<64x512xf32>
    %max3A_2707 = arith.maximumf %max3A_2705, %max3A_2706 : vector<64x512xf32>
    %sub3A_2708 = arith.subf %min3A_2704, %max3A_2707 : vector<64x512xf32>
    %add3A_2709 = arith.constant 1.000000e+00 : f32
    %add3A_2710 = vector.broadcast %add3A_2709 : f32 to vector<64x512xf32>
    %add3A_2711 = arith.addf %sub3A_2708, %add3A_2710 : vector<64x512xf32>
    %min3A_2712 = vector.broadcast %slice3A_2651 : vector<1x512xf32> to vector<64x512xf32>
    %min3A_2713 = vector.broadcast %broadcast_in_dim3A_2302 : vector<64x1xf32> to vector<64x512xf32>
    %min3A_2714 = arith.minimumf %min3A_2712, %min3A_2713 : vector<64x512xf32>
    %max3A_2715 = vector.broadcast %slice3A_2649 : vector<1x512xf32> to vector<64x512xf32>
    %max3A_2716 = vector.broadcast %broadcast_in_dim3A_2290 : vector<64x1xf32> to vector<64x512xf32>
    %max3A_2717 = arith.maximumf %max3A_2715, %max3A_2716 : vector<64x512xf32>
    %sub3A_2718 = arith.subf %min3A_2714, %max3A_2717 : vector<64x512xf32>
    %add3A_2719 = arith.constant 1.000000e+00 : f32
    %add3A_2720 = vector.broadcast %add3A_2719 : f32 to vector<64x512xf32>
    %add3A_2721 = arith.addf %sub3A_2718, %add3A_2720 : vector<64x512xf32>
    %jit3A_2722 = arith.constant 0.000000e+00 : f32
    %max3A_2723 = vector.broadcast %jit3A_2722 : f32 to vector<64x512xf32>
    %max3A_2724 = arith.maximumf %max3A_2723, %add3A_2711 : vector<64x512xf32>
    %jit3A_2725 = arith.constant 0.000000e+00 : f32
    %max3A_2726 = vector.broadcast %jit3A_2725 : f32 to vector<64x512xf32>
    %max3A_2727 = arith.maximumf %max3A_2726, %add3A_2721 : vector<64x512xf32>
    %mul3A_2728 = arith.mulf %max3A_2724, %max3A_2727 : vector<64x512xf32>
    %add3A_2729 = vector.broadcast %mul3A_2669 : vector<1x512xf32> to vector<64x512xf32>
    %add3A_2730 = vector.broadcast %mul3A_2326 : vector<64x1xf32> to vector<64x512xf32>
    %add3A_2731 = arith.addf %add3A_2729, %add3A_2730 : vector<64x512xf32>
    %sub3A_2732 = arith.subf %add3A_2731, %mul3A_2728 : vector<64x512xf32>
    %div3A_2733 = arith.divf %mul3A_2728, %sub3A_2732 : vector<64x512xf32>
    %mul3A_2734 = arith.mulf %div3A_2701, %div3A_2733 : vector<64x512xf32>
    %jit3A_2735 = arith.constant 0.000000e+00 : f32
    %broadcast_in_dim3A_2736 = vector.shape_cast %gt3A_2308 : vector<64x1xi1> to vector<64x1xi1>
    %broadcast_in_dim3A_2737 = vector.broadcast %broadcast_in_dim3A_2736 : vector<64x1xi1> to vector<64x512xi1>
    %broadcast_in_dim3A_2738 = vector.broadcast %jit3A_2735 : f32 to vector<64x512xf32>
    %select_n3A_2739 = arith.select %broadcast_in_dim3A_2737, %mul3A_2734, %broadcast_in_dim3A_2738 : vector<64x512xi1>, vector<64x512xf32>
    %swap3A_2740 = arith.constant 128 : index
    %swap3A_2741 = arith.constant 1536 : index
    %swap3A_2742 = vector.load %arg7[%swap3A_2740, %swap3A_2741] : memref<256x5120xf32, #tpu.memory_space<vmem>>, vector<64x512xf32>
    tpu.vector_store %arg7[%swap3A_2740, %swap3A_2741], %select_n3A_2739 {strides = array<i32>} : memref<256x5120xf32, #tpu.memory_space<vmem>>, vector<64x512xf32>,
    %get3A_2743 = arith.constant 2 : index
    %get3A_2744 = arith.constant 0 : index
    %get3A_2745 = arith.constant 2048 : index
    %get3A_2746 = vector.load %arg0[%get3A_2743, %get3A_2744, %get3A_2745] : memref<4x8x5120xf32, #tpu.memory_space<vmem>>, vector<1x8x512xf32>
    %get3A_2747 = vector.shape_cast %get3A_2746 : vector<1x8x512xf32> to vector<8x512xf32>
    %slice3A_2748 = vector.extract_strided_slice %get3A_2747 {offsets = [0, 0], sizes = [1, 512], strides = [1, 1]} : vector<8x512xf32> to vector<1x512xf32>
    %slice3A_2749 = vector.extract_strided_slice %get3A_2747 {offsets = [1, 0], sizes = [1, 512], strides = [1, 1]} : vector<8x512xf32> to vector<1x512xf32>
    %slice3A_2750 = vector.extract_strided_slice %get3A_2747 {offsets = [2, 0], sizes = [1, 512], strides = [1, 1]} : vector<8x512xf32> to vector<1x512xf32>
    %slice3A_2751 = vector.extract_strided_slice %get3A_2747 {offsets = [3, 0], sizes = [1, 512], strides = [1, 1]} : vector<8x512xf32> to vector<1x512xf32>
    %slice3A_2752 = vector.extract_strided_slice %get3A_2747 {offsets = [4, 0], sizes = [1, 512], strides = [1, 1]} : vector<8x512xf32> to vector<1x512xf32>
    %slice3A_2753 = vector.extract_strided_slice %get3A_2747 {offsets = [5, 0], sizes = [1, 512], strides = [1, 1]} : vector<8x512xf32> to vector<1x512xf32>
    %slice3A_2754 = vector.extract_strided_slice %get3A_2747 {offsets = [6, 0], sizes = [1, 512], strides = [1, 1]} : vector<8x512xf32> to vector<1x512xf32>
    %slice3A_2755 = vector.extract_strided_slice %get3A_2747 {offsets = [7, 0], sizes = [1, 512], strides = [1, 1]} : vector<8x512xf32> to vector<1x512xf32>
    %sub3A_2756 = arith.subf %slice3A_2750, %slice3A_2748 : vector<1x512xf32>
    %add3A_2757 = arith.constant 1.000000e+00 : f32
    %add3A_2758 = vector.broadcast %add3A_2757 : f32 to vector<1x512xf32>
    %add3A_2759 = arith.addf %sub3A_2756, %add3A_2758 : vector<1x512xf32>
    %sub3A_2760 = arith.subf %slice3A_2751, %slice3A_2749 : vector<1x512xf32>
    %add3A_2761 = arith.constant 1.000000e+00 : f32
    %add3A_2762 = vector.broadcast %add3A_2761 : f32 to vector<1x512xf32>
    %add3A_2763 = arith.addf %sub3A_2760, %add3A_2762 : vector<1x512xf32>
    %mul3A_2764 = arith.mulf %add3A_2759, %add3A_2763 : vector<1x512xf32>
    %sub3A_2765 = arith.subf %slice3A_2754, %slice3A_2752 : vector<1x512xf32>
    %add3A_2766 = arith.constant 1.000000e+00 : f32
    %add3A_2767 = vector.broadcast %add3A_2766 : f32 to vector<1x512xf32>
    %add3A_2768 = arith.addf %sub3A_2765, %add3A_2767 : vector<1x512xf32>
    %sub3A_2769 = arith.subf %slice3A_2755, %slice3A_2753 : vector<1x512xf32>
    %add3A_2770 = arith.constant 1.000000e+00 : f32
    %add3A_2771 = vector.broadcast %add3A_2770 : f32 to vector<1x512xf32>
    %add3A_2772 = arith.addf %sub3A_2769, %add3A_2771 : vector<1x512xf32>
    %mul3A_2773 = arith.mulf %add3A_2768, %add3A_2772 : vector<1x512xf32>
    %min3A_2774 = vector.broadcast %slice3A_2750 : vector<1x512xf32> to vector<64x512xf32>
    %min3A_2775 = vector.broadcast %broadcast_in_dim3A_2272 : vector<64x1xf32> to vector<64x512xf32>
    %min3A_2776 = arith.minimumf %min3A_2774, %min3A_2775 : vector<64x512xf32>
    %max3A_2777 = vector.broadcast %slice3A_2748 : vector<1x512xf32> to vector<64x512xf32>
    %max3A_2778 = vector.broadcast %broadcast_in_dim3A_2260 : vector<64x1xf32> to vector<64x512xf32>
    %max3A_2779 = arith.maximumf %max3A_2777, %max3A_2778 : vector<64x512xf32>
    %sub3A_2780 = arith.subf %min3A_2776, %max3A_2779 : vector<64x512xf32>
    %add3A_2781 = arith.constant 1.000000e+00 : f32
    %add3A_2782 = vector.broadcast %add3A_2781 : f32 to vector<64x512xf32>
    %add3A_2783 = arith.addf %sub3A_2780, %add3A_2782 : vector<64x512xf32>
    %min3A_2784 = vector.broadcast %slice3A_2751 : vector<1x512xf32> to vector<64x512xf32>
    %min3A_2785 = vector.broadcast %broadcast_in_dim3A_2278 : vector<64x1xf32> to vector<64x512xf32>
    %min3A_2786 = arith.minimumf %min3A_2784, %min3A_2785 : vector<64x512xf32>
    %max3A_2787 = vector.broadcast %slice3A_2749 : vector<1x512xf32> to vector<64x512xf32>
    %max3A_2788 = vector.broadcast %broadcast_in_dim3A_2266 : vector<64x1xf32> to vector<64x512xf32>
    %max3A_2789 = arith.maximumf %max3A_2787, %max3A_2788 : vector<64x512xf32>
    %sub3A_2790 = arith.subf %min3A_2786, %max3A_2789 : vector<64x512xf32>
    %add3A_2791 = arith.constant 1.000000e+00 : f32
    %add3A_2792 = vector.broadcast %add3A_2791 : f32 to vector<64x512xf32>
    %add3A_2793 = arith.addf %sub3A_2790, %add3A_2792 : vector<64x512xf32>
    %jit3A_2794 = arith.constant 0.000000e+00 : f32
    %max3A_2795 = vector.broadcast %jit3A_2794 : f32 to vector<64x512xf32>
    %max3A_2796 = arith.maximumf %max3A_2795, %add3A_2783 : vector<64x512xf32>
    %jit3A_2797 = arith.constant 0.000000e+00 : f32
    %max3A_2798 = vector.broadcast %jit3A_2797 : f32 to vector<64x512xf32>
    %max3A_2799 = arith.maximumf %max3A_2798, %add3A_2793 : vector<64x512xf32>
    %mul3A_2800 = arith.mulf %max3A_2796, %max3A_2799 : vector<64x512xf32>
    %add3A_2801 = vector.broadcast %mul3A_2764 : vector<1x512xf32> to vector<64x512xf32>
    %add3A_2802 = vector.broadcast %mul3A_2317 : vector<64x1xf32> to vector<64x512xf32>
    %add3A_2803 = arith.addf %add3A_2801, %add3A_2802 : vector<64x512xf32>
    %sub3A_2804 = arith.subf %add3A_2803, %mul3A_2800 : vector<64x512xf32>
    %div3A_2805 = arith.divf %mul3A_2800, %sub3A_2804 : vector<64x512xf32>
    %min3A_2806 = vector.broadcast %slice3A_2754 : vector<1x512xf32> to vector<64x512xf32>
    %min3A_2807 = vector.broadcast %broadcast_in_dim3A_2296 : vector<64x1xf32> to vector<64x512xf32>
    %min3A_2808 = arith.minimumf %min3A_2806, %min3A_2807 : vector<64x512xf32>
    %max3A_2809 = vector.broadcast %slice3A_2752 : vector<1x512xf32> to vector<64x512xf32>
    %max3A_2810 = vector.broadcast %broadcast_in_dim3A_2284 : vector<64x1xf32> to vector<64x512xf32>
    %max3A_2811 = arith.maximumf %max3A_2809, %max3A_2810 : vector<64x512xf32>
    %sub3A_2812 = arith.subf %min3A_2808, %max3A_2811 : vector<64x512xf32>
    %add3A_2813 = arith.constant 1.000000e+00 : f32
    %add3A_2814 = vector.broadcast %add3A_2813 : f32 to vector<64x512xf32>
    %add3A_2815 = arith.addf %sub3A_2812, %add3A_2814 : vector<64x512xf32>
    %min3A_2816 = vector.broadcast %slice3A_2755 : vector<1x512xf32> to vector<64x512xf32>
    %min3A_2817 = vector.broadcast %broadcast_in_dim3A_2302 : vector<64x1xf32> to vector<64x512xf32>
    %min3A_2818 = arith.minimumf %min3A_2816, %min3A_2817 : vector<64x512xf32>
    %max3A_2819 = vector.broadcast %slice3A_2753 : vector<1x512xf32> to vector<64x512xf32>
    %max3A_2820 = vector.broadcast %broadcast_in_dim3A_2290 : vector<64x1xf32> to vector<64x512xf32>
    %max3A_2821 = arith.maximumf %max3A_2819, %max3A_2820 : vector<64x512xf32>
    %sub3A_2822 = arith.subf %min3A_2818, %max3A_2821 : vector<64x512xf32>
    %add3A_2823 = arith.constant 1.000000e+00 : f32
    %add3A_2824 = vector.broadcast %add3A_2823 : f32 to vector<64x512xf32>
    %add3A_2825 = arith.addf %sub3A_2822, %add3A_2824 : vector<64x512xf32>
    %jit3A_2826 = arith.constant 0.000000e+00 : f32
    %max3A_2827 = vector.broadcast %jit3A_2826 : f32 to vector<64x512xf32>
    %max3A_2828 = arith.maximumf %max3A_2827, %add3A_2815 : vector<64x512xf32>
    %jit3A_2829 = arith.constant 0.000000e+00 : f32
    %max3A_2830 = vector.broadcast %jit3A_2829 : f32 to vector<64x512xf32>
    %max3A_2831 = arith.maximumf %max3A_2830, %add3A_2825 : vector<64x512xf32>
    %mul3A_2832 = arith.mulf %max3A_2828, %max3A_2831 : vector<64x512xf32>
    %add3A_2833 = vector.broadcast %mul3A_2773 : vector<1x512xf32> to vector<64x512xf32>
    %add3A_2834 = vector.broadcast %mul3A_2326 : vector<64x1xf32> to vector<64x512xf32>
    %add3A_2835 = arith.addf %add3A_2833, %add3A_2834 : vector<64x512xf32>
    %sub3A_2836 = arith.subf %add3A_2835, %mul3A_2832 : vector<64x512xf32>
    %div3A_2837 = arith.divf %mul3A_2832, %sub3A_2836 : vector<64x512xf32>
    %mul3A_2838 = arith.mulf %div3A_2805, %div3A_2837 : vector<64x512xf32>
    %jit3A_2839 = arith.constant 0.000000e+00 : f32
    %broadcast_in_dim3A_2840 = vector.shape_cast %gt3A_2308 : vector<64x1xi1> to vector<64x1xi1>
    %broadcast_in_dim3A_2841 = vector.broadcast %broadcast_in_dim3A_2840 : vector<64x1xi1> to vector<64x512xi1>
    %broadcast_in_dim3A_2842 = vector.broadcast %jit3A_2839 : f32 to vector<64x512xf32>
    %select_n3A_2843 = arith.select %broadcast_in_dim3A_2841, %mul3A_2838, %broadcast_in_dim3A_2842 : vector<64x512xi1>, vector<64x512xf32>
    %swap3A_2844 = arith.constant 128 : index
    %swap3A_2845 = arith.constant 2048 : index
    %swap3A_2846 = vector.load %arg7[%swap3A_2844, %swap3A_2845] : memref<256x5120xf32, #tpu.memory_space<vmem>>, vector<64x512xf32>
    tpu.vector_store %arg7[%swap3A_2844, %swap3A_2845], %select_n3A_2843 {strides = array<i32>} : memref<256x5120xf32, #tpu.memory_space<vmem>>, vector<64x512xf32>,
    %get3A_2847 = arith.constant 2 : index
    %get3A_2848 = arith.constant 0 : index
    %get3A_2849 = arith.constant 2560 : index
    %get3A_2850 = vector.load %arg0[%get3A_2847, %get3A_2848, %get3A_2849] : memref<4x8x5120xf32, #tpu.memory_space<vmem>>, vector<1x8x512xf32>
    %get3A_2851 = vector.shape_cast %get3A_2850 : vector<1x8x512xf32> to vector<8x512xf32>
    %slice3A_2852 = vector.extract_strided_slice %get3A_2851 {offsets = [0, 0], sizes = [1, 512], strides = [1, 1]} : vector<8x512xf32> to vector<1x512xf32>
    %slice3A_2853 = vector.extract_strided_slice %get3A_2851 {offsets = [1, 0], sizes = [1, 512], strides = [1, 1]} : vector<8x512xf32> to vector<1x512xf32>
    %slice3A_2854 = vector.extract_strided_slice %get3A_2851 {offsets = [2, 0], sizes = [1, 512], strides = [1, 1]} : vector<8x512xf32> to vector<1x512xf32>
    %slice3A_2855 = vector.extract_strided_slice %get3A_2851 {offsets = [3, 0], sizes = [1, 512], strides = [1, 1]} : vector<8x512xf32> to vector<1x512xf32>
    %slice3A_2856 = vector.extract_strided_slice %get3A_2851 {offsets = [4, 0], sizes = [1, 512], strides = [1, 1]} : vector<8x512xf32> to vector<1x512xf32>
    %slice3A_2857 = vector.extract_strided_slice %get3A_2851 {offsets = [5, 0], sizes = [1, 512], strides = [1, 1]} : vector<8x512xf32> to vector<1x512xf32>
    %slice3A_2858 = vector.extract_strided_slice %get3A_2851 {offsets = [6, 0], sizes = [1, 512], strides = [1, 1]} : vector<8x512xf32> to vector<1x512xf32>
    %slice3A_2859 = vector.extract_strided_slice %get3A_2851 {offsets = [7, 0], sizes = [1, 512], strides = [1, 1]} : vector<8x512xf32> to vector<1x512xf32>
    %sub3A_2860 = arith.subf %slice3A_2854, %slice3A_2852 : vector<1x512xf32>
    %add3A_2861 = arith.constant 1.000000e+00 : f32
    %add3A_2862 = vector.broadcast %add3A_2861 : f32 to vector<1x512xf32>
    %add3A_2863 = arith.addf %sub3A_2860, %add3A_2862 : vector<1x512xf32>
    %sub3A_2864 = arith.subf %slice3A_2855, %slice3A_2853 : vector<1x512xf32>
    %add3A_2865 = arith.constant 1.000000e+00 : f32
    %add3A_2866 = vector.broadcast %add3A_2865 : f32 to vector<1x512xf32>
    %add3A_2867 = arith.addf %sub3A_2864, %add3A_2866 : vector<1x512xf32>
    %mul3A_2868 = arith.mulf %add3A_2863, %add3A_2867 : vector<1x512xf32>
    %sub3A_2869 = arith.subf %slice3A_2858, %slice3A_2856 : vector<1x512xf32>
    %add3A_2870 = arith.constant 1.000000e+00 : f32
    %add3A_2871 = vector.broadcast %add3A_2870 : f32 to vector<1x512xf32>
    %add3A_2872 = arith.addf %sub3A_2869, %add3A_2871 : vector<1x512xf32>
    %sub3A_2873 = arith.subf %slice3A_2859, %slice3A_2857 : vector<1x512xf32>
    %add3A_2874 = arith.constant 1.000000e+00 : f32
    %add3A_2875 = vector.broadcast %add3A_2874 : f32 to vector<1x512xf32>
    %add3A_2876 = arith.addf %sub3A_2873, %add3A_2875 : vector<1x512xf32>
    %mul3A_2877 = arith.mulf %add3A_2872, %add3A_2876 : vector<1x512xf32>
    %min3A_2878 = vector.broadcast %slice3A_2854 : vector<1x512xf32> to vector<64x512xf32>
    %min3A_2879 = vector.broadcast %broadcast_in_dim3A_2272 : vector<64x1xf32> to vector<64x512xf32>
    %min3A_2880 = arith.minimumf %min3A_2878, %min3A_2879 : vector<64x512xf32>
    %max3A_2881 = vector.broadcast %slice3A_2852 : vector<1x512xf32> to vector<64x512xf32>
    %max3A_2882 = vector.broadcast %broadcast_in_dim3A_2260 : vector<64x1xf32> to vector<64x512xf32>
    %max3A_2883 = arith.maximumf %max3A_2881, %max3A_2882 : vector<64x512xf32>
    %sub3A_2884 = arith.subf %min3A_2880, %max3A_2883 : vector<64x512xf32>
    %add3A_2885 = arith.constant 1.000000e+00 : f32
    %add3A_2886 = vector.broadcast %add3A_2885 : f32 to vector<64x512xf32>
    %add3A_2887 = arith.addf %sub3A_2884, %add3A_2886 : vector<64x512xf32>
    %min3A_2888 = vector.broadcast %slice3A_2855 : vector<1x512xf32> to vector<64x512xf32>
    %min3A_2889 = vector.broadcast %broadcast_in_dim3A_2278 : vector<64x1xf32> to vector<64x512xf32>
    %min3A_2890 = arith.minimumf %min3A_2888, %min3A_2889 : vector<64x512xf32>
    %max3A_2891 = vector.broadcast %slice3A_2853 : vector<1x512xf32> to vector<64x512xf32>
    %max3A_2892 = vector.broadcast %broadcast_in_dim3A_2266 : vector<64x1xf32> to vector<64x512xf32>
    %max3A_2893 = arith.maximumf %max3A_2891, %max3A_2892 : vector<64x512xf32>
    %sub3A_2894 = arith.subf %min3A_2890, %max3A_2893 : vector<64x512xf32>
    %add3A_2895 = arith.constant 1.000000e+00 : f32
    %add3A_2896 = vector.broadcast %add3A_2895 : f32 to vector<64x512xf32>
    %add3A_2897 = arith.addf %sub3A_2894, %add3A_2896 : vector<64x512xf32>
    %jit3A_2898 = arith.constant 0.000000e+00 : f32
    %max3A_2899 = vector.broadcast %jit3A_2898 : f32 to vector<64x512xf32>
    %max3A_2900 = arith.maximumf %max3A_2899, %add3A_2887 : vector<64x512xf32>
    %jit3A_2901 = arith.constant 0.000000e+00 : f32
    %max3A_2902 = vector.broadcast %jit3A_2901 : f32 to vector<64x512xf32>
    %max3A_2903 = arith.maximumf %max3A_2902, %add3A_2897 : vector<64x512xf32>
    %mul3A_2904 = arith.mulf %max3A_2900, %max3A_2903 : vector<64x512xf32>
    %add3A_2905 = vector.broadcast %mul3A_2868 : vector<1x512xf32> to vector<64x512xf32>
    %add3A_2906 = vector.broadcast %mul3A_2317 : vector<64x1xf32> to vector<64x512xf32>
    %add3A_2907 = arith.addf %add3A_2905, %add3A_2906 : vector<64x512xf32>
    %sub3A_2908 = arith.subf %add3A_2907, %mul3A_2904 : vector<64x512xf32>
    %div3A_2909 = arith.divf %mul3A_2904, %sub3A_2908 : vector<64x512xf32>
    %min3A_2910 = vector.broadcast %slice3A_2858 : vector<1x512xf32> to vector<64x512xf32>
    %min3A_2911 = vector.broadcast %broadcast_in_dim3A_2296 : vector<64x1xf32> to vector<64x512xf32>
    %min3A_2912 = arith.minimumf %min3A_2910, %min3A_2911 : vector<64x512xf32>
    %max3A_2913 = vector.broadcast %slice3A_2856 : vector<1x512xf32> to vector<64x512xf32>
    %max3A_2914 = vector.broadcast %broadcast_in_dim3A_2284 : vector<64x1xf32> to vector<64x512xf32>
    %max3A_2915 = arith.maximumf %max3A_2913, %max3A_2914 : vector<64x512xf32>
    %sub3A_2916 = arith.subf %min3A_2912, %max3A_2915 : vector<64x512xf32>
    %add3A_2917 = arith.constant 1.000000e+00 : f32
    %add3A_2918 = vector.broadcast %add3A_2917 : f32 to vector<64x512xf32>
    %add3A_2919 = arith.addf %sub3A_2916, %add3A_2918 : vector<64x512xf32>
    %min3A_2920 = vector.broadcast %slice3A_2859 : vector<1x512xf32> to vector<64x512xf32>
    %min3A_2921 = vector.broadcast %broadcast_in_dim3A_2302 : vector<64x1xf32> to vector<64x512xf32>
    %min3A_2922 = arith.minimumf %min3A_2920, %min3A_2921 : vector<64x512xf32>
    %max3A_2923 = vector.broadcast %slice3A_2857 : vector<1x512xf32> to vector<64x512xf32>
    %max3A_2924 = vector.broadcast %broadcast_in_dim3A_2290 : vector<64x1xf32> to vector<64x512xf32>
    %max3A_2925 = arith.maximumf %max3A_2923, %max3A_2924 : vector<64x512xf32>
    %sub3A_2926 = arith.subf %min3A_2922, %max3A_2925 : vector<64x512xf32>
    %add3A_2927 = arith.constant 1.000000e+00 : f32
    %add3A_2928 = vector.broadcast %add3A_2927 : f32 to vector<64x512xf32>
    %add3A_2929 = arith.addf %sub3A_2926, %add3A_2928 : vector<64x512xf32>
    %jit3A_2930 = arith.constant 0.000000e+00 : f32
    %max3A_2931 = vector.broadcast %jit3A_2930 : f32 to vector<64x512xf32>
    %max3A_2932 = arith.maximumf %max3A_2931, %add3A_2919 : vector<64x512xf32>
    %jit3A_2933 = arith.constant 0.000000e+00 : f32
    %max3A_2934 = vector.broadcast %jit3A_2933 : f32 to vector<64x512xf32>
    %max3A_2935 = arith.maximumf %max3A_2934, %add3A_2929 : vector<64x512xf32>
    %mul3A_2936 = arith.mulf %max3A_2932, %max3A_2935 : vector<64x512xf32>
    %add3A_2937 = vector.broadcast %mul3A_2877 : vector<1x512xf32> to vector<64x512xf32>
    %add3A_2938 = vector.broadcast %mul3A_2326 : vector<64x1xf32> to vector<64x512xf32>
    %add3A_2939 = arith.addf %add3A_2937, %add3A_2938 : vector<64x512xf32>
    %sub3A_2940 = arith.subf %add3A_2939, %mul3A_2936 : vector<64x512xf32>
    %div3A_2941 = arith.divf %mul3A_2936, %sub3A_2940 : vector<64x512xf32>
    %mul3A_2942 = arith.mulf %div3A_2909, %div3A_2941 : vector<64x512xf32>
    %jit3A_2943 = arith.constant 0.000000e+00 : f32
    %broadcast_in_dim3A_2944 = vector.shape_cast %gt3A_2308 : vector<64x1xi1> to vector<64x1xi1>
    %broadcast_in_dim3A_2945 = vector.broadcast %broadcast_in_dim3A_2944 : vector<64x1xi1> to vector<64x512xi1>
    %broadcast_in_dim3A_2946 = vector.broadcast %jit3A_2943 : f32 to vector<64x512xf32>
    %select_n3A_2947 = arith.select %broadcast_in_dim3A_2945, %mul3A_2942, %broadcast_in_dim3A_2946 : vector<64x512xi1>, vector<64x512xf32>
    %swap3A_2948 = arith.constant 128 : index
    %swap3A_2949 = arith.constant 2560 : index
    %swap3A_2950 = vector.load %arg7[%swap3A_2948, %swap3A_2949] : memref<256x5120xf32, #tpu.memory_space<vmem>>, vector<64x512xf32>
    tpu.vector_store %arg7[%swap3A_2948, %swap3A_2949], %select_n3A_2947 {strides = array<i32>} : memref<256x5120xf32, #tpu.memory_space<vmem>>, vector<64x512xf32>,
    %get3A_2951 = arith.constant 2 : index
    %get3A_2952 = arith.constant 0 : index
    %get3A_2953 = arith.constant 3072 : index
    %get3A_2954 = vector.load %arg0[%get3A_2951, %get3A_2952, %get3A_2953] : memref<4x8x5120xf32, #tpu.memory_space<vmem>>, vector<1x8x512xf32>
    %get3A_2955 = vector.shape_cast %get3A_2954 : vector<1x8x512xf32> to vector<8x512xf32>
    %slice3A_2956 = vector.extract_strided_slice %get3A_2955 {offsets = [0, 0], sizes = [1, 512], strides = [1, 1]} : vector<8x512xf32> to vector<1x512xf32>
    %slice3A_2957 = vector.extract_strided_slice %get3A_2955 {offsets = [1, 0], sizes = [1, 512], strides = [1, 1]} : vector<8x512xf32> to vector<1x512xf32>
    %slice3A_2958 = vector.extract_strided_slice %get3A_2955 {offsets = [2, 0], sizes = [1, 512], strides = [1, 1]} : vector<8x512xf32> to vector<1x512xf32>
    %slice3A_2959 = vector.extract_strided_slice %get3A_2955 {offsets = [3, 0], sizes = [1, 512], strides = [1, 1]} : vector<8x512xf32> to vector<1x512xf32>
    %slice3A_2960 = vector.extract_strided_slice %get3A_2955 {offsets = [4, 0], sizes = [1, 512], strides = [1, 1]} : vector<8x512xf32> to vector<1x512xf32>
    %slice3A_2961 = vector.extract_strided_slice %get3A_2955 {offsets = [5, 0], sizes = [1, 512], strides = [1, 1]} : vector<8x512xf32> to vector<1x512xf32>
    %slice3A_2962 = vector.extract_strided_slice %get3A_2955 {offsets = [6, 0], sizes = [1, 512], strides = [1, 1]} : vector<8x512xf32> to vector<1x512xf32>
    %slice3A_2963 = vector.extract_strided_slice %get3A_2955 {offsets = [7, 0], sizes = [1, 512], strides = [1, 1]} : vector<8x512xf32> to vector<1x512xf32>
    %sub3A_2964 = arith.subf %slice3A_2958, %slice3A_2956 : vector<1x512xf32>
    %add3A_2965 = arith.constant 1.000000e+00 : f32
    %add3A_2966 = vector.broadcast %add3A_2965 : f32 to vector<1x512xf32>
    %add3A_2967 = arith.addf %sub3A_2964, %add3A_2966 : vector<1x512xf32>
    %sub3A_2968 = arith.subf %slice3A_2959, %slice3A_2957 : vector<1x512xf32>
    %add3A_2969 = arith.constant 1.000000e+00 : f32
    %add3A_2970 = vector.broadcast %add3A_2969 : f32 to vector<1x512xf32>
    %add3A_2971 = arith.addf %sub3A_2968, %add3A_2970 : vector<1x512xf32>
    %mul3A_2972 = arith.mulf %add3A_2967, %add3A_2971 : vector<1x512xf32>
    %sub3A_2973 = arith.subf %slice3A_2962, %slice3A_2960 : vector<1x512xf32>
    %add3A_2974 = arith.constant 1.000000e+00 : f32
    %add3A_2975 = vector.broadcast %add3A_2974 : f32 to vector<1x512xf32>
    %add3A_2976 = arith.addf %sub3A_2973, %add3A_2975 : vector<1x512xf32>
    %sub3A_2977 = arith.subf %slice3A_2963, %slice3A_2961 : vector<1x512xf32>
    %add3A_2978 = arith.constant 1.000000e+00 : f32
    %add3A_2979 = vector.broadcast %add3A_2978 : f32 to vector<1x512xf32>
    %add3A_2980 = arith.addf %sub3A_2977, %add3A_2979 : vector<1x512xf32>
    %mul3A_2981 = arith.mulf %add3A_2976, %add3A_2980 : vector<1x512xf32>
    %min3A_2982 = vector.broadcast %slice3A_2958 : vector<1x512xf32> to vector<64x512xf32>
    %min3A_2983 = vector.broadcast %broadcast_in_dim3A_2272 : vector<64x1xf32> to vector<64x512xf32>
    %min3A_2984 = arith.minimumf %min3A_2982, %min3A_2983 : vector<64x512xf32>
    %max3A_2985 = vector.broadcast %slice3A_2956 : vector<1x512xf32> to vector<64x512xf32>
    %max3A_2986 = vector.broadcast %broadcast_in_dim3A_2260 : vector<64x1xf32> to vector<64x512xf32>
    %max3A_2987 = arith.maximumf %max3A_2985, %max3A_2986 : vector<64x512xf32>
    %sub3A_2988 = arith.subf %min3A_2984, %max3A_2987 : vector<64x512xf32>
    %add3A_2989 = arith.constant 1.000000e+00 : f32
    %add3A_2990 = vector.broadcast %add3A_2989 : f32 to vector<64x512xf32>
    %add3A_2991 = arith.addf %sub3A_2988, %add3A_2990 : vector<64x512xf32>
    %min3A_2992 = vector.broadcast %slice3A_2959 : vector<1x512xf32> to vector<64x512xf32>
    %min3A_2993 = vector.broadcast %broadcast_in_dim3A_2278 : vector<64x1xf32> to vector<64x512xf32>
    %min3A_2994 = arith.minimumf %min3A_2992, %min3A_2993 : vector<64x512xf32>
    %max3A_2995 = vector.broadcast %slice3A_2957 : vector<1x512xf32> to vector<64x512xf32>
    %max3A_2996 = vector.broadcast %broadcast_in_dim3A_2266 : vector<64x1xf32> to vector<64x512xf32>
    %max3A_2997 = arith.maximumf %max3A_2995, %max3A_2996 : vector<64x512xf32>
    %sub3A_2998 = arith.subf %min3A_2994, %max3A_2997 : vector<64x512xf32>
    %add3A_2999 = arith.constant 1.000000e+00 : f32
    %add3A_3000 = vector.broadcast %add3A_2999 : f32 to vector<64x512xf32>
    %add3A_3001 = arith.addf %sub3A_2998, %add3A_3000 : vector<64x512xf32>
    %jit3A_3002 = arith.constant 0.000000e+00 : f32
    %max3A_3003 = vector.broadcast %jit3A_3002 : f32 to vector<64x512xf32>
    %max3A_3004 = arith.maximumf %max3A_3003, %add3A_2991 : vector<64x512xf32>
    %jit3A_3005 = arith.constant 0.000000e+00 : f32
    %max3A_3006 = vector.broadcast %jit3A_3005 : f32 to vector<64x512xf32>
    %max3A_3007 = arith.maximumf %max3A_3006, %add3A_3001 : vector<64x512xf32>
    %mul3A_3008 = arith.mulf %max3A_3004, %max3A_3007 : vector<64x512xf32>
    %add3A_3009 = vector.broadcast %mul3A_2972 : vector<1x512xf32> to vector<64x512xf32>
    %add3A_3010 = vector.broadcast %mul3A_2317 : vector<64x1xf32> to vector<64x512xf32>
    %add3A_3011 = arith.addf %add3A_3009, %add3A_3010 : vector<64x512xf32>
    %sub3A_3012 = arith.subf %add3A_3011, %mul3A_3008 : vector<64x512xf32>
    %div3A_3013 = arith.divf %mul3A_3008, %sub3A_3012 : vector<64x512xf32>
    %min3A_3014 = vector.broadcast %slice3A_2962 : vector<1x512xf32> to vector<64x512xf32>
    %min3A_3015 = vector.broadcast %broadcast_in_dim3A_2296 : vector<64x1xf32> to vector<64x512xf32>
    %min3A_3016 = arith.minimumf %min3A_3014, %min3A_3015 : vector<64x512xf32>
    %max3A_3017 = vector.broadcast %slice3A_2960 : vector<1x512xf32> to vector<64x512xf32>
    %max3A_3018 = vector.broadcast %broadcast_in_dim3A_2284 : vector<64x1xf32> to vector<64x512xf32>
    %max3A_3019 = arith.maximumf %max3A_3017, %max3A_3018 : vector<64x512xf32>
    %sub3A_3020 = arith.subf %min3A_3016, %max3A_3019 : vector<64x512xf32>
    %add3A_3021 = arith.constant 1.000000e+00 : f32
    %add3A_3022 = vector.broadcast %add3A_3021 : f32 to vector<64x512xf32>
    %add3A_3023 = arith.addf %sub3A_3020, %add3A_3022 : vector<64x512xf32>
    %min3A_3024 = vector.broadcast %slice3A_2963 : vector<1x512xf32> to vector<64x512xf32>
    %min3A_3025 = vector.broadcast %broadcast_in_dim3A_2302 : vector<64x1xf32> to vector<64x512xf32>
    %min3A_3026 = arith.minimumf %min3A_3024, %min3A_3025 : vector<64x512xf32>
    %max3A_3027 = vector.broadcast %slice3A_2961 : vector<1x512xf32> to vector<64x512xf32>
    %max3A_3028 = vector.broadcast %broadcast_in_dim3A_2290 : vector<64x1xf32> to vector<64x512xf32>
    %max3A_3029 = arith.maximumf %max3A_3027, %max3A_3028 : vector<64x512xf32>
    %sub3A_3030 = arith.subf %min3A_3026, %max3A_3029 : vector<64x512xf32>
    %add3A_3031 = arith.constant 1.000000e+00 : f32
    %add3A_3032 = vector.broadcast %add3A_3031 : f32 to vector<64x512xf32>
    %add3A_3033 = arith.addf %sub3A_3030, %add3A_3032 : vector<64x512xf32>
    %jit3A_3034 = arith.constant 0.000000e+00 : f32
    %max3A_3035 = vector.broadcast %jit3A_3034 : f32 to vector<64x512xf32>
    %max3A_3036 = arith.maximumf %max3A_3035, %add3A_3023 : vector<64x512xf32>
    %jit3A_3037 = arith.constant 0.000000e+00 : f32
    %max3A_3038 = vector.broadcast %jit3A_3037 : f32 to vector<64x512xf32>
    %max3A_3039 = arith.maximumf %max3A_3038, %add3A_3033 : vector<64x512xf32>
    %mul3A_3040 = arith.mulf %max3A_3036, %max3A_3039 : vector<64x512xf32>
    %add3A_3041 = vector.broadcast %mul3A_2981 : vector<1x512xf32> to vector<64x512xf32>
    %add3A_3042 = vector.broadcast %mul3A_2326 : vector<64x1xf32> to vector<64x512xf32>
    %add3A_3043 = arith.addf %add3A_3041, %add3A_3042 : vector<64x512xf32>
    %sub3A_3044 = arith.subf %add3A_3043, %mul3A_3040 : vector<64x512xf32>
    %div3A_3045 = arith.divf %mul3A_3040, %sub3A_3044 : vector<64x512xf32>
    %mul3A_3046 = arith.mulf %div3A_3013, %div3A_3045 : vector<64x512xf32>
    %jit3A_3047 = arith.constant 0.000000e+00 : f32
    %broadcast_in_dim3A_3048 = vector.shape_cast %gt3A_2308 : vector<64x1xi1> to vector<64x1xi1>
    %broadcast_in_dim3A_3049 = vector.broadcast %broadcast_in_dim3A_3048 : vector<64x1xi1> to vector<64x512xi1>
    %broadcast_in_dim3A_3050 = vector.broadcast %jit3A_3047 : f32 to vector<64x512xf32>
    %select_n3A_3051 = arith.select %broadcast_in_dim3A_3049, %mul3A_3046, %broadcast_in_dim3A_3050 : vector<64x512xi1>, vector<64x512xf32>
    %swap3A_3052 = arith.constant 128 : index
    %swap3A_3053 = arith.constant 3072 : index
    %swap3A_3054 = vector.load %arg7[%swap3A_3052, %swap3A_3053] : memref<256x5120xf32, #tpu.memory_space<vmem>>, vector<64x512xf32>
    tpu.vector_store %arg7[%swap3A_3052, %swap3A_3053], %select_n3A_3051 {strides = array<i32>} : memref<256x5120xf32, #tpu.memory_space<vmem>>, vector<64x512xf32>,
    %get3A_3055 = arith.constant 2 : index
    %get3A_3056 = arith.constant 0 : index
    %get3A_3057 = arith.constant 3584 : index
    %get3A_3058 = vector.load %arg0[%get3A_3055, %get3A_3056, %get3A_3057] : memref<4x8x5120xf32, #tpu.memory_space<vmem>>, vector<1x8x512xf32>
    %get3A_3059 = vector.shape_cast %get3A_3058 : vector<1x8x512xf32> to vector<8x512xf32>
    %slice3A_3060 = vector.extract_strided_slice %get3A_3059 {offsets = [0, 0], sizes = [1, 512], strides = [1, 1]} : vector<8x512xf32> to vector<1x512xf32>
    %slice3A_3061 = vector.extract_strided_slice %get3A_3059 {offsets = [1, 0], sizes = [1, 512], strides = [1, 1]} : vector<8x512xf32> to vector<1x512xf32>
    %slice3A_3062 = vector.extract_strided_slice %get3A_3059 {offsets = [2, 0], sizes = [1, 512], strides = [1, 1]} : vector<8x512xf32> to vector<1x512xf32>
    %slice3A_3063 = vector.extract_strided_slice %get3A_3059 {offsets = [3, 0], sizes = [1, 512], strides = [1, 1]} : vector<8x512xf32> to vector<1x512xf32>
    %slice3A_3064 = vector.extract_strided_slice %get3A_3059 {offsets = [4, 0], sizes = [1, 512], strides = [1, 1]} : vector<8x512xf32> to vector<1x512xf32>
    %slice3A_3065 = vector.extract_strided_slice %get3A_3059 {offsets = [5, 0], sizes = [1, 512], strides = [1, 1]} : vector<8x512xf32> to vector<1x512xf32>
    %slice3A_3066 = vector.extract_strided_slice %get3A_3059 {offsets = [6, 0], sizes = [1, 512], strides = [1, 1]} : vector<8x512xf32> to vector<1x512xf32>
    %slice3A_3067 = vector.extract_strided_slice %get3A_3059 {offsets = [7, 0], sizes = [1, 512], strides = [1, 1]} : vector<8x512xf32> to vector<1x512xf32>
    %sub3A_3068 = arith.subf %slice3A_3062, %slice3A_3060 : vector<1x512xf32>
    %add3A_3069 = arith.constant 1.000000e+00 : f32
    %add3A_3070 = vector.broadcast %add3A_3069 : f32 to vector<1x512xf32>
    %add3A_3071 = arith.addf %sub3A_3068, %add3A_3070 : vector<1x512xf32>
    %sub3A_3072 = arith.subf %slice3A_3063, %slice3A_3061 : vector<1x512xf32>
    %add3A_3073 = arith.constant 1.000000e+00 : f32
    %add3A_3074 = vector.broadcast %add3A_3073 : f32 to vector<1x512xf32>
    %add3A_3075 = arith.addf %sub3A_3072, %add3A_3074 : vector<1x512xf32>
    %mul3A_3076 = arith.mulf %add3A_3071, %add3A_3075 : vector<1x512xf32>
    %sub3A_3077 = arith.subf %slice3A_3066, %slice3A_3064 : vector<1x512xf32>
    %add3A_3078 = arith.constant 1.000000e+00 : f32
    %add3A_3079 = vector.broadcast %add3A_3078 : f32 to vector<1x512xf32>
    %add3A_3080 = arith.addf %sub3A_3077, %add3A_3079 : vector<1x512xf32>
    %sub3A_3081 = arith.subf %slice3A_3067, %slice3A_3065 : vector<1x512xf32>
    %add3A_3082 = arith.constant 1.000000e+00 : f32
    %add3A_3083 = vector.broadcast %add3A_3082 : f32 to vector<1x512xf32>
    %add3A_3084 = arith.addf %sub3A_3081, %add3A_3083 : vector<1x512xf32>
    %mul3A_3085 = arith.mulf %add3A_3080, %add3A_3084 : vector<1x512xf32>
    %min3A_3086 = vector.broadcast %slice3A_3062 : vector<1x512xf32> to vector<64x512xf32>
    %min3A_3087 = vector.broadcast %broadcast_in_dim3A_2272 : vector<64x1xf32> to vector<64x512xf32>
    %min3A_3088 = arith.minimumf %min3A_3086, %min3A_3087 : vector<64x512xf32>
    %max3A_3089 = vector.broadcast %slice3A_3060 : vector<1x512xf32> to vector<64x512xf32>
    %max3A_3090 = vector.broadcast %broadcast_in_dim3A_2260 : vector<64x1xf32> to vector<64x512xf32>
    %max3A_3091 = arith.maximumf %max3A_3089, %max3A_3090 : vector<64x512xf32>
    %sub3A_3092 = arith.subf %min3A_3088, %max3A_3091 : vector<64x512xf32>
    %add3A_3093 = arith.constant 1.000000e+00 : f32
    %add3A_3094 = vector.broadcast %add3A_3093 : f32 to vector<64x512xf32>
    %add3A_3095 = arith.addf %sub3A_3092, %add3A_3094 : vector<64x512xf32>
    %min3A_3096 = vector.broadcast %slice3A_3063 : vector<1x512xf32> to vector<64x512xf32>
    %min3A_3097 = vector.broadcast %broadcast_in_dim3A_2278 : vector<64x1xf32> to vector<64x512xf32>
    %min3A_3098 = arith.minimumf %min3A_3096, %min3A_3097 : vector<64x512xf32>
    %max3A_3099 = vector.broadcast %slice3A_3061 : vector<1x512xf32> to vector<64x512xf32>
    %max3A_3100 = vector.broadcast %broadcast_in_dim3A_2266 : vector<64x1xf32> to vector<64x512xf32>
    %max3A_3101 = arith.maximumf %max3A_3099, %max3A_3100 : vector<64x512xf32>
    %sub3A_3102 = arith.subf %min3A_3098, %max3A_3101 : vector<64x512xf32>
    %add3A_3103 = arith.constant 1.000000e+00 : f32
    %add3A_3104 = vector.broadcast %add3A_3103 : f32 to vector<64x512xf32>
    %add3A_3105 = arith.addf %sub3A_3102, %add3A_3104 : vector<64x512xf32>
    %jit3A_3106 = arith.constant 0.000000e+00 : f32
    %max3A_3107 = vector.broadcast %jit3A_3106 : f32 to vector<64x512xf32>
    %max3A_3108 = arith.maximumf %max3A_3107, %add3A_3095 : vector<64x512xf32>
    %jit3A_3109 = arith.constant 0.000000e+00 : f32
    %max3A_3110 = vector.broadcast %jit3A_3109 : f32 to vector<64x512xf32>
    %max3A_3111 = arith.maximumf %max3A_3110, %add3A_3105 : vector<64x512xf32>
    %mul3A_3112 = arith.mulf %max3A_3108, %max3A_3111 : vector<64x512xf32>
    %add3A_3113 = vector.broadcast %mul3A_3076 : vector<1x512xf32> to vector<64x512xf32>
    %add3A_3114 = vector.broadcast %mul3A_2317 : vector<64x1xf32> to vector<64x512xf32>
    %add3A_3115 = arith.addf %add3A_3113, %add3A_3114 : vector<64x512xf32>
    %sub3A_3116 = arith.subf %add3A_3115, %mul3A_3112 : vector<64x512xf32>
    %div3A_3117 = arith.divf %mul3A_3112, %sub3A_3116 : vector<64x512xf32>
    %min3A_3118 = vector.broadcast %slice3A_3066 : vector<1x512xf32> to vector<64x512xf32>
    %min3A_3119 = vector.broadcast %broadcast_in_dim3A_2296 : vector<64x1xf32> to vector<64x512xf32>
    %min3A_3120 = arith.minimumf %min3A_3118, %min3A_3119 : vector<64x512xf32>
    %max3A_3121 = vector.broadcast %slice3A_3064 : vector<1x512xf32> to vector<64x512xf32>
    %max3A_3122 = vector.broadcast %broadcast_in_dim3A_2284 : vector<64x1xf32> to vector<64x512xf32>
    %max3A_3123 = arith.maximumf %max3A_3121, %max3A_3122 : vector<64x512xf32>
    %sub3A_3124 = arith.subf %min3A_3120, %max3A_3123 : vector<64x512xf32>
    %add3A_3125 = arith.constant 1.000000e+00 : f32
    %add3A_3126 = vector.broadcast %add3A_3125 : f32 to vector<64x512xf32>
    %add3A_3127 = arith.addf %sub3A_3124, %add3A_3126 : vector<64x512xf32>
    %min3A_3128 = vector.broadcast %slice3A_3067 : vector<1x512xf32> to vector<64x512xf32>
    %min3A_3129 = vector.broadcast %broadcast_in_dim3A_2302 : vector<64x1xf32> to vector<64x512xf32>
    %min3A_3130 = arith.minimumf %min3A_3128, %min3A_3129 : vector<64x512xf32>
    %max3A_3131 = vector.broadcast %slice3A_3065 : vector<1x512xf32> to vector<64x512xf32>
    %max3A_3132 = vector.broadcast %broadcast_in_dim3A_2290 : vector<64x1xf32> to vector<64x512xf32>
    %max3A_3133 = arith.maximumf %max3A_3131, %max3A_3132 : vector<64x512xf32>
    %sub3A_3134 = arith.subf %min3A_3130, %max3A_3133 : vector<64x512xf32>
    %add3A_3135 = arith.constant 1.000000e+00 : f32
    %add3A_3136 = vector.broadcast %add3A_3135 : f32 to vector<64x512xf32>
    %add3A_3137 = arith.addf %sub3A_3134, %add3A_3136 : vector<64x512xf32>
    %jit3A_3138 = arith.constant 0.000000e+00 : f32
    %max3A_3139 = vector.broadcast %jit3A_3138 : f32 to vector<64x512xf32>
    %max3A_3140 = arith.maximumf %max3A_3139, %add3A_3127 : vector<64x512xf32>
    %jit3A_3141 = arith.constant 0.000000e+00 : f32
    %max3A_3142 = vector.broadcast %jit3A_3141 : f32 to vector<64x512xf32>
    %max3A_3143 = arith.maximumf %max3A_3142, %add3A_3137 : vector<64x512xf32>
    %mul3A_3144 = arith.mulf %max3A_3140, %max3A_3143 : vector<64x512xf32>
    %add3A_3145 = vector.broadcast %mul3A_3085 : vector<1x512xf32> to vector<64x512xf32>
    %add3A_3146 = vector.broadcast %mul3A_2326 : vector<64x1xf32> to vector<64x512xf32>
    %add3A_3147 = arith.addf %add3A_3145, %add3A_3146 : vector<64x512xf32>
    %sub3A_3148 = arith.subf %add3A_3147, %mul3A_3144 : vector<64x512xf32>
    %div3A_3149 = arith.divf %mul3A_3144, %sub3A_3148 : vector<64x512xf32>
    %mul3A_3150 = arith.mulf %div3A_3117, %div3A_3149 : vector<64x512xf32>
    %jit3A_3151 = arith.constant 0.000000e+00 : f32
    %broadcast_in_dim3A_3152 = vector.shape_cast %gt3A_2308 : vector<64x1xi1> to vector<64x1xi1>
    %broadcast_in_dim3A_3153 = vector.broadcast %broadcast_in_dim3A_3152 : vector<64x1xi1> to vector<64x512xi1>
    %broadcast_in_dim3A_3154 = vector.broadcast %jit3A_3151 : f32 to vector<64x512xf32>
    %select_n3A_3155 = arith.select %broadcast_in_dim3A_3153, %mul3A_3150, %broadcast_in_dim3A_3154 : vector<64x512xi1>, vector<64x512xf32>
    %swap3A_3156 = arith.constant 128 : index
    %swap3A_3157 = arith.constant 3584 : index
    %swap3A_3158 = vector.load %arg7[%swap3A_3156, %swap3A_3157] : memref<256x5120xf32, #tpu.memory_space<vmem>>, vector<64x512xf32>
    tpu.vector_store %arg7[%swap3A_3156, %swap3A_3157], %select_n3A_3155 {strides = array<i32>} : memref<256x5120xf32, #tpu.memory_space<vmem>>, vector<64x512xf32>,
    %get3A_3159 = arith.constant 2 : index
    %get3A_3160 = arith.constant 0 : index
    %get3A_3161 = arith.constant 4096 : index
    %get3A_3162 = vector.load %arg0[%get3A_3159, %get3A_3160, %get3A_3161] : memref<4x8x5120xf32, #tpu.memory_space<vmem>>, vector<1x8x512xf32>
    %get3A_3163 = vector.shape_cast %get3A_3162 : vector<1x8x512xf32> to vector<8x512xf32>
    %slice3A_3164 = vector.extract_strided_slice %get3A_3163 {offsets = [0, 0], sizes = [1, 512], strides = [1, 1]} : vector<8x512xf32> to vector<1x512xf32>
    %slice3A_3165 = vector.extract_strided_slice %get3A_3163 {offsets = [1, 0], sizes = [1, 512], strides = [1, 1]} : vector<8x512xf32> to vector<1x512xf32>
    %slice3A_3166 = vector.extract_strided_slice %get3A_3163 {offsets = [2, 0], sizes = [1, 512], strides = [1, 1]} : vector<8x512xf32> to vector<1x512xf32>
    %slice3A_3167 = vector.extract_strided_slice %get3A_3163 {offsets = [3, 0], sizes = [1, 512], strides = [1, 1]} : vector<8x512xf32> to vector<1x512xf32>
    %slice3A_3168 = vector.extract_strided_slice %get3A_3163 {offsets = [4, 0], sizes = [1, 512], strides = [1, 1]} : vector<8x512xf32> to vector<1x512xf32>
    %slice3A_3169 = vector.extract_strided_slice %get3A_3163 {offsets = [5, 0], sizes = [1, 512], strides = [1, 1]} : vector<8x512xf32> to vector<1x512xf32>
    %slice3A_3170 = vector.extract_strided_slice %get3A_3163 {offsets = [6, 0], sizes = [1, 512], strides = [1, 1]} : vector<8x512xf32> to vector<1x512xf32>
    %slice3A_3171 = vector.extract_strided_slice %get3A_3163 {offsets = [7, 0], sizes = [1, 512], strides = [1, 1]} : vector<8x512xf32> to vector<1x512xf32>
    %sub3A_3172 = arith.subf %slice3A_3166, %slice3A_3164 : vector<1x512xf32>
    %add3A_3173 = arith.constant 1.000000e+00 : f32
    %add3A_3174 = vector.broadcast %add3A_3173 : f32 to vector<1x512xf32>
    %add3A_3175 = arith.addf %sub3A_3172, %add3A_3174 : vector<1x512xf32>
    %sub3A_3176 = arith.subf %slice3A_3167, %slice3A_3165 : vector<1x512xf32>
    %add3A_3177 = arith.constant 1.000000e+00 : f32
    %add3A_3178 = vector.broadcast %add3A_3177 : f32 to vector<1x512xf32>
    %add3A_3179 = arith.addf %sub3A_3176, %add3A_3178 : vector<1x512xf32>
    %mul3A_3180 = arith.mulf %add3A_3175, %add3A_3179 : vector<1x512xf32>
    %sub3A_3181 = arith.subf %slice3A_3170, %slice3A_3168 : vector<1x512xf32>
    %add3A_3182 = arith.constant 1.000000e+00 : f32
    %add3A_3183 = vector.broadcast %add3A_3182 : f32 to vector<1x512xf32>
    %add3A_3184 = arith.addf %sub3A_3181, %add3A_3183 : vector<1x512xf32>
    %sub3A_3185 = arith.subf %slice3A_3171, %slice3A_3169 : vector<1x512xf32>
    %add3A_3186 = arith.constant 1.000000e+00 : f32
    %add3A_3187 = vector.broadcast %add3A_3186 : f32 to vector<1x512xf32>
    %add3A_3188 = arith.addf %sub3A_3185, %add3A_3187 : vector<1x512xf32>
    %mul3A_3189 = arith.mulf %add3A_3184, %add3A_3188 : vector<1x512xf32>
    %min3A_3190 = vector.broadcast %slice3A_3166 : vector<1x512xf32> to vector<64x512xf32>
    %min3A_3191 = vector.broadcast %broadcast_in_dim3A_2272 : vector<64x1xf32> to vector<64x512xf32>
    %min3A_3192 = arith.minimumf %min3A_3190, %min3A_3191 : vector<64x512xf32>
    %max3A_3193 = vector.broadcast %slice3A_3164 : vector<1x512xf32> to vector<64x512xf32>
    %max3A_3194 = vector.broadcast %broadcast_in_dim3A_2260 : vector<64x1xf32> to vector<64x512xf32>
    %max3A_3195 = arith.maximumf %max3A_3193, %max3A_3194 : vector<64x512xf32>
    %sub3A_3196 = arith.subf %min3A_3192, %max3A_3195 : vector<64x512xf32>
    %add3A_3197 = arith.constant 1.000000e+00 : f32
    %add3A_3198 = vector.broadcast %add3A_3197 : f32 to vector<64x512xf32>
    %add3A_3199 = arith.addf %sub3A_3196, %add3A_3198 : vector<64x512xf32>
    %min3A_3200 = vector.broadcast %slice3A_3167 : vector<1x512xf32> to vector<64x512xf32>
    %min3A_3201 = vector.broadcast %broadcast_in_dim3A_2278 : vector<64x1xf32> to vector<64x512xf32>
    %min3A_3202 = arith.minimumf %min3A_3200, %min3A_3201 : vector<64x512xf32>
    %max3A_3203 = vector.broadcast %slice3A_3165 : vector<1x512xf32> to vector<64x512xf32>
    %max3A_3204 = vector.broadcast %broadcast_in_dim3A_2266 : vector<64x1xf32> to vector<64x512xf32>
    %max3A_3205 = arith.maximumf %max3A_3203, %max3A_3204 : vector<64x512xf32>
    %sub3A_3206 = arith.subf %min3A_3202, %max3A_3205 : vector<64x512xf32>
    %add3A_3207 = arith.constant 1.000000e+00 : f32
    %add3A_3208 = vector.broadcast %add3A_3207 : f32 to vector<64x512xf32>
    %add3A_3209 = arith.addf %sub3A_3206, %add3A_3208 : vector<64x512xf32>
    %jit3A_3210 = arith.constant 0.000000e+00 : f32
    %max3A_3211 = vector.broadcast %jit3A_3210 : f32 to vector<64x512xf32>
    %max3A_3212 = arith.maximumf %max3A_3211, %add3A_3199 : vector<64x512xf32>
    %jit3A_3213 = arith.constant 0.000000e+00 : f32
    %max3A_3214 = vector.broadcast %jit3A_3213 : f32 to vector<64x512xf32>
    %max3A_3215 = arith.maximumf %max3A_3214, %add3A_3209 : vector<64x512xf32>
    %mul3A_3216 = arith.mulf %max3A_3212, %max3A_3215 : vector<64x512xf32>
    %add3A_3217 = vector.broadcast %mul3A_3180 : vector<1x512xf32> to vector<64x512xf32>
    %add3A_3218 = vector.broadcast %mul3A_2317 : vector<64x1xf32> to vector<64x512xf32>
    %add3A_3219 = arith.addf %add3A_3217, %add3A_3218 : vector<64x512xf32>
    %sub3A_3220 = arith.subf %add3A_3219, %mul3A_3216 : vector<64x512xf32>
    %div3A_3221 = arith.divf %mul3A_3216, %sub3A_3220 : vector<64x512xf32>
    %min3A_3222 = vector.broadcast %slice3A_3170 : vector<1x512xf32> to vector<64x512xf32>
    %min3A_3223 = vector.broadcast %broadcast_in_dim3A_2296 : vector<64x1xf32> to vector<64x512xf32>
    %min3A_3224 = arith.minimumf %min3A_3222, %min3A_3223 : vector<64x512xf32>
    %max3A_3225 = vector.broadcast %slice3A_3168 : vector<1x512xf32> to vector<64x512xf32>
    %max3A_3226 = vector.broadcast %broadcast_in_dim3A_2284 : vector<64x1xf32> to vector<64x512xf32>
    %max3A_3227 = arith.maximumf %max3A_3225, %max3A_3226 : vector<64x512xf32>
    %sub3A_3228 = arith.subf %min3A_3224, %max3A_3227 : vector<64x512xf32>
    %add3A_3229 = arith.constant 1.000000e+00 : f32
    %add3A_3230 = vector.broadcast %add3A_3229 : f32 to vector<64x512xf32>
    %add3A_3231 = arith.addf %sub3A_3228, %add3A_3230 : vector<64x512xf32>
    %min3A_3232 = vector.broadcast %slice3A_3171 : vector<1x512xf32> to vector<64x512xf32>
    %min3A_3233 = vector.broadcast %broadcast_in_dim3A_2302 : vector<64x1xf32> to vector<64x512xf32>
    %min3A_3234 = arith.minimumf %min3A_3232, %min3A_3233 : vector<64x512xf32>
    %max3A_3235 = vector.broadcast %slice3A_3169 : vector<1x512xf32> to vector<64x512xf32>
    %max3A_3236 = vector.broadcast %broadcast_in_dim3A_2290 : vector<64x1xf32> to vector<64x512xf32>
    %max3A_3237 = arith.maximumf %max3A_3235, %max3A_3236 : vector<64x512xf32>
    %sub3A_3238 = arith.subf %min3A_3234, %max3A_3237 : vector<64x512xf32>
    %add3A_3239 = arith.constant 1.000000e+00 : f32
    %add3A_3240 = vector.broadcast %add3A_3239 : f32 to vector<64x512xf32>
    %add3A_3241 = arith.addf %sub3A_3238, %add3A_3240 : vector<64x512xf32>
    %jit3A_3242 = arith.constant 0.000000e+00 : f32
    %max3A_3243 = vector.broadcast %jit3A_3242 : f32 to vector<64x512xf32>
    %max3A_3244 = arith.maximumf %max3A_3243, %add3A_3231 : vector<64x512xf32>
    %jit3A_3245 = arith.constant 0.000000e+00 : f32
    %max3A_3246 = vector.broadcast %jit3A_3245 : f32 to vector<64x512xf32>
    %max3A_3247 = arith.maximumf %max3A_3246, %add3A_3241 : vector<64x512xf32>
    %mul3A_3248 = arith.mulf %max3A_3244, %max3A_3247 : vector<64x512xf32>
    %add3A_3249 = vector.broadcast %mul3A_3189 : vector<1x512xf32> to vector<64x512xf32>
    %add3A_3250 = vector.broadcast %mul3A_2326 : vector<64x1xf32> to vector<64x512xf32>
    %add3A_3251 = arith.addf %add3A_3249, %add3A_3250 : vector<64x512xf32>
    %sub3A_3252 = arith.subf %add3A_3251, %mul3A_3248 : vector<64x512xf32>
    %div3A_3253 = arith.divf %mul3A_3248, %sub3A_3252 : vector<64x512xf32>
    %mul3A_3254 = arith.mulf %div3A_3221, %div3A_3253 : vector<64x512xf32>
    %jit3A_3255 = arith.constant 0.000000e+00 : f32
    %broadcast_in_dim3A_3256 = vector.shape_cast %gt3A_2308 : vector<64x1xi1> to vector<64x1xi1>
    %broadcast_in_dim3A_3257 = vector.broadcast %broadcast_in_dim3A_3256 : vector<64x1xi1> to vector<64x512xi1>
    %broadcast_in_dim3A_3258 = vector.broadcast %jit3A_3255 : f32 to vector<64x512xf32>
    %select_n3A_3259 = arith.select %broadcast_in_dim3A_3257, %mul3A_3254, %broadcast_in_dim3A_3258 : vector<64x512xi1>, vector<64x512xf32>
    %swap3A_3260 = arith.constant 128 : index
    %swap3A_3261 = arith.constant 4096 : index
    %swap3A_3262 = vector.load %arg7[%swap3A_3260, %swap3A_3261] : memref<256x5120xf32, #tpu.memory_space<vmem>>, vector<64x512xf32>
    tpu.vector_store %arg7[%swap3A_3260, %swap3A_3261], %select_n3A_3259 {strides = array<i32>} : memref<256x5120xf32, #tpu.memory_space<vmem>>, vector<64x512xf32>,
    %get3A_3263 = arith.constant 2 : index
    %get3A_3264 = arith.constant 0 : index
    %get3A_3265 = arith.constant 4608 : index
    %get3A_3266 = vector.load %arg0[%get3A_3263, %get3A_3264, %get3A_3265] : memref<4x8x5120xf32, #tpu.memory_space<vmem>>, vector<1x8x512xf32>
    %get3A_3267 = vector.shape_cast %get3A_3266 : vector<1x8x512xf32> to vector<8x512xf32>
    %slice3A_3268 = vector.extract_strided_slice %get3A_3267 {offsets = [0, 0], sizes = [1, 512], strides = [1, 1]} : vector<8x512xf32> to vector<1x512xf32>
    %slice3A_3269 = vector.extract_strided_slice %get3A_3267 {offsets = [1, 0], sizes = [1, 512], strides = [1, 1]} : vector<8x512xf32> to vector<1x512xf32>
    %slice3A_3270 = vector.extract_strided_slice %get3A_3267 {offsets = [2, 0], sizes = [1, 512], strides = [1, 1]} : vector<8x512xf32> to vector<1x512xf32>
    %slice3A_3271 = vector.extract_strided_slice %get3A_3267 {offsets = [3, 0], sizes = [1, 512], strides = [1, 1]} : vector<8x512xf32> to vector<1x512xf32>
    %slice3A_3272 = vector.extract_strided_slice %get3A_3267 {offsets = [4, 0], sizes = [1, 512], strides = [1, 1]} : vector<8x512xf32> to vector<1x512xf32>
    %slice3A_3273 = vector.extract_strided_slice %get3A_3267 {offsets = [5, 0], sizes = [1, 512], strides = [1, 1]} : vector<8x512xf32> to vector<1x512xf32>
    %slice3A_3274 = vector.extract_strided_slice %get3A_3267 {offsets = [6, 0], sizes = [1, 512], strides = [1, 1]} : vector<8x512xf32> to vector<1x512xf32>
    %slice3A_3275 = vector.extract_strided_slice %get3A_3267 {offsets = [7, 0], sizes = [1, 512], strides = [1, 1]} : vector<8x512xf32> to vector<1x512xf32>
    %sub3A_3276 = arith.subf %slice3A_3270, %slice3A_3268 : vector<1x512xf32>
    %add3A_3277 = arith.constant 1.000000e+00 : f32
    %add3A_3278 = vector.broadcast %add3A_3277 : f32 to vector<1x512xf32>
    %add3A_3279 = arith.addf %sub3A_3276, %add3A_3278 : vector<1x512xf32>
    %sub3A_3280 = arith.subf %slice3A_3271, %slice3A_3269 : vector<1x512xf32>
    %add3A_3281 = arith.constant 1.000000e+00 : f32
    %add3A_3282 = vector.broadcast %add3A_3281 : f32 to vector<1x512xf32>
    %add3A_3283 = arith.addf %sub3A_3280, %add3A_3282 : vector<1x512xf32>
    %mul3A_3284 = arith.mulf %add3A_3279, %add3A_3283 : vector<1x512xf32>
    %sub3A_3285 = arith.subf %slice3A_3274, %slice3A_3272 : vector<1x512xf32>
    %add3A_3286 = arith.constant 1.000000e+00 : f32
    %add3A_3287 = vector.broadcast %add3A_3286 : f32 to vector<1x512xf32>
    %add3A_3288 = arith.addf %sub3A_3285, %add3A_3287 : vector<1x512xf32>
    %sub3A_3289 = arith.subf %slice3A_3275, %slice3A_3273 : vector<1x512xf32>
    %add3A_3290 = arith.constant 1.000000e+00 : f32
    %add3A_3291 = vector.broadcast %add3A_3290 : f32 to vector<1x512xf32>
    %add3A_3292 = arith.addf %sub3A_3289, %add3A_3291 : vector<1x512xf32>
    %mul3A_3293 = arith.mulf %add3A_3288, %add3A_3292 : vector<1x512xf32>
    %min3A_3294 = vector.broadcast %slice3A_3270 : vector<1x512xf32> to vector<64x512xf32>
    %min3A_3295 = vector.broadcast %broadcast_in_dim3A_2272 : vector<64x1xf32> to vector<64x512xf32>
    %min3A_3296 = arith.minimumf %min3A_3294, %min3A_3295 : vector<64x512xf32>
    %max3A_3297 = vector.broadcast %slice3A_3268 : vector<1x512xf32> to vector<64x512xf32>
    %max3A_3298 = vector.broadcast %broadcast_in_dim3A_2260 : vector<64x1xf32> to vector<64x512xf32>
    %max3A_3299 = arith.maximumf %max3A_3297, %max3A_3298 : vector<64x512xf32>
    %sub3A_3300 = arith.subf %min3A_3296, %max3A_3299 : vector<64x512xf32>
    %add3A_3301 = arith.constant 1.000000e+00 : f32
    %add3A_3302 = vector.broadcast %add3A_3301 : f32 to vector<64x512xf32>
    %add3A_3303 = arith.addf %sub3A_3300, %add3A_3302 : vector<64x512xf32>
    %min3A_3304 = vector.broadcast %slice3A_3271 : vector<1x512xf32> to vector<64x512xf32>
    %min3A_3305 = vector.broadcast %broadcast_in_dim3A_2278 : vector<64x1xf32> to vector<64x512xf32>
    %min3A_3306 = arith.minimumf %min3A_3304, %min3A_3305 : vector<64x512xf32>
    %max3A_3307 = vector.broadcast %slice3A_3269 : vector<1x512xf32> to vector<64x512xf32>
    %max3A_3308 = vector.broadcast %broadcast_in_dim3A_2266 : vector<64x1xf32> to vector<64x512xf32>
    %max3A_3309 = arith.maximumf %max3A_3307, %max3A_3308 : vector<64x512xf32>
    %sub3A_3310 = arith.subf %min3A_3306, %max3A_3309 : vector<64x512xf32>
    %add3A_3311 = arith.constant 1.000000e+00 : f32
    %add3A_3312 = vector.broadcast %add3A_3311 : f32 to vector<64x512xf32>
    %add3A_3313 = arith.addf %sub3A_3310, %add3A_3312 : vector<64x512xf32>
    %jit3A_3314 = arith.constant 0.000000e+00 : f32
    %max3A_3315 = vector.broadcast %jit3A_3314 : f32 to vector<64x512xf32>
    %max3A_3316 = arith.maximumf %max3A_3315, %add3A_3303 : vector<64x512xf32>
    %jit3A_3317 = arith.constant 0.000000e+00 : f32
    %max3A_3318 = vector.broadcast %jit3A_3317 : f32 to vector<64x512xf32>
    %max3A_3319 = arith.maximumf %max3A_3318, %add3A_3313 : vector<64x512xf32>
    %mul3A_3320 = arith.mulf %max3A_3316, %max3A_3319 : vector<64x512xf32>
    %add3A_3321 = vector.broadcast %mul3A_3284 : vector<1x512xf32> to vector<64x512xf32>
    %add3A_3322 = vector.broadcast %mul3A_2317 : vector<64x1xf32> to vector<64x512xf32>
    %add3A_3323 = arith.addf %add3A_3321, %add3A_3322 : vector<64x512xf32>
    %sub3A_3324 = arith.subf %add3A_3323, %mul3A_3320 : vector<64x512xf32>
    %div3A_3325 = arith.divf %mul3A_3320, %sub3A_3324 : vector<64x512xf32>
    %min3A_3326 = vector.broadcast %slice3A_3274 : vector<1x512xf32> to vector<64x512xf32>
    %min3A_3327 = vector.broadcast %broadcast_in_dim3A_2296 : vector<64x1xf32> to vector<64x512xf32>
    %min3A_3328 = arith.minimumf %min3A_3326, %min3A_3327 : vector<64x512xf32>
    %max3A_3329 = vector.broadcast %slice3A_3272 : vector<1x512xf32> to vector<64x512xf32>
    %max3A_3330 = vector.broadcast %broadcast_in_dim3A_2284 : vector<64x1xf32> to vector<64x512xf32>
    %max3A_3331 = arith.maximumf %max3A_3329, %max3A_3330 : vector<64x512xf32>
    %sub3A_3332 = arith.subf %min3A_3328, %max3A_3331 : vector<64x512xf32>
    %add3A_3333 = arith.constant 1.000000e+00 : f32
    %add3A_3334 = vector.broadcast %add3A_3333 : f32 to vector<64x512xf32>
    %add3A_3335 = arith.addf %sub3A_3332, %add3A_3334 : vector<64x512xf32>
    %min3A_3336 = vector.broadcast %slice3A_3275 : vector<1x512xf32> to vector<64x512xf32>
    %min3A_3337 = vector.broadcast %broadcast_in_dim3A_2302 : vector<64x1xf32> to vector<64x512xf32>
    %min3A_3338 = arith.minimumf %min3A_3336, %min3A_3337 : vector<64x512xf32>
    %max3A_3339 = vector.broadcast %slice3A_3273 : vector<1x512xf32> to vector<64x512xf32>
    %max3A_3340 = vector.broadcast %broadcast_in_dim3A_2290 : vector<64x1xf32> to vector<64x512xf32>
    %max3A_3341 = arith.maximumf %max3A_3339, %max3A_3340 : vector<64x512xf32>
    %sub3A_3342 = arith.subf %min3A_3338, %max3A_3341 : vector<64x512xf32>
    %add3A_3343 = arith.constant 1.000000e+00 : f32
    %add3A_3344 = vector.broadcast %add3A_3343 : f32 to vector<64x512xf32>
    %add3A_3345 = arith.addf %sub3A_3342, %add3A_3344 : vector<64x512xf32>
    %jit3A_3346 = arith.constant 0.000000e+00 : f32
    %max3A_3347 = vector.broadcast %jit3A_3346 : f32 to vector<64x512xf32>
    %max3A_3348 = arith.maximumf %max3A_3347, %add3A_3335 : vector<64x512xf32>
    %jit3A_3349 = arith.constant 0.000000e+00 : f32
    %max3A_3350 = vector.broadcast %jit3A_3349 : f32 to vector<64x512xf32>
    %max3A_3351 = arith.maximumf %max3A_3350, %add3A_3345 : vector<64x512xf32>
    %mul3A_3352 = arith.mulf %max3A_3348, %max3A_3351 : vector<64x512xf32>
    %add3A_3353 = vector.broadcast %mul3A_3293 : vector<1x512xf32> to vector<64x512xf32>
    %add3A_3354 = vector.broadcast %mul3A_2326 : vector<64x1xf32> to vector<64x512xf32>
    %add3A_3355 = arith.addf %add3A_3353, %add3A_3354 : vector<64x512xf32>
    %sub3A_3356 = arith.subf %add3A_3355, %mul3A_3352 : vector<64x512xf32>
    %div3A_3357 = arith.divf %mul3A_3352, %sub3A_3356 : vector<64x512xf32>
    %mul3A_3358 = arith.mulf %div3A_3325, %div3A_3357 : vector<64x512xf32>
    %jit3A_3359 = arith.constant 0.000000e+00 : f32
    %broadcast_in_dim3A_3360 = vector.shape_cast %gt3A_2308 : vector<64x1xi1> to vector<64x1xi1>
    %broadcast_in_dim3A_3361 = vector.broadcast %broadcast_in_dim3A_3360 : vector<64x1xi1> to vector<64x512xi1>
    %broadcast_in_dim3A_3362 = vector.broadcast %jit3A_3359 : f32 to vector<64x512xf32>
    %select_n3A_3363 = arith.select %broadcast_in_dim3A_3361, %mul3A_3358, %broadcast_in_dim3A_3362 : vector<64x512xi1>, vector<64x512xf32>
    %swap3A_3364 = arith.constant 128 : index
    %swap3A_3365 = arith.constant 4608 : index
    %swap3A_3366 = vector.load %arg7[%swap3A_3364, %swap3A_3365] : memref<256x5120xf32, #tpu.memory_space<vmem>>, vector<64x512xf32>
    tpu.vector_store %arg7[%swap3A_3364, %swap3A_3365], %select_n3A_3363 {strides = array<i32>} : memref<256x5120xf32, #tpu.memory_space<vmem>>, vector<64x512xf32>,
    %get3A_3367 = arith.constant 3 : index
    %get3A_3368 = arith.constant 0 : index
    %get3A_3369 = arith.constant 0 : index
    %get3A_3370 = vector.load %arg2[%get3A_3367, %get3A_3368, %get3A_3369] : memref<4x64x128xf32, #tpu.memory_space<vmem>>, vector<1x64x128xf32>
    %get3A_3371 = vector.shape_cast %get3A_3370 : vector<1x64x128xf32> to vector<64x128xf32>
    %get3A_3372 = arith.constant 3 : index
    %get3A_3373 = arith.constant 0 : index
    %get3A_3374 = arith.constant 0 : index
    %get3A_3375 = vector.load %arg3[%get3A_3372, %get3A_3373, %get3A_3374] : memref<4x64x128xf32, #tpu.memory_space<vmem>>, vector<1x64x128xf32>
    %get3A_3376 = vector.shape_cast %get3A_3375 : vector<1x64x128xf32> to vector<64x128xf32>
    %get3A_3377 = arith.constant 3 : index
    %get3A_3378 = arith.constant 0 : index
    %get3A_3379 = arith.constant 0 : index
    %get3A_3380 = vector.load %arg1[%get3A_3377, %get3A_3378, %get3A_3379] : memref<4x8x128xf32, #tpu.memory_space<vmem>>, vector<1x8x128xf32>
    %get3A_3381 = vector.shape_cast %get3A_3380 : vector<1x8x128xf32> to vector<8x128xf32>
    %slice3A_3382 = vector.extract_strided_slice %get3A_3381 {offsets = [0, 0], sizes = [1, 128], strides = [1, 1]} : vector<8x128xf32> to vector<1x128xf32>
    %mul3A_3383 = vector.broadcast %slice3A_3382 : vector<1x128xf32> to vector<64x128xf32>
    %mul3A_3384 = arith.mulf %get3A_3371, %mul3A_3383 : vector<64x128xf32>
    %reduce_sum3A_3385 = arith.constant dense<0.000000e+00> : vector<64xf32>
    %reduce_sum3A_3386 = vector.multi_reduction <add>, %mul3A_3384, %reduce_sum3A_3385 [1] : vector<64x128xf32> to vector<64xf32>
    %broadcast_in_dim3A_3387 = vector.shape_cast %reduce_sum3A_3386 : vector<64xf32> to vector<64x1xf32>
    %slice3A_3388 = vector.extract_strided_slice %get3A_3381 {offsets = [1, 0], sizes = [1, 128], strides = [1, 1]} : vector<8x128xf32> to vector<1x128xf32>
    %mul3A_3389 = vector.broadcast %slice3A_3388 : vector<1x128xf32> to vector<64x128xf32>
    %mul3A_3390 = arith.mulf %get3A_3371, %mul3A_3389 : vector<64x128xf32>
    %reduce_sum3A_3391 = arith.constant dense<0.000000e+00> : vector<64xf32>
    %reduce_sum3A_3392 = vector.multi_reduction <add>, %mul3A_3390, %reduce_sum3A_3391 [1] : vector<64x128xf32> to vector<64xf32>
    %broadcast_in_dim3A_3393 = vector.shape_cast %reduce_sum3A_3392 : vector<64xf32> to vector<64x1xf32>
    %slice3A_3394 = vector.extract_strided_slice %get3A_3381 {offsets = [2, 0], sizes = [1, 128], strides = [1, 1]} : vector<8x128xf32> to vector<1x128xf32>
    %mul3A_3395 = vector.broadcast %slice3A_3394 : vector<1x128xf32> to vector<64x128xf32>
    %mul3A_3396 = arith.mulf %get3A_3371, %mul3A_3395 : vector<64x128xf32>
    %reduce_sum3A_3397 = arith.constant dense<0.000000e+00> : vector<64xf32>
    %reduce_sum3A_3398 = vector.multi_reduction <add>, %mul3A_3396, %reduce_sum3A_3397 [1] : vector<64x128xf32> to vector<64xf32>
    %broadcast_in_dim3A_3399 = vector.shape_cast %reduce_sum3A_3398 : vector<64xf32> to vector<64x1xf32>
    %slice3A_3400 = vector.extract_strided_slice %get3A_3381 {offsets = [3, 0], sizes = [1, 128], strides = [1, 1]} : vector<8x128xf32> to vector<1x128xf32>
    %mul3A_3401 = vector.broadcast %slice3A_3400 : vector<1x128xf32> to vector<64x128xf32>
    %mul3A_3402 = arith.mulf %get3A_3371, %mul3A_3401 : vector<64x128xf32>
    %reduce_sum3A_3403 = arith.constant dense<0.000000e+00> : vector<64xf32>
    %reduce_sum3A_3404 = vector.multi_reduction <add>, %mul3A_3402, %reduce_sum3A_3403 [1] : vector<64x128xf32> to vector<64xf32>
    %broadcast_in_dim3A_3405 = vector.shape_cast %reduce_sum3A_3404 : vector<64xf32> to vector<64x1xf32>
    %slice3A_3406 = vector.extract_strided_slice %get3A_3381 {offsets = [0, 0], sizes = [1, 128], strides = [1, 1]} : vector<8x128xf32> to vector<1x128xf32>
    %mul3A_3407 = vector.broadcast %slice3A_3406 : vector<1x128xf32> to vector<64x128xf32>
    %mul3A_3408 = arith.mulf %get3A_3376, %mul3A_3407 : vector<64x128xf32>
    %reduce_sum3A_3409 = arith.constant dense<0.000000e+00> : vector<64xf32>
    %reduce_sum3A_3410 = vector.multi_reduction <add>, %mul3A_3408, %reduce_sum3A_3409 [1] : vector<64x128xf32> to vector<64xf32>
    %broadcast_in_dim3A_3411 = vector.shape_cast %reduce_sum3A_3410 : vector<64xf32> to vector<64x1xf32>
    %slice3A_3412 = vector.extract_strided_slice %get3A_3381 {offsets = [1, 0], sizes = [1, 128], strides = [1, 1]} : vector<8x128xf32> to vector<1x128xf32>
    %mul3A_3413 = vector.broadcast %slice3A_3412 : vector<1x128xf32> to vector<64x128xf32>
    %mul3A_3414 = arith.mulf %get3A_3376, %mul3A_3413 : vector<64x128xf32>
    %reduce_sum3A_3415 = arith.constant dense<0.000000e+00> : vector<64xf32>
    %reduce_sum3A_3416 = vector.multi_reduction <add>, %mul3A_3414, %reduce_sum3A_3415 [1] : vector<64x128xf32> to vector<64xf32>
    %broadcast_in_dim3A_3417 = vector.shape_cast %reduce_sum3A_3416 : vector<64xf32> to vector<64x1xf32>
    %slice3A_3418 = vector.extract_strided_slice %get3A_3381 {offsets = [2, 0], sizes = [1, 128], strides = [1, 1]} : vector<8x128xf32> to vector<1x128xf32>
    %mul3A_3419 = vector.broadcast %slice3A_3418 : vector<1x128xf32> to vector<64x128xf32>
    %mul3A_3420 = arith.mulf %get3A_3376, %mul3A_3419 : vector<64x128xf32>
    %reduce_sum3A_3421 = arith.constant dense<0.000000e+00> : vector<64xf32>
    %reduce_sum3A_3422 = vector.multi_reduction <add>, %mul3A_3420, %reduce_sum3A_3421 [1] : vector<64x128xf32> to vector<64xf32>
    %broadcast_in_dim3A_3423 = vector.shape_cast %reduce_sum3A_3422 : vector<64xf32> to vector<64x1xf32>
    %slice3A_3424 = vector.extract_strided_slice %get3A_3381 {offsets = [3, 0], sizes = [1, 128], strides = [1, 1]} : vector<8x128xf32> to vector<1x128xf32>
    %mul3A_3425 = vector.broadcast %slice3A_3424 : vector<1x128xf32> to vector<64x128xf32>
    %mul3A_3426 = arith.mulf %get3A_3376, %mul3A_3425 : vector<64x128xf32>
    %reduce_sum3A_3427 = arith.constant dense<0.000000e+00> : vector<64xf32>
    %reduce_sum3A_3428 = vector.multi_reduction <add>, %mul3A_3426, %reduce_sum3A_3427 [1] : vector<64x128xf32> to vector<64xf32>
    %broadcast_in_dim3A_3429 = vector.shape_cast %reduce_sum3A_3428 : vector<64xf32> to vector<64x1xf32>
    %reduce_sum3A_3430 = arith.constant dense<0.000000e+00> : vector<64xf32>
    %reduce_sum3A_3431 = vector.multi_reduction <add>, %get3A_3371, %reduce_sum3A_3430 [1] : vector<64x128xf32> to vector<64xf32>
    %broadcast_in_dim3A_3432 = vector.shape_cast %reduce_sum3A_3431 : vector<64xf32> to vector<64x1xf32>
    %gt3A_3433 = arith.constant 0.000000e+00 : f32
    %gt3A_3434 = vector.broadcast %gt3A_3433 : f32 to vector<64x1xf32>
    %gt3A_3435 = arith.cmpf ogt, %broadcast_in_dim3A_3432, %gt3A_3434 : vector<64x1xf32>
    %sub3A_3436 = arith.subf %broadcast_in_dim3A_3399, %broadcast_in_dim3A_3387 : vector<64x1xf32>
    %add3A_3437 = arith.constant 1.000000e+00 : f32
    %add3A_3438 = vector.broadcast %add3A_3437 : f32 to vector<64x1xf32>
    %add3A_3439 = arith.addf %sub3A_3436, %add3A_3438 : vector<64x1xf32>
    %sub3A_3440 = arith.subf %broadcast_in_dim3A_3405, %broadcast_in_dim3A_3393 : vector<64x1xf32>
    %add3A_3441 = arith.constant 1.000000e+00 : f32
    %add3A_3442 = vector.broadcast %add3A_3441 : f32 to vector<64x1xf32>
    %add3A_3443 = arith.addf %sub3A_3440, %add3A_3442 : vector<64x1xf32>
    %mul3A_3444 = arith.mulf %add3A_3439, %add3A_3443 : vector<64x1xf32>
    %sub3A_3445 = arith.subf %broadcast_in_dim3A_3423, %broadcast_in_dim3A_3411 : vector<64x1xf32>
    %add3A_3446 = arith.constant 1.000000e+00 : f32
    %add3A_3447 = vector.broadcast %add3A_3446 : f32 to vector<64x1xf32>
    %add3A_3448 = arith.addf %sub3A_3445, %add3A_3447 : vector<64x1xf32>
    %sub3A_3449 = arith.subf %broadcast_in_dim3A_3429, %broadcast_in_dim3A_3417 : vector<64x1xf32>
    %add3A_3450 = arith.constant 1.000000e+00 : f32
    %add3A_3451 = vector.broadcast %add3A_3450 : f32 to vector<64x1xf32>
    %add3A_3452 = arith.addf %sub3A_3449, %add3A_3451 : vector<64x1xf32>
    %mul3A_3453 = arith.mulf %add3A_3448, %add3A_3452 : vector<64x1xf32>
    %get3A_3454 = arith.constant 3 : index
    %get3A_3455 = arith.constant 0 : index
    %get3A_3456 = arith.constant 0 : index
    %get3A_3457 = vector.load %arg0[%get3A_3454, %get3A_3455, %get3A_3456] : memref<4x8x5120xf32, #tpu.memory_space<vmem>>, vector<1x8x512xf32>
    %get3A_3458 = vector.shape_cast %get3A_3457 : vector<1x8x512xf32> to vector<8x512xf32>
    %slice3A_3459 = vector.extract_strided_slice %get3A_3458 {offsets = [0, 0], sizes = [1, 512], strides = [1, 1]} : vector<8x512xf32> to vector<1x512xf32>
    %slice3A_3460 = vector.extract_strided_slice %get3A_3458 {offsets = [1, 0], sizes = [1, 512], strides = [1, 1]} : vector<8x512xf32> to vector<1x512xf32>
    %slice3A_3461 = vector.extract_strided_slice %get3A_3458 {offsets = [2, 0], sizes = [1, 512], strides = [1, 1]} : vector<8x512xf32> to vector<1x512xf32>
    %slice3A_3462 = vector.extract_strided_slice %get3A_3458 {offsets = [3, 0], sizes = [1, 512], strides = [1, 1]} : vector<8x512xf32> to vector<1x512xf32>
    %slice3A_3463 = vector.extract_strided_slice %get3A_3458 {offsets = [4, 0], sizes = [1, 512], strides = [1, 1]} : vector<8x512xf32> to vector<1x512xf32>
    %slice3A_3464 = vector.extract_strided_slice %get3A_3458 {offsets = [5, 0], sizes = [1, 512], strides = [1, 1]} : vector<8x512xf32> to vector<1x512xf32>
    %slice3A_3465 = vector.extract_strided_slice %get3A_3458 {offsets = [6, 0], sizes = [1, 512], strides = [1, 1]} : vector<8x512xf32> to vector<1x512xf32>
    %slice3A_3466 = vector.extract_strided_slice %get3A_3458 {offsets = [7, 0], sizes = [1, 512], strides = [1, 1]} : vector<8x512xf32> to vector<1x512xf32>
    %sub3A_3467 = arith.subf %slice3A_3461, %slice3A_3459 : vector<1x512xf32>
    %add3A_3468 = arith.constant 1.000000e+00 : f32
    %add3A_3469 = vector.broadcast %add3A_3468 : f32 to vector<1x512xf32>
    %add3A_3470 = arith.addf %sub3A_3467, %add3A_3469 : vector<1x512xf32>
    %sub3A_3471 = arith.subf %slice3A_3462, %slice3A_3460 : vector<1x512xf32>
    %add3A_3472 = arith.constant 1.000000e+00 : f32
    %add3A_3473 = vector.broadcast %add3A_3472 : f32 to vector<1x512xf32>
    %add3A_3474 = arith.addf %sub3A_3471, %add3A_3473 : vector<1x512xf32>
    %mul3A_3475 = arith.mulf %add3A_3470, %add3A_3474 : vector<1x512xf32>
    %sub3A_3476 = arith.subf %slice3A_3465, %slice3A_3463 : vector<1x512xf32>
    %add3A_3477 = arith.constant 1.000000e+00 : f32
    %add3A_3478 = vector.broadcast %add3A_3477 : f32 to vector<1x512xf32>
    %add3A_3479 = arith.addf %sub3A_3476, %add3A_3478 : vector<1x512xf32>
    %sub3A_3480 = arith.subf %slice3A_3466, %slice3A_3464 : vector<1x512xf32>
    %add3A_3481 = arith.constant 1.000000e+00 : f32
    %add3A_3482 = vector.broadcast %add3A_3481 : f32 to vector<1x512xf32>
    %add3A_3483 = arith.addf %sub3A_3480, %add3A_3482 : vector<1x512xf32>
    %mul3A_3484 = arith.mulf %add3A_3479, %add3A_3483 : vector<1x512xf32>
    %min3A_3485 = vector.broadcast %slice3A_3461 : vector<1x512xf32> to vector<64x512xf32>
    %min3A_3486 = vector.broadcast %broadcast_in_dim3A_3399 : vector<64x1xf32> to vector<64x512xf32>
    %min3A_3487 = arith.minimumf %min3A_3485, %min3A_3486 : vector<64x512xf32>
    %max3A_3488 = vector.broadcast %slice3A_3459 : vector<1x512xf32> to vector<64x512xf32>
    %max3A_3489 = vector.broadcast %broadcast_in_dim3A_3387 : vector<64x1xf32> to vector<64x512xf32>
    %max3A_3490 = arith.maximumf %max3A_3488, %max3A_3489 : vector<64x512xf32>
    %sub3A_3491 = arith.subf %min3A_3487, %max3A_3490 : vector<64x512xf32>
    %add3A_3492 = arith.constant 1.000000e+00 : f32
    %add3A_3493 = vector.broadcast %add3A_3492 : f32 to vector<64x512xf32>
    %add3A_3494 = arith.addf %sub3A_3491, %add3A_3493 : vector<64x512xf32>
    %min3A_3495 = vector.broadcast %slice3A_3462 : vector<1x512xf32> to vector<64x512xf32>
    %min3A_3496 = vector.broadcast %broadcast_in_dim3A_3405 : vector<64x1xf32> to vector<64x512xf32>
    %min3A_3497 = arith.minimumf %min3A_3495, %min3A_3496 : vector<64x512xf32>
    %max3A_3498 = vector.broadcast %slice3A_3460 : vector<1x512xf32> to vector<64x512xf32>
    %max3A_3499 = vector.broadcast %broadcast_in_dim3A_3393 : vector<64x1xf32> to vector<64x512xf32>
    %max3A_3500 = arith.maximumf %max3A_3498, %max3A_3499 : vector<64x512xf32>
    %sub3A_3501 = arith.subf %min3A_3497, %max3A_3500 : vector<64x512xf32>
    %add3A_3502 = arith.constant 1.000000e+00 : f32
    %add3A_3503 = vector.broadcast %add3A_3502 : f32 to vector<64x512xf32>
    %add3A_3504 = arith.addf %sub3A_3501, %add3A_3503 : vector<64x512xf32>
    %jit3A_3505 = arith.constant 0.000000e+00 : f32
    %max3A_3506 = vector.broadcast %jit3A_3505 : f32 to vector<64x512xf32>
    %max3A_3507 = arith.maximumf %max3A_3506, %add3A_3494 : vector<64x512xf32>
    %jit3A_3508 = arith.constant 0.000000e+00 : f32
    %max3A_3509 = vector.broadcast %jit3A_3508 : f32 to vector<64x512xf32>
    %max3A_3510 = arith.maximumf %max3A_3509, %add3A_3504 : vector<64x512xf32>
    %mul3A_3511 = arith.mulf %max3A_3507, %max3A_3510 : vector<64x512xf32>
    %add3A_3512 = vector.broadcast %mul3A_3475 : vector<1x512xf32> to vector<64x512xf32>
    %add3A_3513 = vector.broadcast %mul3A_3444 : vector<64x1xf32> to vector<64x512xf32>
    %add3A_3514 = arith.addf %add3A_3512, %add3A_3513 : vector<64x512xf32>
    %sub3A_3515 = arith.subf %add3A_3514, %mul3A_3511 : vector<64x512xf32>
    %div3A_3516 = arith.divf %mul3A_3511, %sub3A_3515 : vector<64x512xf32>
    %min3A_3517 = vector.broadcast %slice3A_3465 : vector<1x512xf32> to vector<64x512xf32>
    %min3A_3518 = vector.broadcast %broadcast_in_dim3A_3423 : vector<64x1xf32> to vector<64x512xf32>
    %min3A_3519 = arith.minimumf %min3A_3517, %min3A_3518 : vector<64x512xf32>
    %max3A_3520 = vector.broadcast %slice3A_3463 : vector<1x512xf32> to vector<64x512xf32>
    %max3A_3521 = vector.broadcast %broadcast_in_dim3A_3411 : vector<64x1xf32> to vector<64x512xf32>
    %max3A_3522 = arith.maximumf %max3A_3520, %max3A_3521 : vector<64x512xf32>
    %sub3A_3523 = arith.subf %min3A_3519, %max3A_3522 : vector<64x512xf32>
    %add3A_3524 = arith.constant 1.000000e+00 : f32
    %add3A_3525 = vector.broadcast %add3A_3524 : f32 to vector<64x512xf32>
    %add3A_3526 = arith.addf %sub3A_3523, %add3A_3525 : vector<64x512xf32>
    %min3A_3527 = vector.broadcast %slice3A_3466 : vector<1x512xf32> to vector<64x512xf32>
    %min3A_3528 = vector.broadcast %broadcast_in_dim3A_3429 : vector<64x1xf32> to vector<64x512xf32>
    %min3A_3529 = arith.minimumf %min3A_3527, %min3A_3528 : vector<64x512xf32>
    %max3A_3530 = vector.broadcast %slice3A_3464 : vector<1x512xf32> to vector<64x512xf32>
    %max3A_3531 = vector.broadcast %broadcast_in_dim3A_3417 : vector<64x1xf32> to vector<64x512xf32>
    %max3A_3532 = arith.maximumf %max3A_3530, %max3A_3531 : vector<64x512xf32>
    %sub3A_3533 = arith.subf %min3A_3529, %max3A_3532 : vector<64x512xf32>
    %add3A_3534 = arith.constant 1.000000e+00 : f32
    %add3A_3535 = vector.broadcast %add3A_3534 : f32 to vector<64x512xf32>
    %add3A_3536 = arith.addf %sub3A_3533, %add3A_3535 : vector<64x512xf32>
    %jit3A_3537 = arith.constant 0.000000e+00 : f32
    %max3A_3538 = vector.broadcast %jit3A_3537 : f32 to vector<64x512xf32>
    %max3A_3539 = arith.maximumf %max3A_3538, %add3A_3526 : vector<64x512xf32>
    %jit3A_3540 = arith.constant 0.000000e+00 : f32
    %max3A_3541 = vector.broadcast %jit3A_3540 : f32 to vector<64x512xf32>
    %max3A_3542 = arith.maximumf %max3A_3541, %add3A_3536 : vector<64x512xf32>
    %mul3A_3543 = arith.mulf %max3A_3539, %max3A_3542 : vector<64x512xf32>
    %add3A_3544 = vector.broadcast %mul3A_3484 : vector<1x512xf32> to vector<64x512xf32>
    %add3A_3545 = vector.broadcast %mul3A_3453 : vector<64x1xf32> to vector<64x512xf32>
    %add3A_3546 = arith.addf %add3A_3544, %add3A_3545 : vector<64x512xf32>
    %sub3A_3547 = arith.subf %add3A_3546, %mul3A_3543 : vector<64x512xf32>
    %div3A_3548 = arith.divf %mul3A_3543, %sub3A_3547 : vector<64x512xf32>
    %mul3A_3549 = arith.mulf %div3A_3516, %div3A_3548 : vector<64x512xf32>
    %jit3A_3550 = arith.constant 0.000000e+00 : f32
    %broadcast_in_dim3A_3551 = vector.shape_cast %gt3A_3435 : vector<64x1xi1> to vector<64x1xi1>
    %broadcast_in_dim3A_3552 = vector.broadcast %broadcast_in_dim3A_3551 : vector<64x1xi1> to vector<64x512xi1>
    %broadcast_in_dim3A_3553 = vector.broadcast %jit3A_3550 : f32 to vector<64x512xf32>
    %select_n3A_3554 = arith.select %broadcast_in_dim3A_3552, %mul3A_3549, %broadcast_in_dim3A_3553 : vector<64x512xi1>, vector<64x512xf32>
    %swap3A_3555 = arith.constant 192 : index
    %swap3A_3556 = arith.constant 0 : index
    %swap3A_3557 = vector.load %arg7[%swap3A_3555, %swap3A_3556] : memref<256x5120xf32, #tpu.memory_space<vmem>>, vector<64x512xf32>
    tpu.vector_store %arg7[%swap3A_3555, %swap3A_3556], %select_n3A_3554 {strides = array<i32>} : memref<256x5120xf32, #tpu.memory_space<vmem>>, vector<64x512xf32>,
    %get3A_3558 = arith.constant 3 : index
    %get3A_3559 = arith.constant 0 : index
    %get3A_3560 = arith.constant 512 : index
    %get3A_3561 = vector.load %arg0[%get3A_3558, %get3A_3559, %get3A_3560] : memref<4x8x5120xf32, #tpu.memory_space<vmem>>, vector<1x8x512xf32>
    %get3A_3562 = vector.shape_cast %get3A_3561 : vector<1x8x512xf32> to vector<8x512xf32>
    %slice3A_3563 = vector.extract_strided_slice %get3A_3562 {offsets = [0, 0], sizes = [1, 512], strides = [1, 1]} : vector<8x512xf32> to vector<1x512xf32>
    %slice3A_3564 = vector.extract_strided_slice %get3A_3562 {offsets = [1, 0], sizes = [1, 512], strides = [1, 1]} : vector<8x512xf32> to vector<1x512xf32>
    %slice3A_3565 = vector.extract_strided_slice %get3A_3562 {offsets = [2, 0], sizes = [1, 512], strides = [1, 1]} : vector<8x512xf32> to vector<1x512xf32>
    %slice3A_3566 = vector.extract_strided_slice %get3A_3562 {offsets = [3, 0], sizes = [1, 512], strides = [1, 1]} : vector<8x512xf32> to vector<1x512xf32>
    %slice3A_3567 = vector.extract_strided_slice %get3A_3562 {offsets = [4, 0], sizes = [1, 512], strides = [1, 1]} : vector<8x512xf32> to vector<1x512xf32>
    %slice3A_3568 = vector.extract_strided_slice %get3A_3562 {offsets = [5, 0], sizes = [1, 512], strides = [1, 1]} : vector<8x512xf32> to vector<1x512xf32>
    %slice3A_3569 = vector.extract_strided_slice %get3A_3562 {offsets = [6, 0], sizes = [1, 512], strides = [1, 1]} : vector<8x512xf32> to vector<1x512xf32>
    %slice3A_3570 = vector.extract_strided_slice %get3A_3562 {offsets = [7, 0], sizes = [1, 512], strides = [1, 1]} : vector<8x512xf32> to vector<1x512xf32>
    %sub3A_3571 = arith.subf %slice3A_3565, %slice3A_3563 : vector<1x512xf32>
    %add3A_3572 = arith.constant 1.000000e+00 : f32
    %add3A_3573 = vector.broadcast %add3A_3572 : f32 to vector<1x512xf32>
    %add3A_3574 = arith.addf %sub3A_3571, %add3A_3573 : vector<1x512xf32>
    %sub3A_3575 = arith.subf %slice3A_3566, %slice3A_3564 : vector<1x512xf32>
    %add3A_3576 = arith.constant 1.000000e+00 : f32
    %add3A_3577 = vector.broadcast %add3A_3576 : f32 to vector<1x512xf32>
    %add3A_3578 = arith.addf %sub3A_3575, %add3A_3577 : vector<1x512xf32>
    %mul3A_3579 = arith.mulf %add3A_3574, %add3A_3578 : vector<1x512xf32>
    %sub3A_3580 = arith.subf %slice3A_3569, %slice3A_3567 : vector<1x512xf32>
    %add3A_3581 = arith.constant 1.000000e+00 : f32
    %add3A_3582 = vector.broadcast %add3A_3581 : f32 to vector<1x512xf32>
    %add3A_3583 = arith.addf %sub3A_3580, %add3A_3582 : vector<1x512xf32>
    %sub3A_3584 = arith.subf %slice3A_3570, %slice3A_3568 : vector<1x512xf32>
    %add3A_3585 = arith.constant 1.000000e+00 : f32
    %add3A_3586 = vector.broadcast %add3A_3585 : f32 to vector<1x512xf32>
    %add3A_3587 = arith.addf %sub3A_3584, %add3A_3586 : vector<1x512xf32>
    %mul3A_3588 = arith.mulf %add3A_3583, %add3A_3587 : vector<1x512xf32>
    %min3A_3589 = vector.broadcast %slice3A_3565 : vector<1x512xf32> to vector<64x512xf32>
    %min3A_3590 = vector.broadcast %broadcast_in_dim3A_3399 : vector<64x1xf32> to vector<64x512xf32>
    %min3A_3591 = arith.minimumf %min3A_3589, %min3A_3590 : vector<64x512xf32>
    %max3A_3592 = vector.broadcast %slice3A_3563 : vector<1x512xf32> to vector<64x512xf32>
    %max3A_3593 = vector.broadcast %broadcast_in_dim3A_3387 : vector<64x1xf32> to vector<64x512xf32>
    %max3A_3594 = arith.maximumf %max3A_3592, %max3A_3593 : vector<64x512xf32>
    %sub3A_3595 = arith.subf %min3A_3591, %max3A_3594 : vector<64x512xf32>
    %add3A_3596 = arith.constant 1.000000e+00 : f32
    %add3A_3597 = vector.broadcast %add3A_3596 : f32 to vector<64x512xf32>
    %add3A_3598 = arith.addf %sub3A_3595, %add3A_3597 : vector<64x512xf32>
    %min3A_3599 = vector.broadcast %slice3A_3566 : vector<1x512xf32> to vector<64x512xf32>
    %min3A_3600 = vector.broadcast %broadcast_in_dim3A_3405 : vector<64x1xf32> to vector<64x512xf32>
    %min3A_3601 = arith.minimumf %min3A_3599, %min3A_3600 : vector<64x512xf32>
    %max3A_3602 = vector.broadcast %slice3A_3564 : vector<1x512xf32> to vector<64x512xf32>
    %max3A_3603 = vector.broadcast %broadcast_in_dim3A_3393 : vector<64x1xf32> to vector<64x512xf32>
    %max3A_3604 = arith.maximumf %max3A_3602, %max3A_3603 : vector<64x512xf32>
    %sub3A_3605 = arith.subf %min3A_3601, %max3A_3604 : vector<64x512xf32>
    %add3A_3606 = arith.constant 1.000000e+00 : f32
    %add3A_3607 = vector.broadcast %add3A_3606 : f32 to vector<64x512xf32>
    %add3A_3608 = arith.addf %sub3A_3605, %add3A_3607 : vector<64x512xf32>
    %jit3A_3609 = arith.constant 0.000000e+00 : f32
    %max3A_3610 = vector.broadcast %jit3A_3609 : f32 to vector<64x512xf32>
    %max3A_3611 = arith.maximumf %max3A_3610, %add3A_3598 : vector<64x512xf32>
    %jit3A_3612 = arith.constant 0.000000e+00 : f32
    %max3A_3613 = vector.broadcast %jit3A_3612 : f32 to vector<64x512xf32>
    %max3A_3614 = arith.maximumf %max3A_3613, %add3A_3608 : vector<64x512xf32>
    %mul3A_3615 = arith.mulf %max3A_3611, %max3A_3614 : vector<64x512xf32>
    %add3A_3616 = vector.broadcast %mul3A_3579 : vector<1x512xf32> to vector<64x512xf32>
    %add3A_3617 = vector.broadcast %mul3A_3444 : vector<64x1xf32> to vector<64x512xf32>
    %add3A_3618 = arith.addf %add3A_3616, %add3A_3617 : vector<64x512xf32>
    %sub3A_3619 = arith.subf %add3A_3618, %mul3A_3615 : vector<64x512xf32>
    %div3A_3620 = arith.divf %mul3A_3615, %sub3A_3619 : vector<64x512xf32>
    %min3A_3621 = vector.broadcast %slice3A_3569 : vector<1x512xf32> to vector<64x512xf32>
    %min3A_3622 = vector.broadcast %broadcast_in_dim3A_3423 : vector<64x1xf32> to vector<64x512xf32>
    %min3A_3623 = arith.minimumf %min3A_3621, %min3A_3622 : vector<64x512xf32>
    %max3A_3624 = vector.broadcast %slice3A_3567 : vector<1x512xf32> to vector<64x512xf32>
    %max3A_3625 = vector.broadcast %broadcast_in_dim3A_3411 : vector<64x1xf32> to vector<64x512xf32>
    %max3A_3626 = arith.maximumf %max3A_3624, %max3A_3625 : vector<64x512xf32>
    %sub3A_3627 = arith.subf %min3A_3623, %max3A_3626 : vector<64x512xf32>
    %add3A_3628 = arith.constant 1.000000e+00 : f32
    %add3A_3629 = vector.broadcast %add3A_3628 : f32 to vector<64x512xf32>
    %add3A_3630 = arith.addf %sub3A_3627, %add3A_3629 : vector<64x512xf32>
    %min3A_3631 = vector.broadcast %slice3A_3570 : vector<1x512xf32> to vector<64x512xf32>
    %min3A_3632 = vector.broadcast %broadcast_in_dim3A_3429 : vector<64x1xf32> to vector<64x512xf32>
    %min3A_3633 = arith.minimumf %min3A_3631, %min3A_3632 : vector<64x512xf32>
    %max3A_3634 = vector.broadcast %slice3A_3568 : vector<1x512xf32> to vector<64x512xf32>
    %max3A_3635 = vector.broadcast %broadcast_in_dim3A_3417 : vector<64x1xf32> to vector<64x512xf32>
    %max3A_3636 = arith.maximumf %max3A_3634, %max3A_3635 : vector<64x512xf32>
    %sub3A_3637 = arith.subf %min3A_3633, %max3A_3636 : vector<64x512xf32>
    %add3A_3638 = arith.constant 1.000000e+00 : f32
    %add3A_3639 = vector.broadcast %add3A_3638 : f32 to vector<64x512xf32>
    %add3A_3640 = arith.addf %sub3A_3637, %add3A_3639 : vector<64x512xf32>
    %jit3A_3641 = arith.constant 0.000000e+00 : f32
    %max3A_3642 = vector.broadcast %jit3A_3641 : f32 to vector<64x512xf32>
    %max3A_3643 = arith.maximumf %max3A_3642, %add3A_3630 : vector<64x512xf32>
    %jit3A_3644 = arith.constant 0.000000e+00 : f32
    %max3A_3645 = vector.broadcast %jit3A_3644 : f32 to vector<64x512xf32>
    %max3A_3646 = arith.maximumf %max3A_3645, %add3A_3640 : vector<64x512xf32>
    %mul3A_3647 = arith.mulf %max3A_3643, %max3A_3646 : vector<64x512xf32>
    %add3A_3648 = vector.broadcast %mul3A_3588 : vector<1x512xf32> to vector<64x512xf32>
    %add3A_3649 = vector.broadcast %mul3A_3453 : vector<64x1xf32> to vector<64x512xf32>
    %add3A_3650 = arith.addf %add3A_3648, %add3A_3649 : vector<64x512xf32>
    %sub3A_3651 = arith.subf %add3A_3650, %mul3A_3647 : vector<64x512xf32>
    %div3A_3652 = arith.divf %mul3A_3647, %sub3A_3651 : vector<64x512xf32>
    %mul3A_3653 = arith.mulf %div3A_3620, %div3A_3652 : vector<64x512xf32>
    %jit3A_3654 = arith.constant 0.000000e+00 : f32
    %broadcast_in_dim3A_3655 = vector.shape_cast %gt3A_3435 : vector<64x1xi1> to vector<64x1xi1>
    %broadcast_in_dim3A_3656 = vector.broadcast %broadcast_in_dim3A_3655 : vector<64x1xi1> to vector<64x512xi1>
    %broadcast_in_dim3A_3657 = vector.broadcast %jit3A_3654 : f32 to vector<64x512xf32>
    %select_n3A_3658 = arith.select %broadcast_in_dim3A_3656, %mul3A_3653, %broadcast_in_dim3A_3657 : vector<64x512xi1>, vector<64x512xf32>
    %swap3A_3659 = arith.constant 192 : index
    %swap3A_3660 = arith.constant 512 : index
    %swap3A_3661 = vector.load %arg7[%swap3A_3659, %swap3A_3660] : memref<256x5120xf32, #tpu.memory_space<vmem>>, vector<64x512xf32>
    tpu.vector_store %arg7[%swap3A_3659, %swap3A_3660], %select_n3A_3658 {strides = array<i32>} : memref<256x5120xf32, #tpu.memory_space<vmem>>, vector<64x512xf32>,
    %get3A_3662 = arith.constant 3 : index
    %get3A_3663 = arith.constant 0 : index
    %get3A_3664 = arith.constant 1024 : index
    %get3A_3665 = vector.load %arg0[%get3A_3662, %get3A_3663, %get3A_3664] : memref<4x8x5120xf32, #tpu.memory_space<vmem>>, vector<1x8x512xf32>
    %get3A_3666 = vector.shape_cast %get3A_3665 : vector<1x8x512xf32> to vector<8x512xf32>
    %slice3A_3667 = vector.extract_strided_slice %get3A_3666 {offsets = [0, 0], sizes = [1, 512], strides = [1, 1]} : vector<8x512xf32> to vector<1x512xf32>
    %slice3A_3668 = vector.extract_strided_slice %get3A_3666 {offsets = [1, 0], sizes = [1, 512], strides = [1, 1]} : vector<8x512xf32> to vector<1x512xf32>
    %slice3A_3669 = vector.extract_strided_slice %get3A_3666 {offsets = [2, 0], sizes = [1, 512], strides = [1, 1]} : vector<8x512xf32> to vector<1x512xf32>
    %slice3A_3670 = vector.extract_strided_slice %get3A_3666 {offsets = [3, 0], sizes = [1, 512], strides = [1, 1]} : vector<8x512xf32> to vector<1x512xf32>
    %slice3A_3671 = vector.extract_strided_slice %get3A_3666 {offsets = [4, 0], sizes = [1, 512], strides = [1, 1]} : vector<8x512xf32> to vector<1x512xf32>
    %slice3A_3672 = vector.extract_strided_slice %get3A_3666 {offsets = [5, 0], sizes = [1, 512], strides = [1, 1]} : vector<8x512xf32> to vector<1x512xf32>
    %slice3A_3673 = vector.extract_strided_slice %get3A_3666 {offsets = [6, 0], sizes = [1, 512], strides = [1, 1]} : vector<8x512xf32> to vector<1x512xf32>
    %slice3A_3674 = vector.extract_strided_slice %get3A_3666 {offsets = [7, 0], sizes = [1, 512], strides = [1, 1]} : vector<8x512xf32> to vector<1x512xf32>
    %sub3A_3675 = arith.subf %slice3A_3669, %slice3A_3667 : vector<1x512xf32>
    %add3A_3676 = arith.constant 1.000000e+00 : f32
    %add3A_3677 = vector.broadcast %add3A_3676 : f32 to vector<1x512xf32>
    %add3A_3678 = arith.addf %sub3A_3675, %add3A_3677 : vector<1x512xf32>
    %sub3A_3679 = arith.subf %slice3A_3670, %slice3A_3668 : vector<1x512xf32>
    %add3A_3680 = arith.constant 1.000000e+00 : f32
    %add3A_3681 = vector.broadcast %add3A_3680 : f32 to vector<1x512xf32>
    %add3A_3682 = arith.addf %sub3A_3679, %add3A_3681 : vector<1x512xf32>
    %mul3A_3683 = arith.mulf %add3A_3678, %add3A_3682 : vector<1x512xf32>
    %sub3A_3684 = arith.subf %slice3A_3673, %slice3A_3671 : vector<1x512xf32>
    %add3A_3685 = arith.constant 1.000000e+00 : f32
    %add3A_3686 = vector.broadcast %add3A_3685 : f32 to vector<1x512xf32>
    %add3A_3687 = arith.addf %sub3A_3684, %add3A_3686 : vector<1x512xf32>
    %sub3A_3688 = arith.subf %slice3A_3674, %slice3A_3672 : vector<1x512xf32>
    %add3A_3689 = arith.constant 1.000000e+00 : f32
    %add3A_3690 = vector.broadcast %add3A_3689 : f32 to vector<1x512xf32>
    %add3A_3691 = arith.addf %sub3A_3688, %add3A_3690 : vector<1x512xf32>
    %mul3A_3692 = arith.mulf %add3A_3687, %add3A_3691 : vector<1x512xf32>
    %min3A_3693 = vector.broadcast %slice3A_3669 : vector<1x512xf32> to vector<64x512xf32>
    %min3A_3694 = vector.broadcast %broadcast_in_dim3A_3399 : vector<64x1xf32> to vector<64x512xf32>
    %min3A_3695 = arith.minimumf %min3A_3693, %min3A_3694 : vector<64x512xf32>
    %max3A_3696 = vector.broadcast %slice3A_3667 : vector<1x512xf32> to vector<64x512xf32>
    %max3A_3697 = vector.broadcast %broadcast_in_dim3A_3387 : vector<64x1xf32> to vector<64x512xf32>
    %max3A_3698 = arith.maximumf %max3A_3696, %max3A_3697 : vector<64x512xf32>
    %sub3A_3699 = arith.subf %min3A_3695, %max3A_3698 : vector<64x512xf32>
    %add3A_3700 = arith.constant 1.000000e+00 : f32
    %add3A_3701 = vector.broadcast %add3A_3700 : f32 to vector<64x512xf32>
    %add3A_3702 = arith.addf %sub3A_3699, %add3A_3701 : vector<64x512xf32>
    %min3A_3703 = vector.broadcast %slice3A_3670 : vector<1x512xf32> to vector<64x512xf32>
    %min3A_3704 = vector.broadcast %broadcast_in_dim3A_3405 : vector<64x1xf32> to vector<64x512xf32>
    %min3A_3705 = arith.minimumf %min3A_3703, %min3A_3704 : vector<64x512xf32>
    %max3A_3706 = vector.broadcast %slice3A_3668 : vector<1x512xf32> to vector<64x512xf32>
    %max3A_3707 = vector.broadcast %broadcast_in_dim3A_3393 : vector<64x1xf32> to vector<64x512xf32>
    %max3A_3708 = arith.maximumf %max3A_3706, %max3A_3707 : vector<64x512xf32>
    %sub3A_3709 = arith.subf %min3A_3705, %max3A_3708 : vector<64x512xf32>
    %add3A_3710 = arith.constant 1.000000e+00 : f32
    %add3A_3711 = vector.broadcast %add3A_3710 : f32 to vector<64x512xf32>
    %add3A_3712 = arith.addf %sub3A_3709, %add3A_3711 : vector<64x512xf32>
    %jit3A_3713 = arith.constant 0.000000e+00 : f32
    %max3A_3714 = vector.broadcast %jit3A_3713 : f32 to vector<64x512xf32>
    %max3A_3715 = arith.maximumf %max3A_3714, %add3A_3702 : vector<64x512xf32>
    %jit3A_3716 = arith.constant 0.000000e+00 : f32
    %max3A_3717 = vector.broadcast %jit3A_3716 : f32 to vector<64x512xf32>
    %max3A_3718 = arith.maximumf %max3A_3717, %add3A_3712 : vector<64x512xf32>
    %mul3A_3719 = arith.mulf %max3A_3715, %max3A_3718 : vector<64x512xf32>
    %add3A_3720 = vector.broadcast %mul3A_3683 : vector<1x512xf32> to vector<64x512xf32>
    %add3A_3721 = vector.broadcast %mul3A_3444 : vector<64x1xf32> to vector<64x512xf32>
    %add3A_3722 = arith.addf %add3A_3720, %add3A_3721 : vector<64x512xf32>
    %sub3A_3723 = arith.subf %add3A_3722, %mul3A_3719 : vector<64x512xf32>
    %div3A_3724 = arith.divf %mul3A_3719, %sub3A_3723 : vector<64x512xf32>
    %min3A_3725 = vector.broadcast %slice3A_3673 : vector<1x512xf32> to vector<64x512xf32>
    %min3A_3726 = vector.broadcast %broadcast_in_dim3A_3423 : vector<64x1xf32> to vector<64x512xf32>
    %min3A_3727 = arith.minimumf %min3A_3725, %min3A_3726 : vector<64x512xf32>
    %max3A_3728 = vector.broadcast %slice3A_3671 : vector<1x512xf32> to vector<64x512xf32>
    %max3A_3729 = vector.broadcast %broadcast_in_dim3A_3411 : vector<64x1xf32> to vector<64x512xf32>
    %max3A_3730 = arith.maximumf %max3A_3728, %max3A_3729 : vector<64x512xf32>
    %sub3A_3731 = arith.subf %min3A_3727, %max3A_3730 : vector<64x512xf32>
    %add3A_3732 = arith.constant 1.000000e+00 : f32
    %add3A_3733 = vector.broadcast %add3A_3732 : f32 to vector<64x512xf32>
    %add3A_3734 = arith.addf %sub3A_3731, %add3A_3733 : vector<64x512xf32>
    %min3A_3735 = vector.broadcast %slice3A_3674 : vector<1x512xf32> to vector<64x512xf32>
    %min3A_3736 = vector.broadcast %broadcast_in_dim3A_3429 : vector<64x1xf32> to vector<64x512xf32>
    %min3A_3737 = arith.minimumf %min3A_3735, %min3A_3736 : vector<64x512xf32>
    %max3A_3738 = vector.broadcast %slice3A_3672 : vector<1x512xf32> to vector<64x512xf32>
    %max3A_3739 = vector.broadcast %broadcast_in_dim3A_3417 : vector<64x1xf32> to vector<64x512xf32>
    %max3A_3740 = arith.maximumf %max3A_3738, %max3A_3739 : vector<64x512xf32>
    %sub3A_3741 = arith.subf %min3A_3737, %max3A_3740 : vector<64x512xf32>
    %add3A_3742 = arith.constant 1.000000e+00 : f32
    %add3A_3743 = vector.broadcast %add3A_3742 : f32 to vector<64x512xf32>
    %add3A_3744 = arith.addf %sub3A_3741, %add3A_3743 : vector<64x512xf32>
    %jit3A_3745 = arith.constant 0.000000e+00 : f32
    %max3A_3746 = vector.broadcast %jit3A_3745 : f32 to vector<64x512xf32>
    %max3A_3747 = arith.maximumf %max3A_3746, %add3A_3734 : vector<64x512xf32>
    %jit3A_3748 = arith.constant 0.000000e+00 : f32
    %max3A_3749 = vector.broadcast %jit3A_3748 : f32 to vector<64x512xf32>
    %max3A_3750 = arith.maximumf %max3A_3749, %add3A_3744 : vector<64x512xf32>
    %mul3A_3751 = arith.mulf %max3A_3747, %max3A_3750 : vector<64x512xf32>
    %add3A_3752 = vector.broadcast %mul3A_3692 : vector<1x512xf32> to vector<64x512xf32>
    %add3A_3753 = vector.broadcast %mul3A_3453 : vector<64x1xf32> to vector<64x512xf32>
    %add3A_3754 = arith.addf %add3A_3752, %add3A_3753 : vector<64x512xf32>
    %sub3A_3755 = arith.subf %add3A_3754, %mul3A_3751 : vector<64x512xf32>
    %div3A_3756 = arith.divf %mul3A_3751, %sub3A_3755 : vector<64x512xf32>
    %mul3A_3757 = arith.mulf %div3A_3724, %div3A_3756 : vector<64x512xf32>
    %jit3A_3758 = arith.constant 0.000000e+00 : f32
    %broadcast_in_dim3A_3759 = vector.shape_cast %gt3A_3435 : vector<64x1xi1> to vector<64x1xi1>
    %broadcast_in_dim3A_3760 = vector.broadcast %broadcast_in_dim3A_3759 : vector<64x1xi1> to vector<64x512xi1>
    %broadcast_in_dim3A_3761 = vector.broadcast %jit3A_3758 : f32 to vector<64x512xf32>
    %select_n3A_3762 = arith.select %broadcast_in_dim3A_3760, %mul3A_3757, %broadcast_in_dim3A_3761 : vector<64x512xi1>, vector<64x512xf32>
    %swap3A_3763 = arith.constant 192 : index
    %swap3A_3764 = arith.constant 1024 : index
    %swap3A_3765 = vector.load %arg7[%swap3A_3763, %swap3A_3764] : memref<256x5120xf32, #tpu.memory_space<vmem>>, vector<64x512xf32>
    tpu.vector_store %arg7[%swap3A_3763, %swap3A_3764], %select_n3A_3762 {strides = array<i32>} : memref<256x5120xf32, #tpu.memory_space<vmem>>, vector<64x512xf32>,
    %get3A_3766 = arith.constant 3 : index
    %get3A_3767 = arith.constant 0 : index
    %get3A_3768 = arith.constant 1536 : index
    %get3A_3769 = vector.load %arg0[%get3A_3766, %get3A_3767, %get3A_3768] : memref<4x8x5120xf32, #tpu.memory_space<vmem>>, vector<1x8x512xf32>
    %get3A_3770 = vector.shape_cast %get3A_3769 : vector<1x8x512xf32> to vector<8x512xf32>
    %slice3A_3771 = vector.extract_strided_slice %get3A_3770 {offsets = [0, 0], sizes = [1, 512], strides = [1, 1]} : vector<8x512xf32> to vector<1x512xf32>
    %slice3A_3772 = vector.extract_strided_slice %get3A_3770 {offsets = [1, 0], sizes = [1, 512], strides = [1, 1]} : vector<8x512xf32> to vector<1x512xf32>
    %slice3A_3773 = vector.extract_strided_slice %get3A_3770 {offsets = [2, 0], sizes = [1, 512], strides = [1, 1]} : vector<8x512xf32> to vector<1x512xf32>
    %slice3A_3774 = vector.extract_strided_slice %get3A_3770 {offsets = [3, 0], sizes = [1, 512], strides = [1, 1]} : vector<8x512xf32> to vector<1x512xf32>
    %slice3A_3775 = vector.extract_strided_slice %get3A_3770 {offsets = [4, 0], sizes = [1, 512], strides = [1, 1]} : vector<8x512xf32> to vector<1x512xf32>
    %slice3A_3776 = vector.extract_strided_slice %get3A_3770 {offsets = [5, 0], sizes = [1, 512], strides = [1, 1]} : vector<8x512xf32> to vector<1x512xf32>
    %slice3A_3777 = vector.extract_strided_slice %get3A_3770 {offsets = [6, 0], sizes = [1, 512], strides = [1, 1]} : vector<8x512xf32> to vector<1x512xf32>
    %slice3A_3778 = vector.extract_strided_slice %get3A_3770 {offsets = [7, 0], sizes = [1, 512], strides = [1, 1]} : vector<8x512xf32> to vector<1x512xf32>
    %sub3A_3779 = arith.subf %slice3A_3773, %slice3A_3771 : vector<1x512xf32>
    %add3A_3780 = arith.constant 1.000000e+00 : f32
    %add3A_3781 = vector.broadcast %add3A_3780 : f32 to vector<1x512xf32>
    %add3A_3782 = arith.addf %sub3A_3779, %add3A_3781 : vector<1x512xf32>
    %sub3A_3783 = arith.subf %slice3A_3774, %slice3A_3772 : vector<1x512xf32>
    %add3A_3784 = arith.constant 1.000000e+00 : f32
    %add3A_3785 = vector.broadcast %add3A_3784 : f32 to vector<1x512xf32>
    %add3A_3786 = arith.addf %sub3A_3783, %add3A_3785 : vector<1x512xf32>
    %mul3A_3787 = arith.mulf %add3A_3782, %add3A_3786 : vector<1x512xf32>
    %sub3A_3788 = arith.subf %slice3A_3777, %slice3A_3775 : vector<1x512xf32>
    %add3A_3789 = arith.constant 1.000000e+00 : f32
    %add3A_3790 = vector.broadcast %add3A_3789 : f32 to vector<1x512xf32>
    %add3A_3791 = arith.addf %sub3A_3788, %add3A_3790 : vector<1x512xf32>
    %sub3A_3792 = arith.subf %slice3A_3778, %slice3A_3776 : vector<1x512xf32>
    %add3A_3793 = arith.constant 1.000000e+00 : f32
    %add3A_3794 = vector.broadcast %add3A_3793 : f32 to vector<1x512xf32>
    %add3A_3795 = arith.addf %sub3A_3792, %add3A_3794 : vector<1x512xf32>
    %mul3A_3796 = arith.mulf %add3A_3791, %add3A_3795 : vector<1x512xf32>
    %min3A_3797 = vector.broadcast %slice3A_3773 : vector<1x512xf32> to vector<64x512xf32>
    %min3A_3798 = vector.broadcast %broadcast_in_dim3A_3399 : vector<64x1xf32> to vector<64x512xf32>
    %min3A_3799 = arith.minimumf %min3A_3797, %min3A_3798 : vector<64x512xf32>
    %max3A_3800 = vector.broadcast %slice3A_3771 : vector<1x512xf32> to vector<64x512xf32>
    %max3A_3801 = vector.broadcast %broadcast_in_dim3A_3387 : vector<64x1xf32> to vector<64x512xf32>
    %max3A_3802 = arith.maximumf %max3A_3800, %max3A_3801 : vector<64x512xf32>
    %sub3A_3803 = arith.subf %min3A_3799, %max3A_3802 : vector<64x512xf32>
    %add3A_3804 = arith.constant 1.000000e+00 : f32
    %add3A_3805 = vector.broadcast %add3A_3804 : f32 to vector<64x512xf32>
    %add3A_3806 = arith.addf %sub3A_3803, %add3A_3805 : vector<64x512xf32>
    %min3A_3807 = vector.broadcast %slice3A_3774 : vector<1x512xf32> to vector<64x512xf32>
    %min3A_3808 = vector.broadcast %broadcast_in_dim3A_3405 : vector<64x1xf32> to vector<64x512xf32>
    %min3A_3809 = arith.minimumf %min3A_3807, %min3A_3808 : vector<64x512xf32>
    %max3A_3810 = vector.broadcast %slice3A_3772 : vector<1x512xf32> to vector<64x512xf32>
    %max3A_3811 = vector.broadcast %broadcast_in_dim3A_3393 : vector<64x1xf32> to vector<64x512xf32>
    %max3A_3812 = arith.maximumf %max3A_3810, %max3A_3811 : vector<64x512xf32>
    %sub3A_3813 = arith.subf %min3A_3809, %max3A_3812 : vector<64x512xf32>
    %add3A_3814 = arith.constant 1.000000e+00 : f32
    %add3A_3815 = vector.broadcast %add3A_3814 : f32 to vector<64x512xf32>
    %add3A_3816 = arith.addf %sub3A_3813, %add3A_3815 : vector<64x512xf32>
    %jit3A_3817 = arith.constant 0.000000e+00 : f32
    %max3A_3818 = vector.broadcast %jit3A_3817 : f32 to vector<64x512xf32>
    %max3A_3819 = arith.maximumf %max3A_3818, %add3A_3806 : vector<64x512xf32>
    %jit3A_3820 = arith.constant 0.000000e+00 : f32
    %max3A_3821 = vector.broadcast %jit3A_3820 : f32 to vector<64x512xf32>
    %max3A_3822 = arith.maximumf %max3A_3821, %add3A_3816 : vector<64x512xf32>
    %mul3A_3823 = arith.mulf %max3A_3819, %max3A_3822 : vector<64x512xf32>
    %add3A_3824 = vector.broadcast %mul3A_3787 : vector<1x512xf32> to vector<64x512xf32>
    %add3A_3825 = vector.broadcast %mul3A_3444 : vector<64x1xf32> to vector<64x512xf32>
    %add3A_3826 = arith.addf %add3A_3824, %add3A_3825 : vector<64x512xf32>
    %sub3A_3827 = arith.subf %add3A_3826, %mul3A_3823 : vector<64x512xf32>
    %div3A_3828 = arith.divf %mul3A_3823, %sub3A_3827 : vector<64x512xf32>
    %min3A_3829 = vector.broadcast %slice3A_3777 : vector<1x512xf32> to vector<64x512xf32>
    %min3A_3830 = vector.broadcast %broadcast_in_dim3A_3423 : vector<64x1xf32> to vector<64x512xf32>
    %min3A_3831 = arith.minimumf %min3A_3829, %min3A_3830 : vector<64x512xf32>
    %max3A_3832 = vector.broadcast %slice3A_3775 : vector<1x512xf32> to vector<64x512xf32>
    %max3A_3833 = vector.broadcast %broadcast_in_dim3A_3411 : vector<64x1xf32> to vector<64x512xf32>
    %max3A_3834 = arith.maximumf %max3A_3832, %max3A_3833 : vector<64x512xf32>
    %sub3A_3835 = arith.subf %min3A_3831, %max3A_3834 : vector<64x512xf32>
    %add3A_3836 = arith.constant 1.000000e+00 : f32
    %add3A_3837 = vector.broadcast %add3A_3836 : f32 to vector<64x512xf32>
    %add3A_3838 = arith.addf %sub3A_3835, %add3A_3837 : vector<64x512xf32>
    %min3A_3839 = vector.broadcast %slice3A_3778 : vector<1x512xf32> to vector<64x512xf32>
    %min3A_3840 = vector.broadcast %broadcast_in_dim3A_3429 : vector<64x1xf32> to vector<64x512xf32>
    %min3A_3841 = arith.minimumf %min3A_3839, %min3A_3840 : vector<64x512xf32>
    %max3A_3842 = vector.broadcast %slice3A_3776 : vector<1x512xf32> to vector<64x512xf32>
    %max3A_3843 = vector.broadcast %broadcast_in_dim3A_3417 : vector<64x1xf32> to vector<64x512xf32>
    %max3A_3844 = arith.maximumf %max3A_3842, %max3A_3843 : vector<64x512xf32>
    %sub3A_3845 = arith.subf %min3A_3841, %max3A_3844 : vector<64x512xf32>
    %add3A_3846 = arith.constant 1.000000e+00 : f32
    %add3A_3847 = vector.broadcast %add3A_3846 : f32 to vector<64x512xf32>
    %add3A_3848 = arith.addf %sub3A_3845, %add3A_3847 : vector<64x512xf32>
    %jit3A_3849 = arith.constant 0.000000e+00 : f32
    %max3A_3850 = vector.broadcast %jit3A_3849 : f32 to vector<64x512xf32>
    %max3A_3851 = arith.maximumf %max3A_3850, %add3A_3838 : vector<64x512xf32>
    %jit3A_3852 = arith.constant 0.000000e+00 : f32
    %max3A_3853 = vector.broadcast %jit3A_3852 : f32 to vector<64x512xf32>
    %max3A_3854 = arith.maximumf %max3A_3853, %add3A_3848 : vector<64x512xf32>
    %mul3A_3855 = arith.mulf %max3A_3851, %max3A_3854 : vector<64x512xf32>
    %add3A_3856 = vector.broadcast %mul3A_3796 : vector<1x512xf32> to vector<64x512xf32>
    %add3A_3857 = vector.broadcast %mul3A_3453 : vector<64x1xf32> to vector<64x512xf32>
    %add3A_3858 = arith.addf %add3A_3856, %add3A_3857 : vector<64x512xf32>
    %sub3A_3859 = arith.subf %add3A_3858, %mul3A_3855 : vector<64x512xf32>
    %div3A_3860 = arith.divf %mul3A_3855, %sub3A_3859 : vector<64x512xf32>
    %mul3A_3861 = arith.mulf %div3A_3828, %div3A_3860 : vector<64x512xf32>
    %jit3A_3862 = arith.constant 0.000000e+00 : f32
    %broadcast_in_dim3A_3863 = vector.shape_cast %gt3A_3435 : vector<64x1xi1> to vector<64x1xi1>
    %broadcast_in_dim3A_3864 = vector.broadcast %broadcast_in_dim3A_3863 : vector<64x1xi1> to vector<64x512xi1>
    %broadcast_in_dim3A_3865 = vector.broadcast %jit3A_3862 : f32 to vector<64x512xf32>
    %select_n3A_3866 = arith.select %broadcast_in_dim3A_3864, %mul3A_3861, %broadcast_in_dim3A_3865 : vector<64x512xi1>, vector<64x512xf32>
    %swap3A_3867 = arith.constant 192 : index
    %swap3A_3868 = arith.constant 1536 : index
    %swap3A_3869 = vector.load %arg7[%swap3A_3867, %swap3A_3868] : memref<256x5120xf32, #tpu.memory_space<vmem>>, vector<64x512xf32>
    tpu.vector_store %arg7[%swap3A_3867, %swap3A_3868], %select_n3A_3866 {strides = array<i32>} : memref<256x5120xf32, #tpu.memory_space<vmem>>, vector<64x512xf32>,
    %get3A_3870 = arith.constant 3 : index
    %get3A_3871 = arith.constant 0 : index
    %get3A_3872 = arith.constant 2048 : index
    %get3A_3873 = vector.load %arg0[%get3A_3870, %get3A_3871, %get3A_3872] : memref<4x8x5120xf32, #tpu.memory_space<vmem>>, vector<1x8x512xf32>
    %get3A_3874 = vector.shape_cast %get3A_3873 : vector<1x8x512xf32> to vector<8x512xf32>
    %slice3A_3875 = vector.extract_strided_slice %get3A_3874 {offsets = [0, 0], sizes = [1, 512], strides = [1, 1]} : vector<8x512xf32> to vector<1x512xf32>
    %slice3A_3876 = vector.extract_strided_slice %get3A_3874 {offsets = [1, 0], sizes = [1, 512], strides = [1, 1]} : vector<8x512xf32> to vector<1x512xf32>
    %slice3A_3877 = vector.extract_strided_slice %get3A_3874 {offsets = [2, 0], sizes = [1, 512], strides = [1, 1]} : vector<8x512xf32> to vector<1x512xf32>
    %slice3A_3878 = vector.extract_strided_slice %get3A_3874 {offsets = [3, 0], sizes = [1, 512], strides = [1, 1]} : vector<8x512xf32> to vector<1x512xf32>
    %slice3A_3879 = vector.extract_strided_slice %get3A_3874 {offsets = [4, 0], sizes = [1, 512], strides = [1, 1]} : vector<8x512xf32> to vector<1x512xf32>
    %slice3A_3880 = vector.extract_strided_slice %get3A_3874 {offsets = [5, 0], sizes = [1, 512], strides = [1, 1]} : vector<8x512xf32> to vector<1x512xf32>
    %slice3A_3881 = vector.extract_strided_slice %get3A_3874 {offsets = [6, 0], sizes = [1, 512], strides = [1, 1]} : vector<8x512xf32> to vector<1x512xf32>
    %slice3A_3882 = vector.extract_strided_slice %get3A_3874 {offsets = [7, 0], sizes = [1, 512], strides = [1, 1]} : vector<8x512xf32> to vector<1x512xf32>
    %sub3A_3883 = arith.subf %slice3A_3877, %slice3A_3875 : vector<1x512xf32>
    %add3A_3884 = arith.constant 1.000000e+00 : f32
    %add3A_3885 = vector.broadcast %add3A_3884 : f32 to vector<1x512xf32>
    %add3A_3886 = arith.addf %sub3A_3883, %add3A_3885 : vector<1x512xf32>
    %sub3A_3887 = arith.subf %slice3A_3878, %slice3A_3876 : vector<1x512xf32>
    %add3A_3888 = arith.constant 1.000000e+00 : f32
    %add3A_3889 = vector.broadcast %add3A_3888 : f32 to vector<1x512xf32>
    %add3A_3890 = arith.addf %sub3A_3887, %add3A_3889 : vector<1x512xf32>
    %mul3A_3891 = arith.mulf %add3A_3886, %add3A_3890 : vector<1x512xf32>
    %sub3A_3892 = arith.subf %slice3A_3881, %slice3A_3879 : vector<1x512xf32>
    %add3A_3893 = arith.constant 1.000000e+00 : f32
    %add3A_3894 = vector.broadcast %add3A_3893 : f32 to vector<1x512xf32>
    %add3A_3895 = arith.addf %sub3A_3892, %add3A_3894 : vector<1x512xf32>
    %sub3A_3896 = arith.subf %slice3A_3882, %slice3A_3880 : vector<1x512xf32>
    %add3A_3897 = arith.constant 1.000000e+00 : f32
    %add3A_3898 = vector.broadcast %add3A_3897 : f32 to vector<1x512xf32>
    %add3A_3899 = arith.addf %sub3A_3896, %add3A_3898 : vector<1x512xf32>
    %mul3A_3900 = arith.mulf %add3A_3895, %add3A_3899 : vector<1x512xf32>
    %min3A_3901 = vector.broadcast %slice3A_3877 : vector<1x512xf32> to vector<64x512xf32>
    %min3A_3902 = vector.broadcast %broadcast_in_dim3A_3399 : vector<64x1xf32> to vector<64x512xf32>
    %min3A_3903 = arith.minimumf %min3A_3901, %min3A_3902 : vector<64x512xf32>
    %max3A_3904 = vector.broadcast %slice3A_3875 : vector<1x512xf32> to vector<64x512xf32>
    %max3A_3905 = vector.broadcast %broadcast_in_dim3A_3387 : vector<64x1xf32> to vector<64x512xf32>
    %max3A_3906 = arith.maximumf %max3A_3904, %max3A_3905 : vector<64x512xf32>
    %sub3A_3907 = arith.subf %min3A_3903, %max3A_3906 : vector<64x512xf32>
    %add3A_3908 = arith.constant 1.000000e+00 : f32
    %add3A_3909 = vector.broadcast %add3A_3908 : f32 to vector<64x512xf32>
    %add3A_3910 = arith.addf %sub3A_3907, %add3A_3909 : vector<64x512xf32>
    %min3A_3911 = vector.broadcast %slice3A_3878 : vector<1x512xf32> to vector<64x512xf32>
    %min3A_3912 = vector.broadcast %broadcast_in_dim3A_3405 : vector<64x1xf32> to vector<64x512xf32>
    %min3A_3913 = arith.minimumf %min3A_3911, %min3A_3912 : vector<64x512xf32>
    %max3A_3914 = vector.broadcast %slice3A_3876 : vector<1x512xf32> to vector<64x512xf32>
    %max3A_3915 = vector.broadcast %broadcast_in_dim3A_3393 : vector<64x1xf32> to vector<64x512xf32>
    %max3A_3916 = arith.maximumf %max3A_3914, %max3A_3915 : vector<64x512xf32>
    %sub3A_3917 = arith.subf %min3A_3913, %max3A_3916 : vector<64x512xf32>
    %add3A_3918 = arith.constant 1.000000e+00 : f32
    %add3A_3919 = vector.broadcast %add3A_3918 : f32 to vector<64x512xf32>
    %add3A_3920 = arith.addf %sub3A_3917, %add3A_3919 : vector<64x512xf32>
    %jit3A_3921 = arith.constant 0.000000e+00 : f32
    %max3A_3922 = vector.broadcast %jit3A_3921 : f32 to vector<64x512xf32>
    %max3A_3923 = arith.maximumf %max3A_3922, %add3A_3910 : vector<64x512xf32>
    %jit3A_3924 = arith.constant 0.000000e+00 : f32
    %max3A_3925 = vector.broadcast %jit3A_3924 : f32 to vector<64x512xf32>
    %max3A_3926 = arith.maximumf %max3A_3925, %add3A_3920 : vector<64x512xf32>
    %mul3A_3927 = arith.mulf %max3A_3923, %max3A_3926 : vector<64x512xf32>
    %add3A_3928 = vector.broadcast %mul3A_3891 : vector<1x512xf32> to vector<64x512xf32>
    %add3A_3929 = vector.broadcast %mul3A_3444 : vector<64x1xf32> to vector<64x512xf32>
    %add3A_3930 = arith.addf %add3A_3928, %add3A_3929 : vector<64x512xf32>
    %sub3A_3931 = arith.subf %add3A_3930, %mul3A_3927 : vector<64x512xf32>
    %div3A_3932 = arith.divf %mul3A_3927, %sub3A_3931 : vector<64x512xf32>
    %min3A_3933 = vector.broadcast %slice3A_3881 : vector<1x512xf32> to vector<64x512xf32>
    %min3A_3934 = vector.broadcast %broadcast_in_dim3A_3423 : vector<64x1xf32> to vector<64x512xf32>
    %min3A_3935 = arith.minimumf %min3A_3933, %min3A_3934 : vector<64x512xf32>
    %max3A_3936 = vector.broadcast %slice3A_3879 : vector<1x512xf32> to vector<64x512xf32>
    %max3A_3937 = vector.broadcast %broadcast_in_dim3A_3411 : vector<64x1xf32> to vector<64x512xf32>
    %max3A_3938 = arith.maximumf %max3A_3936, %max3A_3937 : vector<64x512xf32>
    %sub3A_3939 = arith.subf %min3A_3935, %max3A_3938 : vector<64x512xf32>
    %add3A_3940 = arith.constant 1.000000e+00 : f32
    %add3A_3941 = vector.broadcast %add3A_3940 : f32 to vector<64x512xf32>
    %add3A_3942 = arith.addf %sub3A_3939, %add3A_3941 : vector<64x512xf32>
    %min3A_3943 = vector.broadcast %slice3A_3882 : vector<1x512xf32> to vector<64x512xf32>
    %min3A_3944 = vector.broadcast %broadcast_in_dim3A_3429 : vector<64x1xf32> to vector<64x512xf32>
    %min3A_3945 = arith.minimumf %min3A_3943, %min3A_3944 : vector<64x512xf32>
    %max3A_3946 = vector.broadcast %slice3A_3880 : vector<1x512xf32> to vector<64x512xf32>
    %max3A_3947 = vector.broadcast %broadcast_in_dim3A_3417 : vector<64x1xf32> to vector<64x512xf32>
    %max3A_3948 = arith.maximumf %max3A_3946, %max3A_3947 : vector<64x512xf32>
    %sub3A_3949 = arith.subf %min3A_3945, %max3A_3948 : vector<64x512xf32>
    %add3A_3950 = arith.constant 1.000000e+00 : f32
    %add3A_3951 = vector.broadcast %add3A_3950 : f32 to vector<64x512xf32>
    %add3A_3952 = arith.addf %sub3A_3949, %add3A_3951 : vector<64x512xf32>
    %jit3A_3953 = arith.constant 0.000000e+00 : f32
    %max3A_3954 = vector.broadcast %jit3A_3953 : f32 to vector<64x512xf32>
    %max3A_3955 = arith.maximumf %max3A_3954, %add3A_3942 : vector<64x512xf32>
    %jit3A_3956 = arith.constant 0.000000e+00 : f32
    %max3A_3957 = vector.broadcast %jit3A_3956 : f32 to vector<64x512xf32>
    %max3A_3958 = arith.maximumf %max3A_3957, %add3A_3952 : vector<64x512xf32>
    %mul3A_3959 = arith.mulf %max3A_3955, %max3A_3958 : vector<64x512xf32>
    %add3A_3960 = vector.broadcast %mul3A_3900 : vector<1x512xf32> to vector<64x512xf32>
    %add3A_3961 = vector.broadcast %mul3A_3453 : vector<64x1xf32> to vector<64x512xf32>
    %add3A_3962 = arith.addf %add3A_3960, %add3A_3961 : vector<64x512xf32>
    %sub3A_3963 = arith.subf %add3A_3962, %mul3A_3959 : vector<64x512xf32>
    %div3A_3964 = arith.divf %mul3A_3959, %sub3A_3963 : vector<64x512xf32>
    %mul3A_3965 = arith.mulf %div3A_3932, %div3A_3964 : vector<64x512xf32>
    %jit3A_3966 = arith.constant 0.000000e+00 : f32
    %broadcast_in_dim3A_3967 = vector.shape_cast %gt3A_3435 : vector<64x1xi1> to vector<64x1xi1>
    %broadcast_in_dim3A_3968 = vector.broadcast %broadcast_in_dim3A_3967 : vector<64x1xi1> to vector<64x512xi1>
    %broadcast_in_dim3A_3969 = vector.broadcast %jit3A_3966 : f32 to vector<64x512xf32>
    %select_n3A_3970 = arith.select %broadcast_in_dim3A_3968, %mul3A_3965, %broadcast_in_dim3A_3969 : vector<64x512xi1>, vector<64x512xf32>
    %swap3A_3971 = arith.constant 192 : index
    %swap3A_3972 = arith.constant 2048 : index
    %swap3A_3973 = vector.load %arg7[%swap3A_3971, %swap3A_3972] : memref<256x5120xf32, #tpu.memory_space<vmem>>, vector<64x512xf32>
    tpu.vector_store %arg7[%swap3A_3971, %swap3A_3972], %select_n3A_3970 {strides = array<i32>} : memref<256x5120xf32, #tpu.memory_space<vmem>>, vector<64x512xf32>,
    %get3A_3974 = arith.constant 3 : index
    %get3A_3975 = arith.constant 0 : index
    %get3A_3976 = arith.constant 2560 : index
    %get3A_3977 = vector.load %arg0[%get3A_3974, %get3A_3975, %get3A_3976] : memref<4x8x5120xf32, #tpu.memory_space<vmem>>, vector<1x8x512xf32>
    %get3A_3978 = vector.shape_cast %get3A_3977 : vector<1x8x512xf32> to vector<8x512xf32>
    %slice3A_3979 = vector.extract_strided_slice %get3A_3978 {offsets = [0, 0], sizes = [1, 512], strides = [1, 1]} : vector<8x512xf32> to vector<1x512xf32>
    %slice3A_3980 = vector.extract_strided_slice %get3A_3978 {offsets = [1, 0], sizes = [1, 512], strides = [1, 1]} : vector<8x512xf32> to vector<1x512xf32>
    %slice3A_3981 = vector.extract_strided_slice %get3A_3978 {offsets = [2, 0], sizes = [1, 512], strides = [1, 1]} : vector<8x512xf32> to vector<1x512xf32>
    %slice3A_3982 = vector.extract_strided_slice %get3A_3978 {offsets = [3, 0], sizes = [1, 512], strides = [1, 1]} : vector<8x512xf32> to vector<1x512xf32>
    %slice3A_3983 = vector.extract_strided_slice %get3A_3978 {offsets = [4, 0], sizes = [1, 512], strides = [1, 1]} : vector<8x512xf32> to vector<1x512xf32>
    %slice3A_3984 = vector.extract_strided_slice %get3A_3978 {offsets = [5, 0], sizes = [1, 512], strides = [1, 1]} : vector<8x512xf32> to vector<1x512xf32>
    %slice3A_3985 = vector.extract_strided_slice %get3A_3978 {offsets = [6, 0], sizes = [1, 512], strides = [1, 1]} : vector<8x512xf32> to vector<1x512xf32>
    %slice3A_3986 = vector.extract_strided_slice %get3A_3978 {offsets = [7, 0], sizes = [1, 512], strides = [1, 1]} : vector<8x512xf32> to vector<1x512xf32>
    %sub3A_3987 = arith.subf %slice3A_3981, %slice3A_3979 : vector<1x512xf32>
    %add3A_3988 = arith.constant 1.000000e+00 : f32
    %add3A_3989 = vector.broadcast %add3A_3988 : f32 to vector<1x512xf32>
    %add3A_3990 = arith.addf %sub3A_3987, %add3A_3989 : vector<1x512xf32>
    %sub3A_3991 = arith.subf %slice3A_3982, %slice3A_3980 : vector<1x512xf32>
    %add3A_3992 = arith.constant 1.000000e+00 : f32
    %add3A_3993 = vector.broadcast %add3A_3992 : f32 to vector<1x512xf32>
    %add3A_3994 = arith.addf %sub3A_3991, %add3A_3993 : vector<1x512xf32>
    %mul3A_3995 = arith.mulf %add3A_3990, %add3A_3994 : vector<1x512xf32>
    %sub3A_3996 = arith.subf %slice3A_3985, %slice3A_3983 : vector<1x512xf32>
    %add3A_3997 = arith.constant 1.000000e+00 : f32
    %add3A_3998 = vector.broadcast %add3A_3997 : f32 to vector<1x512xf32>
    %add3A_3999 = arith.addf %sub3A_3996, %add3A_3998 : vector<1x512xf32>
    %sub3A_4000 = arith.subf %slice3A_3986, %slice3A_3984 : vector<1x512xf32>
    %add3A_4001 = arith.constant 1.000000e+00 : f32
    %add3A_4002 = vector.broadcast %add3A_4001 : f32 to vector<1x512xf32>
    %add3A_4003 = arith.addf %sub3A_4000, %add3A_4002 : vector<1x512xf32>
    %mul3A_4004 = arith.mulf %add3A_3999, %add3A_4003 : vector<1x512xf32>
    %min3A_4005 = vector.broadcast %slice3A_3981 : vector<1x512xf32> to vector<64x512xf32>
    %min3A_4006 = vector.broadcast %broadcast_in_dim3A_3399 : vector<64x1xf32> to vector<64x512xf32>
    %min3A_4007 = arith.minimumf %min3A_4005, %min3A_4006 : vector<64x512xf32>
    %max3A_4008 = vector.broadcast %slice3A_3979 : vector<1x512xf32> to vector<64x512xf32>
    %max3A_4009 = vector.broadcast %broadcast_in_dim3A_3387 : vector<64x1xf32> to vector<64x512xf32>
    %max3A_4010 = arith.maximumf %max3A_4008, %max3A_4009 : vector<64x512xf32>
    %sub3A_4011 = arith.subf %min3A_4007, %max3A_4010 : vector<64x512xf32>
    %add3A_4012 = arith.constant 1.000000e+00 : f32
    %add3A_4013 = vector.broadcast %add3A_4012 : f32 to vector<64x512xf32>
    %add3A_4014 = arith.addf %sub3A_4011, %add3A_4013 : vector<64x512xf32>
    %min3A_4015 = vector.broadcast %slice3A_3982 : vector<1x512xf32> to vector<64x512xf32>
    %min3A_4016 = vector.broadcast %broadcast_in_dim3A_3405 : vector<64x1xf32> to vector<64x512xf32>
    %min3A_4017 = arith.minimumf %min3A_4015, %min3A_4016 : vector<64x512xf32>
    %max3A_4018 = vector.broadcast %slice3A_3980 : vector<1x512xf32> to vector<64x512xf32>
    %max3A_4019 = vector.broadcast %broadcast_in_dim3A_3393 : vector<64x1xf32> to vector<64x512xf32>
    %max3A_4020 = arith.maximumf %max3A_4018, %max3A_4019 : vector<64x512xf32>
    %sub3A_4021 = arith.subf %min3A_4017, %max3A_4020 : vector<64x512xf32>
    %add3A_4022 = arith.constant 1.000000e+00 : f32
    %add3A_4023 = vector.broadcast %add3A_4022 : f32 to vector<64x512xf32>
    %add3A_4024 = arith.addf %sub3A_4021, %add3A_4023 : vector<64x512xf32>
    %jit3A_4025 = arith.constant 0.000000e+00 : f32
    %max3A_4026 = vector.broadcast %jit3A_4025 : f32 to vector<64x512xf32>
    %max3A_4027 = arith.maximumf %max3A_4026, %add3A_4014 : vector<64x512xf32>
    %jit3A_4028 = arith.constant 0.000000e+00 : f32
    %max3A_4029 = vector.broadcast %jit3A_4028 : f32 to vector<64x512xf32>
    %max3A_4030 = arith.maximumf %max3A_4029, %add3A_4024 : vector<64x512xf32>
    %mul3A_4031 = arith.mulf %max3A_4027, %max3A_4030 : vector<64x512xf32>
    %add3A_4032 = vector.broadcast %mul3A_3995 : vector<1x512xf32> to vector<64x512xf32>
    %add3A_4033 = vector.broadcast %mul3A_3444 : vector<64x1xf32> to vector<64x512xf32>
    %add3A_4034 = arith.addf %add3A_4032, %add3A_4033 : vector<64x512xf32>
    %sub3A_4035 = arith.subf %add3A_4034, %mul3A_4031 : vector<64x512xf32>
    %div3A_4036 = arith.divf %mul3A_4031, %sub3A_4035 : vector<64x512xf32>
    %min3A_4037 = vector.broadcast %slice3A_3985 : vector<1x512xf32> to vector<64x512xf32>
    %min3A_4038 = vector.broadcast %broadcast_in_dim3A_3423 : vector<64x1xf32> to vector<64x512xf32>
    %min3A_4039 = arith.minimumf %min3A_4037, %min3A_4038 : vector<64x512xf32>
    %max3A_4040 = vector.broadcast %slice3A_3983 : vector<1x512xf32> to vector<64x512xf32>
    %max3A_4041 = vector.broadcast %broadcast_in_dim3A_3411 : vector<64x1xf32> to vector<64x512xf32>
    %max3A_4042 = arith.maximumf %max3A_4040, %max3A_4041 : vector<64x512xf32>
    %sub3A_4043 = arith.subf %min3A_4039, %max3A_4042 : vector<64x512xf32>
    %add3A_4044 = arith.constant 1.000000e+00 : f32
    %add3A_4045 = vector.broadcast %add3A_4044 : f32 to vector<64x512xf32>
    %add3A_4046 = arith.addf %sub3A_4043, %add3A_4045 : vector<64x512xf32>
    %min3A_4047 = vector.broadcast %slice3A_3986 : vector<1x512xf32> to vector<64x512xf32>
    %min3A_4048 = vector.broadcast %broadcast_in_dim3A_3429 : vector<64x1xf32> to vector<64x512xf32>
    %min3A_4049 = arith.minimumf %min3A_4047, %min3A_4048 : vector<64x512xf32>
    %max3A_4050 = vector.broadcast %slice3A_3984 : vector<1x512xf32> to vector<64x512xf32>
    %max3A_4051 = vector.broadcast %broadcast_in_dim3A_3417 : vector<64x1xf32> to vector<64x512xf32>
    %max3A_4052 = arith.maximumf %max3A_4050, %max3A_4051 : vector<64x512xf32>
    %sub3A_4053 = arith.subf %min3A_4049, %max3A_4052 : vector<64x512xf32>
    %add3A_4054 = arith.constant 1.000000e+00 : f32
    %add3A_4055 = vector.broadcast %add3A_4054 : f32 to vector<64x512xf32>
    %add3A_4056 = arith.addf %sub3A_4053, %add3A_4055 : vector<64x512xf32>
    %jit3A_4057 = arith.constant 0.000000e+00 : f32
    %max3A_4058 = vector.broadcast %jit3A_4057 : f32 to vector<64x512xf32>
    %max3A_4059 = arith.maximumf %max3A_4058, %add3A_4046 : vector<64x512xf32>
    %jit3A_4060 = arith.constant 0.000000e+00 : f32
    %max3A_4061 = vector.broadcast %jit3A_4060 : f32 to vector<64x512xf32>
    %max3A_4062 = arith.maximumf %max3A_4061, %add3A_4056 : vector<64x512xf32>
    %mul3A_4063 = arith.mulf %max3A_4059, %max3A_4062 : vector<64x512xf32>
    %add3A_4064 = vector.broadcast %mul3A_4004 : vector<1x512xf32> to vector<64x512xf32>
    %add3A_4065 = vector.broadcast %mul3A_3453 : vector<64x1xf32> to vector<64x512xf32>
    %add3A_4066 = arith.addf %add3A_4064, %add3A_4065 : vector<64x512xf32>
    %sub3A_4067 = arith.subf %add3A_4066, %mul3A_4063 : vector<64x512xf32>
    %div3A_4068 = arith.divf %mul3A_4063, %sub3A_4067 : vector<64x512xf32>
    %mul3A_4069 = arith.mulf %div3A_4036, %div3A_4068 : vector<64x512xf32>
    %jit3A_4070 = arith.constant 0.000000e+00 : f32
    %broadcast_in_dim3A_4071 = vector.shape_cast %gt3A_3435 : vector<64x1xi1> to vector<64x1xi1>
    %broadcast_in_dim3A_4072 = vector.broadcast %broadcast_in_dim3A_4071 : vector<64x1xi1> to vector<64x512xi1>
    %broadcast_in_dim3A_4073 = vector.broadcast %jit3A_4070 : f32 to vector<64x512xf32>
    %select_n3A_4074 = arith.select %broadcast_in_dim3A_4072, %mul3A_4069, %broadcast_in_dim3A_4073 : vector<64x512xi1>, vector<64x512xf32>
    %swap3A_4075 = arith.constant 192 : index
    %swap3A_4076 = arith.constant 2560 : index
    %swap3A_4077 = vector.load %arg7[%swap3A_4075, %swap3A_4076] : memref<256x5120xf32, #tpu.memory_space<vmem>>, vector<64x512xf32>
    tpu.vector_store %arg7[%swap3A_4075, %swap3A_4076], %select_n3A_4074 {strides = array<i32>} : memref<256x5120xf32, #tpu.memory_space<vmem>>, vector<64x512xf32>,
    %get3A_4078 = arith.constant 3 : index
    %get3A_4079 = arith.constant 0 : index
    %get3A_4080 = arith.constant 3072 : index
    %get3A_4081 = vector.load %arg0[%get3A_4078, %get3A_4079, %get3A_4080] : memref<4x8x5120xf32, #tpu.memory_space<vmem>>, vector<1x8x512xf32>
    %get3A_4082 = vector.shape_cast %get3A_4081 : vector<1x8x512xf32> to vector<8x512xf32>
    %slice3A_4083 = vector.extract_strided_slice %get3A_4082 {offsets = [0, 0], sizes = [1, 512], strides = [1, 1]} : vector<8x512xf32> to vector<1x512xf32>
    %slice3A_4084 = vector.extract_strided_slice %get3A_4082 {offsets = [1, 0], sizes = [1, 512], strides = [1, 1]} : vector<8x512xf32> to vector<1x512xf32>
    %slice3A_4085 = vector.extract_strided_slice %get3A_4082 {offsets = [2, 0], sizes = [1, 512], strides = [1, 1]} : vector<8x512xf32> to vector<1x512xf32>
    %slice3A_4086 = vector.extract_strided_slice %get3A_4082 {offsets = [3, 0], sizes = [1, 512], strides = [1, 1]} : vector<8x512xf32> to vector<1x512xf32>
    %slice3A_4087 = vector.extract_strided_slice %get3A_4082 {offsets = [4, 0], sizes = [1, 512], strides = [1, 1]} : vector<8x512xf32> to vector<1x512xf32>
    %slice3A_4088 = vector.extract_strided_slice %get3A_4082 {offsets = [5, 0], sizes = [1, 512], strides = [1, 1]} : vector<8x512xf32> to vector<1x512xf32>
    %slice3A_4089 = vector.extract_strided_slice %get3A_4082 {offsets = [6, 0], sizes = [1, 512], strides = [1, 1]} : vector<8x512xf32> to vector<1x512xf32>
    %slice3A_4090 = vector.extract_strided_slice %get3A_4082 {offsets = [7, 0], sizes = [1, 512], strides = [1, 1]} : vector<8x512xf32> to vector<1x512xf32>
    %sub3A_4091 = arith.subf %slice3A_4085, %slice3A_4083 : vector<1x512xf32>
    %add3A_4092 = arith.constant 1.000000e+00 : f32
    %add3A_4093 = vector.broadcast %add3A_4092 : f32 to vector<1x512xf32>
    %add3A_4094 = arith.addf %sub3A_4091, %add3A_4093 : vector<1x512xf32>
    %sub3A_4095 = arith.subf %slice3A_4086, %slice3A_4084 : vector<1x512xf32>
    %add3A_4096 = arith.constant 1.000000e+00 : f32
    %add3A_4097 = vector.broadcast %add3A_4096 : f32 to vector<1x512xf32>
    %add3A_4098 = arith.addf %sub3A_4095, %add3A_4097 : vector<1x512xf32>
    %mul3A_4099 = arith.mulf %add3A_4094, %add3A_4098 : vector<1x512xf32>
    %sub3A_4100 = arith.subf %slice3A_4089, %slice3A_4087 : vector<1x512xf32>
    %add3A_4101 = arith.constant 1.000000e+00 : f32
    %add3A_4102 = vector.broadcast %add3A_4101 : f32 to vector<1x512xf32>
    %add3A_4103 = arith.addf %sub3A_4100, %add3A_4102 : vector<1x512xf32>
    %sub3A_4104 = arith.subf %slice3A_4090, %slice3A_4088 : vector<1x512xf32>
    %add3A_4105 = arith.constant 1.000000e+00 : f32
    %add3A_4106 = vector.broadcast %add3A_4105 : f32 to vector<1x512xf32>
    %add3A_4107 = arith.addf %sub3A_4104, %add3A_4106 : vector<1x512xf32>
    %mul3A_4108 = arith.mulf %add3A_4103, %add3A_4107 : vector<1x512xf32>
    %min3A_4109 = vector.broadcast %slice3A_4085 : vector<1x512xf32> to vector<64x512xf32>
    %min3A_4110 = vector.broadcast %broadcast_in_dim3A_3399 : vector<64x1xf32> to vector<64x512xf32>
    %min3A_4111 = arith.minimumf %min3A_4109, %min3A_4110 : vector<64x512xf32>
    %max3A_4112 = vector.broadcast %slice3A_4083 : vector<1x512xf32> to vector<64x512xf32>
    %max3A_4113 = vector.broadcast %broadcast_in_dim3A_3387 : vector<64x1xf32> to vector<64x512xf32>
    %max3A_4114 = arith.maximumf %max3A_4112, %max3A_4113 : vector<64x512xf32>
    %sub3A_4115 = arith.subf %min3A_4111, %max3A_4114 : vector<64x512xf32>
    %add3A_4116 = arith.constant 1.000000e+00 : f32
    %add3A_4117 = vector.broadcast %add3A_4116 : f32 to vector<64x512xf32>
    %add3A_4118 = arith.addf %sub3A_4115, %add3A_4117 : vector<64x512xf32>
    %min3A_4119 = vector.broadcast %slice3A_4086 : vector<1x512xf32> to vector<64x512xf32>
    %min3A_4120 = vector.broadcast %broadcast_in_dim3A_3405 : vector<64x1xf32> to vector<64x512xf32>
    %min3A_4121 = arith.minimumf %min3A_4119, %min3A_4120 : vector<64x512xf32>
    %max3A_4122 = vector.broadcast %slice3A_4084 : vector<1x512xf32> to vector<64x512xf32>
    %max3A_4123 = vector.broadcast %broadcast_in_dim3A_3393 : vector<64x1xf32> to vector<64x512xf32>
    %max3A_4124 = arith.maximumf %max3A_4122, %max3A_4123 : vector<64x512xf32>
    %sub3A_4125 = arith.subf %min3A_4121, %max3A_4124 : vector<64x512xf32>
    %add3A_4126 = arith.constant 1.000000e+00 : f32
    %add3A_4127 = vector.broadcast %add3A_4126 : f32 to vector<64x512xf32>
    %add3A_4128 = arith.addf %sub3A_4125, %add3A_4127 : vector<64x512xf32>
    %jit3A_4129 = arith.constant 0.000000e+00 : f32
    %max3A_4130 = vector.broadcast %jit3A_4129 : f32 to vector<64x512xf32>
    %max3A_4131 = arith.maximumf %max3A_4130, %add3A_4118 : vector<64x512xf32>
    %jit3A_4132 = arith.constant 0.000000e+00 : f32
    %max3A_4133 = vector.broadcast %jit3A_4132 : f32 to vector<64x512xf32>
    %max3A_4134 = arith.maximumf %max3A_4133, %add3A_4128 : vector<64x512xf32>
    %mul3A_4135 = arith.mulf %max3A_4131, %max3A_4134 : vector<64x512xf32>
    %add3A_4136 = vector.broadcast %mul3A_4099 : vector<1x512xf32> to vector<64x512xf32>
    %add3A_4137 = vector.broadcast %mul3A_3444 : vector<64x1xf32> to vector<64x512xf32>
    %add3A_4138 = arith.addf %add3A_4136, %add3A_4137 : vector<64x512xf32>
    %sub3A_4139 = arith.subf %add3A_4138, %mul3A_4135 : vector<64x512xf32>
    %div3A_4140 = arith.divf %mul3A_4135, %sub3A_4139 : vector<64x512xf32>
    %min3A_4141 = vector.broadcast %slice3A_4089 : vector<1x512xf32> to vector<64x512xf32>
    %min3A_4142 = vector.broadcast %broadcast_in_dim3A_3423 : vector<64x1xf32> to vector<64x512xf32>
    %min3A_4143 = arith.minimumf %min3A_4141, %min3A_4142 : vector<64x512xf32>
    %max3A_4144 = vector.broadcast %slice3A_4087 : vector<1x512xf32> to vector<64x512xf32>
    %max3A_4145 = vector.broadcast %broadcast_in_dim3A_3411 : vector<64x1xf32> to vector<64x512xf32>
    %max3A_4146 = arith.maximumf %max3A_4144, %max3A_4145 : vector<64x512xf32>
    %sub3A_4147 = arith.subf %min3A_4143, %max3A_4146 : vector<64x512xf32>
    %add3A_4148 = arith.constant 1.000000e+00 : f32
    %add3A_4149 = vector.broadcast %add3A_4148 : f32 to vector<64x512xf32>
    %add3A_4150 = arith.addf %sub3A_4147, %add3A_4149 : vector<64x512xf32>
    %min3A_4151 = vector.broadcast %slice3A_4090 : vector<1x512xf32> to vector<64x512xf32>
    %min3A_4152 = vector.broadcast %broadcast_in_dim3A_3429 : vector<64x1xf32> to vector<64x512xf32>
    %min3A_4153 = arith.minimumf %min3A_4151, %min3A_4152 : vector<64x512xf32>
    %max3A_4154 = vector.broadcast %slice3A_4088 : vector<1x512xf32> to vector<64x512xf32>
    %max3A_4155 = vector.broadcast %broadcast_in_dim3A_3417 : vector<64x1xf32> to vector<64x512xf32>
    %max3A_4156 = arith.maximumf %max3A_4154, %max3A_4155 : vector<64x512xf32>
    %sub3A_4157 = arith.subf %min3A_4153, %max3A_4156 : vector<64x512xf32>
    %add3A_4158 = arith.constant 1.000000e+00 : f32
    %add3A_4159 = vector.broadcast %add3A_4158 : f32 to vector<64x512xf32>
    %add3A_4160 = arith.addf %sub3A_4157, %add3A_4159 : vector<64x512xf32>
    %jit3A_4161 = arith.constant 0.000000e+00 : f32
    %max3A_4162 = vector.broadcast %jit3A_4161 : f32 to vector<64x512xf32>
    %max3A_4163 = arith.maximumf %max3A_4162, %add3A_4150 : vector<64x512xf32>
    %jit3A_4164 = arith.constant 0.000000e+00 : f32
    %max3A_4165 = vector.broadcast %jit3A_4164 : f32 to vector<64x512xf32>
    %max3A_4166 = arith.maximumf %max3A_4165, %add3A_4160 : vector<64x512xf32>
    %mul3A_4167 = arith.mulf %max3A_4163, %max3A_4166 : vector<64x512xf32>
    %add3A_4168 = vector.broadcast %mul3A_4108 : vector<1x512xf32> to vector<64x512xf32>
    %add3A_4169 = vector.broadcast %mul3A_3453 : vector<64x1xf32> to vector<64x512xf32>
    %add3A_4170 = arith.addf %add3A_4168, %add3A_4169 : vector<64x512xf32>
    %sub3A_4171 = arith.subf %add3A_4170, %mul3A_4167 : vector<64x512xf32>
    %div3A_4172 = arith.divf %mul3A_4167, %sub3A_4171 : vector<64x512xf32>
    %mul3A_4173 = arith.mulf %div3A_4140, %div3A_4172 : vector<64x512xf32>
    %jit3A_4174 = arith.constant 0.000000e+00 : f32
    %broadcast_in_dim3A_4175 = vector.shape_cast %gt3A_3435 : vector<64x1xi1> to vector<64x1xi1>
    %broadcast_in_dim3A_4176 = vector.broadcast %broadcast_in_dim3A_4175 : vector<64x1xi1> to vector<64x512xi1>
    %broadcast_in_dim3A_4177 = vector.broadcast %jit3A_4174 : f32 to vector<64x512xf32>
    %select_n3A_4178 = arith.select %broadcast_in_dim3A_4176, %mul3A_4173, %broadcast_in_dim3A_4177 : vector<64x512xi1>, vector<64x512xf32>
    %swap3A_4179 = arith.constant 192 : index
    %swap3A_4180 = arith.constant 3072 : index
    %swap3A_4181 = vector.load %arg7[%swap3A_4179, %swap3A_4180] : memref<256x5120xf32, #tpu.memory_space<vmem>>, vector<64x512xf32>
    tpu.vector_store %arg7[%swap3A_4179, %swap3A_4180], %select_n3A_4178 {strides = array<i32>} : memref<256x5120xf32, #tpu.memory_space<vmem>>, vector<64x512xf32>,
    %get3A_4182 = arith.constant 3 : index
    %get3A_4183 = arith.constant 0 : index
    %get3A_4184 = arith.constant 3584 : index
    %get3A_4185 = vector.load %arg0[%get3A_4182, %get3A_4183, %get3A_4184] : memref<4x8x5120xf32, #tpu.memory_space<vmem>>, vector<1x8x512xf32>
    %get3A_4186 = vector.shape_cast %get3A_4185 : vector<1x8x512xf32> to vector<8x512xf32>
    %slice3A_4187 = vector.extract_strided_slice %get3A_4186 {offsets = [0, 0], sizes = [1, 512], strides = [1, 1]} : vector<8x512xf32> to vector<1x512xf32>
    %slice3A_4188 = vector.extract_strided_slice %get3A_4186 {offsets = [1, 0], sizes = [1, 512], strides = [1, 1]} : vector<8x512xf32> to vector<1x512xf32>
    %slice3A_4189 = vector.extract_strided_slice %get3A_4186 {offsets = [2, 0], sizes = [1, 512], strides = [1, 1]} : vector<8x512xf32> to vector<1x512xf32>
    %slice3A_4190 = vector.extract_strided_slice %get3A_4186 {offsets = [3, 0], sizes = [1, 512], strides = [1, 1]} : vector<8x512xf32> to vector<1x512xf32>
    %slice3A_4191 = vector.extract_strided_slice %get3A_4186 {offsets = [4, 0], sizes = [1, 512], strides = [1, 1]} : vector<8x512xf32> to vector<1x512xf32>
    %slice3A_4192 = vector.extract_strided_slice %get3A_4186 {offsets = [5, 0], sizes = [1, 512], strides = [1, 1]} : vector<8x512xf32> to vector<1x512xf32>
    %slice3A_4193 = vector.extract_strided_slice %get3A_4186 {offsets = [6, 0], sizes = [1, 512], strides = [1, 1]} : vector<8x512xf32> to vector<1x512xf32>
    %slice3A_4194 = vector.extract_strided_slice %get3A_4186 {offsets = [7, 0], sizes = [1, 512], strides = [1, 1]} : vector<8x512xf32> to vector<1x512xf32>
    %sub3A_4195 = arith.subf %slice3A_4189, %slice3A_4187 : vector<1x512xf32>
    %add3A_4196 = arith.constant 1.000000e+00 : f32
    %add3A_4197 = vector.broadcast %add3A_4196 : f32 to vector<1x512xf32>
    %add3A_4198 = arith.addf %sub3A_4195, %add3A_4197 : vector<1x512xf32>
    %sub3A_4199 = arith.subf %slice3A_4190, %slice3A_4188 : vector<1x512xf32>
    %add3A_4200 = arith.constant 1.000000e+00 : f32
    %add3A_4201 = vector.broadcast %add3A_4200 : f32 to vector<1x512xf32>
    %add3A_4202 = arith.addf %sub3A_4199, %add3A_4201 : vector<1x512xf32>
    %mul3A_4203 = arith.mulf %add3A_4198, %add3A_4202 : vector<1x512xf32>
    %sub3A_4204 = arith.subf %slice3A_4193, %slice3A_4191 : vector<1x512xf32>
    %add3A_4205 = arith.constant 1.000000e+00 : f32
    %add3A_4206 = vector.broadcast %add3A_4205 : f32 to vector<1x512xf32>
    %add3A_4207 = arith.addf %sub3A_4204, %add3A_4206 : vector<1x512xf32>
    %sub3A_4208 = arith.subf %slice3A_4194, %slice3A_4192 : vector<1x512xf32>
    %add3A_4209 = arith.constant 1.000000e+00 : f32
    %add3A_4210 = vector.broadcast %add3A_4209 : f32 to vector<1x512xf32>
    %add3A_4211 = arith.addf %sub3A_4208, %add3A_4210 : vector<1x512xf32>
    %mul3A_4212 = arith.mulf %add3A_4207, %add3A_4211 : vector<1x512xf32>
    %min3A_4213 = vector.broadcast %slice3A_4189 : vector<1x512xf32> to vector<64x512xf32>
    %min3A_4214 = vector.broadcast %broadcast_in_dim3A_3399 : vector<64x1xf32> to vector<64x512xf32>
    %min3A_4215 = arith.minimumf %min3A_4213, %min3A_4214 : vector<64x512xf32>
    %max3A_4216 = vector.broadcast %slice3A_4187 : vector<1x512xf32> to vector<64x512xf32>
    %max3A_4217 = vector.broadcast %broadcast_in_dim3A_3387 : vector<64x1xf32> to vector<64x512xf32>
    %max3A_4218 = arith.maximumf %max3A_4216, %max3A_4217 : vector<64x512xf32>
    %sub3A_4219 = arith.subf %min3A_4215, %max3A_4218 : vector<64x512xf32>
    %add3A_4220 = arith.constant 1.000000e+00 : f32
    %add3A_4221 = vector.broadcast %add3A_4220 : f32 to vector<64x512xf32>
    %add3A_4222 = arith.addf %sub3A_4219, %add3A_4221 : vector<64x512xf32>
    %min3A_4223 = vector.broadcast %slice3A_4190 : vector<1x512xf32> to vector<64x512xf32>
    %min3A_4224 = vector.broadcast %broadcast_in_dim3A_3405 : vector<64x1xf32> to vector<64x512xf32>
    %min3A_4225 = arith.minimumf %min3A_4223, %min3A_4224 : vector<64x512xf32>
    %max3A_4226 = vector.broadcast %slice3A_4188 : vector<1x512xf32> to vector<64x512xf32>
    %max3A_4227 = vector.broadcast %broadcast_in_dim3A_3393 : vector<64x1xf32> to vector<64x512xf32>
    %max3A_4228 = arith.maximumf %max3A_4226, %max3A_4227 : vector<64x512xf32>
    %sub3A_4229 = arith.subf %min3A_4225, %max3A_4228 : vector<64x512xf32>
    %add3A_4230 = arith.constant 1.000000e+00 : f32
    %add3A_4231 = vector.broadcast %add3A_4230 : f32 to vector<64x512xf32>
    %add3A_4232 = arith.addf %sub3A_4229, %add3A_4231 : vector<64x512xf32>
    %jit3A_4233 = arith.constant 0.000000e+00 : f32
    %max3A_4234 = vector.broadcast %jit3A_4233 : f32 to vector<64x512xf32>
    %max3A_4235 = arith.maximumf %max3A_4234, %add3A_4222 : vector<64x512xf32>
    %jit3A_4236 = arith.constant 0.000000e+00 : f32
    %max3A_4237 = vector.broadcast %jit3A_4236 : f32 to vector<64x512xf32>
    %max3A_4238 = arith.maximumf %max3A_4237, %add3A_4232 : vector<64x512xf32>
    %mul3A_4239 = arith.mulf %max3A_4235, %max3A_4238 : vector<64x512xf32>
    %add3A_4240 = vector.broadcast %mul3A_4203 : vector<1x512xf32> to vector<64x512xf32>
    %add3A_4241 = vector.broadcast %mul3A_3444 : vector<64x1xf32> to vector<64x512xf32>
    %add3A_4242 = arith.addf %add3A_4240, %add3A_4241 : vector<64x512xf32>
    %sub3A_4243 = arith.subf %add3A_4242, %mul3A_4239 : vector<64x512xf32>
    %div3A_4244 = arith.divf %mul3A_4239, %sub3A_4243 : vector<64x512xf32>
    %min3A_4245 = vector.broadcast %slice3A_4193 : vector<1x512xf32> to vector<64x512xf32>
    %min3A_4246 = vector.broadcast %broadcast_in_dim3A_3423 : vector<64x1xf32> to vector<64x512xf32>
    %min3A_4247 = arith.minimumf %min3A_4245, %min3A_4246 : vector<64x512xf32>
    %max3A_4248 = vector.broadcast %slice3A_4191 : vector<1x512xf32> to vector<64x512xf32>
    %max3A_4249 = vector.broadcast %broadcast_in_dim3A_3411 : vector<64x1xf32> to vector<64x512xf32>
    %max3A_4250 = arith.maximumf %max3A_4248, %max3A_4249 : vector<64x512xf32>
    %sub3A_4251 = arith.subf %min3A_4247, %max3A_4250 : vector<64x512xf32>
    %add3A_4252 = arith.constant 1.000000e+00 : f32
    %add3A_4253 = vector.broadcast %add3A_4252 : f32 to vector<64x512xf32>
    %add3A_4254 = arith.addf %sub3A_4251, %add3A_4253 : vector<64x512xf32>
    %min3A_4255 = vector.broadcast %slice3A_4194 : vector<1x512xf32> to vector<64x512xf32>
    %min3A_4256 = vector.broadcast %broadcast_in_dim3A_3429 : vector<64x1xf32> to vector<64x512xf32>
    %min3A_4257 = arith.minimumf %min3A_4255, %min3A_4256 : vector<64x512xf32>
    %max3A_4258 = vector.broadcast %slice3A_4192 : vector<1x512xf32> to vector<64x512xf32>
    %max3A_4259 = vector.broadcast %broadcast_in_dim3A_3417 : vector<64x1xf32> to vector<64x512xf32>
    %max3A_4260 = arith.maximumf %max3A_4258, %max3A_4259 : vector<64x512xf32>
    %sub3A_4261 = arith.subf %min3A_4257, %max3A_4260 : vector<64x512xf32>
    %add3A_4262 = arith.constant 1.000000e+00 : f32
    %add3A_4263 = vector.broadcast %add3A_4262 : f32 to vector<64x512xf32>
    %add3A_4264 = arith.addf %sub3A_4261, %add3A_4263 : vector<64x512xf32>
    %jit3A_4265 = arith.constant 0.000000e+00 : f32
    %max3A_4266 = vector.broadcast %jit3A_4265 : f32 to vector<64x512xf32>
    %max3A_4267 = arith.maximumf %max3A_4266, %add3A_4254 : vector<64x512xf32>
    %jit3A_4268 = arith.constant 0.000000e+00 : f32
    %max3A_4269 = vector.broadcast %jit3A_4268 : f32 to vector<64x512xf32>
    %max3A_4270 = arith.maximumf %max3A_4269, %add3A_4264 : vector<64x512xf32>
    %mul3A_4271 = arith.mulf %max3A_4267, %max3A_4270 : vector<64x512xf32>
    %add3A_4272 = vector.broadcast %mul3A_4212 : vector<1x512xf32> to vector<64x512xf32>
    %add3A_4273 = vector.broadcast %mul3A_3453 : vector<64x1xf32> to vector<64x512xf32>
    %add3A_4274 = arith.addf %add3A_4272, %add3A_4273 : vector<64x512xf32>
    %sub3A_4275 = arith.subf %add3A_4274, %mul3A_4271 : vector<64x512xf32>
    %div3A_4276 = arith.divf %mul3A_4271, %sub3A_4275 : vector<64x512xf32>
    %mul3A_4277 = arith.mulf %div3A_4244, %div3A_4276 : vector<64x512xf32>
    %jit3A_4278 = arith.constant 0.000000e+00 : f32
    %broadcast_in_dim3A_4279 = vector.shape_cast %gt3A_3435 : vector<64x1xi1> to vector<64x1xi1>
    %broadcast_in_dim3A_4280 = vector.broadcast %broadcast_in_dim3A_4279 : vector<64x1xi1> to vector<64x512xi1>
    %broadcast_in_dim3A_4281 = vector.broadcast %jit3A_4278 : f32 to vector<64x512xf32>
    %select_n3A_4282 = arith.select %broadcast_in_dim3A_4280, %mul3A_4277, %broadcast_in_dim3A_4281 : vector<64x512xi1>, vector<64x512xf32>
    %swap3A_4283 = arith.constant 192 : index
    %swap3A_4284 = arith.constant 3584 : index
    %swap3A_4285 = vector.load %arg7[%swap3A_4283, %swap3A_4284] : memref<256x5120xf32, #tpu.memory_space<vmem>>, vector<64x512xf32>
    tpu.vector_store %arg7[%swap3A_4283, %swap3A_4284], %select_n3A_4282 {strides = array<i32>} : memref<256x5120xf32, #tpu.memory_space<vmem>>, vector<64x512xf32>,
    %get3A_4286 = arith.constant 3 : index
    %get3A_4287 = arith.constant 0 : index
    %get3A_4288 = arith.constant 4096 : index
    %get3A_4289 = vector.load %arg0[%get3A_4286, %get3A_4287, %get3A_4288] : memref<4x8x5120xf32, #tpu.memory_space<vmem>>, vector<1x8x512xf32>
    %get3A_4290 = vector.shape_cast %get3A_4289 : vector<1x8x512xf32> to vector<8x512xf32>
    %slice3A_4291 = vector.extract_strided_slice %get3A_4290 {offsets = [0, 0], sizes = [1, 512], strides = [1, 1]} : vector<8x512xf32> to vector<1x512xf32>
    %slice3A_4292 = vector.extract_strided_slice %get3A_4290 {offsets = [1, 0], sizes = [1, 512], strides = [1, 1]} : vector<8x512xf32> to vector<1x512xf32>
    %slice3A_4293 = vector.extract_strided_slice %get3A_4290 {offsets = [2, 0], sizes = [1, 512], strides = [1, 1]} : vector<8x512xf32> to vector<1x512xf32>
    %slice3A_4294 = vector.extract_strided_slice %get3A_4290 {offsets = [3, 0], sizes = [1, 512], strides = [1, 1]} : vector<8x512xf32> to vector<1x512xf32>
    %slice3A_4295 = vector.extract_strided_slice %get3A_4290 {offsets = [4, 0], sizes = [1, 512], strides = [1, 1]} : vector<8x512xf32> to vector<1x512xf32>
    %slice3A_4296 = vector.extract_strided_slice %get3A_4290 {offsets = [5, 0], sizes = [1, 512], strides = [1, 1]} : vector<8x512xf32> to vector<1x512xf32>
    %slice3A_4297 = vector.extract_strided_slice %get3A_4290 {offsets = [6, 0], sizes = [1, 512], strides = [1, 1]} : vector<8x512xf32> to vector<1x512xf32>
    %slice3A_4298 = vector.extract_strided_slice %get3A_4290 {offsets = [7, 0], sizes = [1, 512], strides = [1, 1]} : vector<8x512xf32> to vector<1x512xf32>
    %sub3A_4299 = arith.subf %slice3A_4293, %slice3A_4291 : vector<1x512xf32>
    %add3A_4300 = arith.constant 1.000000e+00 : f32
    %add3A_4301 = vector.broadcast %add3A_4300 : f32 to vector<1x512xf32>
    %add3A_4302 = arith.addf %sub3A_4299, %add3A_4301 : vector<1x512xf32>
    %sub3A_4303 = arith.subf %slice3A_4294, %slice3A_4292 : vector<1x512xf32>
    %add3A_4304 = arith.constant 1.000000e+00 : f32
    %add3A_4305 = vector.broadcast %add3A_4304 : f32 to vector<1x512xf32>
    %add3A_4306 = arith.addf %sub3A_4303, %add3A_4305 : vector<1x512xf32>
    %mul3A_4307 = arith.mulf %add3A_4302, %add3A_4306 : vector<1x512xf32>
    %sub3A_4308 = arith.subf %slice3A_4297, %slice3A_4295 : vector<1x512xf32>
    %add3A_4309 = arith.constant 1.000000e+00 : f32
    %add3A_4310 = vector.broadcast %add3A_4309 : f32 to vector<1x512xf32>
    %add3A_4311 = arith.addf %sub3A_4308, %add3A_4310 : vector<1x512xf32>
    %sub3A_4312 = arith.subf %slice3A_4298, %slice3A_4296 : vector<1x512xf32>
    %add3A_4313 = arith.constant 1.000000e+00 : f32
    %add3A_4314 = vector.broadcast %add3A_4313 : f32 to vector<1x512xf32>
    %add3A_4315 = arith.addf %sub3A_4312, %add3A_4314 : vector<1x512xf32>
    %mul3A_4316 = arith.mulf %add3A_4311, %add3A_4315 : vector<1x512xf32>
    %min3A_4317 = vector.broadcast %slice3A_4293 : vector<1x512xf32> to vector<64x512xf32>
    %min3A_4318 = vector.broadcast %broadcast_in_dim3A_3399 : vector<64x1xf32> to vector<64x512xf32>
    %min3A_4319 = arith.minimumf %min3A_4317, %min3A_4318 : vector<64x512xf32>
    %max3A_4320 = vector.broadcast %slice3A_4291 : vector<1x512xf32> to vector<64x512xf32>
    %max3A_4321 = vector.broadcast %broadcast_in_dim3A_3387 : vector<64x1xf32> to vector<64x512xf32>
    %max3A_4322 = arith.maximumf %max3A_4320, %max3A_4321 : vector<64x512xf32>
    %sub3A_4323 = arith.subf %min3A_4319, %max3A_4322 : vector<64x512xf32>
    %add3A_4324 = arith.constant 1.000000e+00 : f32
    %add3A_4325 = vector.broadcast %add3A_4324 : f32 to vector<64x512xf32>
    %add3A_4326 = arith.addf %sub3A_4323, %add3A_4325 : vector<64x512xf32>
    %min3A_4327 = vector.broadcast %slice3A_4294 : vector<1x512xf32> to vector<64x512xf32>
    %min3A_4328 = vector.broadcast %broadcast_in_dim3A_3405 : vector<64x1xf32> to vector<64x512xf32>
    %min3A_4329 = arith.minimumf %min3A_4327, %min3A_4328 : vector<64x512xf32>
    %max3A_4330 = vector.broadcast %slice3A_4292 : vector<1x512xf32> to vector<64x512xf32>
    %max3A_4331 = vector.broadcast %broadcast_in_dim3A_3393 : vector<64x1xf32> to vector<64x512xf32>
    %max3A_4332 = arith.maximumf %max3A_4330, %max3A_4331 : vector<64x512xf32>
    %sub3A_4333 = arith.subf %min3A_4329, %max3A_4332 : vector<64x512xf32>
    %add3A_4334 = arith.constant 1.000000e+00 : f32
    %add3A_4335 = vector.broadcast %add3A_4334 : f32 to vector<64x512xf32>
    %add3A_4336 = arith.addf %sub3A_4333, %add3A_4335 : vector<64x512xf32>
    %jit3A_4337 = arith.constant 0.000000e+00 : f32
    %max3A_4338 = vector.broadcast %jit3A_4337 : f32 to vector<64x512xf32>
    %max3A_4339 = arith.maximumf %max3A_4338, %add3A_4326 : vector<64x512xf32>
    %jit3A_4340 = arith.constant 0.000000e+00 : f32
    %max3A_4341 = vector.broadcast %jit3A_4340 : f32 to vector<64x512xf32>
    %max3A_4342 = arith.maximumf %max3A_4341, %add3A_4336 : vector<64x512xf32>
    %mul3A_4343 = arith.mulf %max3A_4339, %max3A_4342 : vector<64x512xf32>
    %add3A_4344 = vector.broadcast %mul3A_4307 : vector<1x512xf32> to vector<64x512xf32>
    %add3A_4345 = vector.broadcast %mul3A_3444 : vector<64x1xf32> to vector<64x512xf32>
    %add3A_4346 = arith.addf %add3A_4344, %add3A_4345 : vector<64x512xf32>
    %sub3A_4347 = arith.subf %add3A_4346, %mul3A_4343 : vector<64x512xf32>
    %div3A_4348 = arith.divf %mul3A_4343, %sub3A_4347 : vector<64x512xf32>
    %min3A_4349 = vector.broadcast %slice3A_4297 : vector<1x512xf32> to vector<64x512xf32>
    %min3A_4350 = vector.broadcast %broadcast_in_dim3A_3423 : vector<64x1xf32> to vector<64x512xf32>
    %min3A_4351 = arith.minimumf %min3A_4349, %min3A_4350 : vector<64x512xf32>
    %max3A_4352 = vector.broadcast %slice3A_4295 : vector<1x512xf32> to vector<64x512xf32>
    %max3A_4353 = vector.broadcast %broadcast_in_dim3A_3411 : vector<64x1xf32> to vector<64x512xf32>
    %max3A_4354 = arith.maximumf %max3A_4352, %max3A_4353 : vector<64x512xf32>
    %sub3A_4355 = arith.subf %min3A_4351, %max3A_4354 : vector<64x512xf32>
    %add3A_4356 = arith.constant 1.000000e+00 : f32
    %add3A_4357 = vector.broadcast %add3A_4356 : f32 to vector<64x512xf32>
    %add3A_4358 = arith.addf %sub3A_4355, %add3A_4357 : vector<64x512xf32>
    %min3A_4359 = vector.broadcast %slice3A_4298 : vector<1x512xf32> to vector<64x512xf32>
    %min3A_4360 = vector.broadcast %broadcast_in_dim3A_3429 : vector<64x1xf32> to vector<64x512xf32>
    %min3A_4361 = arith.minimumf %min3A_4359, %min3A_4360 : vector<64x512xf32>
    %max3A_4362 = vector.broadcast %slice3A_4296 : vector<1x512xf32> to vector<64x512xf32>
    %max3A_4363 = vector.broadcast %broadcast_in_dim3A_3417 : vector<64x1xf32> to vector<64x512xf32>
    %max3A_4364 = arith.maximumf %max3A_4362, %max3A_4363 : vector<64x512xf32>
    %sub3A_4365 = arith.subf %min3A_4361, %max3A_4364 : vector<64x512xf32>
    %add3A_4366 = arith.constant 1.000000e+00 : f32
    %add3A_4367 = vector.broadcast %add3A_4366 : f32 to vector<64x512xf32>
    %add3A_4368 = arith.addf %sub3A_4365, %add3A_4367 : vector<64x512xf32>
    %jit3A_4369 = arith.constant 0.000000e+00 : f32
    %max3A_4370 = vector.broadcast %jit3A_4369 : f32 to vector<64x512xf32>
    %max3A_4371 = arith.maximumf %max3A_4370, %add3A_4358 : vector<64x512xf32>
    %jit3A_4372 = arith.constant 0.000000e+00 : f32
    %max3A_4373 = vector.broadcast %jit3A_4372 : f32 to vector<64x512xf32>
    %max3A_4374 = arith.maximumf %max3A_4373, %add3A_4368 : vector<64x512xf32>
    %mul3A_4375 = arith.mulf %max3A_4371, %max3A_4374 : vector<64x512xf32>
    %add3A_4376 = vector.broadcast %mul3A_4316 : vector<1x512xf32> to vector<64x512xf32>
    %add3A_4377 = vector.broadcast %mul3A_3453 : vector<64x1xf32> to vector<64x512xf32>
    %add3A_4378 = arith.addf %add3A_4376, %add3A_4377 : vector<64x512xf32>
    %sub3A_4379 = arith.subf %add3A_4378, %mul3A_4375 : vector<64x512xf32>
    %div3A_4380 = arith.divf %mul3A_4375, %sub3A_4379 : vector<64x512xf32>
    %mul3A_4381 = arith.mulf %div3A_4348, %div3A_4380 : vector<64x512xf32>
    %jit3A_4382 = arith.constant 0.000000e+00 : f32
    %broadcast_in_dim3A_4383 = vector.shape_cast %gt3A_3435 : vector<64x1xi1> to vector<64x1xi1>
    %broadcast_in_dim3A_4384 = vector.broadcast %broadcast_in_dim3A_4383 : vector<64x1xi1> to vector<64x512xi1>
    %broadcast_in_dim3A_4385 = vector.broadcast %jit3A_4382 : f32 to vector<64x512xf32>
    %select_n3A_4386 = arith.select %broadcast_in_dim3A_4384, %mul3A_4381, %broadcast_in_dim3A_4385 : vector<64x512xi1>, vector<64x512xf32>
    %swap3A_4387 = arith.constant 192 : index
    %swap3A_4388 = arith.constant 4096 : index
    %swap3A_4389 = vector.load %arg7[%swap3A_4387, %swap3A_4388] : memref<256x5120xf32, #tpu.memory_space<vmem>>, vector<64x512xf32>
    tpu.vector_store %arg7[%swap3A_4387, %swap3A_4388], %select_n3A_4386 {strides = array<i32>} : memref<256x5120xf32, #tpu.memory_space<vmem>>, vector<64x512xf32>,
    %get3A_4390 = arith.constant 3 : index
    %get3A_4391 = arith.constant 0 : index
    %get3A_4392 = arith.constant 4608 : index
    %get3A_4393 = vector.load %arg0[%get3A_4390, %get3A_4391, %get3A_4392] : memref<4x8x5120xf32, #tpu.memory_space<vmem>>, vector<1x8x512xf32>
    %get3A_4394 = vector.shape_cast %get3A_4393 : vector<1x8x512xf32> to vector<8x512xf32>
    %slice3A_4395 = vector.extract_strided_slice %get3A_4394 {offsets = [0, 0], sizes = [1, 512], strides = [1, 1]} : vector<8x512xf32> to vector<1x512xf32>
    %slice3A_4396 = vector.extract_strided_slice %get3A_4394 {offsets = [1, 0], sizes = [1, 512], strides = [1, 1]} : vector<8x512xf32> to vector<1x512xf32>
    %slice3A_4397 = vector.extract_strided_slice %get3A_4394 {offsets = [2, 0], sizes = [1, 512], strides = [1, 1]} : vector<8x512xf32> to vector<1x512xf32>
    %slice3A_4398 = vector.extract_strided_slice %get3A_4394 {offsets = [3, 0], sizes = [1, 512], strides = [1, 1]} : vector<8x512xf32> to vector<1x512xf32>
    %slice3A_4399 = vector.extract_strided_slice %get3A_4394 {offsets = [4, 0], sizes = [1, 512], strides = [1, 1]} : vector<8x512xf32> to vector<1x512xf32>
    %slice3A_4400 = vector.extract_strided_slice %get3A_4394 {offsets = [5, 0], sizes = [1, 512], strides = [1, 1]} : vector<8x512xf32> to vector<1x512xf32>
    %slice3A_4401 = vector.extract_strided_slice %get3A_4394 {offsets = [6, 0], sizes = [1, 512], strides = [1, 1]} : vector<8x512xf32> to vector<1x512xf32>
    %slice3A_4402 = vector.extract_strided_slice %get3A_4394 {offsets = [7, 0], sizes = [1, 512], strides = [1, 1]} : vector<8x512xf32> to vector<1x512xf32>
    %sub3A_4403 = arith.subf %slice3A_4397, %slice3A_4395 : vector<1x512xf32>
    %add3A_4404 = arith.constant 1.000000e+00 : f32
    %add3A_4405 = vector.broadcast %add3A_4404 : f32 to vector<1x512xf32>
    %add3A_4406 = arith.addf %sub3A_4403, %add3A_4405 : vector<1x512xf32>
    %sub3A_4407 = arith.subf %slice3A_4398, %slice3A_4396 : vector<1x512xf32>
    %add3A_4408 = arith.constant 1.000000e+00 : f32
    %add3A_4409 = vector.broadcast %add3A_4408 : f32 to vector<1x512xf32>
    %add3A_4410 = arith.addf %sub3A_4407, %add3A_4409 : vector<1x512xf32>
    %mul3A_4411 = arith.mulf %add3A_4406, %add3A_4410 : vector<1x512xf32>
    %sub3A_4412 = arith.subf %slice3A_4401, %slice3A_4399 : vector<1x512xf32>
    %add3A_4413 = arith.constant 1.000000e+00 : f32
    %add3A_4414 = vector.broadcast %add3A_4413 : f32 to vector<1x512xf32>
    %add3A_4415 = arith.addf %sub3A_4412, %add3A_4414 : vector<1x512xf32>
    %sub3A_4416 = arith.subf %slice3A_4402, %slice3A_4400 : vector<1x512xf32>
    %add3A_4417 = arith.constant 1.000000e+00 : f32
    %add3A_4418 = vector.broadcast %add3A_4417 : f32 to vector<1x512xf32>
    %add3A_4419 = arith.addf %sub3A_4416, %add3A_4418 : vector<1x512xf32>
    %mul3A_4420 = arith.mulf %add3A_4415, %add3A_4419 : vector<1x512xf32>
    %min3A_4421 = vector.broadcast %slice3A_4397 : vector<1x512xf32> to vector<64x512xf32>
    %min3A_4422 = vector.broadcast %broadcast_in_dim3A_3399 : vector<64x1xf32> to vector<64x512xf32>
    %min3A_4423 = arith.minimumf %min3A_4421, %min3A_4422 : vector<64x512xf32>
    %max3A_4424 = vector.broadcast %slice3A_4395 : vector<1x512xf32> to vector<64x512xf32>
    %max3A_4425 = vector.broadcast %broadcast_in_dim3A_3387 : vector<64x1xf32> to vector<64x512xf32>
    %max3A_4426 = arith.maximumf %max3A_4424, %max3A_4425 : vector<64x512xf32>
    %sub3A_4427 = arith.subf %min3A_4423, %max3A_4426 : vector<64x512xf32>
    %add3A_4428 = arith.constant 1.000000e+00 : f32
    %add3A_4429 = vector.broadcast %add3A_4428 : f32 to vector<64x512xf32>
    %add3A_4430 = arith.addf %sub3A_4427, %add3A_4429 : vector<64x512xf32>
    %min3A_4431 = vector.broadcast %slice3A_4398 : vector<1x512xf32> to vector<64x512xf32>
    %min3A_4432 = vector.broadcast %broadcast_in_dim3A_3405 : vector<64x1xf32> to vector<64x512xf32>
    %min3A_4433 = arith.minimumf %min3A_4431, %min3A_4432 : vector<64x512xf32>
    %max3A_4434 = vector.broadcast %slice3A_4396 : vector<1x512xf32> to vector<64x512xf32>
    %max3A_4435 = vector.broadcast %broadcast_in_dim3A_3393 : vector<64x1xf32> to vector<64x512xf32>
    %max3A_4436 = arith.maximumf %max3A_4434, %max3A_4435 : vector<64x512xf32>
    %sub3A_4437 = arith.subf %min3A_4433, %max3A_4436 : vector<64x512xf32>
    %add3A_4438 = arith.constant 1.000000e+00 : f32
    %add3A_4439 = vector.broadcast %add3A_4438 : f32 to vector<64x512xf32>
    %add3A_4440 = arith.addf %sub3A_4437, %add3A_4439 : vector<64x512xf32>
    %jit3A_4441 = arith.constant 0.000000e+00 : f32
    %max3A_4442 = vector.broadcast %jit3A_4441 : f32 to vector<64x512xf32>
    %max3A_4443 = arith.maximumf %max3A_4442, %add3A_4430 : vector<64x512xf32>
    %jit3A_4444 = arith.constant 0.000000e+00 : f32
    %max3A_4445 = vector.broadcast %jit3A_4444 : f32 to vector<64x512xf32>
    %max3A_4446 = arith.maximumf %max3A_4445, %add3A_4440 : vector<64x512xf32>
    %mul3A_4447 = arith.mulf %max3A_4443, %max3A_4446 : vector<64x512xf32>
    %add3A_4448 = vector.broadcast %mul3A_4411 : vector<1x512xf32> to vector<64x512xf32>
    %add3A_4449 = vector.broadcast %mul3A_3444 : vector<64x1xf32> to vector<64x512xf32>
    %add3A_4450 = arith.addf %add3A_4448, %add3A_4449 : vector<64x512xf32>
    %sub3A_4451 = arith.subf %add3A_4450, %mul3A_4447 : vector<64x512xf32>
    %div3A_4452 = arith.divf %mul3A_4447, %sub3A_4451 : vector<64x512xf32>
    %min3A_4453 = vector.broadcast %slice3A_4401 : vector<1x512xf32> to vector<64x512xf32>
    %min3A_4454 = vector.broadcast %broadcast_in_dim3A_3423 : vector<64x1xf32> to vector<64x512xf32>
    %min3A_4455 = arith.minimumf %min3A_4453, %min3A_4454 : vector<64x512xf32>
    %max3A_4456 = vector.broadcast %slice3A_4399 : vector<1x512xf32> to vector<64x512xf32>
    %max3A_4457 = vector.broadcast %broadcast_in_dim3A_3411 : vector<64x1xf32> to vector<64x512xf32>
    %max3A_4458 = arith.maximumf %max3A_4456, %max3A_4457 : vector<64x512xf32>
    %sub3A_4459 = arith.subf %min3A_4455, %max3A_4458 : vector<64x512xf32>
    %add3A_4460 = arith.constant 1.000000e+00 : f32
    %add3A_4461 = vector.broadcast %add3A_4460 : f32 to vector<64x512xf32>
    %add3A_4462 = arith.addf %sub3A_4459, %add3A_4461 : vector<64x512xf32>
    %min3A_4463 = vector.broadcast %slice3A_4402 : vector<1x512xf32> to vector<64x512xf32>
    %min3A_4464 = vector.broadcast %broadcast_in_dim3A_3429 : vector<64x1xf32> to vector<64x512xf32>
    %min3A_4465 = arith.minimumf %min3A_4463, %min3A_4464 : vector<64x512xf32>
    %max3A_4466 = vector.broadcast %slice3A_4400 : vector<1x512xf32> to vector<64x512xf32>
    %max3A_4467 = vector.broadcast %broadcast_in_dim3A_3417 : vector<64x1xf32> to vector<64x512xf32>
    %max3A_4468 = arith.maximumf %max3A_4466, %max3A_4467 : vector<64x512xf32>
    %sub3A_4469 = arith.subf %min3A_4465, %max3A_4468 : vector<64x512xf32>
    %add3A_4470 = arith.constant 1.000000e+00 : f32
    %add3A_4471 = vector.broadcast %add3A_4470 : f32 to vector<64x512xf32>
    %add3A_4472 = arith.addf %sub3A_4469, %add3A_4471 : vector<64x512xf32>
    %jit3A_4473 = arith.constant 0.000000e+00 : f32
    %max3A_4474 = vector.broadcast %jit3A_4473 : f32 to vector<64x512xf32>
    %max3A_4475 = arith.maximumf %max3A_4474, %add3A_4462 : vector<64x512xf32>
    %jit3A_4476 = arith.constant 0.000000e+00 : f32
    %max3A_4477 = vector.broadcast %jit3A_4476 : f32 to vector<64x512xf32>
    %max3A_4478 = arith.maximumf %max3A_4477, %add3A_4472 : vector<64x512xf32>
    %mul3A_4479 = arith.mulf %max3A_4475, %max3A_4478 : vector<64x512xf32>
    %add3A_4480 = vector.broadcast %mul3A_4420 : vector<1x512xf32> to vector<64x512xf32>
    %add3A_4481 = vector.broadcast %mul3A_3453 : vector<64x1xf32> to vector<64x512xf32>
    %add3A_4482 = arith.addf %add3A_4480, %add3A_4481 : vector<64x512xf32>
    %sub3A_4483 = arith.subf %add3A_4482, %mul3A_4479 : vector<64x512xf32>
    %div3A_4484 = arith.divf %mul3A_4479, %sub3A_4483 : vector<64x512xf32>
    %mul3A_4485 = arith.mulf %div3A_4452, %div3A_4484 : vector<64x512xf32>
    %jit3A_4486 = arith.constant 0.000000e+00 : f32
    %broadcast_in_dim3A_4487 = vector.shape_cast %gt3A_3435 : vector<64x1xi1> to vector<64x1xi1>
    %broadcast_in_dim3A_4488 = vector.broadcast %broadcast_in_dim3A_4487 : vector<64x1xi1> to vector<64x512xi1>
    %broadcast_in_dim3A_4489 = vector.broadcast %jit3A_4486 : f32 to vector<64x512xf32>
    %select_n3A_4490 = arith.select %broadcast_in_dim3A_4488, %mul3A_4485, %broadcast_in_dim3A_4489 : vector<64x512xi1>, vector<64x512xf32>
    %swap3A_4491 = arith.constant 192 : index
    %swap3A_4492 = arith.constant 4608 : index
    %swap3A_4493 = vector.load %arg7[%swap3A_4491, %swap3A_4492] : memref<256x5120xf32, #tpu.memory_space<vmem>>, vector<64x512xf32>
    tpu.vector_store %arg7[%swap3A_4491, %swap3A_4492], %select_n3A_4490 {strides = array<i32>} : memref<256x5120xf32, #tpu.memory_space<vmem>>, vector<64x512xf32>,
    %get3A_4494 = arith.constant 0 : index
    %get3A_4495 = arith.constant 0 : index
    %get3A_4496 = vector.load %arg7[%get3A_4494, %get3A_4495] : memref<256x5120xf32, #tpu.memory_space<vmem>>, vector<256x5120xf32>
    %reduce_max3A = arith.constant dense<0xFF800000> : vector<256xf32>
    %reduce_max3A_4497 = vector.multi_reduction <maximumf>, %get3A_4496, %reduce_max3A [1] : vector<256x5120xf32> to vector<256xf32>
    %broadcast_in_dim3A_4498 = vector.shape_cast %reduce_max3A_4497 : vector<256xf32> to vector<256x1xf32>
    %eq3A = arith.constant 0.000000e+00 : f32
    %eq3A_4499 = vector.broadcast %eq3A : f32 to vector<256x1xf32>
    %eq3A_4500 = arith.cmpf oeq, %broadcast_in_dim3A_4498, %eq3A_4499 : vector<256x1xf32>
    %jit3A_4501 = arith.constant 9.99999974E-6 : f32
    %broadcast_in_dim3A_4502 = vector.broadcast %jit3A_4501 : f32 to vector<256x1xf32>
    %select_n3A_4503 = arith.select %eq3A_4500, %broadcast_in_dim3A_4502, %broadcast_in_dim3A_4498 : vector<256x1xi1>, vector<256x1xf32>
    %slice3A_4504 = vector.extract_strided_slice %get3A_4496 {offsets = [0, 0], sizes = [64, 5120], strides = [1, 1]} : vector<256x5120xf32> to vector<64x5120xf32>
    %reduce_max3A_4505 = arith.constant dense<0xFF800000> : vector<5120xf32>
    %reduce_max3A_4506 = vector.multi_reduction <maximumf>, %slice3A_4504, %reduce_max3A_4505 [0] : vector<64x5120xf32> to vector<5120xf32>
    %broadcast_in_dim3A_4507 = vector.shape_cast %reduce_max3A_4506 : vector<5120xf32> to vector<1x5120xf32>
    %slice3A_4508 = vector.extract_strided_slice %select_n3A_4503 {offsets = [0, 0], sizes = [64, 1], strides = [1, 1]} : vector<256x1xf32> to vector<64x1xf32>
    %eq3A_4509 = vector.broadcast %slice3A_4508 : vector<64x1xf32> to vector<64x5120xf32>
    %eq3A_4510 = arith.cmpf oeq, %slice3A_4504, %eq3A_4509 : vector<64x5120xf32>
    %reduce_or3A = arith.constant 1.000000e+00 : f32
    %reduce_or3A_4511 = arith.constant 0.000000e+00 : f32
    %reduce_or3A_4512 = vector.broadcast %reduce_or3A : f32 to vector<64x5120xf32>
    %reduce_or3A_4513 = vector.broadcast %reduce_or3A_4511 : f32 to vector<64x5120xf32>
    %reduce_or3A_4514 = arith.select %eq3A_4510, %reduce_or3A_4512, %reduce_or3A_4513 : vector<64x5120xi1>, vector<64x5120xf32>
    %reduce_or3A_4515 = arith.constant dense<0xFF800000> : vector<5120xf32>
    %reduce_or3A_4516 = vector.multi_reduction <maximumf>, %reduce_or3A_4514, %reduce_or3A_4515 [0] : vector<64x5120xf32> to vector<5120xf32>
    %reduce_or3A_4517 = arith.constant 0.000000e+00 : f32
    %reduce_or3A_4518 = vector.broadcast %reduce_or3A_4517 : f32 to vector<5120xf32>
    %reduce_or3A_4519 = arith.cmpf ogt, %reduce_or3A_4516, %reduce_or3A_4518 : vector<5120xf32>
    %broadcast_in_dim3A_4520 = vector.shape_cast %reduce_or3A_4519 : vector<5120xi1> to vector<1x5120xi1>
    %convert_element_type3A = arith.extui %broadcast_in_dim3A_4520 : vector<1x5120xi1> to vector<1x5120xi32>
    %convert_element_type3A_4521 = arith.sitofp %convert_element_type3A : vector<1x5120xi32> to vector<1x5120xf32>
    %slice3A_4522 = vector.extract_strided_slice %get3A_4496 {offsets = [64, 0], sizes = [64, 5120], strides = [1, 1]} : vector<256x5120xf32> to vector<64x5120xf32>
    %reduce_max3A_4523 = arith.constant dense<0xFF800000> : vector<5120xf32>
    %reduce_max3A_4524 = vector.multi_reduction <maximumf>, %slice3A_4522, %reduce_max3A_4523 [0] : vector<64x5120xf32> to vector<5120xf32>
    %broadcast_in_dim3A_4525 = vector.shape_cast %reduce_max3A_4524 : vector<5120xf32> to vector<1x5120xf32>
    %slice3A_4526 = vector.extract_strided_slice %select_n3A_4503 {offsets = [64, 0], sizes = [64, 1], strides = [1, 1]} : vector<256x1xf32> to vector<64x1xf32>
    %eq3A_4527 = vector.broadcast %slice3A_4526 : vector<64x1xf32> to vector<64x5120xf32>
    %eq3A_4528 = arith.cmpf oeq, %slice3A_4522, %eq3A_4527 : vector<64x5120xf32>
    %reduce_or3A_4529 = arith.constant 1.000000e+00 : f32
    %reduce_or3A_4530 = arith.constant 0.000000e+00 : f32
    %reduce_or3A_4531 = vector.broadcast %reduce_or3A_4529 : f32 to vector<64x5120xf32>
    %reduce_or3A_4532 = vector.broadcast %reduce_or3A_4530 : f32 to vector<64x5120xf32>
    %reduce_or3A_4533 = arith.select %eq3A_4528, %reduce_or3A_4531, %reduce_or3A_4532 : vector<64x5120xi1>, vector<64x5120xf32>
    %reduce_or3A_4534 = arith.constant dense<0xFF800000> : vector<5120xf32>
    %reduce_or3A_4535 = vector.multi_reduction <maximumf>, %reduce_or3A_4533, %reduce_or3A_4534 [0] : vector<64x5120xf32> to vector<5120xf32>
    %reduce_or3A_4536 = arith.constant 0.000000e+00 : f32
    %reduce_or3A_4537 = vector.broadcast %reduce_or3A_4536 : f32 to vector<5120xf32>
    %reduce_or3A_4538 = arith.cmpf ogt, %reduce_or3A_4535, %reduce_or3A_4537 : vector<5120xf32>
    %broadcast_in_dim3A_4539 = vector.shape_cast %reduce_or3A_4538 : vector<5120xi1> to vector<1x5120xi1>
    %convert_element_type3A_4540 = arith.extui %broadcast_in_dim3A_4539 : vector<1x5120xi1> to vector<1x5120xi32>
    %convert_element_type3A_4541 = arith.sitofp %convert_element_type3A_4540 : vector<1x5120xi32> to vector<1x5120xf32>
    %slice3A_4542 = vector.extract_strided_slice %get3A_4496 {offsets = [128, 0], sizes = [64, 5120], strides = [1, 1]} : vector<256x5120xf32> to vector<64x5120xf32>
    %reduce_max3A_4543 = arith.constant dense<0xFF800000> : vector<5120xf32>
    %reduce_max3A_4544 = vector.multi_reduction <maximumf>, %slice3A_4542, %reduce_max3A_4543 [0] : vector<64x5120xf32> to vector<5120xf32>
    %broadcast_in_dim3A_4545 = vector.shape_cast %reduce_max3A_4544 : vector<5120xf32> to vector<1x5120xf32>
    %slice3A_4546 = vector.extract_strided_slice %select_n3A_4503 {offsets = [128, 0], sizes = [64, 1], strides = [1, 1]} : vector<256x1xf32> to vector<64x1xf32>
    %eq3A_4547 = vector.broadcast %slice3A_4546 : vector<64x1xf32> to vector<64x5120xf32>
    %eq3A_4548 = arith.cmpf oeq, %slice3A_4542, %eq3A_4547 : vector<64x5120xf32>
    %reduce_or3A_4549 = arith.constant 1.000000e+00 : f32
    %reduce_or3A_4550 = arith.constant 0.000000e+00 : f32
    %reduce_or3A_4551 = vector.broadcast %reduce_or3A_4549 : f32 to vector<64x5120xf32>
    %reduce_or3A_4552 = vector.broadcast %reduce_or3A_4550 : f32 to vector<64x5120xf32>
    %reduce_or3A_4553 = arith.select %eq3A_4548, %reduce_or3A_4551, %reduce_or3A_4552 : vector<64x5120xi1>, vector<64x5120xf32>
    %reduce_or3A_4554 = arith.constant dense<0xFF800000> : vector<5120xf32>
    %reduce_or3A_4555 = vector.multi_reduction <maximumf>, %reduce_or3A_4553, %reduce_or3A_4554 [0] : vector<64x5120xf32> to vector<5120xf32>
    %reduce_or3A_4556 = arith.constant 0.000000e+00 : f32
    %reduce_or3A_4557 = vector.broadcast %reduce_or3A_4556 : f32 to vector<5120xf32>
    %reduce_or3A_4558 = arith.cmpf ogt, %reduce_or3A_4555, %reduce_or3A_4557 : vector<5120xf32>
    %broadcast_in_dim3A_4559 = vector.shape_cast %reduce_or3A_4558 : vector<5120xi1> to vector<1x5120xi1>
    %convert_element_type3A_4560 = arith.extui %broadcast_in_dim3A_4559 : vector<1x5120xi1> to vector<1x5120xi32>
    %convert_element_type3A_4561 = arith.sitofp %convert_element_type3A_4560 : vector<1x5120xi32> to vector<1x5120xf32>
    %slice3A_4562 = vector.extract_strided_slice %get3A_4496 {offsets = [192, 0], sizes = [64, 5120], strides = [1, 1]} : vector<256x5120xf32> to vector<64x5120xf32>
    %reduce_max3A_4563 = arith.constant dense<0xFF800000> : vector<5120xf32>
    %reduce_max3A_4564 = vector.multi_reduction <maximumf>, %slice3A_4562, %reduce_max3A_4563 [0] : vector<64x5120xf32> to vector<5120xf32>
    %broadcast_in_dim3A_4565 = vector.shape_cast %reduce_max3A_4564 : vector<5120xf32> to vector<1x5120xf32>
    %slice3A_4566 = vector.extract_strided_slice %select_n3A_4503 {offsets = [192, 0], sizes = [64, 1], strides = [1, 1]} : vector<256x1xf32> to vector<64x1xf32>
    %eq3A_4567 = vector.broadcast %slice3A_4566 : vector<64x1xf32> to vector<64x5120xf32>
    %eq3A_4568 = arith.cmpf oeq, %slice3A_4562, %eq3A_4567 : vector<64x5120xf32>
    %reduce_or3A_4569 = arith.constant 1.000000e+00 : f32
    %reduce_or3A_4570 = arith.constant 0.000000e+00 : f32
    %reduce_or3A_4571 = vector.broadcast %reduce_or3A_4569 : f32 to vector<64x5120xf32>
    %reduce_or3A_4572 = vector.broadcast %reduce_or3A_4570 : f32 to vector<64x5120xf32>
    %reduce_or3A_4573 = arith.select %eq3A_4568, %reduce_or3A_4571, %reduce_or3A_4572 : vector<64x5120xi1>, vector<64x5120xf32>
    %reduce_or3A_4574 = arith.constant dense<0xFF800000> : vector<5120xf32>
    %reduce_or3A_4575 = vector.multi_reduction <maximumf>, %reduce_or3A_4573, %reduce_or3A_4574 [0] : vector<64x5120xf32> to vector<5120xf32>
    %reduce_or3A_4576 = arith.constant 0.000000e+00 : f32
    %reduce_or3A_4577 = vector.broadcast %reduce_or3A_4576 : f32 to vector<5120xf32>
    %reduce_or3A_4578 = arith.cmpf ogt, %reduce_or3A_4575, %reduce_or3A_4577 : vector<5120xf32>
    %broadcast_in_dim3A_4579 = vector.shape_cast %reduce_or3A_4578 : vector<5120xi1> to vector<1x5120xi1>
    %convert_element_type3A_4580 = arith.extui %broadcast_in_dim3A_4579 : vector<1x5120xi1> to vector<1x5120xi32>
    %convert_element_type3A_4581 = arith.sitofp %convert_element_type3A_4580 : vector<1x5120xi32> to vector<1x5120xf32>
    %concatenate3A = tpu.concatenate %broadcast_in_dim3A_4507, %broadcast_in_dim3A_4525, %broadcast_in_dim3A_4545, %broadcast_in_dim3A_4565 in 0 : vector<1x5120xf32>, vector<1x5120xf32>, vector<1x5120xf32>, vector<1x5120xf32> -> vector<4x5120xf32>
    %concatenate3A_4582 = tpu.concatenate %convert_element_type3A_4521, %convert_element_type3A_4541, %convert_element_type3A_4561, %convert_element_type3A_4581 in 0 : vector<1x5120xf32>, vector<1x5120xf32>, vector<1x5120xf32>, vector<1x5120xf32> -> vector<4x5120xf32>
    %gt3A_4583 = arith.constant 0.000000e+00 : f32
    %gt3A_4584 = vector.broadcast %gt3A_4583 : f32 to vector<4x5120xf32>
    %gt3A_4585 = arith.cmpf ogt, %concatenate3A_4582, %gt3A_4584 : vector<4x5120xf32>
    %broadcast_in_dim3A_4586 = arith.constant -1.000000e+00 : f32
    %broadcast_in_dim3A_4587 = vector.broadcast %broadcast_in_dim3A_4586 : f32 to vector<4x5120xf32>
    %lt3A = arith.constant 3.000000e-01 : f32
    %lt3A_4588 = vector.broadcast %lt3A : f32 to vector<4x5120xf32>
    %lt3A_4589 = arith.cmpf olt, %concatenate3A, %lt3A_4588 : vector<4x5120xf32>
    %jit3A_4590 = arith.constant 0.000000e+00 : f32
    %broadcast_in_dim3A_4591 = vector.broadcast %jit3A_4590 : f32 to vector<4x5120xf32>
    %select_n3A_4592 = arith.select %lt3A_4589, %broadcast_in_dim3A_4591, %broadcast_in_dim3A_4587 : vector<4x5120xi1>, vector<4x5120xf32>
    %jit3A_4593 = arith.constant 1.000000e+00 : f32
    %broadcast_in_dim3A_4594 = vector.broadcast %jit3A_4593 : f32 to vector<4x5120xf32>
    %select_n3A_4595 = arith.select %gt3A_4585, %broadcast_in_dim3A_4594, %select_n3A_4592 : vector<4x5120xi1>, vector<4x5120xf32>
    %ge3A = arith.constant 0.699999988 : f32
    %ge3A_4596 = vector.broadcast %ge3A : f32 to vector<4x5120xf32>
    %ge3A_4597 = arith.cmpf oge, %concatenate3A, %ge3A_4596 : vector<4x5120xf32>
    %jit3A_4598 = arith.constant 1.000000e+00 : f32
    %broadcast_in_dim3A_4599 = vector.broadcast %jit3A_4598 : f32 to vector<4x5120xf32>
    %select_n3A_4600 = arith.select %ge3A_4597, %broadcast_in_dim3A_4599, %select_n3A_4595 : vector<4x5120xi1>, vector<4x5120xf32>
    %iota3A = tpu.iota {dimensions = array<i32: 1>} : vector<4x5120xi32>
    %lt3A_4601 = arith.constant 5000 : i32
    %lt3A_4602 = vector.broadcast %lt3A_4601 : i32 to vector<4x5120xi32>
    %lt3A_4603 = arith.cmpi slt, %iota3A, %lt3A_4602 : vector<4x5120xi32>
    %jit3A_4604 = arith.constant -1.000000e+00 : f32
    %broadcast_in_dim3A_4605 = vector.broadcast %jit3A_4604 : f32 to vector<4x5120xf32>
    %select_n3A_4606 = arith.select %lt3A_4603, %select_n3A_4600, %broadcast_in_dim3A_4605 : vector<4x5120xi1>, vector<4x5120xf32>
    %get3A_4607 = arith.constant 0 : index
    %get3A_4608 = arith.constant 0 : index
    %get3A_4609 = vector.load %arg4[%get3A_4607, %get3A_4608] : memref<4x5120xf32, #tpu.memory_space<vmem>>, vector<4x5120xf32>
    %eq3A_4610 = arith.constant 1.000000e+00 : f32
    %eq3A_4611 = vector.broadcast %eq3A_4610 : f32 to vector<4x5120xf32>
    %eq3A_4612 = arith.cmpf oeq, %select_n3A_4606, %eq3A_4611 : vector<4x5120xf32>
    %eq3A_4613 = arith.constant 0.000000e+00 : f32
    %eq3A_4614 = vector.broadcast %eq3A_4613 : f32 to vector<4x5120xf32>
    %eq3A_4615 = arith.cmpf oeq, %select_n3A_4606, %eq3A_4614 : vector<4x5120xf32>
    %gt3A_4616 = arith.constant 8.000000e-01 : f32
    %gt3A_4617 = vector.broadcast %gt3A_4616 : f32 to vector<4x5120xf32>
    %gt3A_4618 = arith.cmpf ogt, %get3A_4609, %gt3A_4617 : vector<4x5120xf32>
    %lt3A_4619 = arith.constant 300 : i32
    %lt3A_4620 = vector.broadcast %lt3A_4619 : i32 to vector<4x5120xi32>
    %lt3A_4621 = arith.cmpi slt, %iota3A, %lt3A_4620 : vector<4x5120xi32>
    %and3A = arith.andi %gt3A_4618, %lt3A_4621 : vector<4x5120xi1>
    %convert_element_type3A_4622 = arith.extui %eq3A_4612 : vector<4x5120xi1> to vector<4x5120xi32>
    %convert_element_type3A_4623 = arith.sitofp %convert_element_type3A_4622 : vector<4x5120xi32> to vector<4x5120xf32>
    %reduce_sum3A_4624 = vector.shape_cast %convert_element_type3A_4623 : vector<4x5120xf32> to vector<1x4x5120xf32>
    %reduce_sum3A_4625 = arith.constant dense<0.000000e+00> : vector<1xf32>
    %reduce_sum3A_4626 = vector.multi_reduction <add>, %reduce_sum3A_4624, %reduce_sum3A_4625 [1, 2] : vector<1x4x5120xf32> to vector<1xf32>
    %reduce_sum3A_4627 = vector.shape_cast %reduce_sum3A_4626 : vector<1xf32> to vector<1x1x1xf32>
    %reduce_sum3A_4628 = vector.extract %reduce_sum3A_4627[0, 0, 0] : f32 from vector<1x1x1xf32>
    %convert_element_type3A_4629 = arith.extui %eq3A_4615 : vector<4x5120xi1> to vector<4x5120xi32>
    %convert_element_type3A_4630 = arith.sitofp %convert_element_type3A_4629 : vector<4x5120xi32> to vector<4x5120xf32>
    %reduce_sum3A_4631 = vector.shape_cast %convert_element_type3A_4630 : vector<4x5120xf32> to vector<1x4x5120xf32>
    %reduce_sum3A_4632 = arith.constant dense<0.000000e+00> : vector<1xf32>
    %reduce_sum3A_4633 = vector.multi_reduction <add>, %reduce_sum3A_4631, %reduce_sum3A_4632 [1, 2] : vector<1x4x5120xf32> to vector<1xf32>
    %reduce_sum3A_4634 = vector.shape_cast %reduce_sum3A_4633 : vector<1xf32> to vector<1x1x1xf32>
    %reduce_sum3A_4635 = vector.extract %reduce_sum3A_4634[0, 0, 0] : f32 from vector<1x1x1xf32>
    %ge3A_4636 = arith.constant 5.000000e-01 : f32
    %ge3A_4637 = vector.broadcast %ge3A_4636 : f32 to vector<4x5120xf32>
    %ge3A_4638 = arith.cmpf oge, %get3A_4609, %ge3A_4637 : vector<4x5120xf32>
    %and3A_4639 = arith.andi %eq3A_4612, %ge3A_4638 : vector<4x5120xi1>
    %convert_element_type3A_4640 = arith.extui %and3A_4639 : vector<4x5120xi1> to vector<4x5120xi32>
    %convert_element_type3A_4641 = arith.sitofp %convert_element_type3A_4640 : vector<4x5120xi32> to vector<4x5120xf32>
    %reduce_sum3A_4642 = vector.shape_cast %convert_element_type3A_4641 : vector<4x5120xf32> to vector<1x4x5120xf32>
    %reduce_sum3A_4643 = arith.constant dense<0.000000e+00> : vector<1xf32>
    %reduce_sum3A_4644 = vector.multi_reduction <add>, %reduce_sum3A_4642, %reduce_sum3A_4643 [1, 2] : vector<1x4x5120xf32> to vector<1xf32>
    %reduce_sum3A_4645 = vector.shape_cast %reduce_sum3A_4644 : vector<1xf32> to vector<1x1x1xf32>
    %reduce_sum3A_4646 = vector.extract %reduce_sum3A_4645[0, 0, 0] : f32 from vector<1x1x1xf32>
    %lt3A_4647 = arith.constant 5.000000e-01 : f32
    %lt3A_4648 = vector.broadcast %lt3A_4647 : f32 to vector<4x5120xf32>
    %lt3A_4649 = arith.cmpf olt, %get3A_4609, %lt3A_4648 : vector<4x5120xf32>
    %and3A_4650 = arith.andi %eq3A_4615, %lt3A_4649 : vector<4x5120xi1>
    %convert_element_type3A_4651 = arith.extui %and3A_4650 : vector<4x5120xi1> to vector<4x5120xi32>
    %convert_element_type3A_4652 = arith.sitofp %convert_element_type3A_4651 : vector<4x5120xi32> to vector<4x5120xf32>
    %reduce_sum3A_4653 = vector.shape_cast %convert_element_type3A_4652 : vector<4x5120xf32> to vector<1x4x5120xf32>
    %reduce_sum3A_4654 = arith.constant dense<0.000000e+00> : vector<1xf32>
    %reduce_sum3A_4655 = vector.multi_reduction <add>, %reduce_sum3A_4653, %reduce_sum3A_4654 [1, 2] : vector<1x4x5120xf32> to vector<1xf32>
    %reduce_sum3A_4656 = vector.shape_cast %reduce_sum3A_4655 : vector<1xf32> to vector<1x1x1xf32>
    %reduce_sum3A_4657 = vector.extract %reduce_sum3A_4656[0, 0, 0] : f32 from vector<1x1x1xf32>
    %and3A_4658 = arith.andi %and3A, %eq3A_4612 : vector<4x5120xi1>
    %convert_element_type3A_4659 = arith.extui %and3A_4658 : vector<4x5120xi1> to vector<4x5120xi32>
    %convert_element_type3A_4660 = arith.sitofp %convert_element_type3A_4659 : vector<4x5120xi32> to vector<4x5120xf32>
    %reduce_sum3A_4661 = vector.shape_cast %convert_element_type3A_4660 : vector<4x5120xf32> to vector<1x4x5120xf32>
    %reduce_sum3A_4662 = arith.constant dense<0.000000e+00> : vector<1xf32>
    %reduce_sum3A_4663 = vector.multi_reduction <add>, %reduce_sum3A_4661, %reduce_sum3A_4662 [1, 2] : vector<1x4x5120xf32> to vector<1xf32>
    %reduce_sum3A_4664 = vector.shape_cast %reduce_sum3A_4663 : vector<1xf32> to vector<1x1x1xf32>
    %reduce_sum3A_4665 = vector.extract %reduce_sum3A_4664[0, 0, 0] : f32 from vector<1x1x1xf32>
    %convert_element_type3A_4666 = arith.extui %and3A : vector<4x5120xi1> to vector<4x5120xi32>
    %convert_element_type3A_4667 = arith.sitofp %convert_element_type3A_4666 : vector<4x5120xi32> to vector<4x5120xf32>
    %reduce_sum3A_4668 = vector.shape_cast %convert_element_type3A_4667 : vector<4x5120xf32> to vector<1x4x5120xf32>
    %reduce_sum3A_4669 = arith.constant dense<0.000000e+00> : vector<1xf32>
    %reduce_sum3A_4670 = vector.multi_reduction <add>, %reduce_sum3A_4668, %reduce_sum3A_4669 [1, 2] : vector<1x4x5120xf32> to vector<1xf32>
    %reduce_sum3A_4671 = vector.shape_cast %reduce_sum3A_4670 : vector<1xf32> to vector<1x1x1xf32>
    %reduce_sum3A_4672 = vector.extract %reduce_sum3A_4671[0, 0, 0] : f32 from vector<1x1x1xf32>
    %max3A_4673 = arith.constant 1.000000e+00 : f32
    %max3A_4674 = arith.maximumf %reduce_sum3A_4628, %max3A_4673 : f32
    %div3A_4675 = arith.divf %reduce_sum3A_4646, %max3A_4674 : f32
    %max3A_4676 = arith.constant 1.000000e+00 : f32
    %max3A_4677 = arith.maximumf %reduce_sum3A_4635, %max3A_4676 : f32
    %div3A_4678 = arith.divf %reduce_sum3A_4657, %max3A_4677 : f32
    %add3A_4679 = arith.constant 9.99999974E-6 : f32
    %add3A_4680 = arith.addf %add3A_4679, %reduce_sum3A_4672 : f32
    %div3A_4681 = arith.divf %reduce_sum3A_4665, %add3A_4680 : f32
    %iota3A_4682 = tpu.iota {dimensions = array<i32: 0>} : vector<8x128xi32>
    %eq3A_4683 = arith.constant 0 : i32
    %eq3A_4684 = vector.broadcast %eq3A_4683 : i32 to vector<8x128xi32>
    %eq3A_4685 = arith.cmpi eq, %iota3A_4682, %eq3A_4684 : vector<8x128xi32>
    %eq3A_4686 = arith.constant 1 : i32
    %eq3A_4687 = vector.broadcast %eq3A_4686 : i32 to vector<8x128xi32>
    %eq3A_4688 = arith.cmpi eq, %iota3A_4682, %eq3A_4687 : vector<8x128xi32>
    %eq3A_4689 = arith.constant 2 : i32
    %eq3A_4690 = vector.broadcast %eq3A_4689 : i32 to vector<8x128xi32>
    %eq3A_4691 = arith.cmpi eq, %iota3A_4682, %eq3A_4690 : vector<8x128xi32>
    %jit3A_4692 = arith.constant 0.000000e+00 : f32
    %broadcast_in_dim3A_4693 = vector.broadcast %div3A_4681 : f32 to vector<8x128xf32>
    %broadcast_in_dim3A_4694 = vector.broadcast %jit3A_4692 : f32 to vector<8x128xf32>
    %select_n3A_4695 = arith.select %eq3A_4691, %broadcast_in_dim3A_4693, %broadcast_in_dim3A_4694 : vector<8x128xi1>, vector<8x128xf32>
    %broadcast_in_dim3A_4696 = vector.broadcast %div3A_4678 : f32 to vector<8x128xf32>
    %select_n3A_4697 = arith.select %eq3A_4688, %broadcast_in_dim3A_4696, %select_n3A_4695 : vector<8x128xi1>, vector<8x128xf32>
    %broadcast_in_dim3A_4698 = vector.broadcast %div3A_4675 : f32 to vector<8x128xf32>
    %select_n3A_4699 = arith.select %eq3A_4685, %broadcast_in_dim3A_4698, %select_n3A_4697 : vector<8x128xi1>, vector<8x128xf32>
    %swap3A_4700 = arith.constant 0 : index
    %swap3A_4701 = arith.constant 0 : index
    %swap3A_4702 = vector.load %arg6[%swap3A_4700, %swap3A_4701] : memref<8x128xf32, #tpu.memory_space<vmem>>, vector<8x128xf32>
    tpu.vector_store %arg6[%swap3A_4700, %swap3A_4701], %select_n3A_4699 {strides = array<i32>} : memref<8x128xf32, #tpu.memory_space<vmem>>, vector<8x128xf32>,
    %swap3A_4703 = arith.constant 0 : index
    %swap3A_4704 = arith.constant 0 : index
    %swap3A_4705 = vector.load %arg5[%swap3A_4703, %swap3A_4704] : memref<4x5120xf32, #tpu.memory_space<vmem>>, vector<4x5120xf32>
    tpu.vector_store %arg5[%swap3A_4703, %swap3A_4704], %select_n3A_4606 {strides = array<i32>} : memref<4x5120xf32, #tpu.memory_space<vmem>>, vector<4x5120xf32>,
    return
  }
}

</mosaic_0001>

<sc_bundles>
// kernel: _run.4.cloned.1.call-start
scs
__scs_entry_jumppad:
0x0: {  	(pc) =	sbr.rel $0x88, $3  }
0x1: {  	(tag) =	ssettag $0x0;
	lr =	simm.s32 $0x1  }
0x2: {  	[smem:$0x3F96] =	sst lr;
	_ =	strace $0xD0000000  }
0x3: {  	_ = 	snop  }
0x4: {  	_ = 	snop  }
0x5: {  	_ = 	snop  }
0x6: {  	_ = 	snop  }
0x7: {  	_ = 	snop  }
__scs_overlays_trampoline_lowered:
0x8: {  	[smem:$0x3FA5] =	sst s0  }
0x9: {  	[smem:$0x3FA6] =	sst s1  }
0xa: {  	[smem:$0x3FA7] =	sst s2  }
0xb: {  	[smem:$0x3FA8] =	sst s3  }
0xc: {  	[smem:$0x3FA9] =	sst s4  }
0xd: {  	[smem:$0x3FAA] =	sst s5  }
0xe: {  	[smem:$0x3FAB] =	sst s6  }
0xf: {  	[smem:$0x3FAC] =	sst s7  }
0x10: {  	[smem:$0x3FAD] =	sst s8  }
0x11: {  	[smem:$0x3FAE] =	sst s9;
	s0 =	simm.s32 @!p0 $0x0  }
0x12: {  	s1 =	sld [smem:$0x3F94];
	s0 =	simm.s32 @p0 $0x1  }
0x13: {  	[smem:$0x3FAF] =	sst s0;
	s0 =	simm.s32 @!p1 $0x0  }
0x14: {  	s2 =	sld [smem:$0x3F93];
	s0 =	simm.s32 @p1 $0x1  }
0x15: {  	[smem:$0x3FB0] =	sst s0;
	s0 =	simm.s32 @!p2 $0x0  }
0x16: {  	s3 =	sld [smem:$0x3FDB];
	s0 =	simm.s32 @p2 $0x1  }
0x17: {  	s4 =	simm.s32 $0x1BF5;
	[smem:$0x3FB2] =	sst s0  }
0x18: {  	s0 =	sld [smem:$0x3F95];
	_ =	swait.ge [sflag:s4], $0x0  }
0x19: {  	s7 =	sld [smem:$0x3F96]  }
0x1a: {  	s8 =	sadd.s32 $0xFFFFE003, lr  }
0x1b: {  	s9 =	sadd.s32 $0xFFFFFEF7, lr;
	s5 =	simm.s32 $0xFFFFFFFF;
	p2 =	slt.u32 s8, $0xFFFFF086  }
0x1c: {  	p1 =	slt.u32 s9, $0xF7A;
	s5 =	simm.s32 @!p2 $0x0  }
0x1d: {  	s5 =	simm.s32 @p1 $0x1;
	p0 =	seq.s32 s7, s2  }
0x1e: {  	s7 =	smul.u32 @!p0 $0xF7A, s2;
	p2 =	seq.s32 @!p0 s5, $0x0  }
0x1f: {  	s9 =	smul.u32 $0xF7A, s1;
	s8 =	simm.s32 @!p0 $0x1BF5;
	p2 =	por !p2, p0  }
0x20: {  	[sflag:s8] =	ssyncset.s32 @!p0 $0xFFFFF086;
	s6 =	sadd.s32 @!p0 s3, s7;
	s7 =	simm.s32 @!p0 $0x108  }
0x21: {  	s3 =	sadd.s32 s3, s9;
	s6 =	sadd.s32 @!p0 $0x88, s6;
	s7 =	simm.s32 @p2 $0x1082  }
0x22: {  	[simem:s7], [sflag:s8] =	dma.local @!p0 [hbm:s6], $0xF7A  }
0x23: {  	s9 =	sor.u32 $0xD0000000, s2;
	s6 =	simm.s32 $0x108;
	_ =	swait.ge @!p0 [sflag:s8], $0x0  }
0x24: {  	s3 =	sadd.s32 $0x88, s3;
	s6 =	simm.s32 @!p1 $0x1082;
	[sflag:s4] =	ssyncset.s32 $0xFFFFF086  }
0x25: {  	[simem:s6], [sflag:s4] =	dma.local [hbm:s3], $0xF7A  }
0x26: {  	[smem:$0x3F96] =	sst s1;
	(tag) =	ssettag s2;
	_ =	strace s9  }
0x27: {  	s1 =	sld [smem:$0x3FA6]  }
0x28: {  	s2 =	sld [smem:$0x3FA7]  }
0x29: {  	s4 =	sld [smem:$0x3FA9]  }
0x2a: {  	p0 =	seq.s32 s5, $0x0;
	s5 =	sld [smem:$0x3FAA]  }
0x2b: {  	s6 =	sld [smem:$0x3FAB]  }
0x2c: {  	s7 =	sld [smem:$0x3FAC]  }
0x2d: {  	s3 =	simm.s32 $0x108;
	s8 =	sld [smem:$0x3FAD]  }
0x2e: {  	s3 =	simm.s32 @!p0 $0x1082;
	s9 =	sld [smem:$0x3FAE]  }
0x2f: {  	lr =	sadd.s32 s0, s3;
	s0 =	sld [smem:$0x3FA5]  }
0x30: {  	s3 =	sld [smem:$0x3FA8]  }
0x31: {  	[smem:$0x3FB1] =	sst s10  }
0x32: {  	s10 =	sld [smem:$0x3FAF];
	_ =	sdelay $0x3  }
0x33: {  	p0 =	seq.s32 s10, $0x1;
	s10 =	sld [smem:$0x3FB1];
	_ =	sdelay $0x3  }
0x34: {  	[smem:$0x3FB1] =	sst s10  }
0x35: {  	s10 =	sld [smem:$0x3FB0];
	_ =	sdelay $0x3  }
0x36: {  	p1 =	seq.s32 s10, $0x1;
	s10 =	sld [smem:$0x3FB1];
	_ =	sdelay $0x3  }
0x37: {  	[smem:$0x3FB1] =	sst s10  }
0x38: {  	s10 =	sld [smem:$0x3FB2]  }
0x39: {  	_ = 	snop;
	(pc) =	sbr.ind lr, $3  }
0x3a: {  	_ = 	snop  }
0x3b: {  	_ = 	snop  }
0x3c: {  	p2 =	seq.s32 s10, $0x1;
	s10 =	sld [smem:$0x3FB1]  }
0x3d: {  	_ =	shalt  }
0x3e: {  	_ =	shalt  }
0x3f: {  	_ =	shalt  }
0x40: {  	_ =	shalt  }
0x41: {  	_ =	shalt  }
0x42: {  	_ =	shalt  }
0x43: {  	_ =	shalt  }
0x44: {  	_ =	shalt  }
0x45: {  	_ =	shalt  }
0x46: {  	_ =	shalt  }
0x47: {  	_ =	shalt  }
0x48: {  	_ =	shalt  }
0x49: {  	_ =	shalt  }
0x4a: {  	_ =	shalt  }
0x4b: {  	_ =	shalt  }
0x4c: {  	_ =	shalt  }
0x4d: {  	_ =	shalt  }
0x4e: {  	_ =	shalt  }
0x4f: {  	_ =	shalt  }
0x50: {  	_ =	shalt  }
0x51: {  	_ =	shalt  }
0x52: {  	_ =	shalt  }
0x53: {  	_ =	shalt  }
0x54: {  	_ =	shalt  }
0x55: {  	_ =	shalt  }
0x56: {  	_ =	shalt  }
0x57: {  	_ =	shalt  }
0x58: {  	_ =	shalt  }
0x59: {  	_ =	shalt  }
0x5a: {  	_ =	shalt  }
0x5b: {  	_ =	shalt  }
0x5c: {  	_ =	shalt  }
0x5d: {  	_ =	shalt  }
0x5e: {  	_ =	shalt  }
0x5f: {  	_ =	shalt  }
0x60: {  	_ =	shalt  }
0x61: {  	_ =	shalt  }
0x62: {  	_ =	shalt  }
0x63: {  	_ =	shalt  }
0x64: {  	_ =	shalt  }
0x65: {  	_ =	shalt  }
0x66: {  	_ =	shalt  }
0x67: {  	_ =	shalt  }
0x68: {  	_ =	shalt  }
0x69: {  	_ =	shalt  }
0x6a: {  	_ =	shalt  }
0x6b: {  	_ =	shalt  }
0x6c: {  	_ =	shalt  }
0x6d: {  	_ =	shalt  }
0x6e: {  	_ =	shalt  }
0x6f: {  	_ =	shalt  }
0x70: {  	_ =	shalt  }
0x71: {  	_ =	shalt  }
0x72: {  	_ =	shalt  }
0x73: {  	_ =	shalt  }
0x74: {  	_ =	shalt  }
0x75: {  	_ =	shalt  }
0x76: {  	_ =	shalt  }
0x77: {  	_ =	shalt  }
0x78: {  	_ =	shalt  }
0x79: {  	_ =	shalt  }
0x7a: {  	_ =	shalt  }
0x7b: {  	_ =	shalt  }
0x7c: {  	_ =	shalt  }
0x7d: {  	_ =	shalt  }
0x7e: {  	_ =	shalt  }
0x7f: {  	_ =	shalt  }
0x80: {  	_ =	shalt  }
0x81: {  	_ =	shalt  }
0x82: {  	_ =	shalt  }
0x83: {  	_ =	shalt  }
0x84: {  	_ =	shalt  }
0x85: {  	_ =	shalt  }
0x86: {  	_ =	shalt  }
0x87: {  	_ =	shalt  }
.Lfunc_end0:
.L_simem_size_0:
called_computation_lowered:
.L_overlay_start_0:
0x88: {  	s2 =	sld [smem:$0x3FD9]  }
0x89: {  	s3 =	sld [smem:$0x3FFE];
	_ =	sdelay $0x1  }
0x8a: {  	s1 =	srdreg.scid  }
0x8b: {  	s0 =	sand.u32 $0x1, s1  }
0x8c: {  	s14 =	sshll.u32 s0, $0xA;
	s2 =	sadd.s32 s3, s2  }
0x8d: {  	s2 =	sadd.s32 s2, s14  }
0x8e: {  	[smem:$0x3FBD] =	sst s2  }
0x8f: {  	_ = 	snop  }
0x90: {  	s2 =	sld [smem:$0x3FC4]  }
0x91: {  	s15 =	sld [smem:$0x3FC3]  }
0x92: {  	s4 =	sld [smem:$0x3FC2]  }
0x93: {  	s5 =	sld [smem:$0x3FD0]  }
0x94: {  	s6 =	sld [smem:$0x3FC1]  }
0x95: {  	s7 =	sld [smem:$0x3FC0]  }
0x96: {  	s9 =	simm.s32 $0xA;
	s10 =	simm.s32 $0x10;
	s8 =	sld [smem:$0x3FBF]  }
0x97: {  	[smem:s10], [sflag:s9] =	dma.local [hbm:s5], $0x1  }
0x98: {  	_ =	swait.eq [sflag:s9], $0x1  }
0x99: {  	[sflag:s9] =	ssyncset.done $0x0  }
0x9a: {  	[sflag:s9] =	ssyncadd.s32 $0xFFFFFFFF  }
0x9b: {  	s16 =	sld [smem:$0x10];
	(tm) =	ssettm $0x1  }
0x9c: {  	s17 =	sld [smem:$0x3FFB];
	_ =	sdelay $0x3  }
0x9d: {  	_ =	strace s17  }
0x9e: {  	s9 =	sld [smem:$0x3FFC];
	_ =	sdelay $0x3  }
0x9f: {  	_ =	strace s9  }
0xa0: {  	s9 =	sld [smem:$0x3FFD];
	_ =	sdelay $0x3  }
0xa1: {  	_ =	strace s9  }
0xa2: {  	_ =	strace $0x8FFFFFFF  }
0xa3: {  	s18 =	sld [smem:$0x3FDB];
	_ =	sdelay $0x1  }
0xa4: {  	s19 =	simm.s32 $_scs_section_size  }
0xa5: {  	s11 =	simm.s32 $_size__tile_overlayer_lowered;
	s12 =	simm.s32 $_tile_overlayer_lowered  }
0xa6: {  	s22 =	simm.s32 $0x1BFF;
	s21 =	sshll.u32 s12, $0x1;
	s9 =	sadd.s32 s19, s18  }
0xa7: {  	s13 =	simm.s32 $0x0;
	s20 =	sshll.u32 s11, $0x1;
	s11 =	sadd.s32 s21, s9  }
0xa8: {  	[timem:s13], [sflag:s22] =	dma.local [hbm:s11], s20  }
0xa9: {  	_ =	swait.ge [sflag:s22], s20  }
0xaa: {  	s10 =	ssub.s32 $0x0, s20;
	[sflag:s22] =	ssyncset.done $0x0  }
0xab: {  	[sflag:s22] =	ssyncadd.s32 s10;
	_ =	sdelay $0x1  }
0xac: {  	s23 =	simm.s32 $0x1B8B  }
0xad: {  	_ =	swait.ge [sflag:s23], $0x1  }
0xae: {  	[sflag:s23] =	ssyncset.done $0x0  }
0xaf: {  	s25 =	simm.s32 $0x1B8E;
	s24 =	sld [smem:$0x3FFE];
	[sflag:s23] =	ssyncadd.s32 $0xFFFFFFFF  }
0xb0: {  	s26 =	simm.s32 $execute0_lowered;
	[smem:$0x3FD2] =	sst s25  }
0xb1: {  	s11 =	sshll.u32 s26, $0x1;
	_ =	strace $0x80000046;
	[dreg:$0x1] =	wrdreg $0xFFFFFFFF  }
0xb2: {  	s28 =	simm.s32 $_size_execute0_lowered;
	s9 =	sadd.s32 s9, s11;
	[dreg:$0x0] =	wrdreg $0x0  }
0xb3: {  	s11 =	sshll.u32 s28, $0x1;
	[dreg:$0x2] =	wrdreg s9  }
0xb4: {  	[dreg:$0x3] =	wrdreg s11  }
0xb5: {  	[dreg:$0x4] =	wrdreg $0xC0  }
0xb6: {  	_ =	task [dreg:s13], $0x5FFFF  }
0xb7: {  	[dreg:$0x1] =	wrdreg $0xFFFFFFFF  }
0xb8: {  	[dreg:$0x0] =	wrdreg $0x60  }
0xb9: {  	[dreg:$0x2] =	wrdreg s24  }
0xba: {  	[dreg:$0x3] =	wrdreg s2  }
0xbb: {  	[dreg:$0x4] =	wrdreg s15  }
0xbc: {  	[dreg:$0x5] =	wrdreg s4  }
0xbd: {  	[dreg:$0x6] =	wrdreg s6  }
0xbe: {  	[dreg:$0x7] =	wrdreg s7  }
0xbf: {  	[dreg:$0x8] =	wrdreg s8  }
0xc0: {  	[dreg:$0x9] =	wrdreg s16  }
0xc1: {  	[dreg:$0xa] =	wrdreg $0x9  }
0xc2: {  	_ =	task.clear_ibuf [dreg:s13], $0xBFFFF;
	_ =	strace $0x90000046  }
0xc3: {  	s29 =	simm.s32 $0x9;
	_ =	strace $0x80000048  }
0xc4: {  	_ =	swait.ge [sflag:s29], $0x1  }
0xc5: {  	[sflag:s29] =	ssyncadd.s32 $0xFFFFFFFF  }
0xc6: {  	_ =	strace $0x90000048  }
0xc7: {  	_ =	sfence  }
0xc8: {  	s30 =	sld [smem:$0x0];
	_ =	sdelay $0x2  }
0xc9: {  	s31 =	sshll.u32 s1, $0xD;
	s1 =	sshrl.u32 s1, $0x2  }
0xca: {  	s3 =	sand.u32 $0x4000, s31;
	s1 =	sadd.s32 s1, s30  }
0xcb: {  	s0 =	sor.u32 s3, s0;
	s1 =	sshll.u32 s1, $0x11  }
0xcc: {  	s0 =	sor.u32 s1, s0  }
0xcd: {  	s0 =	sadd.s32 $0x8F2B, s0  }
0xce: {  	[sflag:s0] =	ssyncadd.remote.s32 $0x1  }
0xcf: {  	_ =	sfence.sel $0xFFFF  }
0xd0: {  	[dreg:$0x0] =	wrdreg $0xFFFFFFFF;
	(pc) =	sbr.abs _section_cstart, $3  }
0xd1: {  	[dreg:$0x1] =	wrdreg $0xFFFFFFFF  }
0xd2: {  	_ =	task.clear_ibuf [dreg:s13], $0x2FFFF;
	_ =	strace $0x9FFFFFFF  }
0xd3: {  	(tm) =	ssettm $0x7FFFFFFF  }
tec
execute0_lowered:
.L_overlay_start_1:
0x0: {  	(tag) =	ssettag $0x1  }
0x1: {  	s3 =	rddreg [dreg:$0x0]  }
0x2: {  	s5 =	rddreg [dreg:$0x1]  }
0x3: {  	s8 =	rddreg [dreg:$0x2]  }
0x4: {  	s4 =	rddreg [dreg:$0x3];
	s1 =	stileid.u32  }
0x5: {  	s10 =	rddreg [dreg:$0x4];
	p0 =	sgt.u32 s1, $0x1  }
.Ltmp0:
0x6: {  	s6 =	rddreg [dreg:$0x5];
	(pc) =	sbr.rel @p0 .LBB2_11-.Ltmp0, $4  }
0x7: {  	s7 =	rddreg [dreg:$0x6]  }
0x8: {  	s9 =	rddreg [dreg:$0x7];
	s2 =	simm.s32 $0x0  }
0x9: {  	[smem:$0x7FF] =	sst s2  }
0xa: {  	s0 =	rddreg [dreg:$0x8];
	_ =	strace $0x80000047  }
0xb: {  	s11 =	srdreg.scid  }
0xc: {  	s13 =	sshll.u32 s1, $0x4;
	s30 =	sadd.s32 $0x1200, s3;
	s14 =	simm.s32 $0x1  }
0xd: {  	s15 =	simm.s32 $0x2800;
	s16 =	simm.s32 $0x3C00;
	s11 =	sand.u32 $0x1, s11  }
0xe: {  	s17 =	simm.s32 $0x1400;
	s12 =	sshll.u32 s11, $0x5;
	s31 =	ssub.s32 $0x2, s11  }
0xf: {  	s18 =	simm.s32 $0x0;
	s12 =	sadd.s32 s13, s12;
	s11 =	sshrl.u32 s31, $0x1  }
0x10: {  	s13 =	simm.s32 $0x200;
	s3 =	sadd.s32 s4, s12;
	s4 =	sadd.s32 s10, s12  }
0x11: {  	s5 =	sadd.s32 s5, s12;
	s6 =	sadd.s32 s6, s12;
	s7 =	sadd.s32 s7, s12  }
0x12: {  	s8 =	sadd.s32 s8, s12;
	s9 =	sadd.s32 s9, s12;
	s11 =	ssub.s32 s31, s11  }
0x13: {  	v0 =	vimm.s32 $0x0;
	s10 =	sadd.s32 s30, s12;
	s12 =	simm.s32 $0x80;
	s11 =	smax.u32 s11, $0x1  }
.LBB2_2:
0x14: {  	s19 =	simm.s32 $0x0  }
0x15: {  	[tilespmem:s19], [sflag:$0x1] =	stream.strided.gather [hbm4b:s10+s12], $0x1400, s13, s12, $0x38;
	[tilespmem:$0x5000] =	vst v63  }
0x16: {  	_ =	swait.ge [sflag:s14], $0x1400  }
0x17: {  	[sflag:s14] =	ssyncset.done $0x0  }
0x18: {  	[sflag:s14] =	ssyncadd.s32 $0xFFFFEC00  }
0x19: {  	[tilespmem:s15], [sflag:$0x1] =	stream.strided.gather [hbm4b:s3+s12], $0x1400, s13, s12, $0x38;
	[tilespmem:$0x5000] =	vst v63  }
0x1a: {  	_ =	swait.ge [sflag:s14], $0x1400  }
0x1b: {  	[sflag:s14] =	ssyncset.done $0x0  }
0x1c: {  	[sflag:s14] =	ssyncadd.s32 $0xFFFFEC00  }
0x1d: {  	[tilespmem:s16], [sflag:$0x1] =	stream.strided.gather [hbm4b:s4+s12], $0x1400, s13, s12, $0x38;
	[tilespmem:$0x5000] =	vst v63  }
0x1e: {  	_ =	swait.ge [sflag:s14], $0x1400  }
0x1f: {  	[sflag:s14] =	ssyncset.done $0x0  }
0x20: {  	[sflag:s14] =	ssyncadd.s32 $0xFFFFEC00  }
0x21: {  	[tilespmem:s17], [sflag:$0x1] =	stream.strided.gather [hbm4b:s5+s12], $0x1400, s13, s12, $0x38;
	[tilespmem:$0x5000] =	vst v63  }
0x22: {  	_ =	swait.ge [sflag:s14], $0x1400  }
0x23: {  	s20 =	simm.s32 $0x3C20;
	s21 =	simm.s32 $0x2820;
	[sflag:s14] =	ssyncset.done $0x0  }
0x24: {  	s23 =	simm.s32 $0x0;
	s22 =	simm.s32 $0x0;
	[sflag:s14] =	ssyncadd.s32 $0xFFFFEC00  }
.LBB2_3:
0x25: {  	v1 =	vld [tilespmem:s21+$0xFFFFFFE0];
	_ =	sdelay $0x7  }
0x26: {  	v1 =	vld.idx.msk [tilespmem:v1+s2+$0x0], $0xffff;
	_ =	sdelay $0x4  }
0x27: {  	vm0 =	veq.f32 v1, $1.000000000e+00  }
0x28: {  	v1 =	vsel vm0, $0x1, v0  }
0x29: {  	(xrf0) =	vadd.scan.msk.s32 $0xffff, v1;
	_ =	sdelay $0x2  }
0x2a: {  	v1 =	vld [tilespmem:s20+$0xFFFFFFE0];
	_ =	sdelay $0x2  }
0x2b: {  	s24 =	ssub.s32 $0x80, s23;
	v2, _, _ =	vpop (xrf0)  }
0x2c: {  	vm1 =	veq.s32 v2, s24  }
0x2d: {  	v1 =	vxor.u32 $0x80000000, v1;
	vm0 =	vmand vm0, vm1  }
0x2e: {  	v1 =	vnsel vm0, $0x80000000, v1  }
0x2f: {  	(xrf0) =	vmax.scan.msk.u32 $0xffff, v1;
	_ =	sdelay $0x3  }
0x30: {  	v1 =	vld [tilespmem:s21+$0xFFFFFFF0];
	_ =	sdelay $0x1  }
0x31: {  	v3, _, _ =	vpop (xrf0)  }
0x32: {  	(v2sf) =	vpush v3, $0xF  }
0x33: {  	(v2sf) =	vpush v2, $0xF;
	_ =	sdelay $0x3  }
0x34: {  	v1 =	vld.idx.msk [tilespmem:v1+s2+$0x0], $0xffff;
	_ =	sdelay $0x4  }
0x35: {  	vm10 =	veq.f32 v1, $1.000000000e+00  }
0x36: {  	v1 =	vsel vm10, $0x1, v0  }
0x37: {  	(xrf0) =	vadd.scan.msk.s32 $0xffff, v1;
	_ =	sdelay $0x2  }
0x38: {  	v1 =	vld [tilespmem:s20+$0xFFFFFFF0];
	s24 =	spop (v2sf)  }
0x39: {  	s25 =	spop (v2sf)  }
0x3a: {  	s30 =	sadd.s32 s23, s25  }
0x3b: {  	v2, _, _ =	vpop (xrf0);
	s25 =	ssub.s32 $0x80, s30  }
0x3c: {  	vm11 =	veq.s32 v2, s25  }
0x3d: {  	v1 =	vxor.u32 $0x80000000, v1;
	vm0 =	vmand vm10, vm11  }
0x3e: {  	v1 =	vnsel vm0, $0x80000000, v1  }
0x3f: {  	(xrf0) =	vmax.scan.msk.u32 $0xffff, v1;
	_ =	sdelay $0x3  }
0x40: {  	v1 =	vld [tilespmem:s21+$0x0];
	_ =	sdelay $0x1  }
0x41: {  	v3, _, _ =	vpop (xrf0)  }
0x42: {  	(v2sf) =	vpush v3, $0xF  }
0x43: {  	(v2sf) =	vpush v2, $0xF;
	_ =	sdelay $0x3  }
0x44: {  	v1 =	vld.idx.msk [tilespmem:v1+s2+$0x0], $0xffff;
	_ =	sdelay $0x4  }
0x45: {  	vm12 =	veq.f32 v1, $1.000000000e+00  }
0x46: {  	v1 =	vsel vm12, $0x1, v0  }
0x47: {  	(xrf0) =	vadd.scan.msk.s32 $0xffff, v1;
	_ =	sdelay $0x2  }
0x48: {  	v1 =	vld [tilespmem:s20+$0x0];
	s31 =	spop (v2sf)  }
0x49: {  	s26 =	spop (v2sf)  }
0x4a: {  	s23 =	sadd.s32 s30, s26  }
0x4b: {  	v2, _, _ =	vpop (xrf0);
	s26 =	ssub.s32 $0x80, s23  }
0x4c: {  	vm13 =	veq.s32 v2, s26  }
0x4d: {  	v1 =	vxor.u32 $0x80000000, v1;
	vm0 =	vmand vm12, vm13  }
0x4e: {  	v1 =	vnsel vm0, $0x80000000, v1  }
0x4f: {  	(xrf0) =	vmax.scan.msk.u32 $0xffff, v1;
	_ =	sdelay $0x3  }
0x50: {  	v1 =	vld [tilespmem:s21+$0x10];
	_ =	sdelay $0x1  }
0x51: {  	v3, _, _ =	vpop (xrf0)  }
0x52: {  	(v2sf) =	vpush v3, $0xF  }
0x53: {  	(v2sf) =	vpush v2, $0xF;
	_ =	sdelay $0x3  }
0x54: {  	v1 =	vld.idx.msk [tilespmem:v1+s2+$0x0], $0xffff;
	_ =	sdelay $0x4  }
0x55: {  	vm14 =	veq.f32 v1, $1.000000000e+00  }
0x56: {  	v1 =	vsel vm14, $0x1, v0  }
0x57: {  	(xrf0) =	vadd.scan.msk.s32 $0xffff, v1;
	_ =	sdelay $0x2  }
0x58: {  	v1 =	vld [tilespmem:s20+$0x10];
	s29 =	spop (v2sf)  }
0x59: {  	s28 =	spop (v2sf)  }
0x5a: {  	s23 =	sadd.s32 s23, s28  }
0x5b: {  	v2, _, _ =	vpop (xrf0);
	s28 =	ssub.s32 $0x80, s23  }
0x5c: {  	vm15 =	veq.s32 v2, s28  }
0x5d: {  	v1 =	vxor.u32 $0x80000000, v1;
	vm0 =	vmand vm14, vm15  }
0x5e: {  	v1 =	vnsel vm0, $0x80000000, v1  }
0x5f: {  	(xrf0) =	vmax.scan.msk.u32 $0xffff, v1;
	_ =	sdelay $0x5  }
0x60: {  	v1, _, _ =	vpop (xrf0)  }
0x61: {  	(v2sf) =	vpush v1, $0xF  }
0x62: {  	(v2sf) =	vpush v2, $0xF;
	_ =	sdelay $0xa  }
0x63: {  	s24 =	sxor.u32 $0x80000000, s24  }
0x64: {  	p0 =	sgt.s32 s19, s24  }
0x65: {  	s24 =	smov.u32 @p0 s19;
	s19 =	sxor.u32 $0x80000000, s31  }
0x66: {  	p0 =	sgt.s32 s24, s19;
	s30 =	spop (v2sf)  }
0x67: {  	s19 =	smov.u32 @p0 s24;
	s24 =	sxor.u32 $0x80000000, s29;
	s31 =	spop (v2sf)  }
0x68: {  	p1 =	sgt.u32 s22, $0x4E;
	p0 =	sgt.s32 s19, s24;
	s23 =	sadd.s32 s23, s31  }
0x69: {  	s24 =	smov.u32 @p0 s19;
	p0 =	slt.s32 @!p1 s23, $0x81  }
0x6a: {  	p0 =	por p1, !p0  }
.Ltmp1:
0x6b: {  	_ = 	snop;
	(pc) =	sbr.rel @!p0 .LBB2_3-.Ltmp1, $4  }
0x6c: {  	_ = 	snop  }
0x6d: {  	s19 =	sxor.u32 $0x80000000, s30  }
0x6e: {  	s22 =	sadd.s32 $0x1, s22;
	p1 =	sgt.s32 s24, s19  }
0x6f: {  	s21 =	sadd.s32 $0x40, s21;
	s20 =	sadd.s32 $0x40, s20;
	s19 =	smov.u32 @p1 s24  }
0x70: {  	s20 =	simm.s32 $0x0  }
0x71: {  	v3 =	vld [tilespmem:s20+$0x1400]  }
0x72: {  	v4 =	vld [tilespmem:s20+$0x1410]  }
0x73: {  	v5 =	vld [tilespmem:s20+$0x1430]  }
0x74: {  	v6 =	vld [tilespmem:s20+$0x0]  }
0x75: {  	v7 =	vld [tilespmem:s20+$0x30]  }
0x76: {  	v8 =	vld [tilespmem:s20+$0x1420]  }
0x77: {  	v9 =	vld [tilespmem:s20+$0x20]  }
0x78: {  	p0 =	sgt.s32 s23, $0x80;
	v11 =	vld [tilespmem:s20+$0x10]  }
0x79: {  	v2 =	vmov s19;
	s19 =	simm.s32 @!p0 $0x80000000  }
0x7a: {  	v10 =	vimm.s32 $0x0;
	v1 =	vmov s19  }
0x7b: {  	vm0 =	vlt.s32 v3, v1;
	vm4 =	vlt.s32 v4, v1;
	vm5 =	veq.f32 v6, $1.000000000e+00  }
0x7c: {  	vm2 =	vlt.s32 v5, v1;
	vm1 =	veq.f32 v7, $1.000000000e+00;
	vm6 =	vlt.s32 v8, v1  }
0x7d: {  	vm3 =	veq.f32 v9, $1.000000000e+00;
	vm7 =	vge.s32 v3, v2;
	vm8 =	veq.f32 v11, $1.000000000e+00  }
0x7e: {  	vm15 =	vge.s32 v4, v2;
	vm0 =	vmand vm5, vm0;
	vm2 =	vmand vm1, vm2  }
0x7f: {  	vm6 =	vmand vm3, vm6;
	vm4 =	vmand vm8, vm4;
	v6 =	vsel vm0, $0xBF800000, v6  }
0x80: {  	vm0 =	vge.s32 v8, v2;
	v8 =	vsel vm3, $0x1, v0;
	[tilespmem:s20+$0x0] =	vst v6;
	v6 =	vsel vm2, $0xBF800000, v7  }
0x81: {  	s19 =	simm.s32 $0x40;
	vm2 =	vge.s32 v5, v2;
	v5 =	vsel vm5, $0x1, v0;
	[tilespmem:s20+$0x30] =	vst v6;
	v6 =	vsel vm6, $0xBF800000, v9  }
0x82: {  	v7 =	vsel vm8, $0x1, v0;
	v5 =	vadd.s32 v5, v10;
	v3 =	vld [tilespmem:s19+$0x1420];
	[tilespmem:s20+$0x20] =	vst v6;
	v6 =	vsel vm4, $0xBF800000, v11  }
0x83: {  	vm4 =	vmand vm5, vm7;
	v4 =	vld [tilespmem:s19+$0x1400];
	[tilespmem:s20+$0x10] =	vst v6;
	v6 =	vadd.s32 v7, v5;
	v7 =	vsel vm1, $0x1, v0  }
0x84: {  	v9 =	vsel vm4, $0x1, v0;
	vm4 =	vmand vm8, vm15;
	v5 =	vld [tilespmem:s19+$0x1410];
	v11 =	vadd.s32 v8, v6  }
0x85: {  	s20 =	simm.s32 $0x200;
	v6 =	vld [tilespmem:s19+$0x1430];
	v8 =	vadd.s32 v9, v10;
	v9 =	vsel vm4, $0x1, v0;
	v7 =	vadd.s32 v7, v11  }
.LBB2_5:
0x86: {  	p1 =	sne.s32 s20, $0x4F00;
	v10 =	vld [tilespmem:s19+$0x0];
	v8 =	vadd.s32 v9, v8;
	vm0 =	vmand vm3, vm0;
	vm1 =	vmand vm1, vm2  }
0x87: {  	v9 =	vld [tilespmem:s19+$0x30];
	v11 =	vsel vm0, $0x1, v0;
	v12 =	vsel vm1, $0x1, v0  }
0x88: {  	vm1 =	vlt.s32 v4, v1;
	v13 =	vld [tilespmem:s19+$0x20];
	v8 =	vadd.s32 v11, v8  }
0x89: {  	vm6 =	vlt.s32 v3, v1;
	v11 =	vld [tilespmem:s19+$0x10];
	vm5 =	vlt.s32 v5, v1;
	v8 =	vadd.s32 v12, v8  }
0x8a: {  	vm0 =	vge.s32 v3, v2;
	vm7 =	vlt.s32 v6, v1;
	vm2 =	vge.s32 v6, v2  }
0x8b: {  	vm9 =	vge.s32 v4, v2;
	vm4 =	vge.s32 v5, v2;
	vm8 =	veq.f32 v10, $1.000000000e+00  }
0x8c: {  	vm3 =	vmand vm8, vm1;
	v3 =	vsel vm8, $0x1, v0;
	vm1 =	veq.f32 v9, $1.000000000e+00  }
0x8d: {  	v4 =	vsel vm3, $0xBF800000, v10;
	vm3 =	veq.f32 v13, $1.000000000e+00;
	vm7 =	vmand vm1, vm7  }
0x8e: {  	[tilespmem:s19+$0x0] =	vst v4;
	vm10 =	veq.f32 v11, $1.000000000e+00;
	vm6 =	vmand vm3, vm6;
	v4 =	vsel vm7, $0xBF800000, v9  }
.Ltmp2:
0x8f: {  	s21 =	sshra.s32 s20, $0x2;
	v5 =	vadd.s32 v3, v7;
	vm5 =	vmand vm10, vm5;
	v6 =	vsel vm6, $0xBF800000, v13;
	[tilespmem:s19+$0x30] =	vst v4;
	(pc) =	sbr.rel @p1 .LBB2_5-.Ltmp2, $4  }
0x90: {  	v9 =	vsel vm10, $0x1, v0;
	v3 =	vld [tilespmem:s21+$0x1420];
	v7 =	vsel vm5, $0xBF800000, v11;
	[tilespmem:s19+$0x20] =	vst v6;
	v6 =	vsel vm3, $0x1, v0  }
0x91: {  	v10 =	vsel vm1, $0x1, v0;
	vm5 =	vmand vm8, vm9;
	v4 =	vld [tilespmem:s21+$0x1400];
	[tilespmem:s19+$0x10] =	vst v7;
	v7 =	vadd.s32 v9, v5;
	s19 =	smov.u32 s21  }
0x92: {  	vm4 =	vmand vm10, vm4;
	v9 =	vsel vm5, $0x1, v0;
	v5 =	vld [tilespmem:s19+$0x1410];
	v7 =	vadd.s32 v6, v7  }
0x93: {  	s20 =	sadd.s32 $0x100, s20;
	v8 =	vadd.s32 v9, v8;
	v9 =	vsel vm4, $0x1, v0;
	v6 =	vld [tilespmem:s19+$0x1430];
	v7 =	vadd.s32 v10, v7  }
0x94: {  	v10 =	vld [tilespmem:s19+$0x0]  }
0x95: {  	v11 =	vld [tilespmem:s19+$0x10]  }
0x96: {  	v55 =	vld [tilespmem:s19+$0x20]  }
0x97: {  	vm0 =	vmand vm3, vm0;
	v56 =	vld [tilespmem:s19+$0x30]  }
0x98: {  	v8 =	vadd.s32 v9, v8;
	vm1 =	vmand vm1, vm2;
	v54 =	vsel vm0, $0x1, v0  }
0x99: {  	v12 =	vsel vm1, $0x1, v0;
	vm13 =	vge.s32 v3, v2;
	v8 =	vadd.s32 v54, v8  }
0x9a: {  	vm4 =	vge.s32 v4, v2;
	v8 =	vadd.s32 v12, v8;
	vm5 =	vge.s32 v5, v2  }
0x9b: {  	vm14 =	vge.s32 v6, v2;
	vm15 =	veq.f32 v10, $1.000000000e+00;
	vm9 =	veq.f32 v11, $1.000000000e+00  }
0x9c: {  	vm10 =	veq.f32 v55, $1.000000000e+00;
	vm6 =	veq.f32 v56, $1.000000000e+00;
	v13 =	vsel vm15, $0x1, v0  }
0x9d: {  	v57 =	vsel vm9, $0x1, v0;
	vm4 =	vmand vm15, vm4;
	vm5 =	vmand vm9, vm5  }
0x9e: {  	vm2 =	vmand vm10, vm13;
	v7 =	vadd.s32 v13, v7;
	v58 =	vsel vm4, $0x1, v0  }
0x9f: {  	v59 =	vsel vm5, $0x1, v0;
	v2 =	vadd.s32 v57, v7;
	v7 =	vadd.s32 v58, v8  }
0xa0: {  	vm3 =	vmand vm6, vm14;
	v60 =	vsel vm2, $0x1, v0;
	v7 =	vadd.s32 v59, v7  }
0xa1: {  	v61 =	vsel vm10, $0x1, v0;
	v62 =	vsel vm3, $0x1, v0;
	v7 =	vadd.s32 v60, v7  }
0xa2: {  	v63 =	vsel vm6, $0x1, v0;
	v2 =	vadd.s32 v61, v2;
	v7 =	vadd.s32 v62, v7  }
0xa3: {  	v2 =	vadd.s32 v63, v2;
	(xrf0) =	vadd.scan.msk.s32 $0xffff, v7  }
0xa4: {  	(xrf0) =	vadd.scan.msk.s32 $0xffff, v2;
	_ =	sdelay $0x4  }
0xa5: {  	v2, _, _ =	vpop (xrf0)  }
0xa6: {  	(v2sf) =	vpush v2, $0xF;
	v2, _, _ =	vpop (xrf0)  }
0xa7: {  	(v2sf) =	vpush v2, $0xF;
	_ =	sdelay $0x5  }
0xa8: {  	vm11 =	vlt.s32 v4, v1;
	vm12 =	vlt.s32 v6, v1  }
0xa9: {  	vm1 =	vmand vm15, vm11;
	vm14 =	vmand vm6, vm12;
	vm15 =	vlt.s32 v5, v1  }
0xaa: {  	vm13 =	vlt.s32 v3, v1;
	v1 =	vsel vm14, $0xBF800000, v56;
	vm0 =	vmand vm9, vm15  }
0xab: {  	[tilespmem:s19+$0x30] =	vst v1;
	v1 =	vsel vm0, $0xBF800000, v11  }
0xac: {  	vm2 =	vmand vm10, vm13;
	[tilespmem:s19+$0x10] =	vst v1;
	v2 =	vsel vm1, $0xBF800000, v10  }
0xad: {  	[tilespmem:s19+$0x0] =	vst v2;
	v2 =	vsel vm2, $0xBF800000, v55  }
0xae: {  	[tilespmem:s19+$0x20] =	vst v2  }
0xaf: {  	[tilespmem:s15], [sflag:$0x1] =	stream.strided.gather [hbm4b:s6+s12], $0x1400, s13, s12, $0x38;
	[tilespmem:$0x5000] =	vst v63  }
0xb0: {  	s20 =	spop (v2sf)  }
0xb1: {  	s19 =	spop (v2sf)  }
0xb2: {  	_ =	swait.ge [sflag:s14], $0x1400  }
0xb3: {  	[sflag:s14] =	ssyncset.done $0x0  }
0xb4: {  	[sflag:s14] =	ssyncadd.s32 $0xFFFFEC00  }
0xb5: {  	[tilespmem:s16], [sflag:$0x1] =	stream.strided.gather [hbm4b:s7+s12], $0x1400, s13, s12, $0x38;
	[tilespmem:$0x5000] =	vst v63  }
0xb6: {  	_ =	swait.ge [sflag:s14], $0x1400  }
0xb7: {  	s21 =	simm.s32 $0x3C20;
	s19 =	smov.u32 @p0 s20;
	[sflag:s14] =	ssyncset.done $0x0  }
0xb8: {  	s22 =	simm.s32 $0x2820;
	s19 =	ssub.s32 $0x100, s19;
	[sflag:s14] =	ssyncadd.s32 $0xFFFFEC00  }
0xb9: {  	[tilespmem:s17], [sflag:$0x1] =	stream.strided.gather [hbm4b:s8+s12], $0x1400, s13, s12, $0x38;
	[tilespmem:$0x5000] =	vst v63  }
0xba: {  	s24 =	simm.s32 $0x0;
	p0 =	sgt.s32 s19, $0x1;
	_ =	swait.ge [sflag:s14], $0x1400  }
0xbb: {  	s23 =	simm.s32 $0x0;
	s19 =	simm.s32 @!p0 $0x1;
	[sflag:s14] =	ssyncset.done $0x0  }
0xbc: {  	s20 =	simm.s32 $0x0;
	s19 =	smin.u32 s19, $0x1388;
	[sflag:s14] =	ssyncadd.s32 $0xFFFFEC00  }
.LBB2_7:
0xbd: {  	v1 =	vld [tilespmem:s22+$0xFFFFFFE0];
	_ =	sdelay $0x7  }
0xbe: {  	v1 =	vld.idx.msk [tilespmem:v1+s2+$0x0], $0xffff;
	_ =	sdelay $0x4  }
0xbf: {  	vm0 =	veq.f32 v1, $0.0e+00  }
0xc0: {  	v1 =	vsel vm0, $0x1, v0  }
0xc1: {  	(xrf0) =	vadd.scan.msk.s32 $0xffff, v1;
	_ =	sdelay $0x2  }
0xc2: {  	v1 =	vld [tilespmem:s21+$0xFFFFFFE0];
	_ =	sdelay $0x2  }
0xc3: {  	s25 =	ssub.s32 s19, s24;
	v2, _, _ =	vpop (xrf0)  }
0xc4: {  	vm1 =	veq.s32 v2, s25  }
0xc5: {  	v1 =	vxor.u32 $0x80000000, v1;
	vm0 =	vmand vm0, vm1  }
0xc6: {  	v1 =	vnsel vm0, $0x80000000, v1  }
0xc7: {  	(xrf0) =	vmax.scan.msk.u32 $0xffff, v1;
	_ =	sdelay $0x3  }
0xc8: {  	v1 =	vld [tilespmem:s22+$0xFFFFFFF0];
	_ =	sdelay $0x1  }
0xc9: {  	v3, _, _ =	vpop (xrf0)  }
0xca: {  	(v2sf) =	vpush v3, $0xF  }
0xcb: {  	(v2sf) =	vpush v2, $0xF;
	_ =	sdelay $0x3  }
0xcc: {  	v1 =	vld.idx.msk [tilespmem:v1+s2+$0x0], $0xffff;
	_ =	sdelay $0x4  }
0xcd: {  	vm10 =	veq.f32 v1, $0.0e+00  }
0xce: {  	v1 =	vsel vm10, $0x1, v0  }
0xcf: {  	(xrf0) =	vadd.scan.msk.s32 $0xffff, v1;
	_ =	sdelay $0x2  }
0xd0: {  	v1 =	vld [tilespmem:s21+$0xFFFFFFF0];
	s25 =	spop (v2sf)  }
0xd1: {  	s26 =	spop (v2sf)  }
0xd2: {  	s29 =	sadd.s32 s24, s26  }
0xd3: {  	v2, _, _ =	vpop (xrf0);
	s26 =	ssub.s32 s19, s29  }
0xd4: {  	vm11 =	veq.s32 v2, s26  }
0xd5: {  	v1 =	vxor.u32 $0x80000000, v1;
	vm0 =	vmand vm10, vm11  }
0xd6: {  	v1 =	vnsel vm0, $0x80000000, v1  }
0xd7: {  	(xrf0) =	vmax.scan.msk.u32 $0xffff, v1;
	_ =	sdelay $0x3  }
0xd8: {  	v1 =	vld [tilespmem:s22+$0x0];
	_ =	sdelay $0x1  }
0xd9: {  	v3, _, _ =	vpop (xrf0)  }
0xda: {  	(v2sf) =	vpush v3, $0xF  }
0xdb: {  	(v2sf) =	vpush v2, $0xF;
	_ =	sdelay $0x3  }
0xdc: {  	v1 =	vld.idx.msk [tilespmem:v1+s2+$0x0], $0xffff;
	_ =	sdelay $0x4  }
0xdd: {  	vm12 =	veq.f32 v1, $0.0e+00  }
0xde: {  	v1 =	vsel vm12, $0x1, v0  }
0xdf: {  	(xrf0) =	vadd.scan.msk.s32 $0xffff, v1;
	_ =	sdelay $0x2  }
0xe0: {  	v1 =	vld [tilespmem:s21+$0x0];
	s30 =	spop (v2sf)  }
0xe1: {  	s28 =	spop (v2sf)  }
0xe2: {  	s24 =	sadd.s32 s29, s28  }
0xe3: {  	v2, _, _ =	vpop (xrf0);
	s28 =	ssub.s32 s19, s24  }
0xe4: {  	vm13 =	veq.s32 v2, s28  }
0xe5: {  	v1 =	vxor.u32 $0x80000000, v1;
	vm0 =	vmand vm12, vm13  }
0xe6: {  	v1 =	vnsel vm0, $0x80000000, v1  }
0xe7: {  	(xrf0) =	vmax.scan.msk.u32 $0xffff, v1;
	_ =	sdelay $0x3  }
0xe8: {  	v1 =	vld [tilespmem:s22+$0x10];
	_ =	sdelay $0x1  }
0xe9: {  	v3, _, _ =	vpop (xrf0)  }
0xea: {  	(v2sf) =	vpush v3, $0xF  }
0xeb: {  	(v2sf) =	vpush v2, $0xF;
	_ =	sdelay $0x3  }
0xec: {  	v1 =	vld.idx.msk [tilespmem:v1+s2+$0x0], $0xffff;
	_ =	sdelay $0x4  }
0xed: {  	vm14 =	veq.f32 v1, $0.0e+00  }
0xee: {  	v1 =	vsel vm14, $0x1, v0  }
0xef: {  	(xrf0) =	vadd.scan.msk.s32 $0xffff, v1;
	_ =	sdelay $0x2  }
0xf0: {  	v1 =	vld [tilespmem:s21+$0x10];
	s31 =	spop (v2sf)  }
0xf1: {  	s29 =	spop (v2sf)  }
0xf2: {  	s24 =	sadd.s32 s24, s29  }
0xf3: {  	v2, _, _ =	vpop (xrf0);
	s29 =	ssub.s32 s19, s24  }
0xf4: {  	vm15 =	veq.s32 v2, s29  }
0xf5: {  	v1 =	vxor.u32 $0x80000000, v1;
	vm0 =	vmand vm14, vm15  }
0xf6: {  	v1 =	vnsel vm0, $0x80000000, v1  }
0xf7: {  	(xrf0) =	vmax.scan.msk.u32 $0xffff, v1;
	_ =	sdelay $0x5  }
0xf8: {  	v1, _, _ =	vpop (xrf0)  }
0xf9: {  	(v2sf) =	vpush v1, $0xF  }
0xfa: {  	(v2sf) =	vpush v2, $0xF;
	_ =	sdelay $0xa  }
0xfb: {  	s25 =	sxor.u32 $0x80000000, s25  }
0xfc: {  	p0 =	sgt.s32 s20, s25  }
0xfd: {  	s25 =	smov.u32 @p0 s20;
	s20 =	sxor.u32 $0x80000000, s30  }
0xfe: {  	p0 =	sgt.s32 s25, s20;
	s30 =	spop (v2sf)  }
0xff: {  	s20 =	smov.u32 @p0 s25;
	s25 =	sxor.u32 $0x80000000, s31;
	s31 =	spop (v2sf)  }
0x100: {  	p1 =	sgt.u32 s23, $0x4E;
	p0 =	sgt.s32 s20, s25;
	s24 =	sadd.s32 s24, s31  }
0x101: {  	s25 =	smov.u32 @p0 s20;
	p0 =	sle.s32 @!p1 s24, s19  }
0x102: {  	p0 =	por p1, !p0  }
.Ltmp3:
0x103: {  	_ = 	snop;
	(pc) =	sbr.rel @!p0 .LBB2_7-.Ltmp3, $4  }
0x104: {  	_ = 	snop  }
0x105: {  	s20 =	sxor.u32 $0x80000000, s30  }
0x106: {  	s23 =	sadd.s32 $0x1, s23;
	p1 =	sgt.s32 s25, s20  }
0x107: {  	s22 =	sadd.s32 $0x40, s22;
	s21 =	sadd.s32 $0x40, s21;
	s20 =	smov.u32 @p1 s25  }
0x108: {  	s21 =	simm.s32 $0x0  }
0x109: {  	v3 =	vld [tilespmem:s21+$0x1400]  }
0x10a: {  	v4 =	vld [tilespmem:s21+$0x1410]  }
0x10b: {  	v7 =	vld [tilespmem:s21+$0x1420]  }
0x10c: {  	v5 =	vld [tilespmem:s21+$0x1430]  }
0x10d: {  	p0 =	sgt.s32 s24, s19;
	v8 =	vld [tilespmem:s21+$0x0]  }
0x10e: {  	s20 =	simm.s32 @!p0 $0x80000000;
	v6 =	vld [tilespmem:s21+$0x10]  }
0x10f: {  	s19 =	simm.s32 $0x100;
	v1 =	vld [tilespmem:s21+$0x20];
	v2 =	vmov s20  }
.LBB2_9:
0x110: {  	p0 =	sne.s32 s19, $0x4F00;
	v9 =	vld [tilespmem:s21+$0x30]  }
0x111: {  	s20 =	sshra.s32 s19, $0x2;
	vm0 =	vlt.s32 v3, v2  }
0x112: {  	vm2 =	vlt.s32 v4, v2;
	vm3 =	vlt.s32 v7, v2;
	v3 =	vld [tilespmem:s20+$0x1400];
	vm1 =	veq.f32 v8, $0.0e+00  }
0x113: {  	vm4 =	vlt.s32 v5, v2;
	v4 =	vld [tilespmem:s20+$0x1410];
	vm0 =	vmand vm1, vm0;
	vm1 =	veq.f32 v6, $0.0e+00  }
.Ltmp4:
0x114: {  	v7 =	vld [tilespmem:s20+$0x1420];
	v8 =	vsel vm0, $0xBF800000, v8;
	vm0 =	vmand vm1, vm2;
	vm1 =	veq.f32 v1, $0.0e+00;
	(pc) =	sbr.rel @p0 .LBB2_9-.Ltmp4, $4  }
0x115: {  	v5 =	vld [tilespmem:s20+$0x1430];
	[tilespmem:s21+$0x0] =	vst v8;
	v6 =	vsel vm0, $0xBF800000, v6;
	vm0 =	vmand vm1, vm3;
	vm1 =	veq.f32 v9, $0.0e+00  }
0x116: {  	v8 =	vld [tilespmem:s20+$0x0];
	[tilespmem:s21+$0x10] =	vst v6;
	v1 =	vsel vm0, $0xBF800000, v1;
	vm0 =	vmand vm1, vm4  }
0x117: {  	v6 =	vld [tilespmem:s20+$0x10];
	[tilespmem:s21+$0x20] =	vst v1;
	v9 =	vsel vm0, $0xBF800000, v9  }
0x118: {  	s19 =	sadd.s32 $0x100, s19;
	v1 =	vld [tilespmem:s20+$0x20];
	[tilespmem:s21+$0x30] =	vst v9;
	s21 =	smov.u32 s20  }
0x119: {  	v9 =	vld [tilespmem:s21+$0x30]  }
0x11a: {  	vm0 =	vlt.s32 v3, v2  }
0x11b: {  	vm2 =	vlt.s32 v4, v2;
	vm3 =	vlt.s32 v7, v2;
	vm1 =	veq.f32 v8, $0.0e+00  }
0x11c: {  	vm4 =	vlt.s32 v5, v2;
	vm0 =	vmand vm1, vm0;
	vm10 =	veq.f32 v6, $0.0e+00  }
0x11d: {  	v2 =	vsel vm0, $0xBF800000, v8;
	vm11 =	vmand vm10, vm2;
	vm12 =	veq.f32 v1, $0.0e+00  }
0x11e: {  	[tilespmem:s21+$0x0] =	vst v2;
	v2 =	vsel vm11, $0xBF800000, v6;
	vm13 =	vmand vm12, vm3;
	vm14 =	veq.f32 v9, $0.0e+00  }
0x11f: {  	s18 =	sadd.s32 $0x1, s18;
	[tilespmem:s21+$0x10] =	vst v2;
	v1 =	vsel vm13, $0xBF800000, v1;
	vm15 =	vmand vm14, vm4  }
0x120: {  	p0 =	sne.s32 s18, s11;
	[tilespmem:s21+$0x20] =	vst v1;
	v1 =	vsel vm15, $0xBF800000, v9  }
.Ltmp5:
0x121: {  	[tilespmem:s21+$0x30] =	vst v1;
	(pc) =	sbr.rel @p0 .LBB2_2-.Ltmp5, $4  }
0x122: {  	[hbm4b:s9+s12] =	stream.strided.scatter [tilespmem:s2], [sflag:$0x1], $0x1400, s13, s12, $0x38;
	[tilespmem:$0x5000] =	vst v63  }
0x123: {  	_ =	swait.ge [sflag:s14], $0x1400  }
0x124: {  	[sflag:s14] =	ssyncset.done $0x0  }
0x125: {  	[sflag:s14] =	ssyncadd.s32 $0xFFFFEC00  }
.LBB2_11:
0x126: {  	_ =	sfence.sel $0x180000  }
0x127: {  	[bflag:$0x0] =	sbarrier.arrive $0xFFFF  }
0x128: {  	p0 =	sne.s32 s1, $0x0;
	_ =	strace $0x90000047  }
0x129: {  	s0 =	sadd.s32 @!p0 $0x100000, s0;
	[bflag:$0x2] =	sbarrier.arrive $0xFFFF  }
0x12a: {  	[sflag:s0] =	ssyncadd.tile.s32 @!p0 $0x1;
	_ =	shalt  }
.Lfunc_end2:
_tile_overlayer_lowered:
.L_overlay_start_2:
0x12b: {  	(tag) =	ssettag $0x2  }
0x12c: {  	s0 =	rddreg [dreg:$0x0];
	s2 =	stileid.u32  }
0x12d: {  	s1 =	rddreg [dreg:$0x1];
	p0 =	sne.s32 s2, $0x0  }
0x12e: {  	s3 =	rddreg [dreg:$0x2];
	[bflag:$0x3] =	sbarrier.arrive $0xFFFF;
	s2 =	simm.s32 @!p0 $0x1C01  }
0x12f: {  	[timem:s3], [sflag:s2] =	dma.local @!p0 [hbm:s0], s1  }
0x130: {  	s0 =	simm.s32 @!p0 $0x1  }
0x131: {  	_ =	swait.ge @!p0 [sflag:s0], s1  }
0x132: {  	s1 =	ssub.s32 @!p0 $0x0, s1;
	[sflag:s0] =	ssyncset.done @!p0 $0x0  }
0x133: {  	[sflag:s0] =	ssyncadd.s32 @!p0 s1  }
0x134: {  	[bflag:$0x3] =	sbarrier.arrive $0xFFFF  }
0x135: {  	_ =	shalt  }

</sc_bundles>
